<compile_context>
chip_gen: v7x
topology: tpu7x:2x2x1
jax: 0.10.2.dev20260603
libtpu: 0.0.44.dev20260713+nightly
codegen_flags: <defaults>
</compile_context>

<pallas_src>
import functools

import jax
import jax.numpy as jnp
from jax import lax
from jax.experimental import pallas as pl
from jax.experimental.pallas import tpu as pltpu
from jax.experimental.pallas import tpu_sc as plsc

_B = 4096
_V = 100000
_D = 64
_W = 5
_NEG = 5
_NW = 32
_BPW = _B // _NW
_NF = 2 * _W + 2 + 2 * _NEG
_NCH = _D // 16
_NG = _BPW // 16
_ECOLS = [2 * _W + 1] + list(range(2 * _W + 2, 2 * _W + 2 + _NEG))

_SC_PARAMS = pltpu.CompilerParams(
    needs_layout_passes=False, use_tc_tiling_on_sc=False)
_MESH = plsc.VectorSubcoreMesh(core_axis_name="c", subcore_axis_name="s")


def _worker_id():
    return lax.axis_index("s") * 2 + lax.axis_index("c")


def _stage_idx(d22, idxs, lane, cols):
    for f, col in enumerate(cols):
        cvec = jnp.full((16,), col, jnp.int32)
        for g in range(_NG):
            v = plsc.load_gather(d22, [lane + g * 16, cvec])
            idxs[f, pl.ds(g * 16, 16)] = v


def _ctx_body(data_hbm, emb0_hbm, acc_hbm,
              d22, idxs, acc, rb0, rb1, rb2, rb3,
              s_acc, s_r0, s_r1, s_r2, s_r3):
    wid = _worker_id()
    base = wid * _BPW
    lane = lax.iota(jnp.int32, 16)

    pltpu.sync_copy(data_hbm.at[pl.ds(base, _BPW)], d22)
    _stage_idx(d22, idxs, lane, list(range(2 * _W)))

    ring = [rb0, rb1, rb2, rb3]
    ring_sems = [s_r0, s_r1, s_r2, s_r3]
    cps = {0: pltpu.async_copy(emb0_hbm.at[idxs.at[0]], acc, s_acc)}
    for j in range(1, 5):
        cps[j] = pltpu.async_copy(
            emb0_hbm.at[idxs.at[j]], ring[j - 1], ring_sems[j - 1])

    cps[0].wait()
    for j in range(1, 2 * _W):
        slot = (j - 1) % 4
        buf = ring[slot]
        cps[j].wait()

        def add_body(i, _, buf=buf):
            for c in range(_NCH):
                sl = pl.ds(c * 16, 16)
                plsc.addupdate(acc.at[i, sl], buf[i, sl])
            return 0

        lax.fori_loop(0, _BPW, add_body, 0)
        nxt = j + 4
        if nxt < 2 * _W:
            cps[nxt] = pltpu.async_copy(
                emb0_hbm.at[idxs.at[nxt]], buf, ring_sems[slot])

    pltpu.sync_copy(acc, acc_hbm.at[wid])


_ctx_kernel = functools.partial(
    pl.kernel,
    out_type=jax.ShapeDtypeStruct((_NW, _BPW, _D), jnp.float32),
    mesh=_MESH,
    compiler_params=_SC_PARAMS,
    scratch_types=[
        pltpu.VMEM((_BPW, _NF), jnp.int32),
        pltpu.VMEM((2 * _W, _BPW), jnp.int32),
        *[pltpu.VMEM((_BPW, _D), jnp.float32) for _ in range(5)],
        *[pltpu.SemaphoreType.DMA for _ in range(5)],
    ],
)(_ctx_body)


def _dot_body(data_hbm, emb1_hbm, acc_hbm, out_hbm,
              d22, idxs, acc, wb, nb0, nb1, nb2, nb3, nb4,
              linv_v, mask_v, res_v,
              s_w, s_n0, s_n1, s_n2, s_n3, s_n4):
    wid = _worker_id()
    base = wid * _BPW
    lane = lax.iota(jnp.int32, 16)

    pltpu.sync_copy(data_hbm.at[pl.ds(base, _BPW)], d22)
    _stage_idx(d22, idxs, lane, _ECOLS)

    nbufs = [nb0, nb1, nb2, nb3, nb4]
    nsems = [s_n0, s_n1, s_n2, s_n3, s_n4]
    cw = pltpu.async_copy(emb1_hbm.at[idxs.at[0]], wb, s_w)
    cns = [
        pltpu.async_copy(emb1_hbm.at[idxs.at[1 + n]], nbufs[n], nsems[n])
        for n in range(_NEG)
    ]
    pltpu.sync_copy(acc_hbm.at[wid], acc)

    lcol = jnp.full((16,), 2 * _W, jnp.int32)
    one = jnp.full((16,), 1.0, jnp.float32)
    for g in range(_NG):
        lv = plsc.load_gather(d22, [lane + g * 16, lcol])
        linv_v[pl.ds(g * 16, 16)] = one / lv.astype(jnp.float32)
    for n in range(_NEG):
        mcol = jnp.full((16,), 2 * _W + 2 + _NEG + n, jnp.int32)
        for g in range(_NG):
            mv = plsc.load_gather(d22, [lane + g * 16, mcol])
            mask_v[pl.ds(n * _BPW + g * 16, 16)] = mv.astype(jnp.float32)

    cw.wait()
    for c in cns:
        c.wait()

    zeros = jnp.zeros((16,), jnp.float32)
    for g in range(_NG):
        bidx = lane + (g * 16)

        def dot_step(d, carry):
            dvec = jnp.full((16,), d, jnp.int32)
            av = plsc.load_gather(acc, [bidx, dvec])
            pos_p = carry[0] + av * plsc.load_gather(wb, [bidx, dvec])
            negs = tuple(
                carry[1 + n] + av * plsc.load_gather(nbufs[n], [bidx, dvec])
                for n in range(_NEG))
            return (pos_p,) + negs

        res = lax.fori_loop(0, _D, dot_step, (zeros,) * (1 + _NEG))
        linv = linv_v[pl.ds(g * 16, 16)]
        res_v[pl.ds(g * 16, 16)] = res[0] * linv
        for n in range(_NEG):
            m = mask_v[pl.ds(n * _BPW + g * 16, 16)]
            res_v[pl.ds((1 + n) * _BPW + g * 16, 16)] = res[1 + n] * linv * m

    pltpu.sync_copy(res_v.at[pl.ds(0, _BPW)], out_hbm.at[0, wid])
    for n in range(_NEG):
        pltpu.sync_copy(res_v.at[pl.ds((1 + n) * _BPW, _BPW)],
                        out_hbm.at[1 + n, wid])
        pltpu.sync_copy(mask_v.at[pl.ds(n * _BPW, _BPW)],
                        out_hbm.at[1 + _NEG + n, wid])


_dot_kernel = functools.partial(
    pl.kernel,
    out_type=jax.ShapeDtypeStruct((1 + 2 * _NEG, _NW, _BPW), jnp.float32),
    mesh=_MESH,
    compiler_params=_SC_PARAMS,
    scratch_types=[
        pltpu.VMEM((_BPW, _NF), jnp.int32),
        pltpu.VMEM((1 + _NEG, _BPW), jnp.int32),
        *[pltpu.VMEM((_BPW, _D), jnp.float32) for _ in range(7)],
        pltpu.VMEM((_BPW,), jnp.float32),
        pltpu.VMEM((_NEG * _BPW,), jnp.float32),
        pltpu.VMEM(((1 + _NEG) * _BPW,), jnp.float32),
        *[pltpu.SemaphoreType.DMA for _ in range(6)],
    ],
)(_dot_body)


def _loss_body(s_ref, o_ref):
    x = jnp.clip(s_ref[0], -10.0, 10.0)
    total = jnp.sum(jnp.log(1.0 + jnp.exp(-x)))
    for n in range(_NEG):
        z = jnp.clip(-s_ref[1 + n], -10.0, 10.0)
        total = total + jnp.sum(jnp.log(1.0 + jnp.exp(-z))
                                * s_ref[1 + _NEG + n])
    o_ref[...] = jnp.reshape(total, (1, 1))


def kernel(data, emb0, emb1):
    ctx_sums = _ctx_kernel(data, emb0)
    raw = _dot_kernel(data, emb1, ctx_sums)
    loss = pl.pallas_call(
        _loss_body,
        out_shape=jax.ShapeDtypeStruct((1, 1), jnp.float32),
    )(raw)
    return loss[0, 0]

# --- scband reference (transcript-rebuilt; emitter-appended) ---
"""Pipeline reference for scband-cbow-9835475108120 (READ-ONLY COPY).

The authoritative reference and input builder live on the scoring server;
editing this copy changes nothing except your own understanding.
"""

import jax, jax.numpy as jnp
import numpy as np

B = 4096
V = 100000
D = 64
W = 5
NEG = 5


def setup_inputs(seed: int = 0) -> dict:
    key = jax.random.key(seed)
    k1, k2, k3, k4, k5, k6, k7 = jax.random.split(key, 7)
    ctx = jax.random.randint(k1, (B, 2 * W), 0, V)
    lens = jax.random.randint(k2, (B, 1), 1, 2 * W + 1)
    word = jax.random.randint(k3, (B, 1), 0, V)
    neg = jax.random.randint(k4, (B, NEG), 0, V)
    mask = jax.random.randint(k5, (B, NEG), 0, 2)
    data = jnp.concatenate([ctx, lens, word, neg, mask], axis=1).astype(jnp.int32)
    emb0 = jax.random.uniform(k6, (V + 1, D), dtype=jnp.float32, minval=-0.5 / D, maxval=0.5 / D)
    emb0 = emb0.at[V].set(0.0)
    emb1 = jax.random.uniform(k7, (V, D), dtype=jnp.float32, minval=-0.5 / D, maxval=0.5 / D)
    return {"data": data, "emb0": emb0, "emb1": emb1}


def reference(data, emb0, emb1):
    ctx_indices = data[:, 0:2 * W]
    ctx_lens = data[:, 2 * W].astype(jnp.float32)
    word_idx = data[:, 2 * W + 1]
    neg_indices = data[:, 2 * W + 2:2 * W + 2 + NEG]
    neg_mask = data[:, 2 * W + 2 + NEG:].astype(jnp.float32)

    c_embs = jnp.take(emb0, ctx_indices, axis=0)      # [B, 2W, D]
    w_embs = jnp.take(emb1, word_idx, axis=0)         # [B, D]
    n_embs = jnp.take(emb1, neg_indices, axis=0)      # [B, NEG, D]

    # CBOWMean: sum over context dim, divide by per-row lens
    c_sum = jnp.sum(c_embs, axis=1, keepdims=True)    # [B, 1, D]
    c_mean = c_sum / ctx_lens[:, None, None]          # [B, 1, D]

    pos_ips = jnp.sum(c_mean[:, 0, :] * w_embs, axis=1)                  # [B]
    neg_ips = jnp.einsum('bnd,bd->bn', n_embs, c_mean[:, 0, :])          # [B, NEG]
    neg_ips = neg_ips * neg_mask

    pos_loss = jnp.sum(-jax.nn.log_sigmoid(jnp.clip(pos_ips, -10.0, 10.0)))
    neg_loss = jnp.sum(-jax.nn.log_sigmoid(jnp.clip(-neg_ips, -10.0, 10.0)) * neg_mask)
    return pos_loss + neg_loss

if __name__ == "__main__":
    import jax
    _d = setup_inputs()
    print(jax.jit(kernel)(*tuple(_d.values())))

</pallas_src>

<mosaic_0001>
#map = affine_map<(d0, d1) -> (0, 0)>
#map1 = affine_map<(d0, d1) -> (0, 0, 0)>
module attributes {stable_mosaic.version = 14 : i64} {
  func.func @_ctx_body(%arg0: i32, %arg1: i32, %arg2: memref<4096x22xi32, #tpu.memory_space<hbm>>, %arg3: memref<100001x64xf32, #tpu.memory_space<hbm>>, %arg4: memref<32x128x64xf32, #tpu.memory_space<hbm>>, %arg5: memref<128x22xi32, #tpu.memory_space<vmem>>, %arg6: memref<10x128xi32, #tpu.memory_space<vmem>>, %arg7: memref<128x64xf32, #tpu.memory_space<vmem>>, %arg8: memref<128x64xf32, #tpu.memory_space<vmem>>, %arg9: memref<128x64xf32, #tpu.memory_space<vmem>>, %arg10: memref<128x64xf32, #tpu.memory_space<vmem>>, %arg11: memref<128x64xf32, #tpu.memory_space<vmem>>, %arg12: memref<!tpu.dma_semaphore, #tpu.memory_space<semaphore_mem>>, %arg13: memref<!tpu.dma_semaphore, #tpu.memory_space<semaphore_mem>>, %arg14: memref<!tpu.dma_semaphore, #tpu.memory_space<semaphore_mem>>, %arg15: memref<!tpu.dma_semaphore, #tpu.memory_space<semaphore_mem>>, %arg16: memref<!tpu.dma_semaphore, #tpu.memory_space<semaphore_mem>>) attributes {dimension_semantics = [#tpu.dimension_semantics<core_parallel>, #tpu.dimension_semantics<subcore_parallel>], iteration_bounds = array<i64: 2, 16>, scalar_prefetch = 0 : i64, scratch_operands = 12 : i64, tpu.core_type = #tpu.core_type<sc_vector_subcore>, window_params = [{transform_indices = #map}, {transform_indices = #map}, {transform_indices = #map1}]} {
    %mul3A = arith.constant 2 : i32
    %mul3A_0 = arith.muli %arg1, %mul3A : i32
    %add3A = arith.addi %mul3A_0, %arg0 : i32
    %mul3A_1 = arith.constant 128 : i32
    %mul3A_2 = arith.muli %add3A, %mul3A_1 : i32
    %iota3A = tpu.iota {dimensions = array<i32: 0>} : vector<16xi32>
    "tpu.region"() ({
      %run_scoped3A = tpu.sem_alloc : memref<!tpu.dma_semaphore, #tpu.memory_space<semaphore_mem>>
      %dma_start3A_860 = arith.constant 0 : i32
      %dma_start3A_861 = tpu.memref_slice %arg2[%mul3A_2, %dma_start3A_860] : memref<4096x22xi32, #tpu.memory_space<hbm>> -> memref<128x22xi32, #tpu.memory_space<hbm>>
      %dma_start3A_862 = arith.constant 0 : i32
      %dma_start3A_863 = tpu.memref_slice %arg2[%mul3A_2, %dma_start3A_862] : memref<4096x22xi32, #tpu.memory_space<hbm>> -> memref<128x22xi32, #tpu.memory_space<hbm>>
      tpu.enqueue_dma source(%dma_start3A_863 : memref<128x22xi32, #tpu.memory_space<hbm>>) target(%arg5 : memref<128x22xi32, #tpu.memory_space<vmem>>) target_semaphore(%run_scoped3A : memref<!tpu.dma_semaphore, #tpu.memory_space<semaphore_mem>>)
      %dma_wait3A_864 = arith.constant 0 : i32
      %dma_wait3A_865 = tpu.memref_slice %arg2[%mul3A_2, %dma_wait3A_864] : memref<4096x22xi32, #tpu.memory_space<hbm>> -> memref<128x22xi32, #tpu.memory_space<hbm>>
      %dma_wait3A_866 = arith.constant 0 : i32
      %dma_wait3A_867 = tpu.memref_slice %arg2[%mul3A_2, %dma_wait3A_866] : memref<4096x22xi32, #tpu.memory_space<hbm>> -> memref<128x22xi32, #tpu.memory_space<hbm>>
      tpu.wait_dma2 semaphore(%run_scoped3A : memref<!tpu.dma_semaphore, #tpu.memory_space<semaphore_mem>>) src(%dma_wait3A_867 : memref<128x22xi32, #tpu.memory_space<hbm>>) dst(%arg5 : memref<128x22xi32, #tpu.memory_space<vmem>>)
      tpu.yield
    }) : () -> ()
    %broadcast_in_dim3A = arith.constant 0 : i32
    %broadcast_in_dim3A_3 = vector.broadcast %broadcast_in_dim3A : i32 to vector<16xi32>
    %add3A_4 = arith.constant 0 : i32
    %add3A_5 = vector.broadcast %add3A_4 : i32 to vector<16xi32>
    %add3A_6 = arith.addi %iota3A, %add3A_5 : vector<16xi32>
    %gather3A = tpu.vector_load_idx %arg5[%add3A_6, %broadcast_in_dim3A_3] : memref<128x22xi32, #tpu.memory_space<vmem>>[vector<16xi32>, vector<16xi32>], vector<16xi32>,
    %swap3A = arith.constant 0 : i32
    %swap3A_7 = arith.index_cast %swap3A : i32 to index
    %swap3A_8 = arith.constant 0 : index
    %swap3A_9 = tpu.vector_load %arg6[%swap3A_7, %swap3A_8] {strides = array<i32>} : memref<10x128xi32, #tpu.memory_space<vmem>>, vector<16xi32>,
    tpu.vector_store %arg6[%swap3A_7, %swap3A_8], %gather3A {strides = array<i32>} : memref<10x128xi32, #tpu.memory_space<vmem>>, vector<16xi32>,
    %add3A_10 = arith.constant 16 : i32
    %add3A_11 = vector.broadcast %add3A_10 : i32 to vector<16xi32>
    %add3A_12 = arith.addi %iota3A, %add3A_11 : vector<16xi32>
    %gather3A_13 = tpu.vector_load_idx %arg5[%add3A_12, %broadcast_in_dim3A_3] : memref<128x22xi32, #tpu.memory_space<vmem>>[vector<16xi32>, vector<16xi32>], vector<16xi32>,
    %swap3A_14 = arith.constant 0 : i32
    %swap3A_15 = arith.index_cast %swap3A_14 : i32 to index
    %swap3A_16 = arith.constant 16 : index
    %swap3A_17 = tpu.vector_load %arg6[%swap3A_15, %swap3A_16] {strides = array<i32>} : memref<10x128xi32, #tpu.memory_space<vmem>>, vector<16xi32>,
    tpu.vector_store %arg6[%swap3A_15, %swap3A_16], %gather3A_13 {strides = array<i32>} : memref<10x128xi32, #tpu.memory_space<vmem>>, vector<16xi32>,
    %add3A_18 = arith.constant 32 : i32
    %add3A_19 = vector.broadcast %add3A_18 : i32 to vector<16xi32>
    %add3A_20 = arith.addi %iota3A, %add3A_19 : vector<16xi32>
    %gather3A_21 = tpu.vector_load_idx %arg5[%add3A_20, %broadcast_in_dim3A_3] : memref<128x22xi32, #tpu.memory_space<vmem>>[vector<16xi32>, vector<16xi32>], vector<16xi32>,
    %swap3A_22 = arith.constant 0 : i32
    %swap3A_23 = arith.index_cast %swap3A_22 : i32 to index
    %swap3A_24 = arith.constant 32 : index
    %swap3A_25 = tpu.vector_load %arg6[%swap3A_23, %swap3A_24] {strides = array<i32>} : memref<10x128xi32, #tpu.memory_space<vmem>>, vector<16xi32>,
    tpu.vector_store %arg6[%swap3A_23, %swap3A_24], %gather3A_21 {strides = array<i32>} : memref<10x128xi32, #tpu.memory_space<vmem>>, vector<16xi32>,
    %add3A_26 = arith.constant 48 : i32
    %add3A_27 = vector.broadcast %add3A_26 : i32 to vector<16xi32>
    %add3A_28 = arith.addi %iota3A, %add3A_27 : vector<16xi32>
    %gather3A_29 = tpu.vector_load_idx %arg5[%add3A_28, %broadcast_in_dim3A_3] : memref<128x22xi32, #tpu.memory_space<vmem>>[vector<16xi32>, vector<16xi32>], vector<16xi32>,
    %swap3A_30 = arith.constant 0 : i32
    %swap3A_31 = arith.index_cast %swap3A_30 : i32 to index
    %swap3A_32 = arith.constant 48 : index
    %swap3A_33 = tpu.vector_load %arg6[%swap3A_31, %swap3A_32] {strides = array<i32>} : memref<10x128xi32, #tpu.memory_space<vmem>>, vector<16xi32>,
    tpu.vector_store %arg6[%swap3A_31, %swap3A_32], %gather3A_29 {strides = array<i32>} : memref<10x128xi32, #tpu.memory_space<vmem>>, vector<16xi32>,
    %add3A_34 = arith.constant 64 : i32
    %add3A_35 = vector.broadcast %add3A_34 : i32 to vector<16xi32>
    %add3A_36 = arith.addi %iota3A, %add3A_35 : vector<16xi32>
    %gather3A_37 = tpu.vector_load_idx %arg5[%add3A_36, %broadcast_in_dim3A_3] : memref<128x22xi32, #tpu.memory_space<vmem>>[vector<16xi32>, vector<16xi32>], vector<16xi32>,
    %swap3A_38 = arith.constant 0 : i32
    %swap3A_39 = arith.index_cast %swap3A_38 : i32 to index
    %swap3A_40 = arith.constant 64 : index
    %swap3A_41 = tpu.vector_load %arg6[%swap3A_39, %swap3A_40] {strides = array<i32>} : memref<10x128xi32, #tpu.memory_space<vmem>>, vector<16xi32>,
    tpu.vector_store %arg6[%swap3A_39, %swap3A_40], %gather3A_37 {strides = array<i32>} : memref<10x128xi32, #tpu.memory_space<vmem>>, vector<16xi32>,
    %add3A_42 = arith.constant 80 : i32
    %add3A_43 = vector.broadcast %add3A_42 : i32 to vector<16xi32>
    %add3A_44 = arith.addi %iota3A, %add3A_43 : vector<16xi32>
    %gather3A_45 = tpu.vector_load_idx %arg5[%add3A_44, %broadcast_in_dim3A_3] : memref<128x22xi32, #tpu.memory_space<vmem>>[vector<16xi32>, vector<16xi32>], vector<16xi32>,
    %swap3A_46 = arith.constant 0 : i32
    %swap3A_47 = arith.index_cast %swap3A_46 : i32 to index
    %swap3A_48 = arith.constant 80 : index
    %swap3A_49 = tpu.vector_load %arg6[%swap3A_47, %swap3A_48] {strides = array<i32>} : memref<10x128xi32, #tpu.memory_space<vmem>>, vector<16xi32>,
    tpu.vector_store %arg6[%swap3A_47, %swap3A_48], %gather3A_45 {strides = array<i32>} : memref<10x128xi32, #tpu.memory_space<vmem>>, vector<16xi32>,
    %add3A_50 = arith.constant 96 : i32
    %add3A_51 = vector.broadcast %add3A_50 : i32 to vector<16xi32>
    %add3A_52 = arith.addi %iota3A, %add3A_51 : vector<16xi32>
    %gather3A_53 = tpu.vector_load_idx %arg5[%add3A_52, %broadcast_in_dim3A_3] : memref<128x22xi32, #tpu.memory_space<vmem>>[vector<16xi32>, vector<16xi32>], vector<16xi32>,
    %swap3A_54 = arith.constant 0 : i32
    %swap3A_55 = arith.index_cast %swap3A_54 : i32 to index
    %swap3A_56 = arith.constant 96 : index
    %swap3A_57 = tpu.vector_load %arg6[%swap3A_55, %swap3A_56] {strides = array<i32>} : memref<10x128xi32, #tpu.memory_space<vmem>>, vector<16xi32>,
    tpu.vector_store %arg6[%swap3A_55, %swap3A_56], %gather3A_53 {strides = array<i32>} : memref<10x128xi32, #tpu.memory_space<vmem>>, vector<16xi32>,
    %add3A_58 = arith.constant 112 : i32
    %add3A_59 = vector.broadcast %add3A_58 : i32 to vector<16xi32>
    %add3A_60 = arith.addi %iota3A, %add3A_59 : vector<16xi32>
    %gather3A_61 = tpu.vector_load_idx %arg5[%add3A_60, %broadcast_in_dim3A_3] : memref<128x22xi32, #tpu.memory_space<vmem>>[vector<16xi32>, vector<16xi32>], vector<16xi32>,
    %swap3A_62 = arith.constant 0 : i32
    %swap3A_63 = arith.index_cast %swap3A_62 : i32 to index
    %swap3A_64 = arith.constant 112 : index
    %swap3A_65 = tpu.vector_load %arg6[%swap3A_63, %swap3A_64] {strides = array<i32>} : memref<10x128xi32, #tpu.memory_space<vmem>>, vector<16xi32>,
    tpu.vector_store %arg6[%swap3A_63, %swap3A_64], %gather3A_61 {strides = array<i32>} : memref<10x128xi32, #tpu.memory_space<vmem>>, vector<16xi32>,
    %broadcast_in_dim3A_66 = arith.constant 1 : i32
    %broadcast_in_dim3A_67 = vector.broadcast %broadcast_in_dim3A_66 : i32 to vector<16xi32>
    %add3A_68 = arith.constant 0 : i32
    %add3A_69 = vector.broadcast %add3A_68 : i32 to vector<16xi32>
    %add3A_70 = arith.addi %iota3A, %add3A_69 : vector<16xi32>
    %gather3A_71 = tpu.vector_load_idx %arg5[%add3A_70, %broadcast_in_dim3A_67] : memref<128x22xi32, #tpu.memory_space<vmem>>[vector<16xi32>, vector<16xi32>], vector<16xi32>,
    %swap3A_72 = arith.constant 1 : i32
    %swap3A_73 = arith.index_cast %swap3A_72 : i32 to index
    %swap3A_74 = arith.constant 0 : index
    %swap3A_75 = tpu.vector_load %arg6[%swap3A_73, %swap3A_74] {strides = array<i32>} : memref<10x128xi32, #tpu.memory_space<vmem>>, vector<16xi32>,
    tpu.vector_store %arg6[%swap3A_73, %swap3A_74], %gather3A_71 {strides = array<i32>} : memref<10x128xi32, #tpu.memory_space<vmem>>, vector<16xi32>,
    %add3A_76 = arith.constant 16 : i32
    %add3A_77 = vector.broadcast %add3A_76 : i32 to vector<16xi32>
    %add3A_78 = arith.addi %iota3A, %add3A_77 : vector<16xi32>
    %gather3A_79 = tpu.vector_load_idx %arg5[%add3A_78, %broadcast_in_dim3A_67] : memref<128x22xi32, #tpu.memory_space<vmem>>[vector<16xi32>, vector<16xi32>], vector<16xi32>,
    %swap3A_80 = arith.constant 1 : i32
    %swap3A_81 = arith.index_cast %swap3A_80 : i32 to index
    %swap3A_82 = arith.constant 16 : index
    %swap3A_83 = tpu.vector_load %arg6[%swap3A_81, %swap3A_82] {strides = array<i32>} : memref<10x128xi32, #tpu.memory_space<vmem>>, vector<16xi32>,
    tpu.vector_store %arg6[%swap3A_81, %swap3A_82], %gather3A_79 {strides = array<i32>} : memref<10x128xi32, #tpu.memory_space<vmem>>, vector<16xi32>,
    %add3A_84 = arith.constant 32 : i32
    %add3A_85 = vector.broadcast %add3A_84 : i32 to vector<16xi32>
    %add3A_86 = arith.addi %iota3A, %add3A_85 : vector<16xi32>
    %gather3A_87 = tpu.vector_load_idx %arg5[%add3A_86, %broadcast_in_dim3A_67] : memref<128x22xi32, #tpu.memory_space<vmem>>[vector<16xi32>, vector<16xi32>], vector<16xi32>,
    %swap3A_88 = arith.constant 1 : i32
    %swap3A_89 = arith.index_cast %swap3A_88 : i32 to index
    %swap3A_90 = arith.constant 32 : index
    %swap3A_91 = tpu.vector_load %arg6[%swap3A_89, %swap3A_90] {strides = array<i32>} : memref<10x128xi32, #tpu.memory_space<vmem>>, vector<16xi32>,
    tpu.vector_store %arg6[%swap3A_89, %swap3A_90], %gather3A_87 {strides = array<i32>} : memref<10x128xi32, #tpu.memory_space<vmem>>, vector<16xi32>,
    %add3A_92 = arith.constant 48 : i32
    %add3A_93 = vector.broadcast %add3A_92 : i32 to vector<16xi32>
    %add3A_94 = arith.addi %iota3A, %add3A_93 : vector<16xi32>
    %gather3A_95 = tpu.vector_load_idx %arg5[%add3A_94, %broadcast_in_dim3A_67] : memref<128x22xi32, #tpu.memory_space<vmem>>[vector<16xi32>, vector<16xi32>], vector<16xi32>,
    %swap3A_96 = arith.constant 1 : i32
    %swap3A_97 = arith.index_cast %swap3A_96 : i32 to index
    %swap3A_98 = arith.constant 48 : index
    %swap3A_99 = tpu.vector_load %arg6[%swap3A_97, %swap3A_98] {strides = array<i32>} : memref<10x128xi32, #tpu.memory_space<vmem>>, vector<16xi32>,
    tpu.vector_store %arg6[%swap3A_97, %swap3A_98], %gather3A_95 {strides = array<i32>} : memref<10x128xi32, #tpu.memory_space<vmem>>, vector<16xi32>,
    %add3A_100 = arith.constant 64 : i32
    %add3A_101 = vector.broadcast %add3A_100 : i32 to vector<16xi32>
    %add3A_102 = arith.addi %iota3A, %add3A_101 : vector<16xi32>
    %gather3A_103 = tpu.vector_load_idx %arg5[%add3A_102, %broadcast_in_dim3A_67] : memref<128x22xi32, #tpu.memory_space<vmem>>[vector<16xi32>, vector<16xi32>], vector<16xi32>,
    %swap3A_104 = arith.constant 1 : i32
    %swap3A_105 = arith.index_cast %swap3A_104 : i32 to index
    %swap3A_106 = arith.constant 64 : index
    %swap3A_107 = tpu.vector_load %arg6[%swap3A_105, %swap3A_106] {strides = array<i32>} : memref<10x128xi32, #tpu.memory_space<vmem>>, vector<16xi32>,
    tpu.vector_store %arg6[%swap3A_105, %swap3A_106], %gather3A_103 {strides = array<i32>} : memref<10x128xi32, #tpu.memory_space<vmem>>, vector<16xi32>,
    %add3A_108 = arith.constant 80 : i32
    %add3A_109 = vector.broadcast %add3A_108 : i32 to vector<16xi32>
    %add3A_110 = arith.addi %iota3A, %add3A_109 : vector<16xi32>
    %gather3A_111 = tpu.vector_load_idx %arg5[%add3A_110, %broadcast_in_dim3A_67] : memref<128x22xi32, #tpu.memory_space<vmem>>[vector<16xi32>, vector<16xi32>], vector<16xi32>,
    %swap3A_112 = arith.constant 1 : i32
    %swap3A_113 = arith.index_cast %swap3A_112 : i32 to index
    %swap3A_114 = arith.constant 80 : index
    %swap3A_115 = tpu.vector_load %arg6[%swap3A_113, %swap3A_114] {strides = array<i32>} : memref<10x128xi32, #tpu.memory_space<vmem>>, vector<16xi32>,
    tpu.vector_store %arg6[%swap3A_113, %swap3A_114], %gather3A_111 {strides = array<i32>} : memref<10x128xi32, #tpu.memory_space<vmem>>, vector<16xi32>,
    %add3A_116 = arith.constant 96 : i32
    %add3A_117 = vector.broadcast %add3A_116 : i32 to vector<16xi32>
    %add3A_118 = arith.addi %iota3A, %add3A_117 : vector<16xi32>
    %gather3A_119 = tpu.vector_load_idx %arg5[%add3A_118, %broadcast_in_dim3A_67] : memref<128x22xi32, #tpu.memory_space<vmem>>[vector<16xi32>, vector<16xi32>], vector<16xi32>,
    %swap3A_120 = arith.constant 1 : i32
    %swap3A_121 = arith.index_cast %swap3A_120 : i32 to index
    %swap3A_122 = arith.constant 96 : index
    %swap3A_123 = tpu.vector_load %arg6[%swap3A_121, %swap3A_122] {strides = array<i32>} : memref<10x128xi32, #tpu.memory_space<vmem>>, vector<16xi32>,
    tpu.vector_store %arg6[%swap3A_121, %swap3A_122], %gather3A_119 {strides = array<i32>} : memref<10x128xi32, #tpu.memory_space<vmem>>, vector<16xi32>,
    %add3A_124 = arith.constant 112 : i32
    %add3A_125 = vector.broadcast %add3A_124 : i32 to vector<16xi32>
    %add3A_126 = arith.addi %iota3A, %add3A_125 : vector<16xi32>
    %gather3A_127 = tpu.vector_load_idx %arg5[%add3A_126, %broadcast_in_dim3A_67] : memref<128x22xi32, #tpu.memory_space<vmem>>[vector<16xi32>, vector<16xi32>], vector<16xi32>,
    %swap3A_128 = arith.constant 1 : i32
    %swap3A_129 = arith.index_cast %swap3A_128 : i32 to index
    %swap3A_130 = arith.constant 112 : index
    %swap3A_131 = tpu.vector_load %arg6[%swap3A_129, %swap3A_130] {strides = array<i32>} : memref<10x128xi32, #tpu.memory_space<vmem>>, vector<16xi32>,
    tpu.vector_store %arg6[%swap3A_129, %swap3A_130], %gather3A_127 {strides = array<i32>} : memref<10x128xi32, #tpu.memory_space<vmem>>, vector<16xi32>,
    %broadcast_in_dim3A_132 = arith.constant 2 : i32
    %broadcast_in_dim3A_133 = vector.broadcast %broadcast_in_dim3A_132 : i32 to vector<16xi32>
    %add3A_134 = arith.constant 0 : i32
    %add3A_135 = vector.broadcast %add3A_134 : i32 to vector<16xi32>
    %add3A_136 = arith.addi %iota3A, %add3A_135 : vector<16xi32>
    %gather3A_137 = tpu.vector_load_idx %arg5[%add3A_136, %broadcast_in_dim3A_133] : memref<128x22xi32, #tpu.memory_space<vmem>>[vector<16xi32>, vector<16xi32>], vector<16xi32>,
    %swap3A_138 = arith.constant 2 : i32
    %swap3A_139 = arith.index_cast %swap3A_138 : i32 to index
    %swap3A_140 = arith.constant 0 : index
    %swap3A_141 = tpu.vector_load %arg6[%swap3A_139, %swap3A_140] {strides = array<i32>} : memref<10x128xi32, #tpu.memory_space<vmem>>, vector<16xi32>,
    tpu.vector_store %arg6[%swap3A_139, %swap3A_140], %gather3A_137 {strides = array<i32>} : memref<10x128xi32, #tpu.memory_space<vmem>>, vector<16xi32>,
    %add3A_142 = arith.constant 16 : i32
    %add3A_143 = vector.broadcast %add3A_142 : i32 to vector<16xi32>
    %add3A_144 = arith.addi %iota3A, %add3A_143 : vector<16xi32>
    %gather3A_145 = tpu.vector_load_idx %arg5[%add3A_144, %broadcast_in_dim3A_133] : memref<128x22xi32, #tpu.memory_space<vmem>>[vector<16xi32>, vector<16xi32>], vector<16xi32>,
    %swap3A_146 = arith.constant 2 : i32
    %swap3A_147 = arith.index_cast %swap3A_146 : i32 to index
    %swap3A_148 = arith.constant 16 : index
    %swap3A_149 = tpu.vector_load %arg6[%swap3A_147, %swap3A_148] {strides = array<i32>} : memref<10x128xi32, #tpu.memory_space<vmem>>, vector<16xi32>,
    tpu.vector_store %arg6[%swap3A_147, %swap3A_148], %gather3A_145 {strides = array<i32>} : memref<10x128xi32, #tpu.memory_space<vmem>>, vector<16xi32>,
    %add3A_150 = arith.constant 32 : i32
    %add3A_151 = vector.broadcast %add3A_150 : i32 to vector<16xi32>
    %add3A_152 = arith.addi %iota3A, %add3A_151 : vector<16xi32>
    %gather3A_153 = tpu.vector_load_idx %arg5[%add3A_152, %broadcast_in_dim3A_133] : memref<128x22xi32, #tpu.memory_space<vmem>>[vector<16xi32>, vector<16xi32>], vector<16xi32>,
    %swap3A_154 = arith.constant 2 : i32
    %swap3A_155 = arith.index_cast %swap3A_154 : i32 to index
    %swap3A_156 = arith.constant 32 : index
    %swap3A_157 = tpu.vector_load %arg6[%swap3A_155, %swap3A_156] {strides = array<i32>} : memref<10x128xi32, #tpu.memory_space<vmem>>, vector<16xi32>,
    tpu.vector_store %arg6[%swap3A_155, %swap3A_156], %gather3A_153 {strides = array<i32>} : memref<10x128xi32, #tpu.memory_space<vmem>>, vector<16xi32>,
    %add3A_158 = arith.constant 48 : i32
    %add3A_159 = vector.broadcast %add3A_158 : i32 to vector<16xi32>
    %add3A_160 = arith.addi %iota3A, %add3A_159 : vector<16xi32>
    %gather3A_161 = tpu.vector_load_idx %arg5[%add3A_160, %broadcast_in_dim3A_133] : memref<128x22xi32, #tpu.memory_space<vmem>>[vector<16xi32>, vector<16xi32>], vector<16xi32>,
    %swap3A_162 = arith.constant 2 : i32
    %swap3A_163 = arith.index_cast %swap3A_162 : i32 to index
    %swap3A_164 = arith.constant 48 : index
    %swap3A_165 = tpu.vector_load %arg6[%swap3A_163, %swap3A_164] {strides = array<i32>} : memref<10x128xi32, #tpu.memory_space<vmem>>, vector<16xi32>,
    tpu.vector_store %arg6[%swap3A_163, %swap3A_164], %gather3A_161 {strides = array<i32>} : memref<10x128xi32, #tpu.memory_space<vmem>>, vector<16xi32>,
    %add3A_166 = arith.constant 64 : i32
    %add3A_167 = vector.broadcast %add3A_166 : i32 to vector<16xi32>
    %add3A_168 = arith.addi %iota3A, %add3A_167 : vector<16xi32>
    %gather3A_169 = tpu.vector_load_idx %arg5[%add3A_168, %broadcast_in_dim3A_133] : memref<128x22xi32, #tpu.memory_space<vmem>>[vector<16xi32>, vector<16xi32>], vector<16xi32>,
    %swap3A_170 = arith.constant 2 : i32
    %swap3A_171 = arith.index_cast %swap3A_170 : i32 to index
    %swap3A_172 = arith.constant 64 : index
    %swap3A_173 = tpu.vector_load %arg6[%swap3A_171, %swap3A_172] {strides = array<i32>} : memref<10x128xi32, #tpu.memory_space<vmem>>, vector<16xi32>,
    tpu.vector_store %arg6[%swap3A_171, %swap3A_172], %gather3A_169 {strides = array<i32>} : memref<10x128xi32, #tpu.memory_space<vmem>>, vector<16xi32>,
    %add3A_174 = arith.constant 80 : i32
    %add3A_175 = vector.broadcast %add3A_174 : i32 to vector<16xi32>
    %add3A_176 = arith.addi %iota3A, %add3A_175 : vector<16xi32>
    %gather3A_177 = tpu.vector_load_idx %arg5[%add3A_176, %broadcast_in_dim3A_133] : memref<128x22xi32, #tpu.memory_space<vmem>>[vector<16xi32>, vector<16xi32>], vector<16xi32>,
    %swap3A_178 = arith.constant 2 : i32
    %swap3A_179 = arith.index_cast %swap3A_178 : i32 to index
    %swap3A_180 = arith.constant 80 : index
    %swap3A_181 = tpu.vector_load %arg6[%swap3A_179, %swap3A_180] {strides = array<i32>} : memref<10x128xi32, #tpu.memory_space<vmem>>, vector<16xi32>,
    tpu.vector_store %arg6[%swap3A_179, %swap3A_180], %gather3A_177 {strides = array<i32>} : memref<10x128xi32, #tpu.memory_space<vmem>>, vector<16xi32>,
    %add3A_182 = arith.constant 96 : i32
    %add3A_183 = vector.broadcast %add3A_182 : i32 to vector<16xi32>
    %add3A_184 = arith.addi %iota3A, %add3A_183 : vector<16xi32>
    %gather3A_185 = tpu.vector_load_idx %arg5[%add3A_184, %broadcast_in_dim3A_133] : memref<128x22xi32, #tpu.memory_space<vmem>>[vector<16xi32>, vector<16xi32>], vector<16xi32>,
    %swap3A_186 = arith.constant 2 : i32
    %swap3A_187 = arith.index_cast %swap3A_186 : i32 to index
    %swap3A_188 = arith.constant 96 : index
    %swap3A_189 = tpu.vector_load %arg6[%swap3A_187, %swap3A_188] {strides = array<i32>} : memref<10x128xi32, #tpu.memory_space<vmem>>, vector<16xi32>,
    tpu.vector_store %arg6[%swap3A_187, %swap3A_188], %gather3A_185 {strides = array<i32>} : memref<10x128xi32, #tpu.memory_space<vmem>>, vector<16xi32>,
    %add3A_190 = arith.constant 112 : i32
    %add3A_191 = vector.broadcast %add3A_190 : i32 to vector<16xi32>
    %add3A_192 = arith.addi %iota3A, %add3A_191 : vector<16xi32>
    %gather3A_193 = tpu.vector_load_idx %arg5[%add3A_192, %broadcast_in_dim3A_133] : memref<128x22xi32, #tpu.memory_space<vmem>>[vector<16xi32>, vector<16xi32>], vector<16xi32>,
    %swap3A_194 = arith.constant 2 : i32
    %swap3A_195 = arith.index_cast %swap3A_194 : i32 to index
    %swap3A_196 = arith.constant 112 : index
    %swap3A_197 = tpu.vector_load %arg6[%swap3A_195, %swap3A_196] {strides = array<i32>} : memref<10x128xi32, #tpu.memory_space<vmem>>, vector<16xi32>,
    tpu.vector_store %arg6[%swap3A_195, %swap3A_196], %gather3A_193 {strides = array<i32>} : memref<10x128xi32, #tpu.memory_space<vmem>>, vector<16xi32>,
    %broadcast_in_dim3A_198 = arith.constant 3 : i32
    %broadcast_in_dim3A_199 = vector.broadcast %broadcast_in_dim3A_198 : i32 to vector<16xi32>
    %add3A_200 = arith.constant 0 : i32
    %add3A_201 = vector.broadcast %add3A_200 : i32 to vector<16xi32>
    %add3A_202 = arith.addi %iota3A, %add3A_201 : vector<16xi32>
    %gather3A_203 = tpu.vector_load_idx %arg5[%add3A_202, %broadcast_in_dim3A_199] : memref<128x22xi32, #tpu.memory_space<vmem>>[vector<16xi32>, vector<16xi32>], vector<16xi32>,
    %swap3A_204 = arith.constant 3 : i32
    %swap3A_205 = arith.index_cast %swap3A_204 : i32 to index
    %swap3A_206 = arith.constant 0 : index
    %swap3A_207 = tpu.vector_load %arg6[%swap3A_205, %swap3A_206] {strides = array<i32>} : memref<10x128xi32, #tpu.memory_space<vmem>>, vector<16xi32>,
    tpu.vector_store %arg6[%swap3A_205, %swap3A_206], %gather3A_203 {strides = array<i32>} : memref<10x128xi32, #tpu.memory_space<vmem>>, vector<16xi32>,
    %add3A_208 = arith.constant 16 : i32
    %add3A_209 = vector.broadcast %add3A_208 : i32 to vector<16xi32>
    %add3A_210 = arith.addi %iota3A, %add3A_209 : vector<16xi32>
    %gather3A_211 = tpu.vector_load_idx %arg5[%add3A_210, %broadcast_in_dim3A_199] : memref<128x22xi32, #tpu.memory_space<vmem>>[vector<16xi32>, vector<16xi32>], vector<16xi32>,
    %swap3A_212 = arith.constant 3 : i32
    %swap3A_213 = arith.index_cast %swap3A_212 : i32 to index
    %swap3A_214 = arith.constant 16 : index
    %swap3A_215 = tpu.vector_load %arg6[%swap3A_213, %swap3A_214] {strides = array<i32>} : memref<10x128xi32, #tpu.memory_space<vmem>>, vector<16xi32>,
    tpu.vector_store %arg6[%swap3A_213, %swap3A_214], %gather3A_211 {strides = array<i32>} : memref<10x128xi32, #tpu.memory_space<vmem>>, vector<16xi32>,
    %add3A_216 = arith.constant 32 : i32
    %add3A_217 = vector.broadcast %add3A_216 : i32 to vector<16xi32>
    %add3A_218 = arith.addi %iota3A, %add3A_217 : vector<16xi32>
    %gather3A_219 = tpu.vector_load_idx %arg5[%add3A_218, %broadcast_in_dim3A_199] : memref<128x22xi32, #tpu.memory_space<vmem>>[vector<16xi32>, vector<16xi32>], vector<16xi32>,
    %swap3A_220 = arith.constant 3 : i32
    %swap3A_221 = arith.index_cast %swap3A_220 : i32 to index
    %swap3A_222 = arith.constant 32 : index
    %swap3A_223 = tpu.vector_load %arg6[%swap3A_221, %swap3A_222] {strides = array<i32>} : memref<10x128xi32, #tpu.memory_space<vmem>>, vector<16xi32>,
    tpu.vector_store %arg6[%swap3A_221, %swap3A_222], %gather3A_219 {strides = array<i32>} : memref<10x128xi32, #tpu.memory_space<vmem>>, vector<16xi32>,
    %add3A_224 = arith.constant 48 : i32
    %add3A_225 = vector.broadcast %add3A_224 : i32 to vector<16xi32>
    %add3A_226 = arith.addi %iota3A, %add3A_225 : vector<16xi32>
    %gather3A_227 = tpu.vector_load_idx %arg5[%add3A_226, %broadcast_in_dim3A_199] : memref<128x22xi32, #tpu.memory_space<vmem>>[vector<16xi32>, vector<16xi32>], vector<16xi32>,
    %swap3A_228 = arith.constant 3 : i32
    %swap3A_229 = arith.index_cast %swap3A_228 : i32 to index
    %swap3A_230 = arith.constant 48 : index
    %swap3A_231 = tpu.vector_load %arg6[%swap3A_229, %swap3A_230] {strides = array<i32>} : memref<10x128xi32, #tpu.memory_space<vmem>>, vector<16xi32>,
    tpu.vector_store %arg6[%swap3A_229, %swap3A_230], %gather3A_227 {strides = array<i32>} : memref<10x128xi32, #tpu.memory_space<vmem>>, vector<16xi32>,
    %add3A_232 = arith.constant 64 : i32
    %add3A_233 = vector.broadcast %add3A_232 : i32 to vector<16xi32>
    %add3A_234 = arith.addi %iota3A, %add3A_233 : vector<16xi32>
    %gather3A_235 = tpu.vector_load_idx %arg5[%add3A_234, %broadcast_in_dim3A_199] : memref<128x22xi32, #tpu.memory_space<vmem>>[vector<16xi32>, vector<16xi32>], vector<16xi32>,
    %swap3A_236 = arith.constant 3 : i32
    %swap3A_237 = arith.index_cast %swap3A_236 : i32 to index
    %swap3A_238 = arith.constant 64 : index
    %swap3A_239 = tpu.vector_load %arg6[%swap3A_237, %swap3A_238] {strides = array<i32>} : memref<10x128xi32, #tpu.memory_space<vmem>>, vector<16xi32>,
    tpu.vector_store %arg6[%swap3A_237, %swap3A_238], %gather3A_235 {strides = array<i32>} : memref<10x128xi32, #tpu.memory_space<vmem>>, vector<16xi32>,
    %add3A_240 = arith.constant 80 : i32
    %add3A_241 = vector.broadcast %add3A_240 : i32 to vector<16xi32>
    %add3A_242 = arith.addi %iota3A, %add3A_241 : vector<16xi32>
    %gather3A_243 = tpu.vector_load_idx %arg5[%add3A_242, %broadcast_in_dim3A_199] : memref<128x22xi32, #tpu.memory_space<vmem>>[vector<16xi32>, vector<16xi32>], vector<16xi32>,
    %swap3A_244 = arith.constant 3 : i32
    %swap3A_245 = arith.index_cast %swap3A_244 : i32 to index
    %swap3A_246 = arith.constant 80 : index
    %swap3A_247 = tpu.vector_load %arg6[%swap3A_245, %swap3A_246] {strides = array<i32>} : memref<10x128xi32, #tpu.memory_space<vmem>>, vector<16xi32>,
    tpu.vector_store %arg6[%swap3A_245, %swap3A_246], %gather3A_243 {strides = array<i32>} : memref<10x128xi32, #tpu.memory_space<vmem>>, vector<16xi32>,
    %add3A_248 = arith.constant 96 : i32
    %add3A_249 = vector.broadcast %add3A_248 : i32 to vector<16xi32>
    %add3A_250 = arith.addi %iota3A, %add3A_249 : vector<16xi32>
    %gather3A_251 = tpu.vector_load_idx %arg5[%add3A_250, %broadcast_in_dim3A_199] : memref<128x22xi32, #tpu.memory_space<vmem>>[vector<16xi32>, vector<16xi32>], vector<16xi32>,
    %swap3A_252 = arith.constant 3 : i32
    %swap3A_253 = arith.index_cast %swap3A_252 : i32 to index
    %swap3A_254 = arith.constant 96 : index
    %swap3A_255 = tpu.vector_load %arg6[%swap3A_253, %swap3A_254] {strides = array<i32>} : memref<10x128xi32, #tpu.memory_space<vmem>>, vector<16xi32>,
    tpu.vector_store %arg6[%swap3A_253, %swap3A_254], %gather3A_251 {strides = array<i32>} : memref<10x128xi32, #tpu.memory_space<vmem>>, vector<16xi32>,
    %add3A_256 = arith.constant 112 : i32
    %add3A_257 = vector.broadcast %add3A_256 : i32 to vector<16xi32>
    %add3A_258 = arith.addi %iota3A, %add3A_257 : vector<16xi32>
    %gather3A_259 = tpu.vector_load_idx %arg5[%add3A_258, %broadcast_in_dim3A_199] : memref<128x22xi32, #tpu.memory_space<vmem>>[vector<16xi32>, vector<16xi32>], vector<16xi32>,
    %swap3A_260 = arith.constant 3 : i32
    %swap3A_261 = arith.index_cast %swap3A_260 : i32 to index
    %swap3A_262 = arith.constant 112 : index
    %swap3A_263 = tpu.vector_load %arg6[%swap3A_261, %swap3A_262] {strides = array<i32>} : memref<10x128xi32, #tpu.memory_space<vmem>>, vector<16xi32>,
    tpu.vector_store %arg6[%swap3A_261, %swap3A_262], %gather3A_259 {strides = array<i32>} : memref<10x128xi32, #tpu.memory_space<vmem>>, vector<16xi32>,
    %broadcast_in_dim3A_264 = arith.constant 4 : i32
    %broadcast_in_dim3A_265 = vector.broadcast %broadcast_in_dim3A_264 : i32 to vector<16xi32>
    %add3A_266 = arith.constant 0 : i32
    %add3A_267 = vector.broadcast %add3A_266 : i32 to vector<16xi32>
    %add3A_268 = arith.addi %iota3A, %add3A_267 : vector<16xi32>
    %gather3A_269 = tpu.vector_load_idx %arg5[%add3A_268, %broadcast_in_dim3A_265] : memref<128x22xi32, #tpu.memory_space<vmem>>[vector<16xi32>, vector<16xi32>], vector<16xi32>,
    %swap3A_270 = arith.constant 4 : i32
    %swap3A_271 = arith.index_cast %swap3A_270 : i32 to index
    %swap3A_272 = arith.constant 0 : index
    %swap3A_273 = tpu.vector_load %arg6[%swap3A_271, %swap3A_272] {strides = array<i32>} : memref<10x128xi32, #tpu.memory_space<vmem>>, vector<16xi32>,
    tpu.vector_store %arg6[%swap3A_271, %swap3A_272], %gather3A_269 {strides = array<i32>} : memref<10x128xi32, #tpu.memory_space<vmem>>, vector<16xi32>,
    %add3A_274 = arith.constant 16 : i32
    %add3A_275 = vector.broadcast %add3A_274 : i32 to vector<16xi32>
    %add3A_276 = arith.addi %iota3A, %add3A_275 : vector<16xi32>
    %gather3A_277 = tpu.vector_load_idx %arg5[%add3A_276, %broadcast_in_dim3A_265] : memref<128x22xi32, #tpu.memory_space<vmem>>[vector<16xi32>, vector<16xi32>], vector<16xi32>,
    %swap3A_278 = arith.constant 4 : i32
    %swap3A_279 = arith.index_cast %swap3A_278 : i32 to index
    %swap3A_280 = arith.constant 16 : index
    %swap3A_281 = tpu.vector_load %arg6[%swap3A_279, %swap3A_280] {strides = array<i32>} : memref<10x128xi32, #tpu.memory_space<vmem>>, vector<16xi32>,
    tpu.vector_store %arg6[%swap3A_279, %swap3A_280], %gather3A_277 {strides = array<i32>} : memref<10x128xi32, #tpu.memory_space<vmem>>, vector<16xi32>,
    %add3A_282 = arith.constant 32 : i32
    %add3A_283 = vector.broadcast %add3A_282 : i32 to vector<16xi32>
    %add3A_284 = arith.addi %iota3A, %add3A_283 : vector<16xi32>
    %gather3A_285 = tpu.vector_load_idx %arg5[%add3A_284, %broadcast_in_dim3A_265] : memref<128x22xi32, #tpu.memory_space<vmem>>[vector<16xi32>, vector<16xi32>], vector<16xi32>,
    %swap3A_286 = arith.constant 4 : i32
    %swap3A_287 = arith.index_cast %swap3A_286 : i32 to index
    %swap3A_288 = arith.constant 32 : index
    %swap3A_289 = tpu.vector_load %arg6[%swap3A_287, %swap3A_288] {strides = array<i32>} : memref<10x128xi32, #tpu.memory_space<vmem>>, vector<16xi32>,
    tpu.vector_store %arg6[%swap3A_287, %swap3A_288], %gather3A_285 {strides = array<i32>} : memref<10x128xi32, #tpu.memory_space<vmem>>, vector<16xi32>,
    %add3A_290 = arith.constant 48 : i32
    %add3A_291 = vector.broadcast %add3A_290 : i32 to vector<16xi32>
    %add3A_292 = arith.addi %iota3A, %add3A_291 : vector<16xi32>
    %gather3A_293 = tpu.vector_load_idx %arg5[%add3A_292, %broadcast_in_dim3A_265] : memref<128x22xi32, #tpu.memory_space<vmem>>[vector<16xi32>, vector<16xi32>], vector<16xi32>,
    %swap3A_294 = arith.constant 4 : i32
    %swap3A_295 = arith.index_cast %swap3A_294 : i32 to index
    %swap3A_296 = arith.constant 48 : index
    %swap3A_297 = tpu.vector_load %arg6[%swap3A_295, %swap3A_296] {strides = array<i32>} : memref<10x128xi32, #tpu.memory_space<vmem>>, vector<16xi32>,
    tpu.vector_store %arg6[%swap3A_295, %swap3A_296], %gather3A_293 {strides = array<i32>} : memref<10x128xi32, #tpu.memory_space<vmem>>, vector<16xi32>,
    %add3A_298 = arith.constant 64 : i32
    %add3A_299 = vector.broadcast %add3A_298 : i32 to vector<16xi32>
    %add3A_300 = arith.addi %iota3A, %add3A_299 : vector<16xi32>
    %gather3A_301 = tpu.vector_load_idx %arg5[%add3A_300, %broadcast_in_dim3A_265] : memref<128x22xi32, #tpu.memory_space<vmem>>[vector<16xi32>, vector<16xi32>], vector<16xi32>,
    %swap3A_302 = arith.constant 4 : i32
    %swap3A_303 = arith.index_cast %swap3A_302 : i32 to index
    %swap3A_304 = arith.constant 64 : index
    %swap3A_305 = tpu.vector_load %arg6[%swap3A_303, %swap3A_304] {strides = array<i32>} : memref<10x128xi32, #tpu.memory_space<vmem>>, vector<16xi32>,
    tpu.vector_store %arg6[%swap3A_303, %swap3A_304], %gather3A_301 {strides = array<i32>} : memref<10x128xi32, #tpu.memory_space<vmem>>, vector<16xi32>,
    %add3A_306 = arith.constant 80 : i32
    %add3A_307 = vector.broadcast %add3A_306 : i32 to vector<16xi32>
    %add3A_308 = arith.addi %iota3A, %add3A_307 : vector<16xi32>
    %gather3A_309 = tpu.vector_load_idx %arg5[%add3A_308, %broadcast_in_dim3A_265] : memref<128x22xi32, #tpu.memory_space<vmem>>[vector<16xi32>, vector<16xi32>], vector<16xi32>,
    %swap3A_310 = arith.constant 4 : i32
    %swap3A_311 = arith.index_cast %swap3A_310 : i32 to index
    %swap3A_312 = arith.constant 80 : index
    %swap3A_313 = tpu.vector_load %arg6[%swap3A_311, %swap3A_312] {strides = array<i32>} : memref<10x128xi32, #tpu.memory_space<vmem>>, vector<16xi32>,
    tpu.vector_store %arg6[%swap3A_311, %swap3A_312], %gather3A_309 {strides = array<i32>} : memref<10x128xi32, #tpu.memory_space<vmem>>, vector<16xi32>,
    %add3A_314 = arith.constant 96 : i32
    %add3A_315 = vector.broadcast %add3A_314 : i32 to vector<16xi32>
    %add3A_316 = arith.addi %iota3A, %add3A_315 : vector<16xi32>
    %gather3A_317 = tpu.vector_load_idx %arg5[%add3A_316, %broadcast_in_dim3A_265] : memref<128x22xi32, #tpu.memory_space<vmem>>[vector<16xi32>, vector<16xi32>], vector<16xi32>,
    %swap3A_318 = arith.constant 4 : i32
    %swap3A_319 = arith.index_cast %swap3A_318 : i32 to index
    %swap3A_320 = arith.constant 96 : index
    %swap3A_321 = tpu.vector_load %arg6[%swap3A_319, %swap3A_320] {strides = array<i32>} : memref<10x128xi32, #tpu.memory_space<vmem>>, vector<16xi32>,
    tpu.vector_store %arg6[%swap3A_319, %swap3A_320], %gather3A_317 {strides = array<i32>} : memref<10x128xi32, #tpu.memory_space<vmem>>, vector<16xi32>,
    %add3A_322 = arith.constant 112 : i32
    %add3A_323 = vector.broadcast %add3A_322 : i32 to vector<16xi32>
    %add3A_324 = arith.addi %iota3A, %add3A_323 : vector<16xi32>
    %gather3A_325 = tpu.vector_load_idx %arg5[%add3A_324, %broadcast_in_dim3A_265] : memref<128x22xi32, #tpu.memory_space<vmem>>[vector<16xi32>, vector<16xi32>], vector<16xi32>,
    %swap3A_326 = arith.constant 4 : i32
    %swap3A_327 = arith.index_cast %swap3A_326 : i32 to index
    %swap3A_328 = arith.constant 112 : index
    %swap3A_329 = tpu.vector_load %arg6[%swap3A_327, %swap3A_328] {strides = array<i32>} : memref<10x128xi32, #tpu.memory_space<vmem>>, vector<16xi32>,
    tpu.vector_store %arg6[%swap3A_327, %swap3A_328], %gather3A_325 {strides = array<i32>} : memref<10x128xi32, #tpu.memory_space<vmem>>, vector<16xi32>,
    %broadcast_in_dim3A_330 = arith.constant 5 : i32
    %broadcast_in_dim3A_331 = vector.broadcast %broadcast_in_dim3A_330 : i32 to vector<16xi32>
    %add3A_332 = arith.constant 0 : i32
    %add3A_333 = vector.broadcast %add3A_332 : i32 to vector<16xi32>
    %add3A_334 = arith.addi %iota3A, %add3A_333 : vector<16xi32>
    %gather3A_335 = tpu.vector_load_idx %arg5[%add3A_334, %broadcast_in_dim3A_331] : memref<128x22xi32, #tpu.memory_space<vmem>>[vector<16xi32>, vector<16xi32>], vector<16xi32>,
    %swap3A_336 = arith.constant 5 : i32
    %swap3A_337 = arith.index_cast %swap3A_336 : i32 to index
    %swap3A_338 = arith.constant 0 : index
    %swap3A_339 = tpu.vector_load %arg6[%swap3A_337, %swap3A_338] {strides = array<i32>} : memref<10x128xi32, #tpu.memory_space<vmem>>, vector<16xi32>,
    tpu.vector_store %arg6[%swap3A_337, %swap3A_338], %gather3A_335 {strides = array<i32>} : memref<10x128xi32, #tpu.memory_space<vmem>>, vector<16xi32>,
    %add3A_340 = arith.constant 16 : i32
    %add3A_341 = vector.broadcast %add3A_340 : i32 to vector<16xi32>
    %add3A_342 = arith.addi %iota3A, %add3A_341 : vector<16xi32>
    %gather3A_343 = tpu.vector_load_idx %arg5[%add3A_342, %broadcast_in_dim3A_331] : memref<128x22xi32, #tpu.memory_space<vmem>>[vector<16xi32>, vector<16xi32>], vector<16xi32>,
    %swap3A_344 = arith.constant 5 : i32
    %swap3A_345 = arith.index_cast %swap3A_344 : i32 to index
    %swap3A_346 = arith.constant 16 : index
    %swap3A_347 = tpu.vector_load %arg6[%swap3A_345, %swap3A_346] {strides = array<i32>} : memref<10x128xi32, #tpu.memory_space<vmem>>, vector<16xi32>,
    tpu.vector_store %arg6[%swap3A_345, %swap3A_346], %gather3A_343 {strides = array<i32>} : memref<10x128xi32, #tpu.memory_space<vmem>>, vector<16xi32>,
    %add3A_348 = arith.constant 32 : i32
    %add3A_349 = vector.broadcast %add3A_348 : i32 to vector<16xi32>
    %add3A_350 = arith.addi %iota3A, %add3A_349 : vector<16xi32>
    %gather3A_351 = tpu.vector_load_idx %arg5[%add3A_350, %broadcast_in_dim3A_331] : memref<128x22xi32, #tpu.memory_space<vmem>>[vector<16xi32>, vector<16xi32>], vector<16xi32>,
    %swap3A_352 = arith.constant 5 : i32
    %swap3A_353 = arith.index_cast %swap3A_352 : i32 to index
    %swap3A_354 = arith.constant 32 : index
    %swap3A_355 = tpu.vector_load %arg6[%swap3A_353, %swap3A_354] {strides = array<i32>} : memref<10x128xi32, #tpu.memory_space<vmem>>, vector<16xi32>,
    tpu.vector_store %arg6[%swap3A_353, %swap3A_354], %gather3A_351 {strides = array<i32>} : memref<10x128xi32, #tpu.memory_space<vmem>>, vector<16xi32>,
    %add3A_356 = arith.constant 48 : i32
    %add3A_357 = vector.broadcast %add3A_356 : i32 to vector<16xi32>
    %add3A_358 = arith.addi %iota3A, %add3A_357 : vector<16xi32>
    %gather3A_359 = tpu.vector_load_idx %arg5[%add3A_358, %broadcast_in_dim3A_331] : memref<128x22xi32, #tpu.memory_space<vmem>>[vector<16xi32>, vector<16xi32>], vector<16xi32>,
    %swap3A_360 = arith.constant 5 : i32
    %swap3A_361 = arith.index_cast %swap3A_360 : i32 to index
    %swap3A_362 = arith.constant 48 : index
    %swap3A_363 = tpu.vector_load %arg6[%swap3A_361, %swap3A_362] {strides = array<i32>} : memref<10x128xi32, #tpu.memory_space<vmem>>, vector<16xi32>,
    tpu.vector_store %arg6[%swap3A_361, %swap3A_362], %gather3A_359 {strides = array<i32>} : memref<10x128xi32, #tpu.memory_space<vmem>>, vector<16xi32>,
    %add3A_364 = arith.constant 64 : i32
    %add3A_365 = vector.broadcast %add3A_364 : i32 to vector<16xi32>
    %add3A_366 = arith.addi %iota3A, %add3A_365 : vector<16xi32>
    %gather3A_367 = tpu.vector_load_idx %arg5[%add3A_366, %broadcast_in_dim3A_331] : memref<128x22xi32, #tpu.memory_space<vmem>>[vector<16xi32>, vector<16xi32>], vector<16xi32>,
    %swap3A_368 = arith.constant 5 : i32
    %swap3A_369 = arith.index_cast %swap3A_368 : i32 to index
    %swap3A_370 = arith.constant 64 : index
    %swap3A_371 = tpu.vector_load %arg6[%swap3A_369, %swap3A_370] {strides = array<i32>} : memref<10x128xi32, #tpu.memory_space<vmem>>, vector<16xi32>,
    tpu.vector_store %arg6[%swap3A_369, %swap3A_370], %gather3A_367 {strides = array<i32>} : memref<10x128xi32, #tpu.memory_space<vmem>>, vector<16xi32>,
    %add3A_372 = arith.constant 80 : i32
    %add3A_373 = vector.broadcast %add3A_372 : i32 to vector<16xi32>
    %add3A_374 = arith.addi %iota3A, %add3A_373 : vector<16xi32>
    %gather3A_375 = tpu.vector_load_idx %arg5[%add3A_374, %broadcast_in_dim3A_331] : memref<128x22xi32, #tpu.memory_space<vmem>>[vector<16xi32>, vector<16xi32>], vector<16xi32>,
    %swap3A_376 = arith.constant 5 : i32
    %swap3A_377 = arith.index_cast %swap3A_376 : i32 to index
    %swap3A_378 = arith.constant 80 : index
    %swap3A_379 = tpu.vector_load %arg6[%swap3A_377, %swap3A_378] {strides = array<i32>} : memref<10x128xi32, #tpu.memory_space<vmem>>, vector<16xi32>,
    tpu.vector_store %arg6[%swap3A_377, %swap3A_378], %gather3A_375 {strides = array<i32>} : memref<10x128xi32, #tpu.memory_space<vmem>>, vector<16xi32>,
    %add3A_380 = arith.constant 96 : i32
    %add3A_381 = vector.broadcast %add3A_380 : i32 to vector<16xi32>
    %add3A_382 = arith.addi %iota3A, %add3A_381 : vector<16xi32>
    %gather3A_383 = tpu.vector_load_idx %arg5[%add3A_382, %broadcast_in_dim3A_331] : memref<128x22xi32, #tpu.memory_space<vmem>>[vector<16xi32>, vector<16xi32>], vector<16xi32>,
    %swap3A_384 = arith.constant 5 : i32
    %swap3A_385 = arith.index_cast %swap3A_384 : i32 to index
    %swap3A_386 = arith.constant 96 : index
    %swap3A_387 = tpu.vector_load %arg6[%swap3A_385, %swap3A_386] {strides = array<i32>} : memref<10x128xi32, #tpu.memory_space<vmem>>, vector<16xi32>,
    tpu.vector_store %arg6[%swap3A_385, %swap3A_386], %gather3A_383 {strides = array<i32>} : memref<10x128xi32, #tpu.memory_space<vmem>>, vector<16xi32>,
    %add3A_388 = arith.constant 112 : i32
    %add3A_389 = vector.broadcast %add3A_388 : i32 to vector<16xi32>
    %add3A_390 = arith.addi %iota3A, %add3A_389 : vector<16xi32>
    %gather3A_391 = tpu.vector_load_idx %arg5[%add3A_390, %broadcast_in_dim3A_331] : memref<128x22xi32, #tpu.memory_space<vmem>>[vector<16xi32>, vector<16xi32>], vector<16xi32>,
    %swap3A_392 = arith.constant 5 : i32
    %swap3A_393 = arith.index_cast %swap3A_392 : i32 to index
    %swap3A_394 = arith.constant 112 : index
    %swap3A_395 = tpu.vector_load %arg6[%swap3A_393, %swap3A_394] {strides = array<i32>} : memref<10x128xi32, #tpu.memory_space<vmem>>, vector<16xi32>,
    tpu.vector_store %arg6[%swap3A_393, %swap3A_394], %gather3A_391 {strides = array<i32>} : memref<10x128xi32, #tpu.memory_space<vmem>>, vector<16xi32>,
    %broadcast_in_dim3A_396 = arith.constant 6 : i32
    %broadcast_in_dim3A_397 = vector.broadcast %broadcast_in_dim3A_396 : i32 to vector<16xi32>
    %add3A_398 = arith.constant 0 : i32
    %add3A_399 = vector.broadcast %add3A_398 : i32 to vector<16xi32>
    %add3A_400 = arith.addi %iota3A, %add3A_399 : vector<16xi32>
    %gather3A_401 = tpu.vector_load_idx %arg5[%add3A_400, %broadcast_in_dim3A_397] : memref<128x22xi32, #tpu.memory_space<vmem>>[vector<16xi32>, vector<16xi32>], vector<16xi32>,
    %swap3A_402 = arith.constant 6 : i32
    %swap3A_403 = arith.index_cast %swap3A_402 : i32 to index
    %swap3A_404 = arith.constant 0 : index
    %swap3A_405 = tpu.vector_load %arg6[%swap3A_403, %swap3A_404] {strides = array<i32>} : memref<10x128xi32, #tpu.memory_space<vmem>>, vector<16xi32>,
    tpu.vector_store %arg6[%swap3A_403, %swap3A_404], %gather3A_401 {strides = array<i32>} : memref<10x128xi32, #tpu.memory_space<vmem>>, vector<16xi32>,
    %add3A_406 = arith.constant 16 : i32
    %add3A_407 = vector.broadcast %add3A_406 : i32 to vector<16xi32>
    %add3A_408 = arith.addi %iota3A, %add3A_407 : vector<16xi32>
    %gather3A_409 = tpu.vector_load_idx %arg5[%add3A_408, %broadcast_in_dim3A_397] : memref<128x22xi32, #tpu.memory_space<vmem>>[vector<16xi32>, vector<16xi32>], vector<16xi32>,
    %swap3A_410 = arith.constant 6 : i32
    %swap3A_411 = arith.index_cast %swap3A_410 : i32 to index
    %swap3A_412 = arith.constant 16 : index
    %swap3A_413 = tpu.vector_load %arg6[%swap3A_411, %swap3A_412] {strides = array<i32>} : memref<10x128xi32, #tpu.memory_space<vmem>>, vector<16xi32>,
    tpu.vector_store %arg6[%swap3A_411, %swap3A_412], %gather3A_409 {strides = array<i32>} : memref<10x128xi32, #tpu.memory_space<vmem>>, vector<16xi32>,
    %add3A_414 = arith.constant 32 : i32
    %add3A_415 = vector.broadcast %add3A_414 : i32 to vector<16xi32>
    %add3A_416 = arith.addi %iota3A, %add3A_415 : vector<16xi32>
    %gather3A_417 = tpu.vector_load_idx %arg5[%add3A_416, %broadcast_in_dim3A_397] : memref<128x22xi32, #tpu.memory_space<vmem>>[vector<16xi32>, vector<16xi32>], vector<16xi32>,
    %swap3A_418 = arith.constant 6 : i32
    %swap3A_419 = arith.index_cast %swap3A_418 : i32 to index
    %swap3A_420 = arith.constant 32 : index
    %swap3A_421 = tpu.vector_load %arg6[%swap3A_419, %swap3A_420] {strides = array<i32>} : memref<10x128xi32, #tpu.memory_space<vmem>>, vector<16xi32>,
    tpu.vector_store %arg6[%swap3A_419, %swap3A_420], %gather3A_417 {strides = array<i32>} : memref<10x128xi32, #tpu.memory_space<vmem>>, vector<16xi32>,
    %add3A_422 = arith.constant 48 : i32
    %add3A_423 = vector.broadcast %add3A_422 : i32 to vector<16xi32>
    %add3A_424 = arith.addi %iota3A, %add3A_423 : vector<16xi32>
    %gather3A_425 = tpu.vector_load_idx %arg5[%add3A_424, %broadcast_in_dim3A_397] : memref<128x22xi32, #tpu.memory_space<vmem>>[vector<16xi32>, vector<16xi32>], vector<16xi32>,
    %swap3A_426 = arith.constant 6 : i32
    %swap3A_427 = arith.index_cast %swap3A_426 : i32 to index
    %swap3A_428 = arith.constant 48 : index
    %swap3A_429 = tpu.vector_load %arg6[%swap3A_427, %swap3A_428] {strides = array<i32>} : memref<10x128xi32, #tpu.memory_space<vmem>>, vector<16xi32>,
    tpu.vector_store %arg6[%swap3A_427, %swap3A_428], %gather3A_425 {strides = array<i32>} : memref<10x128xi32, #tpu.memory_space<vmem>>, vector<16xi32>,
    %add3A_430 = arith.constant 64 : i32
    %add3A_431 = vector.broadcast %add3A_430 : i32 to vector<16xi32>
    %add3A_432 = arith.addi %iota3A, %add3A_431 : vector<16xi32>
    %gather3A_433 = tpu.vector_load_idx %arg5[%add3A_432, %broadcast_in_dim3A_397] : memref<128x22xi32, #tpu.memory_space<vmem>>[vector<16xi32>, vector<16xi32>], vector<16xi32>,
    %swap3A_434 = arith.constant 6 : i32
    %swap3A_435 = arith.index_cast %swap3A_434 : i32 to index
    %swap3A_436 = arith.constant 64 : index
    %swap3A_437 = tpu.vector_load %arg6[%swap3A_435, %swap3A_436] {strides = array<i32>} : memref<10x128xi32, #tpu.memory_space<vmem>>, vector<16xi32>,
    tpu.vector_store %arg6[%swap3A_435, %swap3A_436], %gather3A_433 {strides = array<i32>} : memref<10x128xi32, #tpu.memory_space<vmem>>, vector<16xi32>,
    %add3A_438 = arith.constant 80 : i32
    %add3A_439 = vector.broadcast %add3A_438 : i32 to vector<16xi32>
    %add3A_440 = arith.addi %iota3A, %add3A_439 : vector<16xi32>
    %gather3A_441 = tpu.vector_load_idx %arg5[%add3A_440, %broadcast_in_dim3A_397] : memref<128x22xi32, #tpu.memory_space<vmem>>[vector<16xi32>, vector<16xi32>], vector<16xi32>,
    %swap3A_442 = arith.constant 6 : i32
    %swap3A_443 = arith.index_cast %swap3A_442 : i32 to index
    %swap3A_444 = arith.constant 80 : index
    %swap3A_445 = tpu.vector_load %arg6[%swap3A_443, %swap3A_444] {strides = array<i32>} : memref<10x128xi32, #tpu.memory_space<vmem>>, vector<16xi32>,
    tpu.vector_store %arg6[%swap3A_443, %swap3A_444], %gather3A_441 {strides = array<i32>} : memref<10x128xi32, #tpu.memory_space<vmem>>, vector<16xi32>,
    %add3A_446 = arith.constant 96 : i32
    %add3A_447 = vector.broadcast %add3A_446 : i32 to vector<16xi32>
    %add3A_448 = arith.addi %iota3A, %add3A_447 : vector<16xi32>
    %gather3A_449 = tpu.vector_load_idx %arg5[%add3A_448, %broadcast_in_dim3A_397] : memref<128x22xi32, #tpu.memory_space<vmem>>[vector<16xi32>, vector<16xi32>], vector<16xi32>,
    %swap3A_450 = arith.constant 6 : i32
    %swap3A_451 = arith.index_cast %swap3A_450 : i32 to index
    %swap3A_452 = arith.constant 96 : index
    %swap3A_453 = tpu.vector_load %arg6[%swap3A_451, %swap3A_452] {strides = array<i32>} : memref<10x128xi32, #tpu.memory_space<vmem>>, vector<16xi32>,
    tpu.vector_store %arg6[%swap3A_451, %swap3A_452], %gather3A_449 {strides = array<i32>} : memref<10x128xi32, #tpu.memory_space<vmem>>, vector<16xi32>,
    %add3A_454 = arith.constant 112 : i32
    %add3A_455 = vector.broadcast %add3A_454 : i32 to vector<16xi32>
    %add3A_456 = arith.addi %iota3A, %add3A_455 : vector<16xi32>
    %gather3A_457 = tpu.vector_load_idx %arg5[%add3A_456, %broadcast_in_dim3A_397] : memref<128x22xi32, #tpu.memory_space<vmem>>[vector<16xi32>, vector<16xi32>], vector<16xi32>,
    %swap3A_458 = arith.constant 6 : i32
    %swap3A_459 = arith.index_cast %swap3A_458 : i32 to index
    %swap3A_460 = arith.constant 112 : index
    %swap3A_461 = tpu.vector_load %arg6[%swap3A_459, %swap3A_460] {strides = array<i32>} : memref<10x128xi32, #tpu.memory_space<vmem>>, vector<16xi32>,
    tpu.vector_store %arg6[%swap3A_459, %swap3A_460], %gather3A_457 {strides = array<i32>} : memref<10x128xi32, #tpu.memory_space<vmem>>, vector<16xi32>,
    %broadcast_in_dim3A_462 = arith.constant 7 : i32
    %broadcast_in_dim3A_463 = vector.broadcast %broadcast_in_dim3A_462 : i32 to vector<16xi32>
    %add3A_464 = arith.constant 0 : i32
    %add3A_465 = vector.broadcast %add3A_464 : i32 to vector<16xi32>
    %add3A_466 = arith.addi %iota3A, %add3A_465 : vector<16xi32>
    %gather3A_467 = tpu.vector_load_idx %arg5[%add3A_466, %broadcast_in_dim3A_463] : memref<128x22xi32, #tpu.memory_space<vmem>>[vector<16xi32>, vector<16xi32>], vector<16xi32>,
    %swap3A_468 = arith.constant 7 : i32
    %swap3A_469 = arith.index_cast %swap3A_468 : i32 to index
    %swap3A_470 = arith.constant 0 : index
    %swap3A_471 = tpu.vector_load %arg6[%swap3A_469, %swap3A_470] {strides = array<i32>} : memref<10x128xi32, #tpu.memory_space<vmem>>, vector<16xi32>,
    tpu.vector_store %arg6[%swap3A_469, %swap3A_470], %gather3A_467 {strides = array<i32>} : memref<10x128xi32, #tpu.memory_space<vmem>>, vector<16xi32>,
    %add3A_472 = arith.constant 16 : i32
    %add3A_473 = vector.broadcast %add3A_472 : i32 to vector<16xi32>
    %add3A_474 = arith.addi %iota3A, %add3A_473 : vector<16xi32>
    %gather3A_475 = tpu.vector_load_idx %arg5[%add3A_474, %broadcast_in_dim3A_463] : memref<128x22xi32, #tpu.memory_space<vmem>>[vector<16xi32>, vector<16xi32>], vector<16xi32>,
    %swap3A_476 = arith.constant 7 : i32
    %swap3A_477 = arith.index_cast %swap3A_476 : i32 to index
    %swap3A_478 = arith.constant 16 : index
    %swap3A_479 = tpu.vector_load %arg6[%swap3A_477, %swap3A_478] {strides = array<i32>} : memref<10x128xi32, #tpu.memory_space<vmem>>, vector<16xi32>,
    tpu.vector_store %arg6[%swap3A_477, %swap3A_478], %gather3A_475 {strides = array<i32>} : memref<10x128xi32, #tpu.memory_space<vmem>>, vector<16xi32>,
    %add3A_480 = arith.constant 32 : i32
    %add3A_481 = vector.broadcast %add3A_480 : i32 to vector<16xi32>
    %add3A_482 = arith.addi %iota3A, %add3A_481 : vector<16xi32>
    %gather3A_483 = tpu.vector_load_idx %arg5[%add3A_482, %broadcast_in_dim3A_463] : memref<128x22xi32, #tpu.memory_space<vmem>>[vector<16xi32>, vector<16xi32>], vector<16xi32>,
    %swap3A_484 = arith.constant 7 : i32
    %swap3A_485 = arith.index_cast %swap3A_484 : i32 to index
    %swap3A_486 = arith.constant 32 : index
    %swap3A_487 = tpu.vector_load %arg6[%swap3A_485, %swap3A_486] {strides = array<i32>} : memref<10x128xi32, #tpu.memory_space<vmem>>, vector<16xi32>,
    tpu.vector_store %arg6[%swap3A_485, %swap3A_486], %gather3A_483 {strides = array<i32>} : memref<10x128xi32, #tpu.memory_space<vmem>>, vector<16xi32>,
    %add3A_488 = arith.constant 48 : i32
    %add3A_489 = vector.broadcast %add3A_488 : i32 to vector<16xi32>
    %add3A_490 = arith.addi %iota3A, %add3A_489 : vector<16xi32>
    %gather3A_491 = tpu.vector_load_idx %arg5[%add3A_490, %broadcast_in_dim3A_463] : memref<128x22xi32, #tpu.memory_space<vmem>>[vector<16xi32>, vector<16xi32>], vector<16xi32>,
    %swap3A_492 = arith.constant 7 : i32
    %swap3A_493 = arith.index_cast %swap3A_492 : i32 to index
    %swap3A_494 = arith.constant 48 : index
    %swap3A_495 = tpu.vector_load %arg6[%swap3A_493, %swap3A_494] {strides = array<i32>} : memref<10x128xi32, #tpu.memory_space<vmem>>, vector<16xi32>,
    tpu.vector_store %arg6[%swap3A_493, %swap3A_494], %gather3A_491 {strides = array<i32>} : memref<10x128xi32, #tpu.memory_space<vmem>>, vector<16xi32>,
    %add3A_496 = arith.constant 64 : i32
    %add3A_497 = vector.broadcast %add3A_496 : i32 to vector<16xi32>
    %add3A_498 = arith.addi %iota3A, %add3A_497 : vector<16xi32>
    %gather3A_499 = tpu.vector_load_idx %arg5[%add3A_498, %broadcast_in_dim3A_463] : memref<128x22xi32, #tpu.memory_space<vmem>>[vector<16xi32>, vector<16xi32>], vector<16xi32>,
    %swap3A_500 = arith.constant 7 : i32
    %swap3A_501 = arith.index_cast %swap3A_500 : i32 to index
    %swap3A_502 = arith.constant 64 : index
    %swap3A_503 = tpu.vector_load %arg6[%swap3A_501, %swap3A_502] {strides = array<i32>} : memref<10x128xi32, #tpu.memory_space<vmem>>, vector<16xi32>,
    tpu.vector_store %arg6[%swap3A_501, %swap3A_502], %gather3A_499 {strides = array<i32>} : memref<10x128xi32, #tpu.memory_space<vmem>>, vector<16xi32>,
    %add3A_504 = arith.constant 80 : i32
    %add3A_505 = vector.broadcast %add3A_504 : i32 to vector<16xi32>
    %add3A_506 = arith.addi %iota3A, %add3A_505 : vector<16xi32>
    %gather3A_507 = tpu.vector_load_idx %arg5[%add3A_506, %broadcast_in_dim3A_463] : memref<128x22xi32, #tpu.memory_space<vmem>>[vector<16xi32>, vector<16xi32>], vector<16xi32>,
    %swap3A_508 = arith.constant 7 : i32
    %swap3A_509 = arith.index_cast %swap3A_508 : i32 to index
    %swap3A_510 = arith.constant 80 : index
    %swap3A_511 = tpu.vector_load %arg6[%swap3A_509, %swap3A_510] {strides = array<i32>} : memref<10x128xi32, #tpu.memory_space<vmem>>, vector<16xi32>,
    tpu.vector_store %arg6[%swap3A_509, %swap3A_510], %gather3A_507 {strides = array<i32>} : memref<10x128xi32, #tpu.memory_space<vmem>>, vector<16xi32>,
    %add3A_512 = arith.constant 96 : i32
    %add3A_513 = vector.broadcast %add3A_512 : i32 to vector<16xi32>
    %add3A_514 = arith.addi %iota3A, %add3A_513 : vector<16xi32>
    %gather3A_515 = tpu.vector_load_idx %arg5[%add3A_514, %broadcast_in_dim3A_463] : memref<128x22xi32, #tpu.memory_space<vmem>>[vector<16xi32>, vector<16xi32>], vector<16xi32>,
    %swap3A_516 = arith.constant 7 : i32
    %swap3A_517 = arith.index_cast %swap3A_516 : i32 to index
    %swap3A_518 = arith.constant 96 : index
    %swap3A_519 = tpu.vector_load %arg6[%swap3A_517, %swap3A_518] {strides = array<i32>} : memref<10x128xi32, #tpu.memory_space<vmem>>, vector<16xi32>,
    tpu.vector_store %arg6[%swap3A_517, %swap3A_518], %gather3A_515 {strides = array<i32>} : memref<10x128xi32, #tpu.memory_space<vmem>>, vector<16xi32>,
    %add3A_520 = arith.constant 112 : i32
    %add3A_521 = vector.broadcast %add3A_520 : i32 to vector<16xi32>
    %add3A_522 = arith.addi %iota3A, %add3A_521 : vector<16xi32>
    %gather3A_523 = tpu.vector_load_idx %arg5[%add3A_522, %broadcast_in_dim3A_463] : memref<128x22xi32, #tpu.memory_space<vmem>>[vector<16xi32>, vector<16xi32>], vector<16xi32>,
    %swap3A_524 = arith.constant 7 : i32
    %swap3A_525 = arith.index_cast %swap3A_524 : i32 to index
    %swap3A_526 = arith.constant 112 : index
    %swap3A_527 = tpu.vector_load %arg6[%swap3A_525, %swap3A_526] {strides = array<i32>} : memref<10x128xi32, #tpu.memory_space<vmem>>, vector<16xi32>,
    tpu.vector_store %arg6[%swap3A_525, %swap3A_526], %gather3A_523 {strides = array<i32>} : memref<10x128xi32, #tpu.memory_space<vmem>>, vector<16xi32>,
    %broadcast_in_dim3A_528 = arith.constant 8 : i32
    %broadcast_in_dim3A_529 = vector.broadcast %broadcast_in_dim3A_528 : i32 to vector<16xi32>
    %add3A_530 = arith.constant 0 : i32
    %add3A_531 = vector.broadcast %add3A_530 : i32 to vector<16xi32>
    %add3A_532 = arith.addi %iota3A, %add3A_531 : vector<16xi32>
    %gather3A_533 = tpu.vector_load_idx %arg5[%add3A_532, %broadcast_in_dim3A_529] : memref<128x22xi32, #tpu.memory_space<vmem>>[vector<16xi32>, vector<16xi32>], vector<16xi32>,
    %swap3A_534 = arith.constant 8 : i32
    %swap3A_535 = arith.index_cast %swap3A_534 : i32 to index
    %swap3A_536 = arith.constant 0 : index
    %swap3A_537 = tpu.vector_load %arg6[%swap3A_535, %swap3A_536] {strides = array<i32>} : memref<10x128xi32, #tpu.memory_space<vmem>>, vector<16xi32>,
    tpu.vector_store %arg6[%swap3A_535, %swap3A_536], %gather3A_533 {strides = array<i32>} : memref<10x128xi32, #tpu.memory_space<vmem>>, vector<16xi32>,
    %add3A_538 = arith.constant 16 : i32
    %add3A_539 = vector.broadcast %add3A_538 : i32 to vector<16xi32>
    %add3A_540 = arith.addi %iota3A, %add3A_539 : vector<16xi32>
    %gather3A_541 = tpu.vector_load_idx %arg5[%add3A_540, %broadcast_in_dim3A_529] : memref<128x22xi32, #tpu.memory_space<vmem>>[vector<16xi32>, vector<16xi32>], vector<16xi32>,
    %swap3A_542 = arith.constant 8 : i32
    %swap3A_543 = arith.index_cast %swap3A_542 : i32 to index
    %swap3A_544 = arith.constant 16 : index
    %swap3A_545 = tpu.vector_load %arg6[%swap3A_543, %swap3A_544] {strides = array<i32>} : memref<10x128xi32, #tpu.memory_space<vmem>>, vector<16xi32>,
    tpu.vector_store %arg6[%swap3A_543, %swap3A_544], %gather3A_541 {strides = array<i32>} : memref<10x128xi32, #tpu.memory_space<vmem>>, vector<16xi32>,
    %add3A_546 = arith.constant 32 : i32
    %add3A_547 = vector.broadcast %add3A_546 : i32 to vector<16xi32>
    %add3A_548 = arith.addi %iota3A, %add3A_547 : vector<16xi32>
    %gather3A_549 = tpu.vector_load_idx %arg5[%add3A_548, %broadcast_in_dim3A_529] : memref<128x22xi32, #tpu.memory_space<vmem>>[vector<16xi32>, vector<16xi32>], vector<16xi32>,
    %swap3A_550 = arith.constant 8 : i32
    %swap3A_551 = arith.index_cast %swap3A_550 : i32 to index
    %swap3A_552 = arith.constant 32 : index
    %swap3A_553 = tpu.vector_load %arg6[%swap3A_551, %swap3A_552] {strides = array<i32>} : memref<10x128xi32, #tpu.memory_space<vmem>>, vector<16xi32>,
    tpu.vector_store %arg6[%swap3A_551, %swap3A_552], %gather3A_549 {strides = array<i32>} : memref<10x128xi32, #tpu.memory_space<vmem>>, vector<16xi32>,
    %add3A_554 = arith.constant 48 : i32
    %add3A_555 = vector.broadcast %add3A_554 : i32 to vector<16xi32>
    %add3A_556 = arith.addi %iota3A, %add3A_555 : vector<16xi32>
    %gather3A_557 = tpu.vector_load_idx %arg5[%add3A_556, %broadcast_in_dim3A_529] : memref<128x22xi32, #tpu.memory_space<vmem>>[vector<16xi32>, vector<16xi32>], vector<16xi32>,
    %swap3A_558 = arith.constant 8 : i32
    %swap3A_559 = arith.index_cast %swap3A_558 : i32 to index
    %swap3A_560 = arith.constant 48 : index
    %swap3A_561 = tpu.vector_load %arg6[%swap3A_559, %swap3A_560] {strides = array<i32>} : memref<10x128xi32, #tpu.memory_space<vmem>>, vector<16xi32>,
    tpu.vector_store %arg6[%swap3A_559, %swap3A_560], %gather3A_557 {strides = array<i32>} : memref<10x128xi32, #tpu.memory_space<vmem>>, vector<16xi32>,
    %add3A_562 = arith.constant 64 : i32
    %add3A_563 = vector.broadcast %add3A_562 : i32 to vector<16xi32>
    %add3A_564 = arith.addi %iota3A, %add3A_563 : vector<16xi32>
    %gather3A_565 = tpu.vector_load_idx %arg5[%add3A_564, %broadcast_in_dim3A_529] : memref<128x22xi32, #tpu.memory_space<vmem>>[vector<16xi32>, vector<16xi32>], vector<16xi32>,
    %swap3A_566 = arith.constant 8 : i32
    %swap3A_567 = arith.index_cast %swap3A_566 : i32 to index
    %swap3A_568 = arith.constant 64 : index
    %swap3A_569 = tpu.vector_load %arg6[%swap3A_567, %swap3A_568] {strides = array<i32>} : memref<10x128xi32, #tpu.memory_space<vmem>>, vector<16xi32>,
    tpu.vector_store %arg6[%swap3A_567, %swap3A_568], %gather3A_565 {strides = array<i32>} : memref<10x128xi32, #tpu.memory_space<vmem>>, vector<16xi32>,
    %add3A_570 = arith.constant 80 : i32
    %add3A_571 = vector.broadcast %add3A_570 : i32 to vector<16xi32>
    %add3A_572 = arith.addi %iota3A, %add3A_571 : vector<16xi32>
    %gather3A_573 = tpu.vector_load_idx %arg5[%add3A_572, %broadcast_in_dim3A_529] : memref<128x22xi32, #tpu.memory_space<vmem>>[vector<16xi32>, vector<16xi32>], vector<16xi32>,
    %swap3A_574 = arith.constant 8 : i32
    %swap3A_575 = arith.index_cast %swap3A_574 : i32 to index
    %swap3A_576 = arith.constant 80 : index
    %swap3A_577 = tpu.vector_load %arg6[%swap3A_575, %swap3A_576] {strides = array<i32>} : memref<10x128xi32, #tpu.memory_space<vmem>>, vector<16xi32>,
    tpu.vector_store %arg6[%swap3A_575, %swap3A_576], %gather3A_573 {strides = array<i32>} : memref<10x128xi32, #tpu.memory_space<vmem>>, vector<16xi32>,
    %add3A_578 = arith.constant 96 : i32
    %add3A_579 = vector.broadcast %add3A_578 : i32 to vector<16xi32>
    %add3A_580 = arith.addi %iota3A, %add3A_579 : vector<16xi32>
    %gather3A_581 = tpu.vector_load_idx %arg5[%add3A_580, %broadcast_in_dim3A_529] : memref<128x22xi32, #tpu.memory_space<vmem>>[vector<16xi32>, vector<16xi32>], vector<16xi32>,
    %swap3A_582 = arith.constant 8 : i32
    %swap3A_583 = arith.index_cast %swap3A_582 : i32 to index
    %swap3A_584 = arith.constant 96 : index
    %swap3A_585 = tpu.vector_load %arg6[%swap3A_583, %swap3A_584] {strides = array<i32>} : memref<10x128xi32, #tpu.memory_space<vmem>>, vector<16xi32>,
    tpu.vector_store %arg6[%swap3A_583, %swap3A_584], %gather3A_581 {strides = array<i32>} : memref<10x128xi32, #tpu.memory_space<vmem>>, vector<16xi32>,
    %add3A_586 = arith.constant 112 : i32
    %add3A_587 = vector.broadcast %add3A_586 : i32 to vector<16xi32>
    %add3A_588 = arith.addi %iota3A, %add3A_587 : vector<16xi32>
    %gather3A_589 = tpu.vector_load_idx %arg5[%add3A_588, %broadcast_in_dim3A_529] : memref<128x22xi32, #tpu.memory_space<vmem>>[vector<16xi32>, vector<16xi32>], vector<16xi32>,
    %swap3A_590 = arith.constant 8 : i32
    %swap3A_591 = arith.index_cast %swap3A_590 : i32 to index
    %swap3A_592 = arith.constant 112 : index
    %swap3A_593 = tpu.vector_load %arg6[%swap3A_591, %swap3A_592] {strides = array<i32>} : memref<10x128xi32, #tpu.memory_space<vmem>>, vector<16xi32>,
    tpu.vector_store %arg6[%swap3A_591, %swap3A_592], %gather3A_589 {strides = array<i32>} : memref<10x128xi32, #tpu.memory_space<vmem>>, vector<16xi32>,
    %broadcast_in_dim3A_594 = arith.constant 9 : i32
    %broadcast_in_dim3A_595 = vector.broadcast %broadcast_in_dim3A_594 : i32 to vector<16xi32>
    %add3A_596 = arith.constant 0 : i32
    %add3A_597 = vector.broadcast %add3A_596 : i32 to vector<16xi32>
    %add3A_598 = arith.addi %iota3A, %add3A_597 : vector<16xi32>
    %gather3A_599 = tpu.vector_load_idx %arg5[%add3A_598, %broadcast_in_dim3A_595] : memref<128x22xi32, #tpu.memory_space<vmem>>[vector<16xi32>, vector<16xi32>], vector<16xi32>,
    %swap3A_600 = arith.constant 9 : i32
    %swap3A_601 = arith.index_cast %swap3A_600 : i32 to index
    %swap3A_602 = arith.constant 0 : index
    %swap3A_603 = tpu.vector_load %arg6[%swap3A_601, %swap3A_602] {strides = array<i32>} : memref<10x128xi32, #tpu.memory_space<vmem>>, vector<16xi32>,
    tpu.vector_store %arg6[%swap3A_601, %swap3A_602], %gather3A_599 {strides = array<i32>} : memref<10x128xi32, #tpu.memory_space<vmem>>, vector<16xi32>,
    %add3A_604 = arith.constant 16 : i32
    %add3A_605 = vector.broadcast %add3A_604 : i32 to vector<16xi32>
    %add3A_606 = arith.addi %iota3A, %add3A_605 : vector<16xi32>
    %gather3A_607 = tpu.vector_load_idx %arg5[%add3A_606, %broadcast_in_dim3A_595] : memref<128x22xi32, #tpu.memory_space<vmem>>[vector<16xi32>, vector<16xi32>], vector<16xi32>,
    %swap3A_608 = arith.constant 9 : i32
    %swap3A_609 = arith.index_cast %swap3A_608 : i32 to index
    %swap3A_610 = arith.constant 16 : index
    %swap3A_611 = tpu.vector_load %arg6[%swap3A_609, %swap3A_610] {strides = array<i32>} : memref<10x128xi32, #tpu.memory_space<vmem>>, vector<16xi32>,
    tpu.vector_store %arg6[%swap3A_609, %swap3A_610], %gather3A_607 {strides = array<i32>} : memref<10x128xi32, #tpu.memory_space<vmem>>, vector<16xi32>,
    %add3A_612 = arith.constant 32 : i32
    %add3A_613 = vector.broadcast %add3A_612 : i32 to vector<16xi32>
    %add3A_614 = arith.addi %iota3A, %add3A_613 : vector<16xi32>
    %gather3A_615 = tpu.vector_load_idx %arg5[%add3A_614, %broadcast_in_dim3A_595] : memref<128x22xi32, #tpu.memory_space<vmem>>[vector<16xi32>, vector<16xi32>], vector<16xi32>,
    %swap3A_616 = arith.constant 9 : i32
    %swap3A_617 = arith.index_cast %swap3A_616 : i32 to index
    %swap3A_618 = arith.constant 32 : index
    %swap3A_619 = tpu.vector_load %arg6[%swap3A_617, %swap3A_618] {strides = array<i32>} : memref<10x128xi32, #tpu.memory_space<vmem>>, vector<16xi32>,
    tpu.vector_store %arg6[%swap3A_617, %swap3A_618], %gather3A_615 {strides = array<i32>} : memref<10x128xi32, #tpu.memory_space<vmem>>, vector<16xi32>,
    %add3A_620 = arith.constant 48 : i32
    %add3A_621 = vector.broadcast %add3A_620 : i32 to vector<16xi32>
    %add3A_622 = arith.addi %iota3A, %add3A_621 : vector<16xi32>
    %gather3A_623 = tpu.vector_load_idx %arg5[%add3A_622, %broadcast_in_dim3A_595] : memref<128x22xi32, #tpu.memory_space<vmem>>[vector<16xi32>, vector<16xi32>], vector<16xi32>,
    %swap3A_624 = arith.constant 9 : i32
    %swap3A_625 = arith.index_cast %swap3A_624 : i32 to index
    %swap3A_626 = arith.constant 48 : index
    %swap3A_627 = tpu.vector_load %arg6[%swap3A_625, %swap3A_626] {strides = array<i32>} : memref<10x128xi32, #tpu.memory_space<vmem>>, vector<16xi32>,
    tpu.vector_store %arg6[%swap3A_625, %swap3A_626], %gather3A_623 {strides = array<i32>} : memref<10x128xi32, #tpu.memory_space<vmem>>, vector<16xi32>,
    %add3A_628 = arith.constant 64 : i32
    %add3A_629 = vector.broadcast %add3A_628 : i32 to vector<16xi32>
    %add3A_630 = arith.addi %iota3A, %add3A_629 : vector<16xi32>
    %gather3A_631 = tpu.vector_load_idx %arg5[%add3A_630, %broadcast_in_dim3A_595] : memref<128x22xi32, #tpu.memory_space<vmem>>[vector<16xi32>, vector<16xi32>], vector<16xi32>,
    %swap3A_632 = arith.constant 9 : i32
    %swap3A_633 = arith.index_cast %swap3A_632 : i32 to index
    %swap3A_634 = arith.constant 64 : index
    %swap3A_635 = tpu.vector_load %arg6[%swap3A_633, %swap3A_634] {strides = array<i32>} : memref<10x128xi32, #tpu.memory_space<vmem>>, vector<16xi32>,
    tpu.vector_store %arg6[%swap3A_633, %swap3A_634], %gather3A_631 {strides = array<i32>} : memref<10x128xi32, #tpu.memory_space<vmem>>, vector<16xi32>,
    %add3A_636 = arith.constant 80 : i32
    %add3A_637 = vector.broadcast %add3A_636 : i32 to vector<16xi32>
    %add3A_638 = arith.addi %iota3A, %add3A_637 : vector<16xi32>
    %gather3A_639 = tpu.vector_load_idx %arg5[%add3A_638, %broadcast_in_dim3A_595] : memref<128x22xi32, #tpu.memory_space<vmem>>[vector<16xi32>, vector<16xi32>], vector<16xi32>,
    %swap3A_640 = arith.constant 9 : i32
    %swap3A_641 = arith.index_cast %swap3A_640 : i32 to index
    %swap3A_642 = arith.constant 80 : index
    %swap3A_643 = tpu.vector_load %arg6[%swap3A_641, %swap3A_642] {strides = array<i32>} : memref<10x128xi32, #tpu.memory_space<vmem>>, vector<16xi32>,
    tpu.vector_store %arg6[%swap3A_641, %swap3A_642], %gather3A_639 {strides = array<i32>} : memref<10x128xi32, #tpu.memory_space<vmem>>, vector<16xi32>,
    %add3A_644 = arith.constant 96 : i32
    %add3A_645 = vector.broadcast %add3A_644 : i32 to vector<16xi32>
    %add3A_646 = arith.addi %iota3A, %add3A_645 : vector<16xi32>
    %gather3A_647 = tpu.vector_load_idx %arg5[%add3A_646, %broadcast_in_dim3A_595] : memref<128x22xi32, #tpu.memory_space<vmem>>[vector<16xi32>, vector<16xi32>], vector<16xi32>,
    %swap3A_648 = arith.constant 9 : i32
    %swap3A_649 = arith.index_cast %swap3A_648 : i32 to index
    %swap3A_650 = arith.constant 96 : index
    %swap3A_651 = tpu.vector_load %arg6[%swap3A_649, %swap3A_650] {strides = array<i32>} : memref<10x128xi32, #tpu.memory_space<vmem>>, vector<16xi32>,
    tpu.vector_store %arg6[%swap3A_649, %swap3A_650], %gather3A_647 {strides = array<i32>} : memref<10x128xi32, #tpu.memory_space<vmem>>, vector<16xi32>,
    %add3A_652 = arith.constant 112 : i32
    %add3A_653 = vector.broadcast %add3A_652 : i32 to vector<16xi32>
    %add3A_654 = arith.addi %iota3A, %add3A_653 : vector<16xi32>
    %gather3A_655 = tpu.vector_load_idx %arg5[%add3A_654, %broadcast_in_dim3A_595] : memref<128x22xi32, #tpu.memory_space<vmem>>[vector<16xi32>, vector<16xi32>], vector<16xi32>,
    %swap3A_656 = arith.constant 9 : i32
    %swap3A_657 = arith.index_cast %swap3A_656 : i32 to index
    %swap3A_658 = arith.constant 112 : index
    %swap3A_659 = tpu.vector_load %arg6[%swap3A_657, %swap3A_658] {strides = array<i32>} : memref<10x128xi32, #tpu.memory_space<vmem>>, vector<16xi32>,
    tpu.vector_store %arg6[%swap3A_657, %swap3A_658], %gather3A_655 {strides = array<i32>} : memref<10x128xi32, #tpu.memory_space<vmem>>, vector<16xi32>,
    %dma_start3A = arith.constant 0 : i32
    %dma_start3A_660 = arith.constant 0 : i32
    %dma_start3A_661 = tpu.memref_slice %arg6[%dma_start3A, %dma_start3A_660] : memref<10x128xi32, #tpu.memory_space<vmem>> -> memref<1x128xi32, #tpu.memory_space<vmem>>
    %dma_start3A_662 = tpu.memref_squeeze %dma_start3A_661 : memref<1x128xi32, #tpu.memory_space<vmem>> -> memref<128xi32, #tpu.memory_space<vmem>>
    %dma_start3A_663 = arith.constant 0 : i32
    %dma_start3A_664 = arith.constant 0 : i32
    %dma_start3A_665 = tpu.memref_slice %arg3[%dma_start3A_663, %dma_start3A_664] : memref<100001x64xf32, #tpu.memory_space<hbm>> -> memref<100001x64xf32, #tpu.memory_space<hbm>>
    tpu.enqueue_indirect_dma source(%dma_start3A_665 : memref<100001x64xf32, #tpu.memory_space<hbm>>) target(%arg7 : memref<128x64xf32, #tpu.memory_space<vmem>>) offsets(%dma_start3A_662 : memref<128xi32, #tpu.memory_space<vmem>>) semaphore(%arg12 : memref<!tpu.dma_semaphore, #tpu.memory_space<semaphore_mem>>)
    %dma_start3A_666 = arith.constant 1 : i32
    %dma_start3A_667 = arith.constant 0 : i32
    %dma_start3A_668 = tpu.memref_slice %arg6[%dma_start3A_666, %dma_start3A_667] : memref<10x128xi32, #tpu.memory_space<vmem>> -> memref<1x128xi32, #tpu.memory_space<vmem>>
    %dma_start3A_669 = tpu.memref_squeeze %dma_start3A_668 : memref<1x128xi32, #tpu.memory_space<vmem>> -> memref<128xi32, #tpu.memory_space<vmem>>
    %dma_start3A_670 = arith.constant 0 : i32
    %dma_start3A_671 = arith.constant 0 : i32
    %dma_start3A_672 = tpu.memref_slice %arg3[%dma_start3A_670, %dma_start3A_671] : memref<100001x64xf32, #tpu.memory_space<hbm>> -> memref<100001x64xf32, #tpu.memory_space<hbm>>
    tpu.enqueue_indirect_dma source(%dma_start3A_672 : memref<100001x64xf32, #tpu.memory_space<hbm>>) target(%arg8 : memref<128x64xf32, #tpu.memory_space<vmem>>) offsets(%dma_start3A_669 : memref<128xi32, #tpu.memory_space<vmem>>) semaphore(%arg13 : memref<!tpu.dma_semaphore, #tpu.memory_space<semaphore_mem>>)
    %dma_start3A_673 = arith.constant 2 : i32
    %dma_start3A_674 = arith.constant 0 : i32
    %dma_start3A_675 = tpu.memref_slice %arg6[%dma_start3A_673, %dma_start3A_674] : memref<10x128xi32, #tpu.memory_space<vmem>> -> memref<1x128xi32, #tpu.memory_space<vmem>>
    %dma_start3A_676 = tpu.memref_squeeze %dma_start3A_675 : memref<1x128xi32, #tpu.memory_space<vmem>> -> memref<128xi32, #tpu.memory_space<vmem>>
    %dma_start3A_677 = arith.constant 0 : i32
    %dma_start3A_678 = arith.constant 0 : i32
    %dma_start3A_679 = tpu.memref_slice %arg3[%dma_start3A_677, %dma_start3A_678] : memref<100001x64xf32, #tpu.memory_space<hbm>> -> memref<100001x64xf32, #tpu.memory_space<hbm>>
    tpu.enqueue_indirect_dma source(%dma_start3A_679 : memref<100001x64xf32, #tpu.memory_space<hbm>>) target(%arg9 : memref<128x64xf32, #tpu.memory_space<vmem>>) offsets(%dma_start3A_676 : memref<128xi32, #tpu.memory_space<vmem>>) semaphore(%arg14 : memref<!tpu.dma_semaphore, #tpu.memory_space<semaphore_mem>>)
    %dma_start3A_680 = arith.constant 3 : i32
    %dma_start3A_681 = arith.constant 0 : i32
    %dma_start3A_682 = tpu.memref_slice %arg6[%dma_start3A_680, %dma_start3A_681] : memref<10x128xi32, #tpu.memory_space<vmem>> -> memref<1x128xi32, #tpu.memory_space<vmem>>
    %dma_start3A_683 = tpu.memref_squeeze %dma_start3A_682 : memref<1x128xi32, #tpu.memory_space<vmem>> -> memref<128xi32, #tpu.memory_space<vmem>>
    %dma_start3A_684 = arith.constant 0 : i32
    %dma_start3A_685 = arith.constant 0 : i32
    %dma_start3A_686 = tpu.memref_slice %arg3[%dma_start3A_684, %dma_start3A_685] : memref<100001x64xf32, #tpu.memory_space<hbm>> -> memref<100001x64xf32, #tpu.memory_space<hbm>>
    tpu.enqueue_indirect_dma source(%dma_start3A_686 : memref<100001x64xf32, #tpu.memory_space<hbm>>) target(%arg10 : memref<128x64xf32, #tpu.memory_space<vmem>>) offsets(%dma_start3A_683 : memref<128xi32, #tpu.memory_space<vmem>>) semaphore(%arg15 : memref<!tpu.dma_semaphore, #tpu.memory_space<semaphore_mem>>)
    %dma_start3A_687 = arith.constant 4 : i32
    %dma_start3A_688 = arith.constant 0 : i32
    %dma_start3A_689 = tpu.memref_slice %arg6[%dma_start3A_687, %dma_start3A_688] : memref<10x128xi32, #tpu.memory_space<vmem>> -> memref<1x128xi32, #tpu.memory_space<vmem>>
    %dma_start3A_690 = tpu.memref_squeeze %dma_start3A_689 : memref<1x128xi32, #tpu.memory_space<vmem>> -> memref<128xi32, #tpu.memory_space<vmem>>
    %dma_start3A_691 = arith.constant 0 : i32
    %dma_start3A_692 = arith.constant 0 : i32
    %dma_start3A_693 = tpu.memref_slice %arg3[%dma_start3A_691, %dma_start3A_692] : memref<100001x64xf32, #tpu.memory_space<hbm>> -> memref<100001x64xf32, #tpu.memory_space<hbm>>
    tpu.enqueue_indirect_dma source(%dma_start3A_693 : memref<100001x64xf32, #tpu.memory_space<hbm>>) target(%arg11 : memref<128x64xf32, #tpu.memory_space<vmem>>) offsets(%dma_start3A_690 : memref<128xi32, #tpu.memory_space<vmem>>) semaphore(%arg16 : memref<!tpu.dma_semaphore, #tpu.memory_space<semaphore_mem>>)
    %dma_wait3A = arith.constant 0 : i32
    %dma_wait3A_694 = arith.constant 0 : i32
    %dma_wait3A_695 = tpu.memref_slice %arg6[%dma_wait3A, %dma_wait3A_694] : memref<10x128xi32, #tpu.memory_space<vmem>> -> memref<1x128xi32, #tpu.memory_space<vmem>>
    %dma_wait3A_696 = tpu.memref_squeeze %dma_wait3A_695 : memref<1x128xi32, #tpu.memory_space<vmem>> -> memref<128xi32, #tpu.memory_space<vmem>>
    %dma_wait3A_697 = arith.constant 0 : i32
    %dma_wait3A_698 = arith.constant 0 : i32
    %dma_wait3A_699 = tpu.memref_slice %arg3[%dma_wait3A_697, %dma_wait3A_698] : memref<100001x64xf32, #tpu.memory_space<hbm>> -> memref<100001x64xf32, #tpu.memory_space<hbm>>
    tpu.wait_indirect_dma semaphore(%arg12 : memref<!tpu.dma_semaphore, #tpu.memory_space<semaphore_mem>>) src(%dma_wait3A_699 : memref<100001x64xf32, #tpu.memory_space<hbm>>) dst(%arg7 : memref<128x64xf32, #tpu.memory_space<vmem>>)
    %dma_wait3A_700 = arith.constant 1 : i32
    %dma_wait3A_701 = arith.constant 0 : i32
    %dma_wait3A_702 = tpu.memref_slice %arg6[%dma_wait3A_700, %dma_wait3A_701] : memref<10x128xi32, #tpu.memory_space<vmem>> -> memref<1x128xi32, #tpu.memory_space<vmem>>
    %dma_wait3A_703 = tpu.memref_squeeze %dma_wait3A_702 : memref<1x128xi32, #tpu.memory_space<vmem>> -> memref<128xi32, #tpu.memory_space<vmem>>
    %dma_wait3A_704 = arith.constant 0 : i32
    %dma_wait3A_705 = arith.constant 0 : i32
    %dma_wait3A_706 = tpu.memref_slice %arg3[%dma_wait3A_704, %dma_wait3A_705] : memref<100001x64xf32, #tpu.memory_space<hbm>> -> memref<100001x64xf32, #tpu.memory_space<hbm>>
    tpu.wait_indirect_dma semaphore(%arg13 : memref<!tpu.dma_semaphore, #tpu.memory_space<semaphore_mem>>) src(%dma_wait3A_706 : memref<100001x64xf32, #tpu.memory_space<hbm>>) dst(%arg8 : memref<128x64xf32, #tpu.memory_space<vmem>>)
    %scan3A = arith.constant 0 : i32
    %scan3A_707 = arith.constant 0 : i32
    %scan3A_708 = arith.constant 128 : i32
    %scan3A_709 = arith.addi %scan3A_707, %scan3A_708 : i32
    %scan3A_710 = arith.constant 1 : i32
    %scan3A_711 = scf.for %scan3A_860 = %scan3A_707 to %scan3A_709 step %scan3A_710 iter_args(%scan3A_861 = %scan3A) -> (i32)  : i32 {
      %get3A = arith.index_cast %scan3A_860 : i32 to index
      %get3A_862 = arith.constant 0 : index
      %get3A_863 = tpu.vector_load %arg8[%get3A, %get3A_862] {strides = array<i32>} : memref<128x64xf32, #tpu.memory_space<vmem>>, vector<16xf32>,
      %swap3A_864 = arith.index_cast %scan3A_860 : i32 to index
      %swap3A_865 = arith.constant 0 : index
      %swap3A_866 = tpu.vector_load %arg7[%swap3A_864, %swap3A_865] {strides = array<i32>} : memref<128x64xf32, #tpu.memory_space<vmem>>, vector<16xf32>,
      tpu.vector_store %arg7[%swap3A_864, %swap3A_865], %get3A_863 {add = true, strides = array<i32>} : memref<128x64xf32, #tpu.memory_space<vmem>>, vector<16xf32>,
      %get3A_867 = arith.index_cast %scan3A_860 : i32 to index
      %get3A_868 = arith.constant 16 : index
      %get3A_869 = tpu.vector_load %arg8[%get3A_867, %get3A_868] {strides = array<i32>} : memref<128x64xf32, #tpu.memory_space<vmem>>, vector<16xf32>,
      %swap3A_870 = arith.index_cast %scan3A_860 : i32 to index
      %swap3A_871 = arith.constant 16 : index
      %swap3A_872 = tpu.vector_load %arg7[%swap3A_870, %swap3A_871] {strides = array<i32>} : memref<128x64xf32, #tpu.memory_space<vmem>>, vector<16xf32>,
      tpu.vector_store %arg7[%swap3A_870, %swap3A_871], %get3A_869 {add = true, strides = array<i32>} : memref<128x64xf32, #tpu.memory_space<vmem>>, vector<16xf32>,
      %get3A_873 = arith.index_cast %scan3A_860 : i32 to index
      %get3A_874 = arith.constant 32 : index
      %get3A_875 = tpu.vector_load %arg8[%get3A_873, %get3A_874] {strides = array<i32>} : memref<128x64xf32, #tpu.memory_space<vmem>>, vector<16xf32>,
      %swap3A_876 = arith.index_cast %scan3A_860 : i32 to index
      %swap3A_877 = arith.constant 32 : index
      %swap3A_878 = tpu.vector_load %arg7[%swap3A_876, %swap3A_877] {strides = array<i32>} : memref<128x64xf32, #tpu.memory_space<vmem>>, vector<16xf32>,
      tpu.vector_store %arg7[%swap3A_876, %swap3A_877], %get3A_875 {add = true, strides = array<i32>} : memref<128x64xf32, #tpu.memory_space<vmem>>, vector<16xf32>,
      %get3A_879 = arith.index_cast %scan3A_860 : i32 to index
      %get3A_880 = arith.constant 48 : index
      %get3A_881 = tpu.vector_load %arg8[%get3A_879, %get3A_880] {strides = array<i32>} : memref<128x64xf32, #tpu.memory_space<vmem>>, vector<16xf32>,
      %swap3A_882 = arith.index_cast %scan3A_860 : i32 to index
      %swap3A_883 = arith.constant 48 : index
      %swap3A_884 = tpu.vector_load %arg7[%swap3A_882, %swap3A_883] {strides = array<i32>} : memref<128x64xf32, #tpu.memory_space<vmem>>, vector<16xf32>,
      tpu.vector_store %arg7[%swap3A_882, %swap3A_883], %get3A_881 {add = true, strides = array<i32>} : memref<128x64xf32, #tpu.memory_space<vmem>>, vector<16xf32>,
      %scan3A_885 = arith.constant 0 : i32
      scf.yield %scan3A_885 : i32
    }
    %scan3A_712 = arith.constant 128 : i32
    %dma_start3A_713 = arith.constant 5 : i32
    %dma_start3A_714 = arith.constant 0 : i32
    %dma_start3A_715 = tpu.memref_slice %arg6[%dma_start3A_713, %dma_start3A_714] : memref<10x128xi32, #tpu.memory_space<vmem>> -> memref<1x128xi32, #tpu.memory_space<vmem>>
    %dma_start3A_716 = tpu.memref_squeeze %dma_start3A_715 : memref<1x128xi32, #tpu.memory_space<vmem>> -> memref<128xi32, #tpu.memory_space<vmem>>
    %dma_start3A_717 = arith.constant 0 : i32
    %dma_start3A_718 = arith.constant 0 : i32
    %dma_start3A_719 = tpu.memref_slice %arg3[%dma_start3A_717, %dma_start3A_718] : memref<100001x64xf32, #tpu.memory_space<hbm>> -> memref<100001x64xf32, #tpu.memory_space<hbm>>
    tpu.enqueue_indirect_dma source(%dma_start3A_719 : memref<100001x64xf32, #tpu.memory_space<hbm>>) target(%arg8 : memref<128x64xf32, #tpu.memory_space<vmem>>) offsets(%dma_start3A_716 : memref<128xi32, #tpu.memory_space<vmem>>) semaphore(%arg13 : memref<!tpu.dma_semaphore, #tpu.memory_space<semaphore_mem>>)
    %dma_wait3A_720 = arith.constant 2 : i32
    %dma_wait3A_721 = arith.constant 0 : i32
    %dma_wait3A_722 = tpu.memref_slice %arg6[%dma_wait3A_720, %dma_wait3A_721] : memref<10x128xi32, #tpu.memory_space<vmem>> -> memref<1x128xi32, #tpu.memory_space<vmem>>
    %dma_wait3A_723 = tpu.memref_squeeze %dma_wait3A_722 : memref<1x128xi32, #tpu.memory_space<vmem>> -> memref<128xi32, #tpu.memory_space<vmem>>
    %dma_wait3A_724 = arith.constant 0 : i32
    %dma_wait3A_725 = arith.constant 0 : i32
    %dma_wait3A_726 = tpu.memref_slice %arg3[%dma_wait3A_724, %dma_wait3A_725] : memref<100001x64xf32, #tpu.memory_space<hbm>> -> memref<100001x64xf32, #tpu.memory_space<hbm>>
    tpu.wait_indirect_dma semaphore(%arg14 : memref<!tpu.dma_semaphore, #tpu.memory_space<semaphore_mem>>) src(%dma_wait3A_726 : memref<100001x64xf32, #tpu.memory_space<hbm>>) dst(%arg9 : memref<128x64xf32, #tpu.memory_space<vmem>>)
    %scan3A_727 = arith.constant 0 : i32
    %scan3A_728 = arith.constant 0 : i32
    %scan3A_729 = arith.constant 128 : i32
    %scan3A_730 = arith.addi %scan3A_728, %scan3A_729 : i32
    %scan3A_731 = arith.constant 1 : i32
    %scan3A_732 = scf.for %scan3A_860 = %scan3A_728 to %scan3A_730 step %scan3A_731 iter_args(%scan3A_861 = %scan3A_727) -> (i32)  : i32 {
      %get3A = arith.index_cast %scan3A_860 : i32 to index
      %get3A_862 = arith.constant 0 : index
      %get3A_863 = tpu.vector_load %arg9[%get3A, %get3A_862] {strides = array<i32>} : memref<128x64xf32, #tpu.memory_space<vmem>>, vector<16xf32>,
      %swap3A_864 = arith.index_cast %scan3A_860 : i32 to index
      %swap3A_865 = arith.constant 0 : index
      %swap3A_866 = tpu.vector_load %arg7[%swap3A_864, %swap3A_865] {strides = array<i32>} : memref<128x64xf32, #tpu.memory_space<vmem>>, vector<16xf32>,
      tpu.vector_store %arg7[%swap3A_864, %swap3A_865], %get3A_863 {add = true, strides = array<i32>} : memref<128x64xf32, #tpu.memory_space<vmem>>, vector<16xf32>,
      %get3A_867 = arith.index_cast %scan3A_860 : i32 to index
      %get3A_868 = arith.constant 16 : index
      %get3A_869 = tpu.vector_load %arg9[%get3A_867, %get3A_868] {strides = array<i32>} : memref<128x64xf32, #tpu.memory_space<vmem>>, vector<16xf32>,
      %swap3A_870 = arith.index_cast %scan3A_860 : i32 to index
      %swap3A_871 = arith.constant 16 : index
      %swap3A_872 = tpu.vector_load %arg7[%swap3A_870, %swap3A_871] {strides = array<i32>} : memref<128x64xf32, #tpu.memory_space<vmem>>, vector<16xf32>,
      tpu.vector_store %arg7[%swap3A_870, %swap3A_871], %get3A_869 {add = true, strides = array<i32>} : memref<128x64xf32, #tpu.memory_space<vmem>>, vector<16xf32>,
      %get3A_873 = arith.index_cast %scan3A_860 : i32 to index
      %get3A_874 = arith.constant 32 : index
      %get3A_875 = tpu.vector_load %arg9[%get3A_873, %get3A_874] {strides = array<i32>} : memref<128x64xf32, #tpu.memory_space<vmem>>, vector<16xf32>,
      %swap3A_876 = arith.index_cast %scan3A_860 : i32 to index
      %swap3A_877 = arith.constant 32 : index
      %swap3A_878 = tpu.vector_load %arg7[%swap3A_876, %swap3A_877] {strides = array<i32>} : memref<128x64xf32, #tpu.memory_space<vmem>>, vector<16xf32>,
      tpu.vector_store %arg7[%swap3A_876, %swap3A_877], %get3A_875 {add = true, strides = array<i32>} : memref<128x64xf32, #tpu.memory_space<vmem>>, vector<16xf32>,
      %get3A_879 = arith.index_cast %scan3A_860 : i32 to index
      %get3A_880 = arith.constant 48 : index
      %get3A_881 = tpu.vector_load %arg9[%get3A_879, %get3A_880] {strides = array<i32>} : memref<128x64xf32, #tpu.memory_space<vmem>>, vector<16xf32>,
      %swap3A_882 = arith.index_cast %scan3A_860 : i32 to index
      %swap3A_883 = arith.constant 48 : index
      %swap3A_884 = tpu.vector_load %arg7[%swap3A_882, %swap3A_883] {strides = array<i32>} : memref<128x64xf32, #tpu.memory_space<vmem>>, vector<16xf32>,
      tpu.vector_store %arg7[%swap3A_882, %swap3A_883], %get3A_881 {add = true, strides = array<i32>} : memref<128x64xf32, #tpu.memory_space<vmem>>, vector<16xf32>,
      %scan3A_885 = arith.constant 0 : i32
      scf.yield %scan3A_885 : i32
    }
    %scan3A_733 = arith.constant 128 : i32
    %dma_start3A_734 = arith.constant 6 : i32
    %dma_start3A_735 = arith.constant 0 : i32
    %dma_start3A_736 = tpu.memref_slice %arg6[%dma_start3A_734, %dma_start3A_735] : memref<10x128xi32, #tpu.memory_space<vmem>> -> memref<1x128xi32, #tpu.memory_space<vmem>>
    %dma_start3A_737 = tpu.memref_squeeze %dma_start3A_736 : memref<1x128xi32, #tpu.memory_space<vmem>> -> memref<128xi32, #tpu.memory_space<vmem>>
    %dma_start3A_738 = arith.constant 0 : i32
    %dma_start3A_739 = arith.constant 0 : i32
    %dma_start3A_740 = tpu.memref_slice %arg3[%dma_start3A_738, %dma_start3A_739] : memref<100001x64xf32, #tpu.memory_space<hbm>> -> memref<100001x64xf32, #tpu.memory_space<hbm>>
    tpu.enqueue_indirect_dma source(%dma_start3A_740 : memref<100001x64xf32, #tpu.memory_space<hbm>>) target(%arg9 : memref<128x64xf32, #tpu.memory_space<vmem>>) offsets(%dma_start3A_737 : memref<128xi32, #tpu.memory_space<vmem>>) semaphore(%arg14 : memref<!tpu.dma_semaphore, #tpu.memory_space<semaphore_mem>>)
    %dma_wait3A_741 = arith.constant 3 : i32
    %dma_wait3A_742 = arith.constant 0 : i32
    %dma_wait3A_743 = tpu.memref_slice %arg6[%dma_wait3A_741, %dma_wait3A_742] : memref<10x128xi32, #tpu.memory_space<vmem>> -> memref<1x128xi32, #tpu.memory_space<vmem>>
    %dma_wait3A_744 = tpu.memref_squeeze %dma_wait3A_743 : memref<1x128xi32, #tpu.memory_space<vmem>> -> memref<128xi32, #tpu.memory_space<vmem>>
    %dma_wait3A_745 = arith.constant 0 : i32
    %dma_wait3A_746 = arith.constant 0 : i32
    %dma_wait3A_747 = tpu.memref_slice %arg3[%dma_wait3A_745, %dma_wait3A_746] : memref<100001x64xf32, #tpu.memory_space<hbm>> -> memref<100001x64xf32, #tpu.memory_space<hbm>>
    tpu.wait_indirect_dma semaphore(%arg15 : memref<!tpu.dma_semaphore, #tpu.memory_space<semaphore_mem>>) src(%dma_wait3A_747 : memref<100001x64xf32, #tpu.memory_space<hbm>>) dst(%arg10 : memref<128x64xf32, #tpu.memory_space<vmem>>)
    %scan3A_748 = arith.constant 0 : i32
    %scan3A_749 = arith.constant 0 : i32
    %scan3A_750 = arith.constant 128 : i32
    %scan3A_751 = arith.addi %scan3A_749, %scan3A_750 : i32
    %scan3A_752 = arith.constant 1 : i32
    %scan3A_753 = scf.for %scan3A_860 = %scan3A_749 to %scan3A_751 step %scan3A_752 iter_args(%scan3A_861 = %scan3A_748) -> (i32)  : i32 {
      %get3A = arith.index_cast %scan3A_860 : i32 to index
      %get3A_862 = arith.constant 0 : index
      %get3A_863 = tpu.vector_load %arg10[%get3A, %get3A_862] {strides = array<i32>} : memref<128x64xf32, #tpu.memory_space<vmem>>, vector<16xf32>,
      %swap3A_864 = arith.index_cast %scan3A_860 : i32 to index
      %swap3A_865 = arith.constant 0 : index
      %swap3A_866 = tpu.vector_load %arg7[%swap3A_864, %swap3A_865] {strides = array<i32>} : memref<128x64xf32, #tpu.memory_space<vmem>>, vector<16xf32>,
      tpu.vector_store %arg7[%swap3A_864, %swap3A_865], %get3A_863 {add = true, strides = array<i32>} : memref<128x64xf32, #tpu.memory_space<vmem>>, vector<16xf32>,
      %get3A_867 = arith.index_cast %scan3A_860 : i32 to index
      %get3A_868 = arith.constant 16 : index
      %get3A_869 = tpu.vector_load %arg10[%get3A_867, %get3A_868] {strides = array<i32>} : memref<128x64xf32, #tpu.memory_space<vmem>>, vector<16xf32>,
      %swap3A_870 = arith.index_cast %scan3A_860 : i32 to index
      %swap3A_871 = arith.constant 16 : index
      %swap3A_872 = tpu.vector_load %arg7[%swap3A_870, %swap3A_871] {strides = array<i32>} : memref<128x64xf32, #tpu.memory_space<vmem>>, vector<16xf32>,
      tpu.vector_store %arg7[%swap3A_870, %swap3A_871], %get3A_869 {add = true, strides = array<i32>} : memref<128x64xf32, #tpu.memory_space<vmem>>, vector<16xf32>,
      %get3A_873 = arith.index_cast %scan3A_860 : i32 to index
      %get3A_874 = arith.constant 32 : index
      %get3A_875 = tpu.vector_load %arg10[%get3A_873, %get3A_874] {strides = array<i32>} : memref<128x64xf32, #tpu.memory_space<vmem>>, vector<16xf32>,
      %swap3A_876 = arith.index_cast %scan3A_860 : i32 to index
      %swap3A_877 = arith.constant 32 : index
      %swap3A_878 = tpu.vector_load %arg7[%swap3A_876, %swap3A_877] {strides = array<i32>} : memref<128x64xf32, #tpu.memory_space<vmem>>, vector<16xf32>,
      tpu.vector_store %arg7[%swap3A_876, %swap3A_877], %get3A_875 {add = true, strides = array<i32>} : memref<128x64xf32, #tpu.memory_space<vmem>>, vector<16xf32>,
      %get3A_879 = arith.index_cast %scan3A_860 : i32 to index
      %get3A_880 = arith.constant 48 : index
      %get3A_881 = tpu.vector_load %arg10[%get3A_879, %get3A_880] {strides = array<i32>} : memref<128x64xf32, #tpu.memory_space<vmem>>, vector<16xf32>,
      %swap3A_882 = arith.index_cast %scan3A_860 : i32 to index
      %swap3A_883 = arith.constant 48 : index
      %swap3A_884 = tpu.vector_load %arg7[%swap3A_882, %swap3A_883] {strides = array<i32>} : memref<128x64xf32, #tpu.memory_space<vmem>>, vector<16xf32>,
      tpu.vector_store %arg7[%swap3A_882, %swap3A_883], %get3A_881 {add = true, strides = array<i32>} : memref<128x64xf32, #tpu.memory_space<vmem>>, vector<16xf32>,
      %scan3A_885 = arith.constant 0 : i32
      scf.yield %scan3A_885 : i32
    }
    %scan3A_754 = arith.constant 128 : i32
    %dma_start3A_755 = arith.constant 7 : i32
    %dma_start3A_756 = arith.constant 0 : i32
    %dma_start3A_757 = tpu.memref_slice %arg6[%dma_start3A_755, %dma_start3A_756] : memref<10x128xi32, #tpu.memory_space<vmem>> -> memref<1x128xi32, #tpu.memory_space<vmem>>
    %dma_start3A_758 = tpu.memref_squeeze %dma_start3A_757 : memref<1x128xi32, #tpu.memory_space<vmem>> -> memref<128xi32, #tpu.memory_space<vmem>>
    %dma_start3A_759 = arith.constant 0 : i32
    %dma_start3A_760 = arith.constant 0 : i32
    %dma_start3A_761 = tpu.memref_slice %arg3[%dma_start3A_759, %dma_start3A_760] : memref<100001x64xf32, #tpu.memory_space<hbm>> -> memref<100001x64xf32, #tpu.memory_space<hbm>>
    tpu.enqueue_indirect_dma source(%dma_start3A_761 : memref<100001x64xf32, #tpu.memory_space<hbm>>) target(%arg10 : memref<128x64xf32, #tpu.memory_space<vmem>>) offsets(%dma_start3A_758 : memref<128xi32, #tpu.memory_space<vmem>>) semaphore(%arg15 : memref<!tpu.dma_semaphore, #tpu.memory_space<semaphore_mem>>)
    %dma_wait3A_762 = arith.constant 4 : i32
    %dma_wait3A_763 = arith.constant 0 : i32
    %dma_wait3A_764 = tpu.memref_slice %arg6[%dma_wait3A_762, %dma_wait3A_763] : memref<10x128xi32, #tpu.memory_space<vmem>> -> memref<1x128xi32, #tpu.memory_space<vmem>>
    %dma_wait3A_765 = tpu.memref_squeeze %dma_wait3A_764 : memref<1x128xi32, #tpu.memory_space<vmem>> -> memref<128xi32, #tpu.memory_space<vmem>>
    %dma_wait3A_766 = arith.constant 0 : i32
    %dma_wait3A_767 = arith.constant 0 : i32
    %dma_wait3A_768 = tpu.memref_slice %arg3[%dma_wait3A_766, %dma_wait3A_767] : memref<100001x64xf32, #tpu.memory_space<hbm>> -> memref<100001x64xf32, #tpu.memory_space<hbm>>
    tpu.wait_indirect_dma semaphore(%arg16 : memref<!tpu.dma_semaphore, #tpu.memory_space<semaphore_mem>>) src(%dma_wait3A_768 : memref<100001x64xf32, #tpu.memory_space<hbm>>) dst(%arg11 : memref<128x64xf32, #tpu.memory_space<vmem>>)
    %scan3A_769 = arith.constant 0 : i32
    %scan3A_770 = arith.constant 0 : i32
    %scan3A_771 = arith.constant 128 : i32
    %scan3A_772 = arith.addi %scan3A_770, %scan3A_771 : i32
    %scan3A_773 = arith.constant 1 : i32
    %scan3A_774 = scf.for %scan3A_860 = %scan3A_770 to %scan3A_772 step %scan3A_773 iter_args(%scan3A_861 = %scan3A_769) -> (i32)  : i32 {
      %get3A = arith.index_cast %scan3A_860 : i32 to index
      %get3A_862 = arith.constant 0 : index
      %get3A_863 = tpu.vector_load %arg11[%get3A, %get3A_862] {strides = array<i32>} : memref<128x64xf32, #tpu.memory_space<vmem>>, vector<16xf32>,
      %swap3A_864 = arith.index_cast %scan3A_860 : i32 to index
      %swap3A_865 = arith.constant 0 : index
      %swap3A_866 = tpu.vector_load %arg7[%swap3A_864, %swap3A_865] {strides = array<i32>} : memref<128x64xf32, #tpu.memory_space<vmem>>, vector<16xf32>,
      tpu.vector_store %arg7[%swap3A_864, %swap3A_865], %get3A_863 {add = true, strides = array<i32>} : memref<128x64xf32, #tpu.memory_space<vmem>>, vector<16xf32>,
      %get3A_867 = arith.index_cast %scan3A_860 : i32 to index
      %get3A_868 = arith.constant 16 : index
      %get3A_869 = tpu.vector_load %arg11[%get3A_867, %get3A_868] {strides = array<i32>} : memref<128x64xf32, #tpu.memory_space<vmem>>, vector<16xf32>,
      %swap3A_870 = arith.index_cast %scan3A_860 : i32 to index
      %swap3A_871 = arith.constant 16 : index
      %swap3A_872 = tpu.vector_load %arg7[%swap3A_870, %swap3A_871] {strides = array<i32>} : memref<128x64xf32, #tpu.memory_space<vmem>>, vector<16xf32>,
      tpu.vector_store %arg7[%swap3A_870, %swap3A_871], %get3A_869 {add = true, strides = array<i32>} : memref<128x64xf32, #tpu.memory_space<vmem>>, vector<16xf32>,
      %get3A_873 = arith.index_cast %scan3A_860 : i32 to index
      %get3A_874 = arith.constant 32 : index
      %get3A_875 = tpu.vector_load %arg11[%get3A_873, %get3A_874] {strides = array<i32>} : memref<128x64xf32, #tpu.memory_space<vmem>>, vector<16xf32>,
      %swap3A_876 = arith.index_cast %scan3A_860 : i32 to index
      %swap3A_877 = arith.constant 32 : index
      %swap3A_878 = tpu.vector_load %arg7[%swap3A_876, %swap3A_877] {strides = array<i32>} : memref<128x64xf32, #tpu.memory_space<vmem>>, vector<16xf32>,
      tpu.vector_store %arg7[%swap3A_876, %swap3A_877], %get3A_875 {add = true, strides = array<i32>} : memref<128x64xf32, #tpu.memory_space<vmem>>, vector<16xf32>,
      %get3A_879 = arith.index_cast %scan3A_860 : i32 to index
      %get3A_880 = arith.constant 48 : index
      %get3A_881 = tpu.vector_load %arg11[%get3A_879, %get3A_880] {strides = array<i32>} : memref<128x64xf32, #tpu.memory_space<vmem>>, vector<16xf32>,
      %swap3A_882 = arith.index_cast %scan3A_860 : i32 to index
      %swap3A_883 = arith.constant 48 : index
      %swap3A_884 = tpu.vector_load %arg7[%swap3A_882, %swap3A_883] {strides = array<i32>} : memref<128x64xf32, #tpu.memory_space<vmem>>, vector<16xf32>,
      tpu.vector_store %arg7[%swap3A_882, %swap3A_883], %get3A_881 {add = true, strides = array<i32>} : memref<128x64xf32, #tpu.memory_space<vmem>>, vector<16xf32>,
      %scan3A_885 = arith.constant 0 : i32
      scf.yield %scan3A_885 : i32
    }
    %scan3A_775 = arith.constant 128 : i32
    %dma_start3A_776 = arith.constant 8 : i32
    %dma_start3A_777 = arith.constant 0 : i32
    %dma_start3A_778 = tpu.memref_slice %arg6[%dma_start3A_776, %dma_start3A_777] : memref<10x128xi32, #tpu.memory_space<vmem>> -> memref<1x128xi32, #tpu.memory_space<vmem>>
    %dma_start3A_779 = tpu.memref_squeeze %dma_start3A_778 : memref<1x128xi32, #tpu.memory_space<vmem>> -> memref<128xi32, #tpu.memory_space<vmem>>
    %dma_start3A_780 = arith.constant 0 : i32
    %dma_start3A_781 = arith.constant 0 : i32
    %dma_start3A_782 = tpu.memref_slice %arg3[%dma_start3A_780, %dma_start3A_781] : memref<100001x64xf32, #tpu.memory_space<hbm>> -> memref<100001x64xf32, #tpu.memory_space<hbm>>
    tpu.enqueue_indirect_dma source(%dma_start3A_782 : memref<100001x64xf32, #tpu.memory_space<hbm>>) target(%arg11 : memref<128x64xf32, #tpu.memory_space<vmem>>) offsets(%dma_start3A_779 : memref<128xi32, #tpu.memory_space<vmem>>) semaphore(%arg16 : memref<!tpu.dma_semaphore, #tpu.memory_space<semaphore_mem>>)
    %dma_wait3A_783 = arith.constant 5 : i32
    %dma_wait3A_784 = arith.constant 0 : i32
    %dma_wait3A_785 = tpu.memref_slice %arg6[%dma_wait3A_783, %dma_wait3A_784] : memref<10x128xi32, #tpu.memory_space<vmem>> -> memref<1x128xi32, #tpu.memory_space<vmem>>
    %dma_wait3A_786 = tpu.memref_squeeze %dma_wait3A_785 : memref<1x128xi32, #tpu.memory_space<vmem>> -> memref<128xi32, #tpu.memory_space<vmem>>
    %dma_wait3A_787 = arith.constant 0 : i32
    %dma_wait3A_788 = arith.constant 0 : i32
    %dma_wait3A_789 = tpu.memref_slice %arg3[%dma_wait3A_787, %dma_wait3A_788] : memref<100001x64xf32, #tpu.memory_space<hbm>> -> memref<100001x64xf32, #tpu.memory_space<hbm>>
    tpu.wait_indirect_dma semaphore(%arg13 : memref<!tpu.dma_semaphore, #tpu.memory_space<semaphore_mem>>) src(%dma_wait3A_789 : memref<100001x64xf32, #tpu.memory_space<hbm>>) dst(%arg8 : memref<128x64xf32, #tpu.memory_space<vmem>>)
    %scan3A_790 = arith.constant 0 : i32
    %scan3A_791 = arith.constant 0 : i32
    %scan3A_792 = arith.constant 128 : i32
    %scan3A_793 = arith.addi %scan3A_791, %scan3A_792 : i32
    %scan3A_794 = arith.constant 1 : i32
    %scan3A_795 = scf.for %scan3A_860 = %scan3A_791 to %scan3A_793 step %scan3A_794 iter_args(%scan3A_861 = %scan3A_790) -> (i32)  : i32 {
      %get3A = arith.index_cast %scan3A_860 : i32 to index
      %get3A_862 = arith.constant 0 : index
      %get3A_863 = tpu.vector_load %arg8[%get3A, %get3A_862] {strides = array<i32>} : memref<128x64xf32, #tpu.memory_space<vmem>>, vector<16xf32>,
      %swap3A_864 = arith.index_cast %scan3A_860 : i32 to index
      %swap3A_865 = arith.constant 0 : index
      %swap3A_866 = tpu.vector_load %arg7[%swap3A_864, %swap3A_865] {strides = array<i32>} : memref<128x64xf32, #tpu.memory_space<vmem>>, vector<16xf32>,
      tpu.vector_store %arg7[%swap3A_864, %swap3A_865], %get3A_863 {add = true, strides = array<i32>} : memref<128x64xf32, #tpu.memory_space<vmem>>, vector<16xf32>,
      %get3A_867 = arith.index_cast %scan3A_860 : i32 to index
      %get3A_868 = arith.constant 16 : index
      %get3A_869 = tpu.vector_load %arg8[%get3A_867, %get3A_868] {strides = array<i32>} : memref<128x64xf32, #tpu.memory_space<vmem>>, vector<16xf32>,
      %swap3A_870 = arith.index_cast %scan3A_860 : i32 to index
      %swap3A_871 = arith.constant 16 : index
      %swap3A_872 = tpu.vector_load %arg7[%swap3A_870, %swap3A_871] {strides = array<i32>} : memref<128x64xf32, #tpu.memory_space<vmem>>, vector<16xf32>,
      tpu.vector_store %arg7[%swap3A_870, %swap3A_871], %get3A_869 {add = true, strides = array<i32>} : memref<128x64xf32, #tpu.memory_space<vmem>>, vector<16xf32>,
      %get3A_873 = arith.index_cast %scan3A_860 : i32 to index
      %get3A_874 = arith.constant 32 : index
      %get3A_875 = tpu.vector_load %arg8[%get3A_873, %get3A_874] {strides = array<i32>} : memref<128x64xf32, #tpu.memory_space<vmem>>, vector<16xf32>,
      %swap3A_876 = arith.index_cast %scan3A_860 : i32 to index
      %swap3A_877 = arith.constant 32 : index
      %swap3A_878 = tpu.vector_load %arg7[%swap3A_876, %swap3A_877] {strides = array<i32>} : memref<128x64xf32, #tpu.memory_space<vmem>>, vector<16xf32>,
      tpu.vector_store %arg7[%swap3A_876, %swap3A_877], %get3A_875 {add = true, strides = array<i32>} : memref<128x64xf32, #tpu.memory_space<vmem>>, vector<16xf32>,
      %get3A_879 = arith.index_cast %scan3A_860 : i32 to index
      %get3A_880 = arith.constant 48 : index
      %get3A_881 = tpu.vector_load %arg8[%get3A_879, %get3A_880] {strides = array<i32>} : memref<128x64xf32, #tpu.memory_space<vmem>>, vector<16xf32>,
      %swap3A_882 = arith.index_cast %scan3A_860 : i32 to index
      %swap3A_883 = arith.constant 48 : index
      %swap3A_884 = tpu.vector_load %arg7[%swap3A_882, %swap3A_883] {strides = array<i32>} : memref<128x64xf32, #tpu.memory_space<vmem>>, vector<16xf32>,
      tpu.vector_store %arg7[%swap3A_882, %swap3A_883], %get3A_881 {add = true, strides = array<i32>} : memref<128x64xf32, #tpu.memory_space<vmem>>, vector<16xf32>,
      %scan3A_885 = arith.constant 0 : i32
      scf.yield %scan3A_885 : i32
    }
    %scan3A_796 = arith.constant 128 : i32
    %dma_start3A_797 = arith.constant 9 : i32
    %dma_start3A_798 = arith.constant 0 : i32
    %dma_start3A_799 = tpu.memref_slice %arg6[%dma_start3A_797, %dma_start3A_798] : memref<10x128xi32, #tpu.memory_space<vmem>> -> memref<1x128xi32, #tpu.memory_space<vmem>>
    %dma_start3A_800 = tpu.memref_squeeze %dma_start3A_799 : memref<1x128xi32, #tpu.memory_space<vmem>> -> memref<128xi32, #tpu.memory_space<vmem>>
    %dma_start3A_801 = arith.constant 0 : i32
    %dma_start3A_802 = arith.constant 0 : i32
    %dma_start3A_803 = tpu.memref_slice %arg3[%dma_start3A_801, %dma_start3A_802] : memref<100001x64xf32, #tpu.memory_space<hbm>> -> memref<100001x64xf32, #tpu.memory_space<hbm>>
    tpu.enqueue_indirect_dma source(%dma_start3A_803 : memref<100001x64xf32, #tpu.memory_space<hbm>>) target(%arg8 : memref<128x64xf32, #tpu.memory_space<vmem>>) offsets(%dma_start3A_800 : memref<128xi32, #tpu.memory_space<vmem>>) semaphore(%arg13 : memref<!tpu.dma_semaphore, #tpu.memory_space<semaphore_mem>>)
    %dma_wait3A_804 = arith.constant 6 : i32
    %dma_wait3A_805 = arith.constant 0 : i32
    %dma_wait3A_806 = tpu.memref_slice %arg6[%dma_wait3A_804, %dma_wait3A_805] : memref<10x128xi32, #tpu.memory_space<vmem>> -> memref<1x128xi32, #tpu.memory_space<vmem>>
    %dma_wait3A_807 = tpu.memref_squeeze %dma_wait3A_806 : memref<1x128xi32, #tpu.memory_space<vmem>> -> memref<128xi32, #tpu.memory_space<vmem>>
    %dma_wait3A_808 = arith.constant 0 : i32
    %dma_wait3A_809 = arith.constant 0 : i32
    %dma_wait3A_810 = tpu.memref_slice %arg3[%dma_wait3A_808, %dma_wait3A_809] : memref<100001x64xf32, #tpu.memory_space<hbm>> -> memref<100001x64xf32, #tpu.memory_space<hbm>>
    tpu.wait_indirect_dma semaphore(%arg14 : memref<!tpu.dma_semaphore, #tpu.memory_space<semaphore_mem>>) src(%dma_wait3A_810 : memref<100001x64xf32, #tpu.memory_space<hbm>>) dst(%arg9 : memref<128x64xf32, #tpu.memory_space<vmem>>)
    %scan3A_811 = arith.constant 0 : i32
    %scan3A_812 = arith.constant 0 : i32
    %scan3A_813 = arith.constant 128 : i32
    %scan3A_814 = arith.addi %scan3A_812, %scan3A_813 : i32
    %scan3A_815 = arith.constant 1 : i32
    %scan3A_816 = scf.for %scan3A_860 = %scan3A_812 to %scan3A_814 step %scan3A_815 iter_args(%scan3A_861 = %scan3A_811) -> (i32)  : i32 {
      %get3A = arith.index_cast %scan3A_860 : i32 to index
      %get3A_862 = arith.constant 0 : index
      %get3A_863 = tpu.vector_load %arg9[%get3A, %get3A_862] {strides = array<i32>} : memref<128x64xf32, #tpu.memory_space<vmem>>, vector<16xf32>,
      %swap3A_864 = arith.index_cast %scan3A_860 : i32 to index
      %swap3A_865 = arith.constant 0 : index
      %swap3A_866 = tpu.vector_load %arg7[%swap3A_864, %swap3A_865] {strides = array<i32>} : memref<128x64xf32, #tpu.memory_space<vmem>>, vector<16xf32>,
      tpu.vector_store %arg7[%swap3A_864, %swap3A_865], %get3A_863 {add = true, strides = array<i32>} : memref<128x64xf32, #tpu.memory_space<vmem>>, vector<16xf32>,
      %get3A_867 = arith.index_cast %scan3A_860 : i32 to index
      %get3A_868 = arith.constant 16 : index
      %get3A_869 = tpu.vector_load %arg9[%get3A_867, %get3A_868] {strides = array<i32>} : memref<128x64xf32, #tpu.memory_space<vmem>>, vector<16xf32>,
      %swap3A_870 = arith.index_cast %scan3A_860 : i32 to index
      %swap3A_871 = arith.constant 16 : index
      %swap3A_872 = tpu.vector_load %arg7[%swap3A_870, %swap3A_871] {strides = array<i32>} : memref<128x64xf32, #tpu.memory_space<vmem>>, vector<16xf32>,
      tpu.vector_store %arg7[%swap3A_870, %swap3A_871], %get3A_869 {add = true, strides = array<i32>} : memref<128x64xf32, #tpu.memory_space<vmem>>, vector<16xf32>,
      %get3A_873 = arith.index_cast %scan3A_860 : i32 to index
      %get3A_874 = arith.constant 32 : index
      %get3A_875 = tpu.vector_load %arg9[%get3A_873, %get3A_874] {strides = array<i32>} : memref<128x64xf32, #tpu.memory_space<vmem>>, vector<16xf32>,
      %swap3A_876 = arith.index_cast %scan3A_860 : i32 to index
      %swap3A_877 = arith.constant 32 : index
      %swap3A_878 = tpu.vector_load %arg7[%swap3A_876, %swap3A_877] {strides = array<i32>} : memref<128x64xf32, #tpu.memory_space<vmem>>, vector<16xf32>,
      tpu.vector_store %arg7[%swap3A_876, %swap3A_877], %get3A_875 {add = true, strides = array<i32>} : memref<128x64xf32, #tpu.memory_space<vmem>>, vector<16xf32>,
      %get3A_879 = arith.index_cast %scan3A_860 : i32 to index
      %get3A_880 = arith.constant 48 : index
      %get3A_881 = tpu.vector_load %arg9[%get3A_879, %get3A_880] {strides = array<i32>} : memref<128x64xf32, #tpu.memory_space<vmem>>, vector<16xf32>,
      %swap3A_882 = arith.index_cast %scan3A_860 : i32 to index
      %swap3A_883 = arith.constant 48 : index
      %swap3A_884 = tpu.vector_load %arg7[%swap3A_882, %swap3A_883] {strides = array<i32>} : memref<128x64xf32, #tpu.memory_space<vmem>>, vector<16xf32>,
      tpu.vector_store %arg7[%swap3A_882, %swap3A_883], %get3A_881 {add = true, strides = array<i32>} : memref<128x64xf32, #tpu.memory_space<vmem>>, vector<16xf32>,
      %scan3A_885 = arith.constant 0 : i32
      scf.yield %scan3A_885 : i32
    }
    %scan3A_817 = arith.constant 128 : i32
    %dma_wait3A_818 = arith.constant 7 : i32
    %dma_wait3A_819 = arith.constant 0 : i32
    %dma_wait3A_820 = tpu.memref_slice %arg6[%dma_wait3A_818, %dma_wait3A_819] : memref<10x128xi32, #tpu.memory_space<vmem>> -> memref<1x128xi32, #tpu.memory_space<vmem>>
    %dma_wait3A_821 = tpu.memref_squeeze %dma_wait3A_820 : memref<1x128xi32, #tpu.memory_space<vmem>> -> memref<128xi32, #tpu.memory_space<vmem>>
    %dma_wait3A_822 = arith.constant 0 : i32
    %dma_wait3A_823 = arith.constant 0 : i32
    %dma_wait3A_824 = tpu.memref_slice %arg3[%dma_wait3A_822, %dma_wait3A_823] : memref<100001x64xf32, #tpu.memory_space<hbm>> -> memref<100001x64xf32, #tpu.memory_space<hbm>>
    tpu.wait_indirect_dma semaphore(%arg15 : memref<!tpu.dma_semaphore, #tpu.memory_space<semaphore_mem>>) src(%dma_wait3A_824 : memref<100001x64xf32, #tpu.memory_space<hbm>>) dst(%arg10 : memref<128x64xf32, #tpu.memory_space<vmem>>)
    %scan3A_825 = arith.constant 0 : i32
    %scan3A_826 = arith.constant 0 : i32
    %scan3A_827 = arith.constant 128 : i32
    %scan3A_828 = arith.addi %scan3A_826, %scan3A_827 : i32
    %scan3A_829 = arith.constant 1 : i32
    %scan3A_830 = scf.for %scan3A_860 = %scan3A_826 to %scan3A_828 step %scan3A_829 iter_args(%scan3A_861 = %scan3A_825) -> (i32)  : i32 {
      %get3A = arith.index_cast %scan3A_860 : i32 to index
      %get3A_862 = arith.constant 0 : index
      %get3A_863 = tpu.vector_load %arg10[%get3A, %get3A_862] {strides = array<i32>} : memref<128x64xf32, #tpu.memory_space<vmem>>, vector<16xf32>,
      %swap3A_864 = arith.index_cast %scan3A_860 : i32 to index
      %swap3A_865 = arith.constant 0 : index
      %swap3A_866 = tpu.vector_load %arg7[%swap3A_864, %swap3A_865] {strides = array<i32>} : memref<128x64xf32, #tpu.memory_space<vmem>>, vector<16xf32>,
      tpu.vector_store %arg7[%swap3A_864, %swap3A_865], %get3A_863 {add = true, strides = array<i32>} : memref<128x64xf32, #tpu.memory_space<vmem>>, vector<16xf32>,
      %get3A_867 = arith.index_cast %scan3A_860 : i32 to index
      %get3A_868 = arith.constant 16 : index
      %get3A_869 = tpu.vector_load %arg10[%get3A_867, %get3A_868] {strides = array<i32>} : memref<128x64xf32, #tpu.memory_space<vmem>>, vector<16xf32>,
      %swap3A_870 = arith.index_cast %scan3A_860 : i32 to index
      %swap3A_871 = arith.constant 16 : index
      %swap3A_872 = tpu.vector_load %arg7[%swap3A_870, %swap3A_871] {strides = array<i32>} : memref<128x64xf32, #tpu.memory_space<vmem>>, vector<16xf32>,
      tpu.vector_store %arg7[%swap3A_870, %swap3A_871], %get3A_869 {add = true, strides = array<i32>} : memref<128x64xf32, #tpu.memory_space<vmem>>, vector<16xf32>,
      %get3A_873 = arith.index_cast %scan3A_860 : i32 to index
      %get3A_874 = arith.constant 32 : index
      %get3A_875 = tpu.vector_load %arg10[%get3A_873, %get3A_874] {strides = array<i32>} : memref<128x64xf32, #tpu.memory_space<vmem>>, vector<16xf32>,
      %swap3A_876 = arith.index_cast %scan3A_860 : i32 to index
      %swap3A_877 = arith.constant 32 : index
      %swap3A_878 = tpu.vector_load %arg7[%swap3A_876, %swap3A_877] {strides = array<i32>} : memref<128x64xf32, #tpu.memory_space<vmem>>, vector<16xf32>,
      tpu.vector_store %arg7[%swap3A_876, %swap3A_877], %get3A_875 {add = true, strides = array<i32>} : memref<128x64xf32, #tpu.memory_space<vmem>>, vector<16xf32>,
      %get3A_879 = arith.index_cast %scan3A_860 : i32 to index
      %get3A_880 = arith.constant 48 : index
      %get3A_881 = tpu.vector_load %arg10[%get3A_879, %get3A_880] {strides = array<i32>} : memref<128x64xf32, #tpu.memory_space<vmem>>, vector<16xf32>,
      %swap3A_882 = arith.index_cast %scan3A_860 : i32 to index
      %swap3A_883 = arith.constant 48 : index
      %swap3A_884 = tpu.vector_load %arg7[%swap3A_882, %swap3A_883] {strides = array<i32>} : memref<128x64xf32, #tpu.memory_space<vmem>>, vector<16xf32>,
      tpu.vector_store %arg7[%swap3A_882, %swap3A_883], %get3A_881 {add = true, strides = array<i32>} : memref<128x64xf32, #tpu.memory_space<vmem>>, vector<16xf32>,
      %scan3A_885 = arith.constant 0 : i32
      scf.yield %scan3A_885 : i32
    }
    %scan3A_831 = arith.constant 128 : i32
    %dma_wait3A_832 = arith.constant 8 : i32
    %dma_wait3A_833 = arith.constant 0 : i32
    %dma_wait3A_834 = tpu.memref_slice %arg6[%dma_wait3A_832, %dma_wait3A_833] : memref<10x128xi32, #tpu.memory_space<vmem>> -> memref<1x128xi32, #tpu.memory_space<vmem>>
    %dma_wait3A_835 = tpu.memref_squeeze %dma_wait3A_834 : memref<1x128xi32, #tpu.memory_space<vmem>> -> memref<128xi32, #tpu.memory_space<vmem>>
    %dma_wait3A_836 = arith.constant 0 : i32
    %dma_wait3A_837 = arith.constant 0 : i32
    %dma_wait3A_838 = tpu.memref_slice %arg3[%dma_wait3A_836, %dma_wait3A_837] : memref<100001x64xf32, #tpu.memory_space<hbm>> -> memref<100001x64xf32, #tpu.memory_space<hbm>>
    tpu.wait_indirect_dma semaphore(%arg16 : memref<!tpu.dma_semaphore, #tpu.memory_space<semaphore_mem>>) src(%dma_wait3A_838 : memref<100001x64xf32, #tpu.memory_space<hbm>>) dst(%arg11 : memref<128x64xf32, #tpu.memory_space<vmem>>)
    %scan3A_839 = arith.constant 0 : i32
    %scan3A_840 = arith.constant 0 : i32
    %scan3A_841 = arith.constant 128 : i32
    %scan3A_842 = arith.addi %scan3A_840, %scan3A_841 : i32
    %scan3A_843 = arith.constant 1 : i32
    %scan3A_844 = scf.for %scan3A_860 = %scan3A_840 to %scan3A_842 step %scan3A_843 iter_args(%scan3A_861 = %scan3A_839) -> (i32)  : i32 {
      %get3A = arith.index_cast %scan3A_860 : i32 to index
      %get3A_862 = arith.constant 0 : index
      %get3A_863 = tpu.vector_load %arg11[%get3A, %get3A_862] {strides = array<i32>} : memref<128x64xf32, #tpu.memory_space<vmem>>, vector<16xf32>,
      %swap3A_864 = arith.index_cast %scan3A_860 : i32 to index
      %swap3A_865 = arith.constant 0 : index
      %swap3A_866 = tpu.vector_load %arg7[%swap3A_864, %swap3A_865] {strides = array<i32>} : memref<128x64xf32, #tpu.memory_space<vmem>>, vector<16xf32>,
      tpu.vector_store %arg7[%swap3A_864, %swap3A_865], %get3A_863 {add = true, strides = array<i32>} : memref<128x64xf32, #tpu.memory_space<vmem>>, vector<16xf32>,
      %get3A_867 = arith.index_cast %scan3A_860 : i32 to index
      %get3A_868 = arith.constant 16 : index
      %get3A_869 = tpu.vector_load %arg11[%get3A_867, %get3A_868] {strides = array<i32>} : memref<128x64xf32, #tpu.memory_space<vmem>>, vector<16xf32>,
      %swap3A_870 = arith.index_cast %scan3A_860 : i32 to index
      %swap3A_871 = arith.constant 16 : index
      %swap3A_872 = tpu.vector_load %arg7[%swap3A_870, %swap3A_871] {strides = array<i32>} : memref<128x64xf32, #tpu.memory_space<vmem>>, vector<16xf32>,
      tpu.vector_store %arg7[%swap3A_870, %swap3A_871], %get3A_869 {add = true, strides = array<i32>} : memref<128x64xf32, #tpu.memory_space<vmem>>, vector<16xf32>,
      %get3A_873 = arith.index_cast %scan3A_860 : i32 to index
      %get3A_874 = arith.constant 32 : index
      %get3A_875 = tpu.vector_load %arg11[%get3A_873, %get3A_874] {strides = array<i32>} : memref<128x64xf32, #tpu.memory_space<vmem>>, vector<16xf32>,
      %swap3A_876 = arith.index_cast %scan3A_860 : i32 to index
      %swap3A_877 = arith.constant 32 : index
      %swap3A_878 = tpu.vector_load %arg7[%swap3A_876, %swap3A_877] {strides = array<i32>} : memref<128x64xf32, #tpu.memory_space<vmem>>, vector<16xf32>,
      tpu.vector_store %arg7[%swap3A_876, %swap3A_877], %get3A_875 {add = true, strides = array<i32>} : memref<128x64xf32, #tpu.memory_space<vmem>>, vector<16xf32>,
      %get3A_879 = arith.index_cast %scan3A_860 : i32 to index
      %get3A_880 = arith.constant 48 : index
      %get3A_881 = tpu.vector_load %arg11[%get3A_879, %get3A_880] {strides = array<i32>} : memref<128x64xf32, #tpu.memory_space<vmem>>, vector<16xf32>,
      %swap3A_882 = arith.index_cast %scan3A_860 : i32 to index
      %swap3A_883 = arith.constant 48 : index
      %swap3A_884 = tpu.vector_load %arg7[%swap3A_882, %swap3A_883] {strides = array<i32>} : memref<128x64xf32, #tpu.memory_space<vmem>>, vector<16xf32>,
      tpu.vector_store %arg7[%swap3A_882, %swap3A_883], %get3A_881 {add = true, strides = array<i32>} : memref<128x64xf32, #tpu.memory_space<vmem>>, vector<16xf32>,
      %scan3A_885 = arith.constant 0 : i32
      scf.yield %scan3A_885 : i32
    }
    %scan3A_845 = arith.constant 128 : i32
    %dma_wait3A_846 = arith.constant 9 : i32
    %dma_wait3A_847 = arith.constant 0 : i32
    %dma_wait3A_848 = tpu.memref_slice %arg6[%dma_wait3A_846, %dma_wait3A_847] : memref<10x128xi32, #tpu.memory_space<vmem>> -> memref<1x128xi32, #tpu.memory_space<vmem>>
    %dma_wait3A_849 = tpu.memref_squeeze %dma_wait3A_848 : memref<1x128xi32, #tpu.memory_space<vmem>> -> memref<128xi32, #tpu.memory_space<vmem>>
    %dma_wait3A_850 = arith.constant 0 : i32
    %dma_wait3A_851 = arith.constant 0 : i32
    %dma_wait3A_852 = tpu.memref_slice %arg3[%dma_wait3A_850, %dma_wait3A_851] : memref<100001x64xf32, #tpu.memory_space<hbm>> -> memref<100001x64xf32, #tpu.memory_space<hbm>>
    tpu.wait_indirect_dma semaphore(%arg13 : memref<!tpu.dma_semaphore, #tpu.memory_space<semaphore_mem>>) src(%dma_wait3A_852 : memref<100001x64xf32, #tpu.memory_space<hbm>>) dst(%arg8 : memref<128x64xf32, #tpu.memory_space<vmem>>)
    %scan3A_853 = arith.constant 0 : i32
    %scan3A_854 = arith.constant 0 : i32
    %scan3A_855 = arith.constant 128 : i32
    %scan3A_856 = arith.addi %scan3A_854, %scan3A_855 : i32
    %scan3A_857 = arith.constant 1 : i32
    %scan3A_858 = scf.for %scan3A_860 = %scan3A_854 to %scan3A_856 step %scan3A_857 iter_args(%scan3A_861 = %scan3A_853) -> (i32)  : i32 {
      %get3A = arith.index_cast %scan3A_860 : i32 to index
      %get3A_862 = arith.constant 0 : index
      %get3A_863 = tpu.vector_load %arg8[%get3A, %get3A_862] {strides = array<i32>} : memref<128x64xf32, #tpu.memory_space<vmem>>, vector<16xf32>,
      %swap3A_864 = arith.index_cast %scan3A_860 : i32 to index
      %swap3A_865 = arith.constant 0 : index
      %swap3A_866 = tpu.vector_load %arg7[%swap3A_864, %swap3A_865] {strides = array<i32>} : memref<128x64xf32, #tpu.memory_space<vmem>>, vector<16xf32>,
      tpu.vector_store %arg7[%swap3A_864, %swap3A_865], %get3A_863 {add = true, strides = array<i32>} : memref<128x64xf32, #tpu.memory_space<vmem>>, vector<16xf32>,
      %get3A_867 = arith.index_cast %scan3A_860 : i32 to index
      %get3A_868 = arith.constant 16 : index
      %get3A_869 = tpu.vector_load %arg8[%get3A_867, %get3A_868] {strides = array<i32>} : memref<128x64xf32, #tpu.memory_space<vmem>>, vector<16xf32>,
      %swap3A_870 = arith.index_cast %scan3A_860 : i32 to index
      %swap3A_871 = arith.constant 16 : index
      %swap3A_872 = tpu.vector_load %arg7[%swap3A_870, %swap3A_871] {strides = array<i32>} : memref<128x64xf32, #tpu.memory_space<vmem>>, vector<16xf32>,
      tpu.vector_store %arg7[%swap3A_870, %swap3A_871], %get3A_869 {add = true, strides = array<i32>} : memref<128x64xf32, #tpu.memory_space<vmem>>, vector<16xf32>,
      %get3A_873 = arith.index_cast %scan3A_860 : i32 to index
      %get3A_874 = arith.constant 32 : index
      %get3A_875 = tpu.vector_load %arg8[%get3A_873, %get3A_874] {strides = array<i32>} : memref<128x64xf32, #tpu.memory_space<vmem>>, vector<16xf32>,
      %swap3A_876 = arith.index_cast %scan3A_860 : i32 to index
      %swap3A_877 = arith.constant 32 : index
      %swap3A_878 = tpu.vector_load %arg7[%swap3A_876, %swap3A_877] {strides = array<i32>} : memref<128x64xf32, #tpu.memory_space<vmem>>, vector<16xf32>,
      tpu.vector_store %arg7[%swap3A_876, %swap3A_877], %get3A_875 {add = true, strides = array<i32>} : memref<128x64xf32, #tpu.memory_space<vmem>>, vector<16xf32>,
      %get3A_879 = arith.index_cast %scan3A_860 : i32 to index
      %get3A_880 = arith.constant 48 : index
      %get3A_881 = tpu.vector_load %arg8[%get3A_879, %get3A_880] {strides = array<i32>} : memref<128x64xf32, #tpu.memory_space<vmem>>, vector<16xf32>,
      %swap3A_882 = arith.index_cast %scan3A_860 : i32 to index
      %swap3A_883 = arith.constant 48 : index
      %swap3A_884 = tpu.vector_load %arg7[%swap3A_882, %swap3A_883] {strides = array<i32>} : memref<128x64xf32, #tpu.memory_space<vmem>>, vector<16xf32>,
      tpu.vector_store %arg7[%swap3A_882, %swap3A_883], %get3A_881 {add = true, strides = array<i32>} : memref<128x64xf32, #tpu.memory_space<vmem>>, vector<16xf32>,
      %scan3A_885 = arith.constant 0 : i32
      scf.yield %scan3A_885 : i32
    }
    %scan3A_859 = arith.constant 128 : i32
    "tpu.region"() ({
      %run_scoped3A = tpu.sem_alloc : memref<!tpu.dma_semaphore, #tpu.memory_space<semaphore_mem>>
      %dma_start3A_860 = arith.constant 0 : i32
      %dma_start3A_861 = arith.constant 0 : i32
      %dma_start3A_862 = tpu.memref_slice %arg4[%add3A, %dma_start3A_860, %dma_start3A_861] : memref<32x128x64xf32, #tpu.memory_space<hbm>> -> memref<1x128x64xf32, #tpu.memory_space<hbm>>
      %dma_start3A_863 = tpu.memref_squeeze %dma_start3A_862 : memref<1x128x64xf32, #tpu.memory_space<hbm>> -> memref<128x64xf32, #tpu.memory_space<hbm>>
      %dma_start3A_864 = arith.constant 0 : i32
      %dma_start3A_865 = arith.constant 0 : i32
      %dma_start3A_866 = tpu.memref_slice %arg4[%add3A, %dma_start3A_864, %dma_start3A_865] : memref<32x128x64xf32, #tpu.memory_space<hbm>> -> memref<1x128x64xf32, #tpu.memory_space<hbm>>
      %dma_start3A_867 = tpu.memref_squeeze %dma_start3A_866 : memref<1x128x64xf32, #tpu.memory_space<hbm>> -> memref<128x64xf32, #tpu.memory_space<hbm>>
      tpu.enqueue_dma source(%arg7 : memref<128x64xf32, #tpu.memory_space<vmem>>) target(%dma_start3A_867 : memref<128x64xf32, #tpu.memory_space<hbm>>) target_semaphore(%run_scoped3A : memref<!tpu.dma_semaphore, #tpu.memory_space<semaphore_mem>>)
      %dma_wait3A_868 = arith.constant 0 : i32
      %dma_wait3A_869 = arith.constant 0 : i32
      %dma_wait3A_870 = tpu.memref_slice %arg4[%add3A, %dma_wait3A_868, %dma_wait3A_869] : memref<32x128x64xf32, #tpu.memory_space<hbm>> -> memref<1x128x64xf32, #tpu.memory_space<hbm>>
      %dma_wait3A_871 = tpu.memref_squeeze %dma_wait3A_870 : memref<1x128x64xf32, #tpu.memory_space<hbm>> -> memref<128x64xf32, #tpu.memory_space<hbm>>
      %dma_wait3A_872 = arith.constant 0 : i32
      %dma_wait3A_873 = arith.constant 0 : i32
      %dma_wait3A_874 = tpu.memref_slice %arg4[%add3A, %dma_wait3A_872, %dma_wait3A_873] : memref<32x128x64xf32, #tpu.memory_space<hbm>> -> memref<1x128x64xf32, #tpu.memory_space<hbm>>
      %dma_wait3A_875 = tpu.memref_squeeze %dma_wait3A_874 : memref<1x128x64xf32, #tpu.memory_space<hbm>> -> memref<128x64xf32, #tpu.memory_space<hbm>>
      tpu.wait_dma2 semaphore(%run_scoped3A : memref<!tpu.dma_semaphore, #tpu.memory_space<semaphore_mem>>) src(%arg7 : memref<128x64xf32, #tpu.memory_space<vmem>>) dst(%dma_wait3A_875 : memref<128x64xf32, #tpu.memory_space<hbm>>)
      tpu.yield
    }) : () -> ()
    return
  }
}

#map = affine_map<(d0, d1) -> (0, 0)>
#map1 = affine_map<(d0, d1) -> (0, 0, 0)>
module attributes {stable_mosaic.version = 14 : i64} {
  func.func @_dot_body(%arg0: i32, %arg1: i32, %arg2: memref<4096x22xi32, #tpu.memory_space<hbm>>, %arg3: memref<100000x64xf32, #tpu.memory_space<hbm>>, %arg4: memref<32x128x64xf32, #tpu.memory_space<hbm>>, %arg5: memref<11x32x128xf32, #tpu.memory_space<hbm>>, %arg6: memref<128x22xi32, #tpu.memory_space<vmem>>, %arg7: memref<6x128xi32, #tpu.memory_space<vmem>>, %arg8: memref<128x64xf32, #tpu.memory_space<vmem>>, %arg9: memref<128x64xf32, #tpu.memory_space<vmem>>, %arg10: memref<128x64xf32, #tpu.memory_space<vmem>>, %arg11: memref<128x64xf32, #tpu.memory_space<vmem>>, %arg12: memref<128x64xf32, #tpu.memory_space<vmem>>, %arg13: memref<128x64xf32, #tpu.memory_space<vmem>>, %arg14: memref<128x64xf32, #tpu.memory_space<vmem>>, %arg15: memref<128xf32, #tpu.memory_space<vmem>>, %arg16: memref<640xf32, #tpu.memory_space<vmem>>, %arg17: memref<768xf32, #tpu.memory_space<vmem>>, %arg18: memref<!tpu.dma_semaphore, #tpu.memory_space<semaphore_mem>>, %arg19: memref<!tpu.dma_semaphore, #tpu.memory_space<semaphore_mem>>, %arg20: memref<!tpu.dma_semaphore, #tpu.memory_space<semaphore_mem>>, %arg21: memref<!tpu.dma_semaphore, #tpu.memory_space<semaphore_mem>>, %arg22: memref<!tpu.dma_semaphore, #tpu.memory_space<semaphore_mem>>, %arg23: memref<!tpu.dma_semaphore, #tpu.memory_space<semaphore_mem>>) attributes {dimension_semantics = [#tpu.dimension_semantics<core_parallel>, #tpu.dimension_semantics<subcore_parallel>], iteration_bounds = array<i64: 2, 16>, scalar_prefetch = 0 : i64, scratch_operands = 18 : i64, tpu.core_type = #tpu.core_type<sc_vector_subcore>, window_params = [{transform_indices = #map}, {transform_indices = #map}, {transform_indices = #map1}, {transform_indices = #map1}]} {
    %mul3A = arith.constant 2 : i32
    %mul3A_0 = arith.muli %arg1, %mul3A : i32
    %add3A = arith.addi %mul3A_0, %arg0 : i32
    %mul3A_1 = arith.constant 128 : i32
    %mul3A_2 = arith.muli %add3A, %mul3A_1 : i32
    %iota3A = tpu.iota {dimensions = array<i32: 0>} : vector<16xi32>
    "tpu.region"() ({
      %run_scoped3A_1196 = tpu.sem_alloc : memref<!tpu.dma_semaphore, #tpu.memory_space<semaphore_mem>>
      %dma_start3A_1197 = arith.constant 0 : i32
      %dma_start3A_1198 = tpu.memref_slice %arg2[%mul3A_2, %dma_start3A_1197] : memref<4096x22xi32, #tpu.memory_space<hbm>> -> memref<128x22xi32, #tpu.memory_space<hbm>>
      %dma_start3A_1199 = arith.constant 0 : i32
      %dma_start3A_1200 = tpu.memref_slice %arg2[%mul3A_2, %dma_start3A_1199] : memref<4096x22xi32, #tpu.memory_space<hbm>> -> memref<128x22xi32, #tpu.memory_space<hbm>>
      tpu.enqueue_dma source(%dma_start3A_1200 : memref<128x22xi32, #tpu.memory_space<hbm>>) target(%arg6 : memref<128x22xi32, #tpu.memory_space<vmem>>) target_semaphore(%run_scoped3A_1196 : memref<!tpu.dma_semaphore, #tpu.memory_space<semaphore_mem>>)
      %dma_wait3A_1201 = arith.constant 0 : i32
      %dma_wait3A_1202 = tpu.memref_slice %arg2[%mul3A_2, %dma_wait3A_1201] : memref<4096x22xi32, #tpu.memory_space<hbm>> -> memref<128x22xi32, #tpu.memory_space<hbm>>
      %dma_wait3A_1203 = arith.constant 0 : i32
      %dma_wait3A_1204 = tpu.memref_slice %arg2[%mul3A_2, %dma_wait3A_1203] : memref<4096x22xi32, #tpu.memory_space<hbm>> -> memref<128x22xi32, #tpu.memory_space<hbm>>
      tpu.wait_dma2 semaphore(%run_scoped3A_1196 : memref<!tpu.dma_semaphore, #tpu.memory_space<semaphore_mem>>) src(%dma_wait3A_1204 : memref<128x22xi32, #tpu.memory_space<hbm>>) dst(%arg6 : memref<128x22xi32, #tpu.memory_space<vmem>>)
      tpu.yield
    }) : () -> ()
    %broadcast_in_dim3A = arith.constant 11 : i32
    %broadcast_in_dim3A_3 = vector.broadcast %broadcast_in_dim3A : i32 to vector<16xi32>
    %add3A_4 = arith.constant 0 : i32
    %add3A_5 = vector.broadcast %add3A_4 : i32 to vector<16xi32>
    %add3A_6 = arith.addi %iota3A, %add3A_5 : vector<16xi32>
    %gather3A = tpu.vector_load_idx %arg6[%add3A_6, %broadcast_in_dim3A_3] : memref<128x22xi32, #tpu.memory_space<vmem>>[vector<16xi32>, vector<16xi32>], vector<16xi32>,
    %swap3A = arith.constant 0 : i32
    %swap3A_7 = arith.index_cast %swap3A : i32 to index
    %swap3A_8 = arith.constant 0 : index
    %swap3A_9 = tpu.vector_load %arg7[%swap3A_7, %swap3A_8] {strides = array<i32>} : memref<6x128xi32, #tpu.memory_space<vmem>>, vector<16xi32>,
    tpu.vector_store %arg7[%swap3A_7, %swap3A_8], %gather3A {strides = array<i32>} : memref<6x128xi32, #tpu.memory_space<vmem>>, vector<16xi32>,
    %add3A_10 = arith.constant 16 : i32
    %add3A_11 = vector.broadcast %add3A_10 : i32 to vector<16xi32>
    %add3A_12 = arith.addi %iota3A, %add3A_11 : vector<16xi32>
    %gather3A_13 = tpu.vector_load_idx %arg6[%add3A_12, %broadcast_in_dim3A_3] : memref<128x22xi32, #tpu.memory_space<vmem>>[vector<16xi32>, vector<16xi32>], vector<16xi32>,
    %swap3A_14 = arith.constant 0 : i32
    %swap3A_15 = arith.index_cast %swap3A_14 : i32 to index
    %swap3A_16 = arith.constant 16 : index
    %swap3A_17 = tpu.vector_load %arg7[%swap3A_15, %swap3A_16] {strides = array<i32>} : memref<6x128xi32, #tpu.memory_space<vmem>>, vector<16xi32>,
    tpu.vector_store %arg7[%swap3A_15, %swap3A_16], %gather3A_13 {strides = array<i32>} : memref<6x128xi32, #tpu.memory_space<vmem>>, vector<16xi32>,
    %add3A_18 = arith.constant 32 : i32
    %add3A_19 = vector.broadcast %add3A_18 : i32 to vector<16xi32>
    %add3A_20 = arith.addi %iota3A, %add3A_19 : vector<16xi32>
    %gather3A_21 = tpu.vector_load_idx %arg6[%add3A_20, %broadcast_in_dim3A_3] : memref<128x22xi32, #tpu.memory_space<vmem>>[vector<16xi32>, vector<16xi32>], vector<16xi32>,
    %swap3A_22 = arith.constant 0 : i32
    %swap3A_23 = arith.index_cast %swap3A_22 : i32 to index
    %swap3A_24 = arith.constant 32 : index
    %swap3A_25 = tpu.vector_load %arg7[%swap3A_23, %swap3A_24] {strides = array<i32>} : memref<6x128xi32, #tpu.memory_space<vmem>>, vector<16xi32>,
    tpu.vector_store %arg7[%swap3A_23, %swap3A_24], %gather3A_21 {strides = array<i32>} : memref<6x128xi32, #tpu.memory_space<vmem>>, vector<16xi32>,
    %add3A_26 = arith.constant 48 : i32
    %add3A_27 = vector.broadcast %add3A_26 : i32 to vector<16xi32>
    %add3A_28 = arith.addi %iota3A, %add3A_27 : vector<16xi32>
    %gather3A_29 = tpu.vector_load_idx %arg6[%add3A_28, %broadcast_in_dim3A_3] : memref<128x22xi32, #tpu.memory_space<vmem>>[vector<16xi32>, vector<16xi32>], vector<16xi32>,
    %swap3A_30 = arith.constant 0 : i32
    %swap3A_31 = arith.index_cast %swap3A_30 : i32 to index
    %swap3A_32 = arith.constant 48 : index
    %swap3A_33 = tpu.vector_load %arg7[%swap3A_31, %swap3A_32] {strides = array<i32>} : memref<6x128xi32, #tpu.memory_space<vmem>>, vector<16xi32>,
    tpu.vector_store %arg7[%swap3A_31, %swap3A_32], %gather3A_29 {strides = array<i32>} : memref<6x128xi32, #tpu.memory_space<vmem>>, vector<16xi32>,
    %add3A_34 = arith.constant 64 : i32
    %add3A_35 = vector.broadcast %add3A_34 : i32 to vector<16xi32>
    %add3A_36 = arith.addi %iota3A, %add3A_35 : vector<16xi32>
    %gather3A_37 = tpu.vector_load_idx %arg6[%add3A_36, %broadcast_in_dim3A_3] : memref<128x22xi32, #tpu.memory_space<vmem>>[vector<16xi32>, vector<16xi32>], vector<16xi32>,
    %swap3A_38 = arith.constant 0 : i32
    %swap3A_39 = arith.index_cast %swap3A_38 : i32 to index
    %swap3A_40 = arith.constant 64 : index
    %swap3A_41 = tpu.vector_load %arg7[%swap3A_39, %swap3A_40] {strides = array<i32>} : memref<6x128xi32, #tpu.memory_space<vmem>>, vector<16xi32>,
    tpu.vector_store %arg7[%swap3A_39, %swap3A_40], %gather3A_37 {strides = array<i32>} : memref<6x128xi32, #tpu.memory_space<vmem>>, vector<16xi32>,
    %add3A_42 = arith.constant 80 : i32
    %add3A_43 = vector.broadcast %add3A_42 : i32 to vector<16xi32>
    %add3A_44 = arith.addi %iota3A, %add3A_43 : vector<16xi32>
    %gather3A_45 = tpu.vector_load_idx %arg6[%add3A_44, %broadcast_in_dim3A_3] : memref<128x22xi32, #tpu.memory_space<vmem>>[vector<16xi32>, vector<16xi32>], vector<16xi32>,
    %swap3A_46 = arith.constant 0 : i32
    %swap3A_47 = arith.index_cast %swap3A_46 : i32 to index
    %swap3A_48 = arith.constant 80 : index
    %swap3A_49 = tpu.vector_load %arg7[%swap3A_47, %swap3A_48] {strides = array<i32>} : memref<6x128xi32, #tpu.memory_space<vmem>>, vector<16xi32>,
    tpu.vector_store %arg7[%swap3A_47, %swap3A_48], %gather3A_45 {strides = array<i32>} : memref<6x128xi32, #tpu.memory_space<vmem>>, vector<16xi32>,
    %add3A_50 = arith.constant 96 : i32
    %add3A_51 = vector.broadcast %add3A_50 : i32 to vector<16xi32>
    %add3A_52 = arith.addi %iota3A, %add3A_51 : vector<16xi32>
    %gather3A_53 = tpu.vector_load_idx %arg6[%add3A_52, %broadcast_in_dim3A_3] : memref<128x22xi32, #tpu.memory_space<vmem>>[vector<16xi32>, vector<16xi32>], vector<16xi32>,
    %swap3A_54 = arith.constant 0 : i32
    %swap3A_55 = arith.index_cast %swap3A_54 : i32 to index
    %swap3A_56 = arith.constant 96 : index
    %swap3A_57 = tpu.vector_load %arg7[%swap3A_55, %swap3A_56] {strides = array<i32>} : memref<6x128xi32, #tpu.memory_space<vmem>>, vector<16xi32>,
    tpu.vector_store %arg7[%swap3A_55, %swap3A_56], %gather3A_53 {strides = array<i32>} : memref<6x128xi32, #tpu.memory_space<vmem>>, vector<16xi32>,
    %add3A_58 = arith.constant 112 : i32
    %add3A_59 = vector.broadcast %add3A_58 : i32 to vector<16xi32>
    %add3A_60 = arith.addi %iota3A, %add3A_59 : vector<16xi32>
    %gather3A_61 = tpu.vector_load_idx %arg6[%add3A_60, %broadcast_in_dim3A_3] : memref<128x22xi32, #tpu.memory_space<vmem>>[vector<16xi32>, vector<16xi32>], vector<16xi32>,
    %swap3A_62 = arith.constant 0 : i32
    %swap3A_63 = arith.index_cast %swap3A_62 : i32 to index
    %swap3A_64 = arith.constant 112 : index
    %swap3A_65 = tpu.vector_load %arg7[%swap3A_63, %swap3A_64] {strides = array<i32>} : memref<6x128xi32, #tpu.memory_space<vmem>>, vector<16xi32>,
    tpu.vector_store %arg7[%swap3A_63, %swap3A_64], %gather3A_61 {strides = array<i32>} : memref<6x128xi32, #tpu.memory_space<vmem>>, vector<16xi32>,
    %broadcast_in_dim3A_66 = arith.constant 12 : i32
    %broadcast_in_dim3A_67 = vector.broadcast %broadcast_in_dim3A_66 : i32 to vector<16xi32>
    %add3A_68 = arith.constant 0 : i32
    %add3A_69 = vector.broadcast %add3A_68 : i32 to vector<16xi32>
    %add3A_70 = arith.addi %iota3A, %add3A_69 : vector<16xi32>
    %gather3A_71 = tpu.vector_load_idx %arg6[%add3A_70, %broadcast_in_dim3A_67] : memref<128x22xi32, #tpu.memory_space<vmem>>[vector<16xi32>, vector<16xi32>], vector<16xi32>,
    %swap3A_72 = arith.constant 1 : i32
    %swap3A_73 = arith.index_cast %swap3A_72 : i32 to index
    %swap3A_74 = arith.constant 0 : index
    %swap3A_75 = tpu.vector_load %arg7[%swap3A_73, %swap3A_74] {strides = array<i32>} : memref<6x128xi32, #tpu.memory_space<vmem>>, vector<16xi32>,
    tpu.vector_store %arg7[%swap3A_73, %swap3A_74], %gather3A_71 {strides = array<i32>} : memref<6x128xi32, #tpu.memory_space<vmem>>, vector<16xi32>,
    %add3A_76 = arith.constant 16 : i32
    %add3A_77 = vector.broadcast %add3A_76 : i32 to vector<16xi32>
    %add3A_78 = arith.addi %iota3A, %add3A_77 : vector<16xi32>
    %gather3A_79 = tpu.vector_load_idx %arg6[%add3A_78, %broadcast_in_dim3A_67] : memref<128x22xi32, #tpu.memory_space<vmem>>[vector<16xi32>, vector<16xi32>], vector<16xi32>,
    %swap3A_80 = arith.constant 1 : i32
    %swap3A_81 = arith.index_cast %swap3A_80 : i32 to index
    %swap3A_82 = arith.constant 16 : index
    %swap3A_83 = tpu.vector_load %arg7[%swap3A_81, %swap3A_82] {strides = array<i32>} : memref<6x128xi32, #tpu.memory_space<vmem>>, vector<16xi32>,
    tpu.vector_store %arg7[%swap3A_81, %swap3A_82], %gather3A_79 {strides = array<i32>} : memref<6x128xi32, #tpu.memory_space<vmem>>, vector<16xi32>,
    %add3A_84 = arith.constant 32 : i32
    %add3A_85 = vector.broadcast %add3A_84 : i32 to vector<16xi32>
    %add3A_86 = arith.addi %iota3A, %add3A_85 : vector<16xi32>
    %gather3A_87 = tpu.vector_load_idx %arg6[%add3A_86, %broadcast_in_dim3A_67] : memref<128x22xi32, #tpu.memory_space<vmem>>[vector<16xi32>, vector<16xi32>], vector<16xi32>,
    %swap3A_88 = arith.constant 1 : i32
    %swap3A_89 = arith.index_cast %swap3A_88 : i32 to index
    %swap3A_90 = arith.constant 32 : index
    %swap3A_91 = tpu.vector_load %arg7[%swap3A_89, %swap3A_90] {strides = array<i32>} : memref<6x128xi32, #tpu.memory_space<vmem>>, vector<16xi32>,
    tpu.vector_store %arg7[%swap3A_89, %swap3A_90], %gather3A_87 {strides = array<i32>} : memref<6x128xi32, #tpu.memory_space<vmem>>, vector<16xi32>,
    %add3A_92 = arith.constant 48 : i32
    %add3A_93 = vector.broadcast %add3A_92 : i32 to vector<16xi32>
    %add3A_94 = arith.addi %iota3A, %add3A_93 : vector<16xi32>
    %gather3A_95 = tpu.vector_load_idx %arg6[%add3A_94, %broadcast_in_dim3A_67] : memref<128x22xi32, #tpu.memory_space<vmem>>[vector<16xi32>, vector<16xi32>], vector<16xi32>,
    %swap3A_96 = arith.constant 1 : i32
    %swap3A_97 = arith.index_cast %swap3A_96 : i32 to index
    %swap3A_98 = arith.constant 48 : index
    %swap3A_99 = tpu.vector_load %arg7[%swap3A_97, %swap3A_98] {strides = array<i32>} : memref<6x128xi32, #tpu.memory_space<vmem>>, vector<16xi32>,
    tpu.vector_store %arg7[%swap3A_97, %swap3A_98], %gather3A_95 {strides = array<i32>} : memref<6x128xi32, #tpu.memory_space<vmem>>, vector<16xi32>,
    %add3A_100 = arith.constant 64 : i32
    %add3A_101 = vector.broadcast %add3A_100 : i32 to vector<16xi32>
    %add3A_102 = arith.addi %iota3A, %add3A_101 : vector<16xi32>
    %gather3A_103 = tpu.vector_load_idx %arg6[%add3A_102, %broadcast_in_dim3A_67] : memref<128x22xi32, #tpu.memory_space<vmem>>[vector<16xi32>, vector<16xi32>], vector<16xi32>,
    %swap3A_104 = arith.constant 1 : i32
    %swap3A_105 = arith.index_cast %swap3A_104 : i32 to index
    %swap3A_106 = arith.constant 64 : index
    %swap3A_107 = tpu.vector_load %arg7[%swap3A_105, %swap3A_106] {strides = array<i32>} : memref<6x128xi32, #tpu.memory_space<vmem>>, vector<16xi32>,
    tpu.vector_store %arg7[%swap3A_105, %swap3A_106], %gather3A_103 {strides = array<i32>} : memref<6x128xi32, #tpu.memory_space<vmem>>, vector<16xi32>,
    %add3A_108 = arith.constant 80 : i32
    %add3A_109 = vector.broadcast %add3A_108 : i32 to vector<16xi32>
    %add3A_110 = arith.addi %iota3A, %add3A_109 : vector<16xi32>
    %gather3A_111 = tpu.vector_load_idx %arg6[%add3A_110, %broadcast_in_dim3A_67] : memref<128x22xi32, #tpu.memory_space<vmem>>[vector<16xi32>, vector<16xi32>], vector<16xi32>,
    %swap3A_112 = arith.constant 1 : i32
    %swap3A_113 = arith.index_cast %swap3A_112 : i32 to index
    %swap3A_114 = arith.constant 80 : index
    %swap3A_115 = tpu.vector_load %arg7[%swap3A_113, %swap3A_114] {strides = array<i32>} : memref<6x128xi32, #tpu.memory_space<vmem>>, vector<16xi32>,
    tpu.vector_store %arg7[%swap3A_113, %swap3A_114], %gather3A_111 {strides = array<i32>} : memref<6x128xi32, #tpu.memory_space<vmem>>, vector<16xi32>,
    %add3A_116 = arith.constant 96 : i32
    %add3A_117 = vector.broadcast %add3A_116 : i32 to vector<16xi32>
    %add3A_118 = arith.addi %iota3A, %add3A_117 : vector<16xi32>
    %gather3A_119 = tpu.vector_load_idx %arg6[%add3A_118, %broadcast_in_dim3A_67] : memref<128x22xi32, #tpu.memory_space<vmem>>[vector<16xi32>, vector<16xi32>], vector<16xi32>,
    %swap3A_120 = arith.constant 1 : i32
    %swap3A_121 = arith.index_cast %swap3A_120 : i32 to index
    %swap3A_122 = arith.constant 96 : index
    %swap3A_123 = tpu.vector_load %arg7[%swap3A_121, %swap3A_122] {strides = array<i32>} : memref<6x128xi32, #tpu.memory_space<vmem>>, vector<16xi32>,
    tpu.vector_store %arg7[%swap3A_121, %swap3A_122], %gather3A_119 {strides = array<i32>} : memref<6x128xi32, #tpu.memory_space<vmem>>, vector<16xi32>,
    %add3A_124 = arith.constant 112 : i32
    %add3A_125 = vector.broadcast %add3A_124 : i32 to vector<16xi32>
    %add3A_126 = arith.addi %iota3A, %add3A_125 : vector<16xi32>
    %gather3A_127 = tpu.vector_load_idx %arg6[%add3A_126, %broadcast_in_dim3A_67] : memref<128x22xi32, #tpu.memory_space<vmem>>[vector<16xi32>, vector<16xi32>], vector<16xi32>,
    %swap3A_128 = arith.constant 1 : i32
    %swap3A_129 = arith.index_cast %swap3A_128 : i32 to index
    %swap3A_130 = arith.constant 112 : index
    %swap3A_131 = tpu.vector_load %arg7[%swap3A_129, %swap3A_130] {strides = array<i32>} : memref<6x128xi32, #tpu.memory_space<vmem>>, vector<16xi32>,
    tpu.vector_store %arg7[%swap3A_129, %swap3A_130], %gather3A_127 {strides = array<i32>} : memref<6x128xi32, #tpu.memory_space<vmem>>, vector<16xi32>,
    %broadcast_in_dim3A_132 = arith.constant 13 : i32
    %broadcast_in_dim3A_133 = vector.broadcast %broadcast_in_dim3A_132 : i32 to vector<16xi32>
    %add3A_134 = arith.constant 0 : i32
    %add3A_135 = vector.broadcast %add3A_134 : i32 to vector<16xi32>
    %add3A_136 = arith.addi %iota3A, %add3A_135 : vector<16xi32>
    %gather3A_137 = tpu.vector_load_idx %arg6[%add3A_136, %broadcast_in_dim3A_133] : memref<128x22xi32, #tpu.memory_space<vmem>>[vector<16xi32>, vector<16xi32>], vector<16xi32>,
    %swap3A_138 = arith.constant 2 : i32
    %swap3A_139 = arith.index_cast %swap3A_138 : i32 to index
    %swap3A_140 = arith.constant 0 : index
    %swap3A_141 = tpu.vector_load %arg7[%swap3A_139, %swap3A_140] {strides = array<i32>} : memref<6x128xi32, #tpu.memory_space<vmem>>, vector<16xi32>,
    tpu.vector_store %arg7[%swap3A_139, %swap3A_140], %gather3A_137 {strides = array<i32>} : memref<6x128xi32, #tpu.memory_space<vmem>>, vector<16xi32>,
    %add3A_142 = arith.constant 16 : i32
    %add3A_143 = vector.broadcast %add3A_142 : i32 to vector<16xi32>
    %add3A_144 = arith.addi %iota3A, %add3A_143 : vector<16xi32>
    %gather3A_145 = tpu.vector_load_idx %arg6[%add3A_144, %broadcast_in_dim3A_133] : memref<128x22xi32, #tpu.memory_space<vmem>>[vector<16xi32>, vector<16xi32>], vector<16xi32>,
    %swap3A_146 = arith.constant 2 : i32
    %swap3A_147 = arith.index_cast %swap3A_146 : i32 to index
    %swap3A_148 = arith.constant 16 : index
    %swap3A_149 = tpu.vector_load %arg7[%swap3A_147, %swap3A_148] {strides = array<i32>} : memref<6x128xi32, #tpu.memory_space<vmem>>, vector<16xi32>,
    tpu.vector_store %arg7[%swap3A_147, %swap3A_148], %gather3A_145 {strides = array<i32>} : memref<6x128xi32, #tpu.memory_space<vmem>>, vector<16xi32>,
    %add3A_150 = arith.constant 32 : i32
    %add3A_151 = vector.broadcast %add3A_150 : i32 to vector<16xi32>
    %add3A_152 = arith.addi %iota3A, %add3A_151 : vector<16xi32>
    %gather3A_153 = tpu.vector_load_idx %arg6[%add3A_152, %broadcast_in_dim3A_133] : memref<128x22xi32, #tpu.memory_space<vmem>>[vector<16xi32>, vector<16xi32>], vector<16xi32>,
    %swap3A_154 = arith.constant 2 : i32
    %swap3A_155 = arith.index_cast %swap3A_154 : i32 to index
    %swap3A_156 = arith.constant 32 : index
    %swap3A_157 = tpu.vector_load %arg7[%swap3A_155, %swap3A_156] {strides = array<i32>} : memref<6x128xi32, #tpu.memory_space<vmem>>, vector<16xi32>,
    tpu.vector_store %arg7[%swap3A_155, %swap3A_156], %gather3A_153 {strides = array<i32>} : memref<6x128xi32, #tpu.memory_space<vmem>>, vector<16xi32>,
    %add3A_158 = arith.constant 48 : i32
    %add3A_159 = vector.broadcast %add3A_158 : i32 to vector<16xi32>
    %add3A_160 = arith.addi %iota3A, %add3A_159 : vector<16xi32>
    %gather3A_161 = tpu.vector_load_idx %arg6[%add3A_160, %broadcast_in_dim3A_133] : memref<128x22xi32, #tpu.memory_space<vmem>>[vector<16xi32>, vector<16xi32>], vector<16xi32>,
    %swap3A_162 = arith.constant 2 : i32
    %swap3A_163 = arith.index_cast %swap3A_162 : i32 to index
    %swap3A_164 = arith.constant 48 : index
    %swap3A_165 = tpu.vector_load %arg7[%swap3A_163, %swap3A_164] {strides = array<i32>} : memref<6x128xi32, #tpu.memory_space<vmem>>, vector<16xi32>,
    tpu.vector_store %arg7[%swap3A_163, %swap3A_164], %gather3A_161 {strides = array<i32>} : memref<6x128xi32, #tpu.memory_space<vmem>>, vector<16xi32>,
    %add3A_166 = arith.constant 64 : i32
    %add3A_167 = vector.broadcast %add3A_166 : i32 to vector<16xi32>
    %add3A_168 = arith.addi %iota3A, %add3A_167 : vector<16xi32>
    %gather3A_169 = tpu.vector_load_idx %arg6[%add3A_168, %broadcast_in_dim3A_133] : memref<128x22xi32, #tpu.memory_space<vmem>>[vector<16xi32>, vector<16xi32>], vector<16xi32>,
    %swap3A_170 = arith.constant 2 : i32
    %swap3A_171 = arith.index_cast %swap3A_170 : i32 to index
    %swap3A_172 = arith.constant 64 : index
    %swap3A_173 = tpu.vector_load %arg7[%swap3A_171, %swap3A_172] {strides = array<i32>} : memref<6x128xi32, #tpu.memory_space<vmem>>, vector<16xi32>,
    tpu.vector_store %arg7[%swap3A_171, %swap3A_172], %gather3A_169 {strides = array<i32>} : memref<6x128xi32, #tpu.memory_space<vmem>>, vector<16xi32>,
    %add3A_174 = arith.constant 80 : i32
    %add3A_175 = vector.broadcast %add3A_174 : i32 to vector<16xi32>
    %add3A_176 = arith.addi %iota3A, %add3A_175 : vector<16xi32>
    %gather3A_177 = tpu.vector_load_idx %arg6[%add3A_176, %broadcast_in_dim3A_133] : memref<128x22xi32, #tpu.memory_space<vmem>>[vector<16xi32>, vector<16xi32>], vector<16xi32>,
    %swap3A_178 = arith.constant 2 : i32
    %swap3A_179 = arith.index_cast %swap3A_178 : i32 to index
    %swap3A_180 = arith.constant 80 : index
    %swap3A_181 = tpu.vector_load %arg7[%swap3A_179, %swap3A_180] {strides = array<i32>} : memref<6x128xi32, #tpu.memory_space<vmem>>, vector<16xi32>,
    tpu.vector_store %arg7[%swap3A_179, %swap3A_180], %gather3A_177 {strides = array<i32>} : memref<6x128xi32, #tpu.memory_space<vmem>>, vector<16xi32>,
    %add3A_182 = arith.constant 96 : i32
    %add3A_183 = vector.broadcast %add3A_182 : i32 to vector<16xi32>
    %add3A_184 = arith.addi %iota3A, %add3A_183 : vector<16xi32>
    %gather3A_185 = tpu.vector_load_idx %arg6[%add3A_184, %broadcast_in_dim3A_133] : memref<128x22xi32, #tpu.memory_space<vmem>>[vector<16xi32>, vector<16xi32>], vector<16xi32>,
    %swap3A_186 = arith.constant 2 : i32
    %swap3A_187 = arith.index_cast %swap3A_186 : i32 to index
    %swap3A_188 = arith.constant 96 : index
    %swap3A_189 = tpu.vector_load %arg7[%swap3A_187, %swap3A_188] {strides = array<i32>} : memref<6x128xi32, #tpu.memory_space<vmem>>, vector<16xi32>,
    tpu.vector_store %arg7[%swap3A_187, %swap3A_188], %gather3A_185 {strides = array<i32>} : memref<6x128xi32, #tpu.memory_space<vmem>>, vector<16xi32>,
    %add3A_190 = arith.constant 112 : i32
    %add3A_191 = vector.broadcast %add3A_190 : i32 to vector<16xi32>
    %add3A_192 = arith.addi %iota3A, %add3A_191 : vector<16xi32>
    %gather3A_193 = tpu.vector_load_idx %arg6[%add3A_192, %broadcast_in_dim3A_133] : memref<128x22xi32, #tpu.memory_space<vmem>>[vector<16xi32>, vector<16xi32>], vector<16xi32>,
    %swap3A_194 = arith.constant 2 : i32
    %swap3A_195 = arith.index_cast %swap3A_194 : i32 to index
    %swap3A_196 = arith.constant 112 : index
    %swap3A_197 = tpu.vector_load %arg7[%swap3A_195, %swap3A_196] {strides = array<i32>} : memref<6x128xi32, #tpu.memory_space<vmem>>, vector<16xi32>,
    tpu.vector_store %arg7[%swap3A_195, %swap3A_196], %gather3A_193 {strides = array<i32>} : memref<6x128xi32, #tpu.memory_space<vmem>>, vector<16xi32>,
    %broadcast_in_dim3A_198 = arith.constant 14 : i32
    %broadcast_in_dim3A_199 = vector.broadcast %broadcast_in_dim3A_198 : i32 to vector<16xi32>
    %add3A_200 = arith.constant 0 : i32
    %add3A_201 = vector.broadcast %add3A_200 : i32 to vector<16xi32>
    %add3A_202 = arith.addi %iota3A, %add3A_201 : vector<16xi32>
    %gather3A_203 = tpu.vector_load_idx %arg6[%add3A_202, %broadcast_in_dim3A_199] : memref<128x22xi32, #tpu.memory_space<vmem>>[vector<16xi32>, vector<16xi32>], vector<16xi32>,
    %swap3A_204 = arith.constant 3 : i32
    %swap3A_205 = arith.index_cast %swap3A_204 : i32 to index
    %swap3A_206 = arith.constant 0 : index
    %swap3A_207 = tpu.vector_load %arg7[%swap3A_205, %swap3A_206] {strides = array<i32>} : memref<6x128xi32, #tpu.memory_space<vmem>>, vector<16xi32>,
    tpu.vector_store %arg7[%swap3A_205, %swap3A_206], %gather3A_203 {strides = array<i32>} : memref<6x128xi32, #tpu.memory_space<vmem>>, vector<16xi32>,
    %add3A_208 = arith.constant 16 : i32
    %add3A_209 = vector.broadcast %add3A_208 : i32 to vector<16xi32>
    %add3A_210 = arith.addi %iota3A, %add3A_209 : vector<16xi32>
    %gather3A_211 = tpu.vector_load_idx %arg6[%add3A_210, %broadcast_in_dim3A_199] : memref<128x22xi32, #tpu.memory_space<vmem>>[vector<16xi32>, vector<16xi32>], vector<16xi32>,
    %swap3A_212 = arith.constant 3 : i32
    %swap3A_213 = arith.index_cast %swap3A_212 : i32 to index
    %swap3A_214 = arith.constant 16 : index
    %swap3A_215 = tpu.vector_load %arg7[%swap3A_213, %swap3A_214] {strides = array<i32>} : memref<6x128xi32, #tpu.memory_space<vmem>>, vector<16xi32>,
    tpu.vector_store %arg7[%swap3A_213, %swap3A_214], %gather3A_211 {strides = array<i32>} : memref<6x128xi32, #tpu.memory_space<vmem>>, vector<16xi32>,
    %add3A_216 = arith.constant 32 : i32
    %add3A_217 = vector.broadcast %add3A_216 : i32 to vector<16xi32>
    %add3A_218 = arith.addi %iota3A, %add3A_217 : vector<16xi32>
    %gather3A_219 = tpu.vector_load_idx %arg6[%add3A_218, %broadcast_in_dim3A_199] : memref<128x22xi32, #tpu.memory_space<vmem>>[vector<16xi32>, vector<16xi32>], vector<16xi32>,
    %swap3A_220 = arith.constant 3 : i32
    %swap3A_221 = arith.index_cast %swap3A_220 : i32 to index
    %swap3A_222 = arith.constant 32 : index
    %swap3A_223 = tpu.vector_load %arg7[%swap3A_221, %swap3A_222] {strides = array<i32>} : memref<6x128xi32, #tpu.memory_space<vmem>>, vector<16xi32>,
    tpu.vector_store %arg7[%swap3A_221, %swap3A_222], %gather3A_219 {strides = array<i32>} : memref<6x128xi32, #tpu.memory_space<vmem>>, vector<16xi32>,
    %add3A_224 = arith.constant 48 : i32
    %add3A_225 = vector.broadcast %add3A_224 : i32 to vector<16xi32>
    %add3A_226 = arith.addi %iota3A, %add3A_225 : vector<16xi32>
    %gather3A_227 = tpu.vector_load_idx %arg6[%add3A_226, %broadcast_in_dim3A_199] : memref<128x22xi32, #tpu.memory_space<vmem>>[vector<16xi32>, vector<16xi32>], vector<16xi32>,
    %swap3A_228 = arith.constant 3 : i32
    %swap3A_229 = arith.index_cast %swap3A_228 : i32 to index
    %swap3A_230 = arith.constant 48 : index
    %swap3A_231 = tpu.vector_load %arg7[%swap3A_229, %swap3A_230] {strides = array<i32>} : memref<6x128xi32, #tpu.memory_space<vmem>>, vector<16xi32>,
    tpu.vector_store %arg7[%swap3A_229, %swap3A_230], %gather3A_227 {strides = array<i32>} : memref<6x128xi32, #tpu.memory_space<vmem>>, vector<16xi32>,
    %add3A_232 = arith.constant 64 : i32
    %add3A_233 = vector.broadcast %add3A_232 : i32 to vector<16xi32>
    %add3A_234 = arith.addi %iota3A, %add3A_233 : vector<16xi32>
    %gather3A_235 = tpu.vector_load_idx %arg6[%add3A_234, %broadcast_in_dim3A_199] : memref<128x22xi32, #tpu.memory_space<vmem>>[vector<16xi32>, vector<16xi32>], vector<16xi32>,
    %swap3A_236 = arith.constant 3 : i32
    %swap3A_237 = arith.index_cast %swap3A_236 : i32 to index
    %swap3A_238 = arith.constant 64 : index
    %swap3A_239 = tpu.vector_load %arg7[%swap3A_237, %swap3A_238] {strides = array<i32>} : memref<6x128xi32, #tpu.memory_space<vmem>>, vector<16xi32>,
    tpu.vector_store %arg7[%swap3A_237, %swap3A_238], %gather3A_235 {strides = array<i32>} : memref<6x128xi32, #tpu.memory_space<vmem>>, vector<16xi32>,
    %add3A_240 = arith.constant 80 : i32
    %add3A_241 = vector.broadcast %add3A_240 : i32 to vector<16xi32>
    %add3A_242 = arith.addi %iota3A, %add3A_241 : vector<16xi32>
    %gather3A_243 = tpu.vector_load_idx %arg6[%add3A_242, %broadcast_in_dim3A_199] : memref<128x22xi32, #tpu.memory_space<vmem>>[vector<16xi32>, vector<16xi32>], vector<16xi32>,
    %swap3A_244 = arith.constant 3 : i32
    %swap3A_245 = arith.index_cast %swap3A_244 : i32 to index
    %swap3A_246 = arith.constant 80 : index
    %swap3A_247 = tpu.vector_load %arg7[%swap3A_245, %swap3A_246] {strides = array<i32>} : memref<6x128xi32, #tpu.memory_space<vmem>>, vector<16xi32>,
    tpu.vector_store %arg7[%swap3A_245, %swap3A_246], %gather3A_243 {strides = array<i32>} : memref<6x128xi32, #tpu.memory_space<vmem>>, vector<16xi32>,
    %add3A_248 = arith.constant 96 : i32
    %add3A_249 = vector.broadcast %add3A_248 : i32 to vector<16xi32>
    %add3A_250 = arith.addi %iota3A, %add3A_249 : vector<16xi32>
    %gather3A_251 = tpu.vector_load_idx %arg6[%add3A_250, %broadcast_in_dim3A_199] : memref<128x22xi32, #tpu.memory_space<vmem>>[vector<16xi32>, vector<16xi32>], vector<16xi32>,
    %swap3A_252 = arith.constant 3 : i32
    %swap3A_253 = arith.index_cast %swap3A_252 : i32 to index
    %swap3A_254 = arith.constant 96 : index
    %swap3A_255 = tpu.vector_load %arg7[%swap3A_253, %swap3A_254] {strides = array<i32>} : memref<6x128xi32, #tpu.memory_space<vmem>>, vector<16xi32>,
    tpu.vector_store %arg7[%swap3A_253, %swap3A_254], %gather3A_251 {strides = array<i32>} : memref<6x128xi32, #tpu.memory_space<vmem>>, vector<16xi32>,
    %add3A_256 = arith.constant 112 : i32
    %add3A_257 = vector.broadcast %add3A_256 : i32 to vector<16xi32>
    %add3A_258 = arith.addi %iota3A, %add3A_257 : vector<16xi32>
    %gather3A_259 = tpu.vector_load_idx %arg6[%add3A_258, %broadcast_in_dim3A_199] : memref<128x22xi32, #tpu.memory_space<vmem>>[vector<16xi32>, vector<16xi32>], vector<16xi32>,
    %swap3A_260 = arith.constant 3 : i32
    %swap3A_261 = arith.index_cast %swap3A_260 : i32 to index
    %swap3A_262 = arith.constant 112 : index
    %swap3A_263 = tpu.vector_load %arg7[%swap3A_261, %swap3A_262] {strides = array<i32>} : memref<6x128xi32, #tpu.memory_space<vmem>>, vector<16xi32>,
    tpu.vector_store %arg7[%swap3A_261, %swap3A_262], %gather3A_259 {strides = array<i32>} : memref<6x128xi32, #tpu.memory_space<vmem>>, vector<16xi32>,
    %broadcast_in_dim3A_264 = arith.constant 15 : i32
    %broadcast_in_dim3A_265 = vector.broadcast %broadcast_in_dim3A_264 : i32 to vector<16xi32>
    %add3A_266 = arith.constant 0 : i32
    %add3A_267 = vector.broadcast %add3A_266 : i32 to vector<16xi32>
    %add3A_268 = arith.addi %iota3A, %add3A_267 : vector<16xi32>
    %gather3A_269 = tpu.vector_load_idx %arg6[%add3A_268, %broadcast_in_dim3A_265] : memref<128x22xi32, #tpu.memory_space<vmem>>[vector<16xi32>, vector<16xi32>], vector<16xi32>,
    %swap3A_270 = arith.constant 4 : i32
    %swap3A_271 = arith.index_cast %swap3A_270 : i32 to index
    %swap3A_272 = arith.constant 0 : index
    %swap3A_273 = tpu.vector_load %arg7[%swap3A_271, %swap3A_272] {strides = array<i32>} : memref<6x128xi32, #tpu.memory_space<vmem>>, vector<16xi32>,
    tpu.vector_store %arg7[%swap3A_271, %swap3A_272], %gather3A_269 {strides = array<i32>} : memref<6x128xi32, #tpu.memory_space<vmem>>, vector<16xi32>,
    %add3A_274 = arith.constant 16 : i32
    %add3A_275 = vector.broadcast %add3A_274 : i32 to vector<16xi32>
    %add3A_276 = arith.addi %iota3A, %add3A_275 : vector<16xi32>
    %gather3A_277 = tpu.vector_load_idx %arg6[%add3A_276, %broadcast_in_dim3A_265] : memref<128x22xi32, #tpu.memory_space<vmem>>[vector<16xi32>, vector<16xi32>], vector<16xi32>,
    %swap3A_278 = arith.constant 4 : i32
    %swap3A_279 = arith.index_cast %swap3A_278 : i32 to index
    %swap3A_280 = arith.constant 16 : index
    %swap3A_281 = tpu.vector_load %arg7[%swap3A_279, %swap3A_280] {strides = array<i32>} : memref<6x128xi32, #tpu.memory_space<vmem>>, vector<16xi32>,
    tpu.vector_store %arg7[%swap3A_279, %swap3A_280], %gather3A_277 {strides = array<i32>} : memref<6x128xi32, #tpu.memory_space<vmem>>, vector<16xi32>,
    %add3A_282 = arith.constant 32 : i32
    %add3A_283 = vector.broadcast %add3A_282 : i32 to vector<16xi32>
    %add3A_284 = arith.addi %iota3A, %add3A_283 : vector<16xi32>
    %gather3A_285 = tpu.vector_load_idx %arg6[%add3A_284, %broadcast_in_dim3A_265] : memref<128x22xi32, #tpu.memory_space<vmem>>[vector<16xi32>, vector<16xi32>], vector<16xi32>,
    %swap3A_286 = arith.constant 4 : i32
    %swap3A_287 = arith.index_cast %swap3A_286 : i32 to index
    %swap3A_288 = arith.constant 32 : index
    %swap3A_289 = tpu.vector_load %arg7[%swap3A_287, %swap3A_288] {strides = array<i32>} : memref<6x128xi32, #tpu.memory_space<vmem>>, vector<16xi32>,
    tpu.vector_store %arg7[%swap3A_287, %swap3A_288], %gather3A_285 {strides = array<i32>} : memref<6x128xi32, #tpu.memory_space<vmem>>, vector<16xi32>,
    %add3A_290 = arith.constant 48 : i32
    %add3A_291 = vector.broadcast %add3A_290 : i32 to vector<16xi32>
    %add3A_292 = arith.addi %iota3A, %add3A_291 : vector<16xi32>
    %gather3A_293 = tpu.vector_load_idx %arg6[%add3A_292, %broadcast_in_dim3A_265] : memref<128x22xi32, #tpu.memory_space<vmem>>[vector<16xi32>, vector<16xi32>], vector<16xi32>,
    %swap3A_294 = arith.constant 4 : i32
    %swap3A_295 = arith.index_cast %swap3A_294 : i32 to index
    %swap3A_296 = arith.constant 48 : index
    %swap3A_297 = tpu.vector_load %arg7[%swap3A_295, %swap3A_296] {strides = array<i32>} : memref<6x128xi32, #tpu.memory_space<vmem>>, vector<16xi32>,
    tpu.vector_store %arg7[%swap3A_295, %swap3A_296], %gather3A_293 {strides = array<i32>} : memref<6x128xi32, #tpu.memory_space<vmem>>, vector<16xi32>,
    %add3A_298 = arith.constant 64 : i32
    %add3A_299 = vector.broadcast %add3A_298 : i32 to vector<16xi32>
    %add3A_300 = arith.addi %iota3A, %add3A_299 : vector<16xi32>
    %gather3A_301 = tpu.vector_load_idx %arg6[%add3A_300, %broadcast_in_dim3A_265] : memref<128x22xi32, #tpu.memory_space<vmem>>[vector<16xi32>, vector<16xi32>], vector<16xi32>,
    %swap3A_302 = arith.constant 4 : i32
    %swap3A_303 = arith.index_cast %swap3A_302 : i32 to index
    %swap3A_304 = arith.constant 64 : index
    %swap3A_305 = tpu.vector_load %arg7[%swap3A_303, %swap3A_304] {strides = array<i32>} : memref<6x128xi32, #tpu.memory_space<vmem>>, vector<16xi32>,
    tpu.vector_store %arg7[%swap3A_303, %swap3A_304], %gather3A_301 {strides = array<i32>} : memref<6x128xi32, #tpu.memory_space<vmem>>, vector<16xi32>,
    %add3A_306 = arith.constant 80 : i32
    %add3A_307 = vector.broadcast %add3A_306 : i32 to vector<16xi32>
    %add3A_308 = arith.addi %iota3A, %add3A_307 : vector<16xi32>
    %gather3A_309 = tpu.vector_load_idx %arg6[%add3A_308, %broadcast_in_dim3A_265] : memref<128x22xi32, #tpu.memory_space<vmem>>[vector<16xi32>, vector<16xi32>], vector<16xi32>,
    %swap3A_310 = arith.constant 4 : i32
    %swap3A_311 = arith.index_cast %swap3A_310 : i32 to index
    %swap3A_312 = arith.constant 80 : index
    %swap3A_313 = tpu.vector_load %arg7[%swap3A_311, %swap3A_312] {strides = array<i32>} : memref<6x128xi32, #tpu.memory_space<vmem>>, vector<16xi32>,
    tpu.vector_store %arg7[%swap3A_311, %swap3A_312], %gather3A_309 {strides = array<i32>} : memref<6x128xi32, #tpu.memory_space<vmem>>, vector<16xi32>,
    %add3A_314 = arith.constant 96 : i32
    %add3A_315 = vector.broadcast %add3A_314 : i32 to vector<16xi32>
    %add3A_316 = arith.addi %iota3A, %add3A_315 : vector<16xi32>
    %gather3A_317 = tpu.vector_load_idx %arg6[%add3A_316, %broadcast_in_dim3A_265] : memref<128x22xi32, #tpu.memory_space<vmem>>[vector<16xi32>, vector<16xi32>], vector<16xi32>,
    %swap3A_318 = arith.constant 4 : i32
    %swap3A_319 = arith.index_cast %swap3A_318 : i32 to index
    %swap3A_320 = arith.constant 96 : index
    %swap3A_321 = tpu.vector_load %arg7[%swap3A_319, %swap3A_320] {strides = array<i32>} : memref<6x128xi32, #tpu.memory_space<vmem>>, vector<16xi32>,
    tpu.vector_store %arg7[%swap3A_319, %swap3A_320], %gather3A_317 {strides = array<i32>} : memref<6x128xi32, #tpu.memory_space<vmem>>, vector<16xi32>,
    %add3A_322 = arith.constant 112 : i32
    %add3A_323 = vector.broadcast %add3A_322 : i32 to vector<16xi32>
    %add3A_324 = arith.addi %iota3A, %add3A_323 : vector<16xi32>
    %gather3A_325 = tpu.vector_load_idx %arg6[%add3A_324, %broadcast_in_dim3A_265] : memref<128x22xi32, #tpu.memory_space<vmem>>[vector<16xi32>, vector<16xi32>], vector<16xi32>,
    %swap3A_326 = arith.constant 4 : i32
    %swap3A_327 = arith.index_cast %swap3A_326 : i32 to index
    %swap3A_328 = arith.constant 112 : index
    %swap3A_329 = tpu.vector_load %arg7[%swap3A_327, %swap3A_328] {strides = array<i32>} : memref<6x128xi32, #tpu.memory_space<vmem>>, vector<16xi32>,
    tpu.vector_store %arg7[%swap3A_327, %swap3A_328], %gather3A_325 {strides = array<i32>} : memref<6x128xi32, #tpu.memory_space<vmem>>, vector<16xi32>,
    %broadcast_in_dim3A_330 = arith.constant 16 : i32
    %broadcast_in_dim3A_331 = vector.broadcast %broadcast_in_dim3A_330 : i32 to vector<16xi32>
    %add3A_332 = arith.constant 0 : i32
    %add3A_333 = vector.broadcast %add3A_332 : i32 to vector<16xi32>
    %add3A_334 = arith.addi %iota3A, %add3A_333 : vector<16xi32>
    %gather3A_335 = tpu.vector_load_idx %arg6[%add3A_334, %broadcast_in_dim3A_331] : memref<128x22xi32, #tpu.memory_space<vmem>>[vector<16xi32>, vector<16xi32>], vector<16xi32>,
    %swap3A_336 = arith.constant 5 : i32
    %swap3A_337 = arith.index_cast %swap3A_336 : i32 to index
    %swap3A_338 = arith.constant 0 : index
    %swap3A_339 = tpu.vector_load %arg7[%swap3A_337, %swap3A_338] {strides = array<i32>} : memref<6x128xi32, #tpu.memory_space<vmem>>, vector<16xi32>,
    tpu.vector_store %arg7[%swap3A_337, %swap3A_338], %gather3A_335 {strides = array<i32>} : memref<6x128xi32, #tpu.memory_space<vmem>>, vector<16xi32>,
    %add3A_340 = arith.constant 16 : i32
    %add3A_341 = vector.broadcast %add3A_340 : i32 to vector<16xi32>
    %add3A_342 = arith.addi %iota3A, %add3A_341 : vector<16xi32>
    %gather3A_343 = tpu.vector_load_idx %arg6[%add3A_342, %broadcast_in_dim3A_331] : memref<128x22xi32, #tpu.memory_space<vmem>>[vector<16xi32>, vector<16xi32>], vector<16xi32>,
    %swap3A_344 = arith.constant 5 : i32
    %swap3A_345 = arith.index_cast %swap3A_344 : i32 to index
    %swap3A_346 = arith.constant 16 : index
    %swap3A_347 = tpu.vector_load %arg7[%swap3A_345, %swap3A_346] {strides = array<i32>} : memref<6x128xi32, #tpu.memory_space<vmem>>, vector<16xi32>,
    tpu.vector_store %arg7[%swap3A_345, %swap3A_346], %gather3A_343 {strides = array<i32>} : memref<6x128xi32, #tpu.memory_space<vmem>>, vector<16xi32>,
    %add3A_348 = arith.constant 32 : i32
    %add3A_349 = vector.broadcast %add3A_348 : i32 to vector<16xi32>
    %add3A_350 = arith.addi %iota3A, %add3A_349 : vector<16xi32>
    %gather3A_351 = tpu.vector_load_idx %arg6[%add3A_350, %broadcast_in_dim3A_331] : memref<128x22xi32, #tpu.memory_space<vmem>>[vector<16xi32>, vector<16xi32>], vector<16xi32>,
    %swap3A_352 = arith.constant 5 : i32
    %swap3A_353 = arith.index_cast %swap3A_352 : i32 to index
    %swap3A_354 = arith.constant 32 : index
    %swap3A_355 = tpu.vector_load %arg7[%swap3A_353, %swap3A_354] {strides = array<i32>} : memref<6x128xi32, #tpu.memory_space<vmem>>, vector<16xi32>,
    tpu.vector_store %arg7[%swap3A_353, %swap3A_354], %gather3A_351 {strides = array<i32>} : memref<6x128xi32, #tpu.memory_space<vmem>>, vector<16xi32>,
    %add3A_356 = arith.constant 48 : i32
    %add3A_357 = vector.broadcast %add3A_356 : i32 to vector<16xi32>
    %add3A_358 = arith.addi %iota3A, %add3A_357 : vector<16xi32>
    %gather3A_359 = tpu.vector_load_idx %arg6[%add3A_358, %broadcast_in_dim3A_331] : memref<128x22xi32, #tpu.memory_space<vmem>>[vector<16xi32>, vector<16xi32>], vector<16xi32>,
    %swap3A_360 = arith.constant 5 : i32
    %swap3A_361 = arith.index_cast %swap3A_360 : i32 to index
    %swap3A_362 = arith.constant 48 : index
    %swap3A_363 = tpu.vector_load %arg7[%swap3A_361, %swap3A_362] {strides = array<i32>} : memref<6x128xi32, #tpu.memory_space<vmem>>, vector<16xi32>,
    tpu.vector_store %arg7[%swap3A_361, %swap3A_362], %gather3A_359 {strides = array<i32>} : memref<6x128xi32, #tpu.memory_space<vmem>>, vector<16xi32>,
    %add3A_364 = arith.constant 64 : i32
    %add3A_365 = vector.broadcast %add3A_364 : i32 to vector<16xi32>
    %add3A_366 = arith.addi %iota3A, %add3A_365 : vector<16xi32>
    %gather3A_367 = tpu.vector_load_idx %arg6[%add3A_366, %broadcast_in_dim3A_331] : memref<128x22xi32, #tpu.memory_space<vmem>>[vector<16xi32>, vector<16xi32>], vector<16xi32>,
    %swap3A_368 = arith.constant 5 : i32
    %swap3A_369 = arith.index_cast %swap3A_368 : i32 to index
    %swap3A_370 = arith.constant 64 : index
    %swap3A_371 = tpu.vector_load %arg7[%swap3A_369, %swap3A_370] {strides = array<i32>} : memref<6x128xi32, #tpu.memory_space<vmem>>, vector<16xi32>,
    tpu.vector_store %arg7[%swap3A_369, %swap3A_370], %gather3A_367 {strides = array<i32>} : memref<6x128xi32, #tpu.memory_space<vmem>>, vector<16xi32>,
    %add3A_372 = arith.constant 80 : i32
    %add3A_373 = vector.broadcast %add3A_372 : i32 to vector<16xi32>
    %add3A_374 = arith.addi %iota3A, %add3A_373 : vector<16xi32>
    %gather3A_375 = tpu.vector_load_idx %arg6[%add3A_374, %broadcast_in_dim3A_331] : memref<128x22xi32, #tpu.memory_space<vmem>>[vector<16xi32>, vector<16xi32>], vector<16xi32>,
    %swap3A_376 = arith.constant 5 : i32
    %swap3A_377 = arith.index_cast %swap3A_376 : i32 to index
    %swap3A_378 = arith.constant 80 : index
    %swap3A_379 = tpu.vector_load %arg7[%swap3A_377, %swap3A_378] {strides = array<i32>} : memref<6x128xi32, #tpu.memory_space<vmem>>, vector<16xi32>,
    tpu.vector_store %arg7[%swap3A_377, %swap3A_378], %gather3A_375 {strides = array<i32>} : memref<6x128xi32, #tpu.memory_space<vmem>>, vector<16xi32>,
    %add3A_380 = arith.constant 96 : i32
    %add3A_381 = vector.broadcast %add3A_380 : i32 to vector<16xi32>
    %add3A_382 = arith.addi %iota3A, %add3A_381 : vector<16xi32>
    %gather3A_383 = tpu.vector_load_idx %arg6[%add3A_382, %broadcast_in_dim3A_331] : memref<128x22xi32, #tpu.memory_space<vmem>>[vector<16xi32>, vector<16xi32>], vector<16xi32>,
    %swap3A_384 = arith.constant 5 : i32
    %swap3A_385 = arith.index_cast %swap3A_384 : i32 to index
    %swap3A_386 = arith.constant 96 : index
    %swap3A_387 = tpu.vector_load %arg7[%swap3A_385, %swap3A_386] {strides = array<i32>} : memref<6x128xi32, #tpu.memory_space<vmem>>, vector<16xi32>,
    tpu.vector_store %arg7[%swap3A_385, %swap3A_386], %gather3A_383 {strides = array<i32>} : memref<6x128xi32, #tpu.memory_space<vmem>>, vector<16xi32>,
    %add3A_388 = arith.constant 112 : i32
    %add3A_389 = vector.broadcast %add3A_388 : i32 to vector<16xi32>
    %add3A_390 = arith.addi %iota3A, %add3A_389 : vector<16xi32>
    %gather3A_391 = tpu.vector_load_idx %arg6[%add3A_390, %broadcast_in_dim3A_331] : memref<128x22xi32, #tpu.memory_space<vmem>>[vector<16xi32>, vector<16xi32>], vector<16xi32>,
    %swap3A_392 = arith.constant 5 : i32
    %swap3A_393 = arith.index_cast %swap3A_392 : i32 to index
    %swap3A_394 = arith.constant 112 : index
    %swap3A_395 = tpu.vector_load %arg7[%swap3A_393, %swap3A_394] {strides = array<i32>} : memref<6x128xi32, #tpu.memory_space<vmem>>, vector<16xi32>,
    tpu.vector_store %arg7[%swap3A_393, %swap3A_394], %gather3A_391 {strides = array<i32>} : memref<6x128xi32, #tpu.memory_space<vmem>>, vector<16xi32>,
    %dma_start3A = arith.constant 0 : i32
    %dma_start3A_396 = arith.constant 0 : i32
    %dma_start3A_397 = tpu.memref_slice %arg7[%dma_start3A, %dma_start3A_396] : memref<6x128xi32, #tpu.memory_space<vmem>> -> memref<1x128xi32, #tpu.memory_space<vmem>>
    %dma_start3A_398 = tpu.memref_squeeze %dma_start3A_397 : memref<1x128xi32, #tpu.memory_space<vmem>> -> memref<128xi32, #tpu.memory_space<vmem>>
    %dma_start3A_399 = arith.constant 0 : i32
    %dma_start3A_400 = arith.constant 0 : i32
    %dma_start3A_401 = tpu.memref_slice %arg3[%dma_start3A_399, %dma_start3A_400] : memref<100000x64xf32, #tpu.memory_space<hbm>> -> memref<100000x64xf32, #tpu.memory_space<hbm>>
    tpu.enqueue_indirect_dma source(%dma_start3A_401 : memref<100000x64xf32, #tpu.memory_space<hbm>>) target(%arg9 : memref<128x64xf32, #tpu.memory_space<vmem>>) offsets(%dma_start3A_398 : memref<128xi32, #tpu.memory_space<vmem>>) semaphore(%arg18 : memref<!tpu.dma_semaphore, #tpu.memory_space<semaphore_mem>>)
    %dma_start3A_402 = arith.constant 1 : i32
    %dma_start3A_403 = arith.constant 0 : i32
    %dma_start3A_404 = tpu.memref_slice %arg7[%dma_start3A_402, %dma_start3A_403] : memref<6x128xi32, #tpu.memory_space<vmem>> -> memref<1x128xi32, #tpu.memory_space<vmem>>
    %dma_start3A_405 = tpu.memref_squeeze %dma_start3A_404 : memref<1x128xi32, #tpu.memory_space<vmem>> -> memref<128xi32, #tpu.memory_space<vmem>>
    %dma_start3A_406 = arith.constant 0 : i32
    %dma_start3A_407 = arith.constant 0 : i32
    %dma_start3A_408 = tpu.memref_slice %arg3[%dma_start3A_406, %dma_start3A_407] : memref<100000x64xf32, #tpu.memory_space<hbm>> -> memref<100000x64xf32, #tpu.memory_space<hbm>>
    tpu.enqueue_indirect_dma source(%dma_start3A_408 : memref<100000x64xf32, #tpu.memory_space<hbm>>) target(%arg10 : memref<128x64xf32, #tpu.memory_space<vmem>>) offsets(%dma_start3A_405 : memref<128xi32, #tpu.memory_space<vmem>>) semaphore(%arg19 : memref<!tpu.dma_semaphore, #tpu.memory_space<semaphore_mem>>)
    %dma_start3A_409 = arith.constant 2 : i32
    %dma_start3A_410 = arith.constant 0 : i32
    %dma_start3A_411 = tpu.memref_slice %arg7[%dma_start3A_409, %dma_start3A_410] : memref<6x128xi32, #tpu.memory_space<vmem>> -> memref<1x128xi32, #tpu.memory_space<vmem>>
    %dma_start3A_412 = tpu.memref_squeeze %dma_start3A_411 : memref<1x128xi32, #tpu.memory_space<vmem>> -> memref<128xi32, #tpu.memory_space<vmem>>
    %dma_start3A_413 = arith.constant 0 : i32
    %dma_start3A_414 = arith.constant 0 : i32
    %dma_start3A_415 = tpu.memref_slice %arg3[%dma_start3A_413, %dma_start3A_414] : memref<100000x64xf32, #tpu.memory_space<hbm>> -> memref<100000x64xf32, #tpu.memory_space<hbm>>
    tpu.enqueue_indirect_dma source(%dma_start3A_415 : memref<100000x64xf32, #tpu.memory_space<hbm>>) target(%arg11 : memref<128x64xf32, #tpu.memory_space<vmem>>) offsets(%dma_start3A_412 : memref<128xi32, #tpu.memory_space<vmem>>) semaphore(%arg20 : memref<!tpu.dma_semaphore, #tpu.memory_space<semaphore_mem>>)
    %dma_start3A_416 = arith.constant 3 : i32
    %dma_start3A_417 = arith.constant 0 : i32
    %dma_start3A_418 = tpu.memref_slice %arg7[%dma_start3A_416, %dma_start3A_417] : memref<6x128xi32, #tpu.memory_space<vmem>> -> memref<1x128xi32, #tpu.memory_space<vmem>>
    %dma_start3A_419 = tpu.memref_squeeze %dma_start3A_418 : memref<1x128xi32, #tpu.memory_space<vmem>> -> memref<128xi32, #tpu.memory_space<vmem>>
    %dma_start3A_420 = arith.constant 0 : i32
    %dma_start3A_421 = arith.constant 0 : i32
    %dma_start3A_422 = tpu.memref_slice %arg3[%dma_start3A_420, %dma_start3A_421] : memref<100000x64xf32, #tpu.memory_space<hbm>> -> memref<100000x64xf32, #tpu.memory_space<hbm>>
    tpu.enqueue_indirect_dma source(%dma_start3A_422 : memref<100000x64xf32, #tpu.memory_space<hbm>>) target(%arg12 : memref<128x64xf32, #tpu.memory_space<vmem>>) offsets(%dma_start3A_419 : memref<128xi32, #tpu.memory_space<vmem>>) semaphore(%arg21 : memref<!tpu.dma_semaphore, #tpu.memory_space<semaphore_mem>>)
    %dma_start3A_423 = arith.constant 4 : i32
    %dma_start3A_424 = arith.constant 0 : i32
    %dma_start3A_425 = tpu.memref_slice %arg7[%dma_start3A_423, %dma_start3A_424] : memref<6x128xi32, #tpu.memory_space<vmem>> -> memref<1x128xi32, #tpu.memory_space<vmem>>
    %dma_start3A_426 = tpu.memref_squeeze %dma_start3A_425 : memref<1x128xi32, #tpu.memory_space<vmem>> -> memref<128xi32, #tpu.memory_space<vmem>>
    %dma_start3A_427 = arith.constant 0 : i32
    %dma_start3A_428 = arith.constant 0 : i32
    %dma_start3A_429 = tpu.memref_slice %arg3[%dma_start3A_427, %dma_start3A_428] : memref<100000x64xf32, #tpu.memory_space<hbm>> -> memref<100000x64xf32, #tpu.memory_space<hbm>>
    tpu.enqueue_indirect_dma source(%dma_start3A_429 : memref<100000x64xf32, #tpu.memory_space<hbm>>) target(%arg13 : memref<128x64xf32, #tpu.memory_space<vmem>>) offsets(%dma_start3A_426 : memref<128xi32, #tpu.memory_space<vmem>>) semaphore(%arg22 : memref<!tpu.dma_semaphore, #tpu.memory_space<semaphore_mem>>)
    %dma_start3A_430 = arith.constant 5 : i32
    %dma_start3A_431 = arith.constant 0 : i32
    %dma_start3A_432 = tpu.memref_slice %arg7[%dma_start3A_430, %dma_start3A_431] : memref<6x128xi32, #tpu.memory_space<vmem>> -> memref<1x128xi32, #tpu.memory_space<vmem>>
    %dma_start3A_433 = tpu.memref_squeeze %dma_start3A_432 : memref<1x128xi32, #tpu.memory_space<vmem>> -> memref<128xi32, #tpu.memory_space<vmem>>
    %dma_start3A_434 = arith.constant 0 : i32
    %dma_start3A_435 = arith.constant 0 : i32
    %dma_start3A_436 = tpu.memref_slice %arg3[%dma_start3A_434, %dma_start3A_435] : memref<100000x64xf32, #tpu.memory_space<hbm>> -> memref<100000x64xf32, #tpu.memory_space<hbm>>
    tpu.enqueue_indirect_dma source(%dma_start3A_436 : memref<100000x64xf32, #tpu.memory_space<hbm>>) target(%arg14 : memref<128x64xf32, #tpu.memory_space<vmem>>) offsets(%dma_start3A_433 : memref<128xi32, #tpu.memory_space<vmem>>) semaphore(%arg23 : memref<!tpu.dma_semaphore, #tpu.memory_space<semaphore_mem>>)
    "tpu.region"() ({
      %run_scoped3A_1196 = tpu.sem_alloc : memref<!tpu.dma_semaphore, #tpu.memory_space<semaphore_mem>>
      %dma_start3A_1197 = arith.constant 0 : i32
      %dma_start3A_1198 = arith.constant 0 : i32
      %dma_start3A_1199 = tpu.memref_slice %arg4[%add3A, %dma_start3A_1197, %dma_start3A_1198] : memref<32x128x64xf32, #tpu.memory_space<hbm>> -> memref<1x128x64xf32, #tpu.memory_space<hbm>>
      %dma_start3A_1200 = tpu.memref_squeeze %dma_start3A_1199 : memref<1x128x64xf32, #tpu.memory_space<hbm>> -> memref<128x64xf32, #tpu.memory_space<hbm>>
      %dma_start3A_1201 = arith.constant 0 : i32
      %dma_start3A_1202 = arith.constant 0 : i32
      %dma_start3A_1203 = tpu.memref_slice %arg4[%add3A, %dma_start3A_1201, %dma_start3A_1202] : memref<32x128x64xf32, #tpu.memory_space<hbm>> -> memref<1x128x64xf32, #tpu.memory_space<hbm>>
      %dma_start3A_1204 = tpu.memref_squeeze %dma_start3A_1203 : memref<1x128x64xf32, #tpu.memory_space<hbm>> -> memref<128x64xf32, #tpu.memory_space<hbm>>
      tpu.enqueue_dma source(%dma_start3A_1204 : memref<128x64xf32, #tpu.memory_space<hbm>>) target(%arg8 : memref<128x64xf32, #tpu.memory_space<vmem>>) target_semaphore(%run_scoped3A_1196 : memref<!tpu.dma_semaphore, #tpu.memory_space<semaphore_mem>>)
      %dma_wait3A_1205 = arith.constant 0 : i32
      %dma_wait3A_1206 = arith.constant 0 : i32
      %dma_wait3A_1207 = tpu.memref_slice %arg4[%add3A, %dma_wait3A_1205, %dma_wait3A_1206] : memref<32x128x64xf32, #tpu.memory_space<hbm>> -> memref<1x128x64xf32, #tpu.memory_space<hbm>>
      %dma_wait3A_1208 = tpu.memref_squeeze %dma_wait3A_1207 : memref<1x128x64xf32, #tpu.memory_space<hbm>> -> memref<128x64xf32, #tpu.memory_space<hbm>>
      %dma_wait3A_1209 = arith.constant 0 : i32
      %dma_wait3A_1210 = arith.constant 0 : i32
      %dma_wait3A_1211 = tpu.memref_slice %arg4[%add3A, %dma_wait3A_1209, %dma_wait3A_1210] : memref<32x128x64xf32, #tpu.memory_space<hbm>> -> memref<1x128x64xf32, #tpu.memory_space<hbm>>
      %dma_wait3A_1212 = tpu.memref_squeeze %dma_wait3A_1211 : memref<1x128x64xf32, #tpu.memory_space<hbm>> -> memref<128x64xf32, #tpu.memory_space<hbm>>
      tpu.wait_dma2 semaphore(%run_scoped3A_1196 : memref<!tpu.dma_semaphore, #tpu.memory_space<semaphore_mem>>) src(%dma_wait3A_1212 : memref<128x64xf32, #tpu.memory_space<hbm>>) dst(%arg8 : memref<128x64xf32, #tpu.memory_space<vmem>>)
      tpu.yield
    }) : () -> ()
    %broadcast_in_dim3A_437 = arith.constant 10 : i32
    %broadcast_in_dim3A_438 = vector.broadcast %broadcast_in_dim3A_437 : i32 to vector<16xi32>
    %broadcast_in_dim3A_439 = arith.constant 1.000000e+00 : f32
    %broadcast_in_dim3A_440 = vector.broadcast %broadcast_in_dim3A_439 : f32 to vector<16xf32>
    %add3A_441 = arith.constant 0 : i32
    %add3A_442 = vector.broadcast %add3A_441 : i32 to vector<16xi32>
    %add3A_443 = arith.addi %iota3A, %add3A_442 : vector<16xi32>
    %gather3A_444 = tpu.vector_load_idx %arg6[%add3A_443, %broadcast_in_dim3A_438] : memref<128x22xi32, #tpu.memory_space<vmem>>[vector<16xi32>, vector<16xi32>], vector<16xi32>,
    %convert_element_type3A = arith.sitofp %gather3A_444 : vector<16xi32> to vector<16xf32>
    %div3A = arith.divf %broadcast_in_dim3A_440, %convert_element_type3A : vector<16xf32>
    %swap3A_445 = arith.constant 0 : index
    %swap3A_446 = tpu.vector_load %arg15[%swap3A_445] {strides = array<i32>} : memref<128xf32, #tpu.memory_space<vmem>>, vector<16xf32>,
    tpu.vector_store %arg15[%swap3A_445], %div3A {strides = array<i32>} : memref<128xf32, #tpu.memory_space<vmem>>, vector<16xf32>,
    %add3A_447 = arith.constant 16 : i32
    %add3A_448 = vector.broadcast %add3A_447 : i32 to vector<16xi32>
    %add3A_449 = arith.addi %iota3A, %add3A_448 : vector<16xi32>
    %gather3A_450 = tpu.vector_load_idx %arg6[%add3A_449, %broadcast_in_dim3A_438] : memref<128x22xi32, #tpu.memory_space<vmem>>[vector<16xi32>, vector<16xi32>], vector<16xi32>,
    %convert_element_type3A_451 = arith.sitofp %gather3A_450 : vector<16xi32> to vector<16xf32>
    %div3A_452 = arith.divf %broadcast_in_dim3A_440, %convert_element_type3A_451 : vector<16xf32>
    %swap3A_453 = arith.constant 16 : index
    %swap3A_454 = tpu.vector_load %arg15[%swap3A_453] {strides = array<i32>} : memref<128xf32, #tpu.memory_space<vmem>>, vector<16xf32>,
    tpu.vector_store %arg15[%swap3A_453], %div3A_452 {strides = array<i32>} : memref<128xf32, #tpu.memory_space<vmem>>, vector<16xf32>,
    %add3A_455 = arith.constant 32 : i32
    %add3A_456 = vector.broadcast %add3A_455 : i32 to vector<16xi32>
    %add3A_457 = arith.addi %iota3A, %add3A_456 : vector<16xi32>
    %gather3A_458 = tpu.vector_load_idx %arg6[%add3A_457, %broadcast_in_dim3A_438] : memref<128x22xi32, #tpu.memory_space<vmem>>[vector<16xi32>, vector<16xi32>], vector<16xi32>,
    %convert_element_type3A_459 = arith.sitofp %gather3A_458 : vector<16xi32> to vector<16xf32>
    %div3A_460 = arith.divf %broadcast_in_dim3A_440, %convert_element_type3A_459 : vector<16xf32>
    %swap3A_461 = arith.constant 32 : index
    %swap3A_462 = tpu.vector_load %arg15[%swap3A_461] {strides = array<i32>} : memref<128xf32, #tpu.memory_space<vmem>>, vector<16xf32>,
    tpu.vector_store %arg15[%swap3A_461], %div3A_460 {strides = array<i32>} : memref<128xf32, #tpu.memory_space<vmem>>, vector<16xf32>,
    %add3A_463 = arith.constant 48 : i32
    %add3A_464 = vector.broadcast %add3A_463 : i32 to vector<16xi32>
    %add3A_465 = arith.addi %iota3A, %add3A_464 : vector<16xi32>
    %gather3A_466 = tpu.vector_load_idx %arg6[%add3A_465, %broadcast_in_dim3A_438] : memref<128x22xi32, #tpu.memory_space<vmem>>[vector<16xi32>, vector<16xi32>], vector<16xi32>,
    %convert_element_type3A_467 = arith.sitofp %gather3A_466 : vector<16xi32> to vector<16xf32>
    %div3A_468 = arith.divf %broadcast_in_dim3A_440, %convert_element_type3A_467 : vector<16xf32>
    %swap3A_469 = arith.constant 48 : index
    %swap3A_470 = tpu.vector_load %arg15[%swap3A_469] {strides = array<i32>} : memref<128xf32, #tpu.memory_space<vmem>>, vector<16xf32>,
    tpu.vector_store %arg15[%swap3A_469], %div3A_468 {strides = array<i32>} : memref<128xf32, #tpu.memory_space<vmem>>, vector<16xf32>,
    %add3A_471 = arith.constant 64 : i32
    %add3A_472 = vector.broadcast %add3A_471 : i32 to vector<16xi32>
    %add3A_473 = arith.addi %iota3A, %add3A_472 : vector<16xi32>
    %gather3A_474 = tpu.vector_load_idx %arg6[%add3A_473, %broadcast_in_dim3A_438] : memref<128x22xi32, #tpu.memory_space<vmem>>[vector<16xi32>, vector<16xi32>], vector<16xi32>,
    %convert_element_type3A_475 = arith.sitofp %gather3A_474 : vector<16xi32> to vector<16xf32>
    %div3A_476 = arith.divf %broadcast_in_dim3A_440, %convert_element_type3A_475 : vector<16xf32>
    %swap3A_477 = arith.constant 64 : index
    %swap3A_478 = tpu.vector_load %arg15[%swap3A_477] {strides = array<i32>} : memref<128xf32, #tpu.memory_space<vmem>>, vector<16xf32>,
    tpu.vector_store %arg15[%swap3A_477], %div3A_476 {strides = array<i32>} : memref<128xf32, #tpu.memory_space<vmem>>, vector<16xf32>,
    %add3A_479 = arith.constant 80 : i32
    %add3A_480 = vector.broadcast %add3A_479 : i32 to vector<16xi32>
    %add3A_481 = arith.addi %iota3A, %add3A_480 : vector<16xi32>
    %gather3A_482 = tpu.vector_load_idx %arg6[%add3A_481, %broadcast_in_dim3A_438] : memref<128x22xi32, #tpu.memory_space<vmem>>[vector<16xi32>, vector<16xi32>], vector<16xi32>,
    %convert_element_type3A_483 = arith.sitofp %gather3A_482 : vector<16xi32> to vector<16xf32>
    %div3A_484 = arith.divf %broadcast_in_dim3A_440, %convert_element_type3A_483 : vector<16xf32>
    %swap3A_485 = arith.constant 80 : index
    %swap3A_486 = tpu.vector_load %arg15[%swap3A_485] {strides = array<i32>} : memref<128xf32, #tpu.memory_space<vmem>>, vector<16xf32>,
    tpu.vector_store %arg15[%swap3A_485], %div3A_484 {strides = array<i32>} : memref<128xf32, #tpu.memory_space<vmem>>, vector<16xf32>,
    %add3A_487 = arith.constant 96 : i32
    %add3A_488 = vector.broadcast %add3A_487 : i32 to vector<16xi32>
    %add3A_489 = arith.addi %iota3A, %add3A_488 : vector<16xi32>
    %gather3A_490 = tpu.vector_load_idx %arg6[%add3A_489, %broadcast_in_dim3A_438] : memref<128x22xi32, #tpu.memory_space<vmem>>[vector<16xi32>, vector<16xi32>], vector<16xi32>,
    %convert_element_type3A_491 = arith.sitofp %gather3A_490 : vector<16xi32> to vector<16xf32>
    %div3A_492 = arith.divf %broadcast_in_dim3A_440, %convert_element_type3A_491 : vector<16xf32>
    %swap3A_493 = arith.constant 96 : index
    %swap3A_494 = tpu.vector_load %arg15[%swap3A_493] {strides = array<i32>} : memref<128xf32, #tpu.memory_space<vmem>>, vector<16xf32>,
    tpu.vector_store %arg15[%swap3A_493], %div3A_492 {strides = array<i32>} : memref<128xf32, #tpu.memory_space<vmem>>, vector<16xf32>,
    %add3A_495 = arith.constant 112 : i32
    %add3A_496 = vector.broadcast %add3A_495 : i32 to vector<16xi32>
    %add3A_497 = arith.addi %iota3A, %add3A_496 : vector<16xi32>
    %gather3A_498 = tpu.vector_load_idx %arg6[%add3A_497, %broadcast_in_dim3A_438] : memref<128x22xi32, #tpu.memory_space<vmem>>[vector<16xi32>, vector<16xi32>], vector<16xi32>,
    %convert_element_type3A_499 = arith.sitofp %gather3A_498 : vector<16xi32> to vector<16xf32>
    %div3A_500 = arith.divf %broadcast_in_dim3A_440, %convert_element_type3A_499 : vector<16xf32>
    %swap3A_501 = arith.constant 112 : index
    %swap3A_502 = tpu.vector_load %arg15[%swap3A_501] {strides = array<i32>} : memref<128xf32, #tpu.memory_space<vmem>>, vector<16xf32>,
    tpu.vector_store %arg15[%swap3A_501], %div3A_500 {strides = array<i32>} : memref<128xf32, #tpu.memory_space<vmem>>, vector<16xf32>,
    %broadcast_in_dim3A_503 = arith.constant 17 : i32
    %broadcast_in_dim3A_504 = vector.broadcast %broadcast_in_dim3A_503 : i32 to vector<16xi32>
    %add3A_505 = arith.constant 0 : i32
    %add3A_506 = vector.broadcast %add3A_505 : i32 to vector<16xi32>
    %add3A_507 = arith.addi %iota3A, %add3A_506 : vector<16xi32>
    %gather3A_508 = tpu.vector_load_idx %arg6[%add3A_507, %broadcast_in_dim3A_504] : memref<128x22xi32, #tpu.memory_space<vmem>>[vector<16xi32>, vector<16xi32>], vector<16xi32>,
    %convert_element_type3A_509 = arith.sitofp %gather3A_508 : vector<16xi32> to vector<16xf32>
    %swap3A_510 = arith.constant 0 : index
    %swap3A_511 = tpu.vector_load %arg16[%swap3A_510] {strides = array<i32>} : memref<640xf32, #tpu.memory_space<vmem>>, vector<16xf32>,
    tpu.vector_store %arg16[%swap3A_510], %convert_element_type3A_509 {strides = array<i32>} : memref<640xf32, #tpu.memory_space<vmem>>, vector<16xf32>,
    %add3A_512 = arith.constant 16 : i32
    %add3A_513 = vector.broadcast %add3A_512 : i32 to vector<16xi32>
    %add3A_514 = arith.addi %iota3A, %add3A_513 : vector<16xi32>
    %gather3A_515 = tpu.vector_load_idx %arg6[%add3A_514, %broadcast_in_dim3A_504] : memref<128x22xi32, #tpu.memory_space<vmem>>[vector<16xi32>, vector<16xi32>], vector<16xi32>,
    %convert_element_type3A_516 = arith.sitofp %gather3A_515 : vector<16xi32> to vector<16xf32>
    %swap3A_517 = arith.constant 16 : index
    %swap3A_518 = tpu.vector_load %arg16[%swap3A_517] {strides = array<i32>} : memref<640xf32, #tpu.memory_space<vmem>>, vector<16xf32>,
    tpu.vector_store %arg16[%swap3A_517], %convert_element_type3A_516 {strides = array<i32>} : memref<640xf32, #tpu.memory_space<vmem>>, vector<16xf32>,
    %add3A_519 = arith.constant 32 : i32
    %add3A_520 = vector.broadcast %add3A_519 : i32 to vector<16xi32>
    %add3A_521 = arith.addi %iota3A, %add3A_520 : vector<16xi32>
    %gather3A_522 = tpu.vector_load_idx %arg6[%add3A_521, %broadcast_in_dim3A_504] : memref<128x22xi32, #tpu.memory_space<vmem>>[vector<16xi32>, vector<16xi32>], vector<16xi32>,
    %convert_element_type3A_523 = arith.sitofp %gather3A_522 : vector<16xi32> to vector<16xf32>
    %swap3A_524 = arith.constant 32 : index
    %swap3A_525 = tpu.vector_load %arg16[%swap3A_524] {strides = array<i32>} : memref<640xf32, #tpu.memory_space<vmem>>, vector<16xf32>,
    tpu.vector_store %arg16[%swap3A_524], %convert_element_type3A_523 {strides = array<i32>} : memref<640xf32, #tpu.memory_space<vmem>>, vector<16xf32>,
    %add3A_526 = arith.constant 48 : i32
    %add3A_527 = vector.broadcast %add3A_526 : i32 to vector<16xi32>
    %add3A_528 = arith.addi %iota3A, %add3A_527 : vector<16xi32>
    %gather3A_529 = tpu.vector_load_idx %arg6[%add3A_528, %broadcast_in_dim3A_504] : memref<128x22xi32, #tpu.memory_space<vmem>>[vector<16xi32>, vector<16xi32>], vector<16xi32>,
    %convert_element_type3A_530 = arith.sitofp %gather3A_529 : vector<16xi32> to vector<16xf32>
    %swap3A_531 = arith.constant 48 : index
    %swap3A_532 = tpu.vector_load %arg16[%swap3A_531] {strides = array<i32>} : memref<640xf32, #tpu.memory_space<vmem>>, vector<16xf32>,
    tpu.vector_store %arg16[%swap3A_531], %convert_element_type3A_530 {strides = array<i32>} : memref<640xf32, #tpu.memory_space<vmem>>, vector<16xf32>,
    %add3A_533 = arith.constant 64 : i32
    %add3A_534 = vector.broadcast %add3A_533 : i32 to vector<16xi32>
    %add3A_535 = arith.addi %iota3A, %add3A_534 : vector<16xi32>
    %gather3A_536 = tpu.vector_load_idx %arg6[%add3A_535, %broadcast_in_dim3A_504] : memref<128x22xi32, #tpu.memory_space<vmem>>[vector<16xi32>, vector<16xi32>], vector<16xi32>,
    %convert_element_type3A_537 = arith.sitofp %gather3A_536 : vector<16xi32> to vector<16xf32>
    %swap3A_538 = arith.constant 64 : index
    %swap3A_539 = tpu.vector_load %arg16[%swap3A_538] {strides = array<i32>} : memref<640xf32, #tpu.memory_space<vmem>>, vector<16xf32>,
    tpu.vector_store %arg16[%swap3A_538], %convert_element_type3A_537 {strides = array<i32>} : memref<640xf32, #tpu.memory_space<vmem>>, vector<16xf32>,
    %add3A_540 = arith.constant 80 : i32
    %add3A_541 = vector.broadcast %add3A_540 : i32 to vector<16xi32>
    %add3A_542 = arith.addi %iota3A, %add3A_541 : vector<16xi32>
    %gather3A_543 = tpu.vector_load_idx %arg6[%add3A_542, %broadcast_in_dim3A_504] : memref<128x22xi32, #tpu.memory_space<vmem>>[vector<16xi32>, vector<16xi32>], vector<16xi32>,
    %convert_element_type3A_544 = arith.sitofp %gather3A_543 : vector<16xi32> to vector<16xf32>
    %swap3A_545 = arith.constant 80 : index
    %swap3A_546 = tpu.vector_load %arg16[%swap3A_545] {strides = array<i32>} : memref<640xf32, #tpu.memory_space<vmem>>, vector<16xf32>,
    tpu.vector_store %arg16[%swap3A_545], %convert_element_type3A_544 {strides = array<i32>} : memref<640xf32, #tpu.memory_space<vmem>>, vector<16xf32>,
    %add3A_547 = arith.constant 96 : i32
    %add3A_548 = vector.broadcast %add3A_547 : i32 to vector<16xi32>
    %add3A_549 = arith.addi %iota3A, %add3A_548 : vector<16xi32>
    %gather3A_550 = tpu.vector_load_idx %arg6[%add3A_549, %broadcast_in_dim3A_504] : memref<128x22xi32, #tpu.memory_space<vmem>>[vector<16xi32>, vector<16xi32>], vector<16xi32>,
    %convert_element_type3A_551 = arith.sitofp %gather3A_550 : vector<16xi32> to vector<16xf32>
    %swap3A_552 = arith.constant 96 : index
    %swap3A_553 = tpu.vector_load %arg16[%swap3A_552] {strides = array<i32>} : memref<640xf32, #tpu.memory_space<vmem>>, vector<16xf32>,
    tpu.vector_store %arg16[%swap3A_552], %convert_element_type3A_551 {strides = array<i32>} : memref<640xf32, #tpu.memory_space<vmem>>, vector<16xf32>,
    %add3A_554 = arith.constant 112 : i32
    %add3A_555 = vector.broadcast %add3A_554 : i32 to vector<16xi32>
    %add3A_556 = arith.addi %iota3A, %add3A_555 : vector<16xi32>
    %gather3A_557 = tpu.vector_load_idx %arg6[%add3A_556, %broadcast_in_dim3A_504] : memref<128x22xi32, #tpu.memory_space<vmem>>[vector<16xi32>, vector<16xi32>], vector<16xi32>,
    %convert_element_type3A_558 = arith.sitofp %gather3A_557 : vector<16xi32> to vector<16xf32>
    %swap3A_559 = arith.constant 112 : index
    %swap3A_560 = tpu.vector_load %arg16[%swap3A_559] {strides = array<i32>} : memref<640xf32, #tpu.memory_space<vmem>>, vector<16xf32>,
    tpu.vector_store %arg16[%swap3A_559], %convert_element_type3A_558 {strides = array<i32>} : memref<640xf32, #tpu.memory_space<vmem>>, vector<16xf32>,
    %broadcast_in_dim3A_561 = arith.constant 18 : i32
    %broadcast_in_dim3A_562 = vector.broadcast %broadcast_in_dim3A_561 : i32 to vector<16xi32>
    %add3A_563 = arith.constant 0 : i32
    %add3A_564 = vector.broadcast %add3A_563 : i32 to vector<16xi32>
    %add3A_565 = arith.addi %iota3A, %add3A_564 : vector<16xi32>
    %gather3A_566 = tpu.vector_load_idx %arg6[%add3A_565, %broadcast_in_dim3A_562] : memref<128x22xi32, #tpu.memory_space<vmem>>[vector<16xi32>, vector<16xi32>], vector<16xi32>,
    %convert_element_type3A_567 = arith.sitofp %gather3A_566 : vector<16xi32> to vector<16xf32>
    %swap3A_568 = arith.constant 128 : index
    %swap3A_569 = tpu.vector_load %arg16[%swap3A_568] {strides = array<i32>} : memref<640xf32, #tpu.memory_space<vmem>>, vector<16xf32>,
    tpu.vector_store %arg16[%swap3A_568], %convert_element_type3A_567 {strides = array<i32>} : memref<640xf32, #tpu.memory_space<vmem>>, vector<16xf32>,
    %add3A_570 = arith.constant 16 : i32
    %add3A_571 = vector.broadcast %add3A_570 : i32 to vector<16xi32>
    %add3A_572 = arith.addi %iota3A, %add3A_571 : vector<16xi32>
    %gather3A_573 = tpu.vector_load_idx %arg6[%add3A_572, %broadcast_in_dim3A_562] : memref<128x22xi32, #tpu.memory_space<vmem>>[vector<16xi32>, vector<16xi32>], vector<16xi32>,
    %convert_element_type3A_574 = arith.sitofp %gather3A_573 : vector<16xi32> to vector<16xf32>
    %swap3A_575 = arith.constant 144 : index
    %swap3A_576 = tpu.vector_load %arg16[%swap3A_575] {strides = array<i32>} : memref<640xf32, #tpu.memory_space<vmem>>, vector<16xf32>,
    tpu.vector_store %arg16[%swap3A_575], %convert_element_type3A_574 {strides = array<i32>} : memref<640xf32, #tpu.memory_space<vmem>>, vector<16xf32>,
    %add3A_577 = arith.constant 32 : i32
    %add3A_578 = vector.broadcast %add3A_577 : i32 to vector<16xi32>
    %add3A_579 = arith.addi %iota3A, %add3A_578 : vector<16xi32>
    %gather3A_580 = tpu.vector_load_idx %arg6[%add3A_579, %broadcast_in_dim3A_562] : memref<128x22xi32, #tpu.memory_space<vmem>>[vector<16xi32>, vector<16xi32>], vector<16xi32>,
    %convert_element_type3A_581 = arith.sitofp %gather3A_580 : vector<16xi32> to vector<16xf32>
    %swap3A_582 = arith.constant 160 : index
    %swap3A_583 = tpu.vector_load %arg16[%swap3A_582] {strides = array<i32>} : memref<640xf32, #tpu.memory_space<vmem>>, vector<16xf32>,
    tpu.vector_store %arg16[%swap3A_582], %convert_element_type3A_581 {strides = array<i32>} : memref<640xf32, #tpu.memory_space<vmem>>, vector<16xf32>,
    %add3A_584 = arith.constant 48 : i32
    %add3A_585 = vector.broadcast %add3A_584 : i32 to vector<16xi32>
    %add3A_586 = arith.addi %iota3A, %add3A_585 : vector<16xi32>
    %gather3A_587 = tpu.vector_load_idx %arg6[%add3A_586, %broadcast_in_dim3A_562] : memref<128x22xi32, #tpu.memory_space<vmem>>[vector<16xi32>, vector<16xi32>], vector<16xi32>,
    %convert_element_type3A_588 = arith.sitofp %gather3A_587 : vector<16xi32> to vector<16xf32>
    %swap3A_589 = arith.constant 176 : index
    %swap3A_590 = tpu.vector_load %arg16[%swap3A_589] {strides = array<i32>} : memref<640xf32, #tpu.memory_space<vmem>>, vector<16xf32>,
    tpu.vector_store %arg16[%swap3A_589], %convert_element_type3A_588 {strides = array<i32>} : memref<640xf32, #tpu.memory_space<vmem>>, vector<16xf32>,
    %add3A_591 = arith.constant 64 : i32
    %add3A_592 = vector.broadcast %add3A_591 : i32 to vector<16xi32>
    %add3A_593 = arith.addi %iota3A, %add3A_592 : vector<16xi32>
    %gather3A_594 = tpu.vector_load_idx %arg6[%add3A_593, %broadcast_in_dim3A_562] : memref<128x22xi32, #tpu.memory_space<vmem>>[vector<16xi32>, vector<16xi32>], vector<16xi32>,
    %convert_element_type3A_595 = arith.sitofp %gather3A_594 : vector<16xi32> to vector<16xf32>
    %swap3A_596 = arith.constant 192 : index
    %swap3A_597 = tpu.vector_load %arg16[%swap3A_596] {strides = array<i32>} : memref<640xf32, #tpu.memory_space<vmem>>, vector<16xf32>,
    tpu.vector_store %arg16[%swap3A_596], %convert_element_type3A_595 {strides = array<i32>} : memref<640xf32, #tpu.memory_space<vmem>>, vector<16xf32>,
    %add3A_598 = arith.constant 80 : i32
    %add3A_599 = vector.broadcast %add3A_598 : i32 to vector<16xi32>
    %add3A_600 = arith.addi %iota3A, %add3A_599 : vector<16xi32>
    %gather3A_601 = tpu.vector_load_idx %arg6[%add3A_600, %broadcast_in_dim3A_562] : memref<128x22xi32, #tpu.memory_space<vmem>>[vector<16xi32>, vector<16xi32>], vector<16xi32>,
    %convert_element_type3A_602 = arith.sitofp %gather3A_601 : vector<16xi32> to vector<16xf32>
    %swap3A_603 = arith.constant 208 : index
    %swap3A_604 = tpu.vector_load %arg16[%swap3A_603] {strides = array<i32>} : memref<640xf32, #tpu.memory_space<vmem>>, vector<16xf32>,
    tpu.vector_store %arg16[%swap3A_603], %convert_element_type3A_602 {strides = array<i32>} : memref<640xf32, #tpu.memory_space<vmem>>, vector<16xf32>,
    %add3A_605 = arith.constant 96 : i32
    %add3A_606 = vector.broadcast %add3A_605 : i32 to vector<16xi32>
    %add3A_607 = arith.addi %iota3A, %add3A_606 : vector<16xi32>
    %gather3A_608 = tpu.vector_load_idx %arg6[%add3A_607, %broadcast_in_dim3A_562] : memref<128x22xi32, #tpu.memory_space<vmem>>[vector<16xi32>, vector<16xi32>], vector<16xi32>,
    %convert_element_type3A_609 = arith.sitofp %gather3A_608 : vector<16xi32> to vector<16xf32>
    %swap3A_610 = arith.constant 224 : index
    %swap3A_611 = tpu.vector_load %arg16[%swap3A_610] {strides = array<i32>} : memref<640xf32, #tpu.memory_space<vmem>>, vector<16xf32>,
    tpu.vector_store %arg16[%swap3A_610], %convert_element_type3A_609 {strides = array<i32>} : memref<640xf32, #tpu.memory_space<vmem>>, vector<16xf32>,
    %add3A_612 = arith.constant 112 : i32
    %add3A_613 = vector.broadcast %add3A_612 : i32 to vector<16xi32>
    %add3A_614 = arith.addi %iota3A, %add3A_613 : vector<16xi32>
    %gather3A_615 = tpu.vector_load_idx %arg6[%add3A_614, %broadcast_in_dim3A_562] : memref<128x22xi32, #tpu.memory_space<vmem>>[vector<16xi32>, vector<16xi32>], vector<16xi32>,
    %convert_element_type3A_616 = arith.sitofp %gather3A_615 : vector<16xi32> to vector<16xf32>
    %swap3A_617 = arith.constant 240 : index
    %swap3A_618 = tpu.vector_load %arg16[%swap3A_617] {strides = array<i32>} : memref<640xf32, #tpu.memory_space<vmem>>, vector<16xf32>,
    tpu.vector_store %arg16[%swap3A_617], %convert_element_type3A_616 {strides = array<i32>} : memref<640xf32, #tpu.memory_space<vmem>>, vector<16xf32>,
    %broadcast_in_dim3A_619 = arith.constant 19 : i32
    %broadcast_in_dim3A_620 = vector.broadcast %broadcast_in_dim3A_619 : i32 to vector<16xi32>
    %add3A_621 = arith.constant 0 : i32
    %add3A_622 = vector.broadcast %add3A_621 : i32 to vector<16xi32>
    %add3A_623 = arith.addi %iota3A, %add3A_622 : vector<16xi32>
    %gather3A_624 = tpu.vector_load_idx %arg6[%add3A_623, %broadcast_in_dim3A_620] : memref<128x22xi32, #tpu.memory_space<vmem>>[vector<16xi32>, vector<16xi32>], vector<16xi32>,
    %convert_element_type3A_625 = arith.sitofp %gather3A_624 : vector<16xi32> to vector<16xf32>
    %swap3A_626 = arith.constant 256 : index
    %swap3A_627 = tpu.vector_load %arg16[%swap3A_626] {strides = array<i32>} : memref<640xf32, #tpu.memory_space<vmem>>, vector<16xf32>,
    tpu.vector_store %arg16[%swap3A_626], %convert_element_type3A_625 {strides = array<i32>} : memref<640xf32, #tpu.memory_space<vmem>>, vector<16xf32>,
    %add3A_628 = arith.constant 16 : i32
    %add3A_629 = vector.broadcast %add3A_628 : i32 to vector<16xi32>
    %add3A_630 = arith.addi %iota3A, %add3A_629 : vector<16xi32>
    %gather3A_631 = tpu.vector_load_idx %arg6[%add3A_630, %broadcast_in_dim3A_620] : memref<128x22xi32, #tpu.memory_space<vmem>>[vector<16xi32>, vector<16xi32>], vector<16xi32>,
    %convert_element_type3A_632 = arith.sitofp %gather3A_631 : vector<16xi32> to vector<16xf32>
    %swap3A_633 = arith.constant 272 : index
    %swap3A_634 = tpu.vector_load %arg16[%swap3A_633] {strides = array<i32>} : memref<640xf32, #tpu.memory_space<vmem>>, vector<16xf32>,
    tpu.vector_store %arg16[%swap3A_633], %convert_element_type3A_632 {strides = array<i32>} : memref<640xf32, #tpu.memory_space<vmem>>, vector<16xf32>,
    %add3A_635 = arith.constant 32 : i32
    %add3A_636 = vector.broadcast %add3A_635 : i32 to vector<16xi32>
    %add3A_637 = arith.addi %iota3A, %add3A_636 : vector<16xi32>
    %gather3A_638 = tpu.vector_load_idx %arg6[%add3A_637, %broadcast_in_dim3A_620] : memref<128x22xi32, #tpu.memory_space<vmem>>[vector<16xi32>, vector<16xi32>], vector<16xi32>,
    %convert_element_type3A_639 = arith.sitofp %gather3A_638 : vector<16xi32> to vector<16xf32>
    %swap3A_640 = arith.constant 288 : index
    %swap3A_641 = tpu.vector_load %arg16[%swap3A_640] {strides = array<i32>} : memref<640xf32, #tpu.memory_space<vmem>>, vector<16xf32>,
    tpu.vector_store %arg16[%swap3A_640], %convert_element_type3A_639 {strides = array<i32>} : memref<640xf32, #tpu.memory_space<vmem>>, vector<16xf32>,
    %add3A_642 = arith.constant 48 : i32
    %add3A_643 = vector.broadcast %add3A_642 : i32 to vector<16xi32>
    %add3A_644 = arith.addi %iota3A, %add3A_643 : vector<16xi32>
    %gather3A_645 = tpu.vector_load_idx %arg6[%add3A_644, %broadcast_in_dim3A_620] : memref<128x22xi32, #tpu.memory_space<vmem>>[vector<16xi32>, vector<16xi32>], vector<16xi32>,
    %convert_element_type3A_646 = arith.sitofp %gather3A_645 : vector<16xi32> to vector<16xf32>
    %swap3A_647 = arith.constant 304 : index
    %swap3A_648 = tpu.vector_load %arg16[%swap3A_647] {strides = array<i32>} : memref<640xf32, #tpu.memory_space<vmem>>, vector<16xf32>,
    tpu.vector_store %arg16[%swap3A_647], %convert_element_type3A_646 {strides = array<i32>} : memref<640xf32, #tpu.memory_space<vmem>>, vector<16xf32>,
    %add3A_649 = arith.constant 64 : i32
    %add3A_650 = vector.broadcast %add3A_649 : i32 to vector<16xi32>
    %add3A_651 = arith.addi %iota3A, %add3A_650 : vector<16xi32>
    %gather3A_652 = tpu.vector_load_idx %arg6[%add3A_651, %broadcast_in_dim3A_620] : memref<128x22xi32, #tpu.memory_space<vmem>>[vector<16xi32>, vector<16xi32>], vector<16xi32>,
    %convert_element_type3A_653 = arith.sitofp %gather3A_652 : vector<16xi32> to vector<16xf32>
    %swap3A_654 = arith.constant 320 : index
    %swap3A_655 = tpu.vector_load %arg16[%swap3A_654] {strides = array<i32>} : memref<640xf32, #tpu.memory_space<vmem>>, vector<16xf32>,
    tpu.vector_store %arg16[%swap3A_654], %convert_element_type3A_653 {strides = array<i32>} : memref<640xf32, #tpu.memory_space<vmem>>, vector<16xf32>,
    %add3A_656 = arith.constant 80 : i32
    %add3A_657 = vector.broadcast %add3A_656 : i32 to vector<16xi32>
    %add3A_658 = arith.addi %iota3A, %add3A_657 : vector<16xi32>
    %gather3A_659 = tpu.vector_load_idx %arg6[%add3A_658, %broadcast_in_dim3A_620] : memref<128x22xi32, #tpu.memory_space<vmem>>[vector<16xi32>, vector<16xi32>], vector<16xi32>,
    %convert_element_type3A_660 = arith.sitofp %gather3A_659 : vector<16xi32> to vector<16xf32>
    %swap3A_661 = arith.constant 336 : index
    %swap3A_662 = tpu.vector_load %arg16[%swap3A_661] {strides = array<i32>} : memref<640xf32, #tpu.memory_space<vmem>>, vector<16xf32>,
    tpu.vector_store %arg16[%swap3A_661], %convert_element_type3A_660 {strides = array<i32>} : memref<640xf32, #tpu.memory_space<vmem>>, vector<16xf32>,
    %add3A_663 = arith.constant 96 : i32
    %add3A_664 = vector.broadcast %add3A_663 : i32 to vector<16xi32>
    %add3A_665 = arith.addi %iota3A, %add3A_664 : vector<16xi32>
    %gather3A_666 = tpu.vector_load_idx %arg6[%add3A_665, %broadcast_in_dim3A_620] : memref<128x22xi32, #tpu.memory_space<vmem>>[vector<16xi32>, vector<16xi32>], vector<16xi32>,
    %convert_element_type3A_667 = arith.sitofp %gather3A_666 : vector<16xi32> to vector<16xf32>
    %swap3A_668 = arith.constant 352 : index
    %swap3A_669 = tpu.vector_load %arg16[%swap3A_668] {strides = array<i32>} : memref<640xf32, #tpu.memory_space<vmem>>, vector<16xf32>,
    tpu.vector_store %arg16[%swap3A_668], %convert_element_type3A_667 {strides = array<i32>} : memref<640xf32, #tpu.memory_space<vmem>>, vector<16xf32>,
    %add3A_670 = arith.constant 112 : i32
    %add3A_671 = vector.broadcast %add3A_670 : i32 to vector<16xi32>
    %add3A_672 = arith.addi %iota3A, %add3A_671 : vector<16xi32>
    %gather3A_673 = tpu.vector_load_idx %arg6[%add3A_672, %broadcast_in_dim3A_620] : memref<128x22xi32, #tpu.memory_space<vmem>>[vector<16xi32>, vector<16xi32>], vector<16xi32>,
    %convert_element_type3A_674 = arith.sitofp %gather3A_673 : vector<16xi32> to vector<16xf32>
    %swap3A_675 = arith.constant 368 : index
    %swap3A_676 = tpu.vector_load %arg16[%swap3A_675] {strides = array<i32>} : memref<640xf32, #tpu.memory_space<vmem>>, vector<16xf32>,
    tpu.vector_store %arg16[%swap3A_675], %convert_element_type3A_674 {strides = array<i32>} : memref<640xf32, #tpu.memory_space<vmem>>, vector<16xf32>,
    %broadcast_in_dim3A_677 = arith.constant 20 : i32
    %broadcast_in_dim3A_678 = vector.broadcast %broadcast_in_dim3A_677 : i32 to vector<16xi32>
    %add3A_679 = arith.constant 0 : i32
    %add3A_680 = vector.broadcast %add3A_679 : i32 to vector<16xi32>
    %add3A_681 = arith.addi %iota3A, %add3A_680 : vector<16xi32>
    %gather3A_682 = tpu.vector_load_idx %arg6[%add3A_681, %broadcast_in_dim3A_678] : memref<128x22xi32, #tpu.memory_space<vmem>>[vector<16xi32>, vector<16xi32>], vector<16xi32>,
    %convert_element_type3A_683 = arith.sitofp %gather3A_682 : vector<16xi32> to vector<16xf32>
    %swap3A_684 = arith.constant 384 : index
    %swap3A_685 = tpu.vector_load %arg16[%swap3A_684] {strides = array<i32>} : memref<640xf32, #tpu.memory_space<vmem>>, vector<16xf32>,
    tpu.vector_store %arg16[%swap3A_684], %convert_element_type3A_683 {strides = array<i32>} : memref<640xf32, #tpu.memory_space<vmem>>, vector<16xf32>,
    %add3A_686 = arith.constant 16 : i32
    %add3A_687 = vector.broadcast %add3A_686 : i32 to vector<16xi32>
    %add3A_688 = arith.addi %iota3A, %add3A_687 : vector<16xi32>
    %gather3A_689 = tpu.vector_load_idx %arg6[%add3A_688, %broadcast_in_dim3A_678] : memref<128x22xi32, #tpu.memory_space<vmem>>[vector<16xi32>, vector<16xi32>], vector<16xi32>,
    %convert_element_type3A_690 = arith.sitofp %gather3A_689 : vector<16xi32> to vector<16xf32>
    %swap3A_691 = arith.constant 400 : index
    %swap3A_692 = tpu.vector_load %arg16[%swap3A_691] {strides = array<i32>} : memref<640xf32, #tpu.memory_space<vmem>>, vector<16xf32>,
    tpu.vector_store %arg16[%swap3A_691], %convert_element_type3A_690 {strides = array<i32>} : memref<640xf32, #tpu.memory_space<vmem>>, vector<16xf32>,
    %add3A_693 = arith.constant 32 : i32
    %add3A_694 = vector.broadcast %add3A_693 : i32 to vector<16xi32>
    %add3A_695 = arith.addi %iota3A, %add3A_694 : vector<16xi32>
    %gather3A_696 = tpu.vector_load_idx %arg6[%add3A_695, %broadcast_in_dim3A_678] : memref<128x22xi32, #tpu.memory_space<vmem>>[vector<16xi32>, vector<16xi32>], vector<16xi32>,
    %convert_element_type3A_697 = arith.sitofp %gather3A_696 : vector<16xi32> to vector<16xf32>
    %swap3A_698 = arith.constant 416 : index
    %swap3A_699 = tpu.vector_load %arg16[%swap3A_698] {strides = array<i32>} : memref<640xf32, #tpu.memory_space<vmem>>, vector<16xf32>,
    tpu.vector_store %arg16[%swap3A_698], %convert_element_type3A_697 {strides = array<i32>} : memref<640xf32, #tpu.memory_space<vmem>>, vector<16xf32>,
    %add3A_700 = arith.constant 48 : i32
    %add3A_701 = vector.broadcast %add3A_700 : i32 to vector<16xi32>
    %add3A_702 = arith.addi %iota3A, %add3A_701 : vector<16xi32>
    %gather3A_703 = tpu.vector_load_idx %arg6[%add3A_702, %broadcast_in_dim3A_678] : memref<128x22xi32, #tpu.memory_space<vmem>>[vector<16xi32>, vector<16xi32>], vector<16xi32>,
    %convert_element_type3A_704 = arith.sitofp %gather3A_703 : vector<16xi32> to vector<16xf32>
    %swap3A_705 = arith.constant 432 : index
    %swap3A_706 = tpu.vector_load %arg16[%swap3A_705] {strides = array<i32>} : memref<640xf32, #tpu.memory_space<vmem>>, vector<16xf32>,
    tpu.vector_store %arg16[%swap3A_705], %convert_element_type3A_704 {strides = array<i32>} : memref<640xf32, #tpu.memory_space<vmem>>, vector<16xf32>,
    %add3A_707 = arith.constant 64 : i32
    %add3A_708 = vector.broadcast %add3A_707 : i32 to vector<16xi32>
    %add3A_709 = arith.addi %iota3A, %add3A_708 : vector<16xi32>
    %gather3A_710 = tpu.vector_load_idx %arg6[%add3A_709, %broadcast_in_dim3A_678] : memref<128x22xi32, #tpu.memory_space<vmem>>[vector<16xi32>, vector<16xi32>], vector<16xi32>,
    %convert_element_type3A_711 = arith.sitofp %gather3A_710 : vector<16xi32> to vector<16xf32>
    %swap3A_712 = arith.constant 448 : index
    %swap3A_713 = tpu.vector_load %arg16[%swap3A_712] {strides = array<i32>} : memref<640xf32, #tpu.memory_space<vmem>>, vector<16xf32>,
    tpu.vector_store %arg16[%swap3A_712], %convert_element_type3A_711 {strides = array<i32>} : memref<640xf32, #tpu.memory_space<vmem>>, vector<16xf32>,
    %add3A_714 = arith.constant 80 : i32
    %add3A_715 = vector.broadcast %add3A_714 : i32 to vector<16xi32>
    %add3A_716 = arith.addi %iota3A, %add3A_715 : vector<16xi32>
    %gather3A_717 = tpu.vector_load_idx %arg6[%add3A_716, %broadcast_in_dim3A_678] : memref<128x22xi32, #tpu.memory_space<vmem>>[vector<16xi32>, vector<16xi32>], vector<16xi32>,
    %convert_element_type3A_718 = arith.sitofp %gather3A_717 : vector<16xi32> to vector<16xf32>
    %swap3A_719 = arith.constant 464 : index
    %swap3A_720 = tpu.vector_load %arg16[%swap3A_719] {strides = array<i32>} : memref<640xf32, #tpu.memory_space<vmem>>, vector<16xf32>,
    tpu.vector_store %arg16[%swap3A_719], %convert_element_type3A_718 {strides = array<i32>} : memref<640xf32, #tpu.memory_space<vmem>>, vector<16xf32>,
    %add3A_721 = arith.constant 96 : i32
    %add3A_722 = vector.broadcast %add3A_721 : i32 to vector<16xi32>
    %add3A_723 = arith.addi %iota3A, %add3A_722 : vector<16xi32>
    %gather3A_724 = tpu.vector_load_idx %arg6[%add3A_723, %broadcast_in_dim3A_678] : memref<128x22xi32, #tpu.memory_space<vmem>>[vector<16xi32>, vector<16xi32>], vector<16xi32>,
    %convert_element_type3A_725 = arith.sitofp %gather3A_724 : vector<16xi32> to vector<16xf32>
    %swap3A_726 = arith.constant 480 : index
    %swap3A_727 = tpu.vector_load %arg16[%swap3A_726] {strides = array<i32>} : memref<640xf32, #tpu.memory_space<vmem>>, vector<16xf32>,
    tpu.vector_store %arg16[%swap3A_726], %convert_element_type3A_725 {strides = array<i32>} : memref<640xf32, #tpu.memory_space<vmem>>, vector<16xf32>,
    %add3A_728 = arith.constant 112 : i32
    %add3A_729 = vector.broadcast %add3A_728 : i32 to vector<16xi32>
    %add3A_730 = arith.addi %iota3A, %add3A_729 : vector<16xi32>
    %gather3A_731 = tpu.vector_load_idx %arg6[%add3A_730, %broadcast_in_dim3A_678] : memref<128x22xi32, #tpu.memory_space<vmem>>[vector<16xi32>, vector<16xi32>], vector<16xi32>,
    %convert_element_type3A_732 = arith.sitofp %gather3A_731 : vector<16xi32> to vector<16xf32>
    %swap3A_733 = arith.constant 496 : index
    %swap3A_734 = tpu.vector_load %arg16[%swap3A_733] {strides = array<i32>} : memref<640xf32, #tpu.memory_space<vmem>>, vector<16xf32>,
    tpu.vector_store %arg16[%swap3A_733], %convert_element_type3A_732 {strides = array<i32>} : memref<640xf32, #tpu.memory_space<vmem>>, vector<16xf32>,
    %broadcast_in_dim3A_735 = arith.constant 21 : i32
    %broadcast_in_dim3A_736 = vector.broadcast %broadcast_in_dim3A_735 : i32 to vector<16xi32>
    %add3A_737 = arith.constant 0 : i32
    %add3A_738 = vector.broadcast %add3A_737 : i32 to vector<16xi32>
    %add3A_739 = arith.addi %iota3A, %add3A_738 : vector<16xi32>
    %gather3A_740 = tpu.vector_load_idx %arg6[%add3A_739, %broadcast_in_dim3A_736] : memref<128x22xi32, #tpu.memory_space<vmem>>[vector<16xi32>, vector<16xi32>], vector<16xi32>,
    %convert_element_type3A_741 = arith.sitofp %gather3A_740 : vector<16xi32> to vector<16xf32>
    %swap3A_742 = arith.constant 512 : index
    %swap3A_743 = tpu.vector_load %arg16[%swap3A_742] {strides = array<i32>} : memref<640xf32, #tpu.memory_space<vmem>>, vector<16xf32>,
    tpu.vector_store %arg16[%swap3A_742], %convert_element_type3A_741 {strides = array<i32>} : memref<640xf32, #tpu.memory_space<vmem>>, vector<16xf32>,
    %add3A_744 = arith.constant 16 : i32
    %add3A_745 = vector.broadcast %add3A_744 : i32 to vector<16xi32>
    %add3A_746 = arith.addi %iota3A, %add3A_745 : vector<16xi32>
    %gather3A_747 = tpu.vector_load_idx %arg6[%add3A_746, %broadcast_in_dim3A_736] : memref<128x22xi32, #tpu.memory_space<vmem>>[vector<16xi32>, vector<16xi32>], vector<16xi32>,
    %convert_element_type3A_748 = arith.sitofp %gather3A_747 : vector<16xi32> to vector<16xf32>
    %swap3A_749 = arith.constant 528 : index
    %swap3A_750 = tpu.vector_load %arg16[%swap3A_749] {strides = array<i32>} : memref<640xf32, #tpu.memory_space<vmem>>, vector<16xf32>,
    tpu.vector_store %arg16[%swap3A_749], %convert_element_type3A_748 {strides = array<i32>} : memref<640xf32, #tpu.memory_space<vmem>>, vector<16xf32>,
    %add3A_751 = arith.constant 32 : i32
    %add3A_752 = vector.broadcast %add3A_751 : i32 to vector<16xi32>
    %add3A_753 = arith.addi %iota3A, %add3A_752 : vector<16xi32>
    %gather3A_754 = tpu.vector_load_idx %arg6[%add3A_753, %broadcast_in_dim3A_736] : memref<128x22xi32, #tpu.memory_space<vmem>>[vector<16xi32>, vector<16xi32>], vector<16xi32>,
    %convert_element_type3A_755 = arith.sitofp %gather3A_754 : vector<16xi32> to vector<16xf32>
    %swap3A_756 = arith.constant 544 : index
    %swap3A_757 = tpu.vector_load %arg16[%swap3A_756] {strides = array<i32>} : memref<640xf32, #tpu.memory_space<vmem>>, vector<16xf32>,
    tpu.vector_store %arg16[%swap3A_756], %convert_element_type3A_755 {strides = array<i32>} : memref<640xf32, #tpu.memory_space<vmem>>, vector<16xf32>,
    %add3A_758 = arith.constant 48 : i32
    %add3A_759 = vector.broadcast %add3A_758 : i32 to vector<16xi32>
    %add3A_760 = arith.addi %iota3A, %add3A_759 : vector<16xi32>
    %gather3A_761 = tpu.vector_load_idx %arg6[%add3A_760, %broadcast_in_dim3A_736] : memref<128x22xi32, #tpu.memory_space<vmem>>[vector<16xi32>, vector<16xi32>], vector<16xi32>,
    %convert_element_type3A_762 = arith.sitofp %gather3A_761 : vector<16xi32> to vector<16xf32>
    %swap3A_763 = arith.constant 560 : index
    %swap3A_764 = tpu.vector_load %arg16[%swap3A_763] {strides = array<i32>} : memref<640xf32, #tpu.memory_space<vmem>>, vector<16xf32>,
    tpu.vector_store %arg16[%swap3A_763], %convert_element_type3A_762 {strides = array<i32>} : memref<640xf32, #tpu.memory_space<vmem>>, vector<16xf32>,
    %add3A_765 = arith.constant 64 : i32
    %add3A_766 = vector.broadcast %add3A_765 : i32 to vector<16xi32>
    %add3A_767 = arith.addi %iota3A, %add3A_766 : vector<16xi32>
    %gather3A_768 = tpu.vector_load_idx %arg6[%add3A_767, %broadcast_in_dim3A_736] : memref<128x22xi32, #tpu.memory_space<vmem>>[vector<16xi32>, vector<16xi32>], vector<16xi32>,
    %convert_element_type3A_769 = arith.sitofp %gather3A_768 : vector<16xi32> to vector<16xf32>
    %swap3A_770 = arith.constant 576 : index
    %swap3A_771 = tpu.vector_load %arg16[%swap3A_770] {strides = array<i32>} : memref<640xf32, #tpu.memory_space<vmem>>, vector<16xf32>,
    tpu.vector_store %arg16[%swap3A_770], %convert_element_type3A_769 {strides = array<i32>} : memref<640xf32, #tpu.memory_space<vmem>>, vector<16xf32>,
    %add3A_772 = arith.constant 80 : i32
    %add3A_773 = vector.broadcast %add3A_772 : i32 to vector<16xi32>
    %add3A_774 = arith.addi %iota3A, %add3A_773 : vector<16xi32>
    %gather3A_775 = tpu.vector_load_idx %arg6[%add3A_774, %broadcast_in_dim3A_736] : memref<128x22xi32, #tpu.memory_space<vmem>>[vector<16xi32>, vector<16xi32>], vector<16xi32>,
    %convert_element_type3A_776 = arith.sitofp %gather3A_775 : vector<16xi32> to vector<16xf32>
    %swap3A_777 = arith.constant 592 : index
    %swap3A_778 = tpu.vector_load %arg16[%swap3A_777] {strides = array<i32>} : memref<640xf32, #tpu.memory_space<vmem>>, vector<16xf32>,
    tpu.vector_store %arg16[%swap3A_777], %convert_element_type3A_776 {strides = array<i32>} : memref<640xf32, #tpu.memory_space<vmem>>, vector<16xf32>,
    %add3A_779 = arith.constant 96 : i32
    %add3A_780 = vector.broadcast %add3A_779 : i32 to vector<16xi32>
    %add3A_781 = arith.addi %iota3A, %add3A_780 : vector<16xi32>
    %gather3A_782 = tpu.vector_load_idx %arg6[%add3A_781, %broadcast_in_dim3A_736] : memref<128x22xi32, #tpu.memory_space<vmem>>[vector<16xi32>, vector<16xi32>], vector<16xi32>,
    %convert_element_type3A_783 = arith.sitofp %gather3A_782 : vector<16xi32> to vector<16xf32>
    %swap3A_784 = arith.constant 608 : index
    %swap3A_785 = tpu.vector_load %arg16[%swap3A_784] {strides = array<i32>} : memref<640xf32, #tpu.memory_space<vmem>>, vector<16xf32>,
    tpu.vector_store %arg16[%swap3A_784], %convert_element_type3A_783 {strides = array<i32>} : memref<640xf32, #tpu.memory_space<vmem>>, vector<16xf32>,
    %add3A_786 = arith.constant 112 : i32
    %add3A_787 = vector.broadcast %add3A_786 : i32 to vector<16xi32>
    %add3A_788 = arith.addi %iota3A, %add3A_787 : vector<16xi32>
    %gather3A_789 = tpu.vector_load_idx %arg6[%add3A_788, %broadcast_in_dim3A_736] : memref<128x22xi32, #tpu.memory_space<vmem>>[vector<16xi32>, vector<16xi32>], vector<16xi32>,
    %convert_element_type3A_790 = arith.sitofp %gather3A_789 : vector<16xi32> to vector<16xf32>
    %swap3A_791 = arith.constant 624 : index
    %swap3A_792 = tpu.vector_load %arg16[%swap3A_791] {strides = array<i32>} : memref<640xf32, #tpu.memory_space<vmem>>, vector<16xf32>,
    tpu.vector_store %arg16[%swap3A_791], %convert_element_type3A_790 {strides = array<i32>} : memref<640xf32, #tpu.memory_space<vmem>>, vector<16xf32>,
    %dma_wait3A = arith.constant 0 : i32
    %dma_wait3A_793 = arith.constant 0 : i32
    %dma_wait3A_794 = tpu.memref_slice %arg7[%dma_wait3A, %dma_wait3A_793] : memref<6x128xi32, #tpu.memory_space<vmem>> -> memref<1x128xi32, #tpu.memory_space<vmem>>
    %dma_wait3A_795 = tpu.memref_squeeze %dma_wait3A_794 : memref<1x128xi32, #tpu.memory_space<vmem>> -> memref<128xi32, #tpu.memory_space<vmem>>
    %dma_wait3A_796 = arith.constant 0 : i32
    %dma_wait3A_797 = arith.constant 0 : i32
    %dma_wait3A_798 = tpu.memref_slice %arg3[%dma_wait3A_796, %dma_wait3A_797] : memref<100000x64xf32, #tpu.memory_space<hbm>> -> memref<100000x64xf32, #tpu.memory_space<hbm>>
    tpu.wait_indirect_dma semaphore(%arg18 : memref<!tpu.dma_semaphore, #tpu.memory_space<semaphore_mem>>) src(%dma_wait3A_798 : memref<100000x64xf32, #tpu.memory_space<hbm>>) dst(%arg9 : memref<128x64xf32, #tpu.memory_space<vmem>>)
    %dma_wait3A_799 = arith.constant 1 : i32
    %dma_wait3A_800 = arith.constant 0 : i32
    %dma_wait3A_801 = tpu.memref_slice %arg7[%dma_wait3A_799, %dma_wait3A_800] : memref<6x128xi32, #tpu.memory_space<vmem>> -> memref<1x128xi32, #tpu.memory_space<vmem>>
    %dma_wait3A_802 = tpu.memref_squeeze %dma_wait3A_801 : memref<1x128xi32, #tpu.memory_space<vmem>> -> memref<128xi32, #tpu.memory_space<vmem>>
    %dma_wait3A_803 = arith.constant 0 : i32
    %dma_wait3A_804 = arith.constant 0 : i32
    %dma_wait3A_805 = tpu.memref_slice %arg3[%dma_wait3A_803, %dma_wait3A_804] : memref<100000x64xf32, #tpu.memory_space<hbm>> -> memref<100000x64xf32, #tpu.memory_space<hbm>>
    tpu.wait_indirect_dma semaphore(%arg19 : memref<!tpu.dma_semaphore, #tpu.memory_space<semaphore_mem>>) src(%dma_wait3A_805 : memref<100000x64xf32, #tpu.memory_space<hbm>>) dst(%arg10 : memref<128x64xf32, #tpu.memory_space<vmem>>)
    %dma_wait3A_806 = arith.constant 2 : i32
    %dma_wait3A_807 = arith.constant 0 : i32
    %dma_wait3A_808 = tpu.memref_slice %arg7[%dma_wait3A_806, %dma_wait3A_807] : memref<6x128xi32, #tpu.memory_space<vmem>> -> memref<1x128xi32, #tpu.memory_space<vmem>>
    %dma_wait3A_809 = tpu.memref_squeeze %dma_wait3A_808 : memref<1x128xi32, #tpu.memory_space<vmem>> -> memref<128xi32, #tpu.memory_space<vmem>>
    %dma_wait3A_810 = arith.constant 0 : i32
    %dma_wait3A_811 = arith.constant 0 : i32
    %dma_wait3A_812 = tpu.memref_slice %arg3[%dma_wait3A_810, %dma_wait3A_811] : memref<100000x64xf32, #tpu.memory_space<hbm>> -> memref<100000x64xf32, #tpu.memory_space<hbm>>
    tpu.wait_indirect_dma semaphore(%arg20 : memref<!tpu.dma_semaphore, #tpu.memory_space<semaphore_mem>>) src(%dma_wait3A_812 : memref<100000x64xf32, #tpu.memory_space<hbm>>) dst(%arg11 : memref<128x64xf32, #tpu.memory_space<vmem>>)
    %dma_wait3A_813 = arith.constant 3 : i32
    %dma_wait3A_814 = arith.constant 0 : i32
    %dma_wait3A_815 = tpu.memref_slice %arg7[%dma_wait3A_813, %dma_wait3A_814] : memref<6x128xi32, #tpu.memory_space<vmem>> -> memref<1x128xi32, #tpu.memory_space<vmem>>
    %dma_wait3A_816 = tpu.memref_squeeze %dma_wait3A_815 : memref<1x128xi32, #tpu.memory_space<vmem>> -> memref<128xi32, #tpu.memory_space<vmem>>
    %dma_wait3A_817 = arith.constant 0 : i32
    %dma_wait3A_818 = arith.constant 0 : i32
    %dma_wait3A_819 = tpu.memref_slice %arg3[%dma_wait3A_817, %dma_wait3A_818] : memref<100000x64xf32, #tpu.memory_space<hbm>> -> memref<100000x64xf32, #tpu.memory_space<hbm>>
    tpu.wait_indirect_dma semaphore(%arg21 : memref<!tpu.dma_semaphore, #tpu.memory_space<semaphore_mem>>) src(%dma_wait3A_819 : memref<100000x64xf32, #tpu.memory_space<hbm>>) dst(%arg12 : memref<128x64xf32, #tpu.memory_space<vmem>>)
    %dma_wait3A_820 = arith.constant 4 : i32
    %dma_wait3A_821 = arith.constant 0 : i32
    %dma_wait3A_822 = tpu.memref_slice %arg7[%dma_wait3A_820, %dma_wait3A_821] : memref<6x128xi32, #tpu.memory_space<vmem>> -> memref<1x128xi32, #tpu.memory_space<vmem>>
    %dma_wait3A_823 = tpu.memref_squeeze %dma_wait3A_822 : memref<1x128xi32, #tpu.memory_space<vmem>> -> memref<128xi32, #tpu.memory_space<vmem>>
    %dma_wait3A_824 = arith.constant 0 : i32
    %dma_wait3A_825 = arith.constant 0 : i32
    %dma_wait3A_826 = tpu.memref_slice %arg3[%dma_wait3A_824, %dma_wait3A_825] : memref<100000x64xf32, #tpu.memory_space<hbm>> -> memref<100000x64xf32, #tpu.memory_space<hbm>>
    tpu.wait_indirect_dma semaphore(%arg22 : memref<!tpu.dma_semaphore, #tpu.memory_space<semaphore_mem>>) src(%dma_wait3A_826 : memref<100000x64xf32, #tpu.memory_space<hbm>>) dst(%arg13 : memref<128x64xf32, #tpu.memory_space<vmem>>)
    %dma_wait3A_827 = arith.constant 5 : i32
    %dma_wait3A_828 = arith.constant 0 : i32
    %dma_wait3A_829 = tpu.memref_slice %arg7[%dma_wait3A_827, %dma_wait3A_828] : memref<6x128xi32, #tpu.memory_space<vmem>> -> memref<1x128xi32, #tpu.memory_space<vmem>>
    %dma_wait3A_830 = tpu.memref_squeeze %dma_wait3A_829 : memref<1x128xi32, #tpu.memory_space<vmem>> -> memref<128xi32, #tpu.memory_space<vmem>>
    %dma_wait3A_831 = arith.constant 0 : i32
    %dma_wait3A_832 = arith.constant 0 : i32
    %dma_wait3A_833 = tpu.memref_slice %arg3[%dma_wait3A_831, %dma_wait3A_832] : memref<100000x64xf32, #tpu.memory_space<hbm>> -> memref<100000x64xf32, #tpu.memory_space<hbm>>
    tpu.wait_indirect_dma semaphore(%arg23 : memref<!tpu.dma_semaphore, #tpu.memory_space<semaphore_mem>>) src(%dma_wait3A_833 : memref<100000x64xf32, #tpu.memory_space<hbm>>) dst(%arg14 : memref<128x64xf32, #tpu.memory_space<vmem>>)
    %broadcast_in_dim3A_834 = arith.constant 0.000000e+00 : f32
    %broadcast_in_dim3A_835 = vector.broadcast %broadcast_in_dim3A_834 : f32 to vector<16xf32>
    %add3A_836 = arith.constant 0 : i32
    %add3A_837 = vector.broadcast %add3A_836 : i32 to vector<16xi32>
    %add3A_838 = arith.addi %iota3A, %add3A_837 : vector<16xi32>
    %scan3A = arith.constant 0 : i32
    %scan3A_839 = arith.constant 64 : i32
    %scan3A_840 = arith.addi %scan3A, %scan3A_839 : i32
    %scan3A_841 = arith.constant 1 : i32
    %scan3A_842:6 = scf.for %scan3A_1196 = %scan3A to %scan3A_840 step %scan3A_841 iter_args(%scan3A_1197 = %broadcast_in_dim3A_835, %scan3A_1198 = %broadcast_in_dim3A_835, %scan3A_1199 = %broadcast_in_dim3A_835, %scan3A_1200 = %broadcast_in_dim3A_835, %scan3A_1201 = %broadcast_in_dim3A_835, %scan3A_1202 = %broadcast_in_dim3A_835) -> (vector<16xf32>, vector<16xf32>, vector<16xf32>, vector<16xf32>, vector<16xf32>, vector<16xf32>)  : i32 {
      %broadcast_in_dim3A_1203 = vector.broadcast %scan3A_1196 : i32 to vector<16xi32>
      %gather3A_1204 = tpu.vector_load_idx %arg8[%add3A_838, %broadcast_in_dim3A_1203] : memref<128x64xf32, #tpu.memory_space<vmem>>[vector<16xi32>, vector<16xi32>], vector<16xf32>,
      %gather3A_1205 = tpu.vector_load_idx %arg9[%add3A_838, %broadcast_in_dim3A_1203] : memref<128x64xf32, #tpu.memory_space<vmem>>[vector<16xi32>, vector<16xi32>], vector<16xf32>,
      %mul3A_1206 = arith.mulf %gather3A_1204, %gather3A_1205 : vector<16xf32>
      %add3A_1207 = arith.addf %scan3A_1197, %mul3A_1206 : vector<16xf32>
      %gather3A_1208 = tpu.vector_load_idx %arg10[%add3A_838, %broadcast_in_dim3A_1203] : memref<128x64xf32, #tpu.memory_space<vmem>>[vector<16xi32>, vector<16xi32>], vector<16xf32>,
      %mul3A_1209 = arith.mulf %gather3A_1204, %gather3A_1208 : vector<16xf32>
      %add3A_1210 = arith.addf %scan3A_1198, %mul3A_1209 : vector<16xf32>
      %gather3A_1211 = tpu.vector_load_idx %arg11[%add3A_838, %broadcast_in_dim3A_1203] : memref<128x64xf32, #tpu.memory_space<vmem>>[vector<16xi32>, vector<16xi32>], vector<16xf32>,
      %mul3A_1212 = arith.mulf %gather3A_1204, %gather3A_1211 : vector<16xf32>
      %add3A_1213 = arith.addf %scan3A_1199, %mul3A_1212 : vector<16xf32>
      %gather3A_1214 = tpu.vector_load_idx %arg12[%add3A_838, %broadcast_in_dim3A_1203] : memref<128x64xf32, #tpu.memory_space<vmem>>[vector<16xi32>, vector<16xi32>], vector<16xf32>,
      %mul3A_1215 = arith.mulf %gather3A_1204, %gather3A_1214 : vector<16xf32>
      %add3A_1216 = arith.addf %scan3A_1200, %mul3A_1215 : vector<16xf32>
      %gather3A_1217 = tpu.vector_load_idx %arg13[%add3A_838, %broadcast_in_dim3A_1203] : memref<128x64xf32, #tpu.memory_space<vmem>>[vector<16xi32>, vector<16xi32>], vector<16xf32>,
      %mul3A_1218 = arith.mulf %gather3A_1204, %gather3A_1217 : vector<16xf32>
      %add3A_1219 = arith.addf %scan3A_1201, %mul3A_1218 : vector<16xf32>
      %gather3A_1220 = tpu.vector_load_idx %arg14[%add3A_838, %broadcast_in_dim3A_1203] : memref<128x64xf32, #tpu.memory_space<vmem>>[vector<16xi32>, vector<16xi32>], vector<16xf32>,
      %mul3A_1221 = arith.mulf %gather3A_1204, %gather3A_1220 : vector<16xf32>
      %add3A_1222 = arith.addf %scan3A_1202, %mul3A_1221 : vector<16xf32>
      scf.yield %add3A_1207, %add3A_1210, %add3A_1213, %add3A_1216, %add3A_1219, %add3A_1222 : vector<16xf32>, vector<16xf32>, vector<16xf32>, vector<16xf32>, vector<16xf32>, vector<16xf32>
    }
    %scan3A_843 = arith.constant 64 : i32
    %get3A = arith.constant 0 : index
    %get3A_844 = tpu.vector_load %arg15[%get3A] {strides = array<i32>} : memref<128xf32, #tpu.memory_space<vmem>>, vector<16xf32>,
    %mul3A_845 = arith.mulf %scan3A_842#0, %get3A_844 : vector<16xf32>
    %swap3A_846 = arith.constant 0 : index
    %swap3A_847 = tpu.vector_load %arg17[%swap3A_846] {strides = array<i32>} : memref<768xf32, #tpu.memory_space<vmem>>, vector<16xf32>,
    tpu.vector_store %arg17[%swap3A_846], %mul3A_845 {strides = array<i32>} : memref<768xf32, #tpu.memory_space<vmem>>, vector<16xf32>,
    %get3A_848 = arith.constant 0 : index
    %get3A_849 = tpu.vector_load %arg16[%get3A_848] {strides = array<i32>} : memref<640xf32, #tpu.memory_space<vmem>>, vector<16xf32>,
    %mul3A_850 = arith.mulf %scan3A_842#1, %get3A_844 : vector<16xf32>
    %mul3A_851 = arith.mulf %mul3A_850, %get3A_849 : vector<16xf32>
    %swap3A_852 = arith.constant 128 : index
    %swap3A_853 = tpu.vector_load %arg17[%swap3A_852] {strides = array<i32>} : memref<768xf32, #tpu.memory_space<vmem>>, vector<16xf32>,
    tpu.vector_store %arg17[%swap3A_852], %mul3A_851 {strides = array<i32>} : memref<768xf32, #tpu.memory_space<vmem>>, vector<16xf32>,
    %get3A_854 = arith.constant 128 : index
    %get3A_855 = tpu.vector_load %arg16[%get3A_854] {strides = array<i32>} : memref<640xf32, #tpu.memory_space<vmem>>, vector<16xf32>,
    %mul3A_856 = arith.mulf %scan3A_842#2, %get3A_844 : vector<16xf32>
    %mul3A_857 = arith.mulf %mul3A_856, %get3A_855 : vector<16xf32>
    %swap3A_858 = arith.constant 256 : index
    %swap3A_859 = tpu.vector_load %arg17[%swap3A_858] {strides = array<i32>} : memref<768xf32, #tpu.memory_space<vmem>>, vector<16xf32>,
    tpu.vector_store %arg17[%swap3A_858], %mul3A_857 {strides = array<i32>} : memref<768xf32, #tpu.memory_space<vmem>>, vector<16xf32>,
    %get3A_860 = arith.constant 256 : index
    %get3A_861 = tpu.vector_load %arg16[%get3A_860] {strides = array<i32>} : memref<640xf32, #tpu.memory_space<vmem>>, vector<16xf32>,
    %mul3A_862 = arith.mulf %scan3A_842#3, %get3A_844 : vector<16xf32>
    %mul3A_863 = arith.mulf %mul3A_862, %get3A_861 : vector<16xf32>
    %swap3A_864 = arith.constant 384 : index
    %swap3A_865 = tpu.vector_load %arg17[%swap3A_864] {strides = array<i32>} : memref<768xf32, #tpu.memory_space<vmem>>, vector<16xf32>,
    tpu.vector_store %arg17[%swap3A_864], %mul3A_863 {strides = array<i32>} : memref<768xf32, #tpu.memory_space<vmem>>, vector<16xf32>,
    %get3A_866 = arith.constant 384 : index
    %get3A_867 = tpu.vector_load %arg16[%get3A_866] {strides = array<i32>} : memref<640xf32, #tpu.memory_space<vmem>>, vector<16xf32>,
    %mul3A_868 = arith.mulf %scan3A_842#4, %get3A_844 : vector<16xf32>
    %mul3A_869 = arith.mulf %mul3A_868, %get3A_867 : vector<16xf32>
    %swap3A_870 = arith.constant 512 : index
    %swap3A_871 = tpu.vector_load %arg17[%swap3A_870] {strides = array<i32>} : memref<768xf32, #tpu.memory_space<vmem>>, vector<16xf32>,
    tpu.vector_store %arg17[%swap3A_870], %mul3A_869 {strides = array<i32>} : memref<768xf32, #tpu.memory_space<vmem>>, vector<16xf32>,
    %get3A_872 = arith.constant 512 : index
    %get3A_873 = tpu.vector_load %arg16[%get3A_872] {strides = array<i32>} : memref<640xf32, #tpu.memory_space<vmem>>, vector<16xf32>,
    %mul3A_874 = arith.mulf %scan3A_842#5, %get3A_844 : vector<16xf32>
    %mul3A_875 = arith.mulf %mul3A_874, %get3A_873 : vector<16xf32>
    %swap3A_876 = arith.constant 640 : index
    %swap3A_877 = tpu.vector_load %arg17[%swap3A_876] {strides = array<i32>} : memref<768xf32, #tpu.memory_space<vmem>>, vector<16xf32>,
    tpu.vector_store %arg17[%swap3A_876], %mul3A_875 {strides = array<i32>} : memref<768xf32, #tpu.memory_space<vmem>>, vector<16xf32>,
    %add3A_878 = arith.constant 16 : i32
    %add3A_879 = vector.broadcast %add3A_878 : i32 to vector<16xi32>
    %add3A_880 = arith.addi %iota3A, %add3A_879 : vector<16xi32>
    %scan3A_881 = arith.constant 0 : i32
    %scan3A_882 = arith.constant 64 : i32
    %scan3A_883 = arith.addi %scan3A_881, %scan3A_882 : i32
    %scan3A_884 = arith.constant 1 : i32
    %scan3A_885:6 = scf.for %scan3A_1196 = %scan3A_881 to %scan3A_883 step %scan3A_884 iter_args(%scan3A_1197 = %broadcast_in_dim3A_835, %scan3A_1198 = %broadcast_in_dim3A_835, %scan3A_1199 = %broadcast_in_dim3A_835, %scan3A_1200 = %broadcast_in_dim3A_835, %scan3A_1201 = %broadcast_in_dim3A_835, %scan3A_1202 = %broadcast_in_dim3A_835) -> (vector<16xf32>, vector<16xf32>, vector<16xf32>, vector<16xf32>, vector<16xf32>, vector<16xf32>)  : i32 {
      %broadcast_in_dim3A_1203 = vector.broadcast %scan3A_1196 : i32 to vector<16xi32>
      %gather3A_1204 = tpu.vector_load_idx %arg8[%add3A_880, %broadcast_in_dim3A_1203] : memref<128x64xf32, #tpu.memory_space<vmem>>[vector<16xi32>, vector<16xi32>], vector<16xf32>,
      %gather3A_1205 = tpu.vector_load_idx %arg9[%add3A_880, %broadcast_in_dim3A_1203] : memref<128x64xf32, #tpu.memory_space<vmem>>[vector<16xi32>, vector<16xi32>], vector<16xf32>,
      %mul3A_1206 = arith.mulf %gather3A_1204, %gather3A_1205 : vector<16xf32>
      %add3A_1207 = arith.addf %scan3A_1197, %mul3A_1206 : vector<16xf32>
      %gather3A_1208 = tpu.vector_load_idx %arg10[%add3A_880, %broadcast_in_dim3A_1203] : memref<128x64xf32, #tpu.memory_space<vmem>>[vector<16xi32>, vector<16xi32>], vector<16xf32>,
      %mul3A_1209 = arith.mulf %gather3A_1204, %gather3A_1208 : vector<16xf32>
      %add3A_1210 = arith.addf %scan3A_1198, %mul3A_1209 : vector<16xf32>
      %gather3A_1211 = tpu.vector_load_idx %arg11[%add3A_880, %broadcast_in_dim3A_1203] : memref<128x64xf32, #tpu.memory_space<vmem>>[vector<16xi32>, vector<16xi32>], vector<16xf32>,
      %mul3A_1212 = arith.mulf %gather3A_1204, %gather3A_1211 : vector<16xf32>
      %add3A_1213 = arith.addf %scan3A_1199, %mul3A_1212 : vector<16xf32>
      %gather3A_1214 = tpu.vector_load_idx %arg12[%add3A_880, %broadcast_in_dim3A_1203] : memref<128x64xf32, #tpu.memory_space<vmem>>[vector<16xi32>, vector<16xi32>], vector<16xf32>,
      %mul3A_1215 = arith.mulf %gather3A_1204, %gather3A_1214 : vector<16xf32>
      %add3A_1216 = arith.addf %scan3A_1200, %mul3A_1215 : vector<16xf32>
      %gather3A_1217 = tpu.vector_load_idx %arg13[%add3A_880, %broadcast_in_dim3A_1203] : memref<128x64xf32, #tpu.memory_space<vmem>>[vector<16xi32>, vector<16xi32>], vector<16xf32>,
      %mul3A_1218 = arith.mulf %gather3A_1204, %gather3A_1217 : vector<16xf32>
      %add3A_1219 = arith.addf %scan3A_1201, %mul3A_1218 : vector<16xf32>
      %gather3A_1220 = tpu.vector_load_idx %arg14[%add3A_880, %broadcast_in_dim3A_1203] : memref<128x64xf32, #tpu.memory_space<vmem>>[vector<16xi32>, vector<16xi32>], vector<16xf32>,
      %mul3A_1221 = arith.mulf %gather3A_1204, %gather3A_1220 : vector<16xf32>
      %add3A_1222 = arith.addf %scan3A_1202, %mul3A_1221 : vector<16xf32>
      scf.yield %add3A_1207, %add3A_1210, %add3A_1213, %add3A_1216, %add3A_1219, %add3A_1222 : vector<16xf32>, vector<16xf32>, vector<16xf32>, vector<16xf32>, vector<16xf32>, vector<16xf32>
    }
    %scan3A_886 = arith.constant 64 : i32
    %get3A_887 = arith.constant 16 : index
    %get3A_888 = tpu.vector_load %arg15[%get3A_887] {strides = array<i32>} : memref<128xf32, #tpu.memory_space<vmem>>, vector<16xf32>,
    %mul3A_889 = arith.mulf %scan3A_885#0, %get3A_888 : vector<16xf32>
    %swap3A_890 = arith.constant 16 : index
    %swap3A_891 = tpu.vector_load %arg17[%swap3A_890] {strides = array<i32>} : memref<768xf32, #tpu.memory_space<vmem>>, vector<16xf32>,
    tpu.vector_store %arg17[%swap3A_890], %mul3A_889 {strides = array<i32>} : memref<768xf32, #tpu.memory_space<vmem>>, vector<16xf32>,
    %get3A_892 = arith.constant 16 : index
    %get3A_893 = tpu.vector_load %arg16[%get3A_892] {strides = array<i32>} : memref<640xf32, #tpu.memory_space<vmem>>, vector<16xf32>,
    %mul3A_894 = arith.mulf %scan3A_885#1, %get3A_888 : vector<16xf32>
    %mul3A_895 = arith.mulf %mul3A_894, %get3A_893 : vector<16xf32>
    %swap3A_896 = arith.constant 144 : index
    %swap3A_897 = tpu.vector_load %arg17[%swap3A_896] {strides = array<i32>} : memref<768xf32, #tpu.memory_space<vmem>>, vector<16xf32>,
    tpu.vector_store %arg17[%swap3A_896], %mul3A_895 {strides = array<i32>} : memref<768xf32, #tpu.memory_space<vmem>>, vector<16xf32>,
    %get3A_898 = arith.constant 144 : index
    %get3A_899 = tpu.vector_load %arg16[%get3A_898] {strides = array<i32>} : memref<640xf32, #tpu.memory_space<vmem>>, vector<16xf32>,
    %mul3A_900 = arith.mulf %scan3A_885#2, %get3A_888 : vector<16xf32>
    %mul3A_901 = arith.mulf %mul3A_900, %get3A_899 : vector<16xf32>
    %swap3A_902 = arith.constant 272 : index
    %swap3A_903 = tpu.vector_load %arg17[%swap3A_902] {strides = array<i32>} : memref<768xf32, #tpu.memory_space<vmem>>, vector<16xf32>,
    tpu.vector_store %arg17[%swap3A_902], %mul3A_901 {strides = array<i32>} : memref<768xf32, #tpu.memory_space<vmem>>, vector<16xf32>,
    %get3A_904 = arith.constant 272 : index
    %get3A_905 = tpu.vector_load %arg16[%get3A_904] {strides = array<i32>} : memref<640xf32, #tpu.memory_space<vmem>>, vector<16xf32>,
    %mul3A_906 = arith.mulf %scan3A_885#3, %get3A_888 : vector<16xf32>
    %mul3A_907 = arith.mulf %mul3A_906, %get3A_905 : vector<16xf32>
    %swap3A_908 = arith.constant 400 : index
    %swap3A_909 = tpu.vector_load %arg17[%swap3A_908] {strides = array<i32>} : memref<768xf32, #tpu.memory_space<vmem>>, vector<16xf32>,
    tpu.vector_store %arg17[%swap3A_908], %mul3A_907 {strides = array<i32>} : memref<768xf32, #tpu.memory_space<vmem>>, vector<16xf32>,
    %get3A_910 = arith.constant 400 : index
    %get3A_911 = tpu.vector_load %arg16[%get3A_910] {strides = array<i32>} : memref<640xf32, #tpu.memory_space<vmem>>, vector<16xf32>,
    %mul3A_912 = arith.mulf %scan3A_885#4, %get3A_888 : vector<16xf32>
    %mul3A_913 = arith.mulf %mul3A_912, %get3A_911 : vector<16xf32>
    %swap3A_914 = arith.constant 528 : index
    %swap3A_915 = tpu.vector_load %arg17[%swap3A_914] {strides = array<i32>} : memref<768xf32, #tpu.memory_space<vmem>>, vector<16xf32>,
    tpu.vector_store %arg17[%swap3A_914], %mul3A_913 {strides = array<i32>} : memref<768xf32, #tpu.memory_space<vmem>>, vector<16xf32>,
    %get3A_916 = arith.constant 528 : index
    %get3A_917 = tpu.vector_load %arg16[%get3A_916] {strides = array<i32>} : memref<640xf32, #tpu.memory_space<vmem>>, vector<16xf32>,
    %mul3A_918 = arith.mulf %scan3A_885#5, %get3A_888 : vector<16xf32>
    %mul3A_919 = arith.mulf %mul3A_918, %get3A_917 : vector<16xf32>
    %swap3A_920 = arith.constant 656 : index
    %swap3A_921 = tpu.vector_load %arg17[%swap3A_920] {strides = array<i32>} : memref<768xf32, #tpu.memory_space<vmem>>, vector<16xf32>,
    tpu.vector_store %arg17[%swap3A_920], %mul3A_919 {strides = array<i32>} : memref<768xf32, #tpu.memory_space<vmem>>, vector<16xf32>,
    %add3A_922 = arith.constant 32 : i32
    %add3A_923 = vector.broadcast %add3A_922 : i32 to vector<16xi32>
    %add3A_924 = arith.addi %iota3A, %add3A_923 : vector<16xi32>
    %scan3A_925 = arith.constant 0 : i32
    %scan3A_926 = arith.constant 64 : i32
    %scan3A_927 = arith.addi %scan3A_925, %scan3A_926 : i32
    %scan3A_928 = arith.constant 1 : i32
    %scan3A_929:6 = scf.for %scan3A_1196 = %scan3A_925 to %scan3A_927 step %scan3A_928 iter_args(%scan3A_1197 = %broadcast_in_dim3A_835, %scan3A_1198 = %broadcast_in_dim3A_835, %scan3A_1199 = %broadcast_in_dim3A_835, %scan3A_1200 = %broadcast_in_dim3A_835, %scan3A_1201 = %broadcast_in_dim3A_835, %scan3A_1202 = %broadcast_in_dim3A_835) -> (vector<16xf32>, vector<16xf32>, vector<16xf32>, vector<16xf32>, vector<16xf32>, vector<16xf32>)  : i32 {
      %broadcast_in_dim3A_1203 = vector.broadcast %scan3A_1196 : i32 to vector<16xi32>
      %gather3A_1204 = tpu.vector_load_idx %arg8[%add3A_924, %broadcast_in_dim3A_1203] : memref<128x64xf32, #tpu.memory_space<vmem>>[vector<16xi32>, vector<16xi32>], vector<16xf32>,
      %gather3A_1205 = tpu.vector_load_idx %arg9[%add3A_924, %broadcast_in_dim3A_1203] : memref<128x64xf32, #tpu.memory_space<vmem>>[vector<16xi32>, vector<16xi32>], vector<16xf32>,
      %mul3A_1206 = arith.mulf %gather3A_1204, %gather3A_1205 : vector<16xf32>
      %add3A_1207 = arith.addf %scan3A_1197, %mul3A_1206 : vector<16xf32>
      %gather3A_1208 = tpu.vector_load_idx %arg10[%add3A_924, %broadcast_in_dim3A_1203] : memref<128x64xf32, #tpu.memory_space<vmem>>[vector<16xi32>, vector<16xi32>], vector<16xf32>,
      %mul3A_1209 = arith.mulf %gather3A_1204, %gather3A_1208 : vector<16xf32>
      %add3A_1210 = arith.addf %scan3A_1198, %mul3A_1209 : vector<16xf32>
      %gather3A_1211 = tpu.vector_load_idx %arg11[%add3A_924, %broadcast_in_dim3A_1203] : memref<128x64xf32, #tpu.memory_space<vmem>>[vector<16xi32>, vector<16xi32>], vector<16xf32>,
      %mul3A_1212 = arith.mulf %gather3A_1204, %gather3A_1211 : vector<16xf32>
      %add3A_1213 = arith.addf %scan3A_1199, %mul3A_1212 : vector<16xf32>
      %gather3A_1214 = tpu.vector_load_idx %arg12[%add3A_924, %broadcast_in_dim3A_1203] : memref<128x64xf32, #tpu.memory_space<vmem>>[vector<16xi32>, vector<16xi32>], vector<16xf32>,
      %mul3A_1215 = arith.mulf %gather3A_1204, %gather3A_1214 : vector<16xf32>
      %add3A_1216 = arith.addf %scan3A_1200, %mul3A_1215 : vector<16xf32>
      %gather3A_1217 = tpu.vector_load_idx %arg13[%add3A_924, %broadcast_in_dim3A_1203] : memref<128x64xf32, #tpu.memory_space<vmem>>[vector<16xi32>, vector<16xi32>], vector<16xf32>,
      %mul3A_1218 = arith.mulf %gather3A_1204, %gather3A_1217 : vector<16xf32>
      %add3A_1219 = arith.addf %scan3A_1201, %mul3A_1218 : vector<16xf32>
      %gather3A_1220 = tpu.vector_load_idx %arg14[%add3A_924, %broadcast_in_dim3A_1203] : memref<128x64xf32, #tpu.memory_space<vmem>>[vector<16xi32>, vector<16xi32>], vector<16xf32>,
      %mul3A_1221 = arith.mulf %gather3A_1204, %gather3A_1220 : vector<16xf32>
      %add3A_1222 = arith.addf %scan3A_1202, %mul3A_1221 : vector<16xf32>
      scf.yield %add3A_1207, %add3A_1210, %add3A_1213, %add3A_1216, %add3A_1219, %add3A_1222 : vector<16xf32>, vector<16xf32>, vector<16xf32>, vector<16xf32>, vector<16xf32>, vector<16xf32>
    }
    %scan3A_930 = arith.constant 64 : i32
    %get3A_931 = arith.constant 32 : index
    %get3A_932 = tpu.vector_load %arg15[%get3A_931] {strides = array<i32>} : memref<128xf32, #tpu.memory_space<vmem>>, vector<16xf32>,
    %mul3A_933 = arith.mulf %scan3A_929#0, %get3A_932 : vector<16xf32>
    %swap3A_934 = arith.constant 32 : index
    %swap3A_935 = tpu.vector_load %arg17[%swap3A_934] {strides = array<i32>} : memref<768xf32, #tpu.memory_space<vmem>>, vector<16xf32>,
    tpu.vector_store %arg17[%swap3A_934], %mul3A_933 {strides = array<i32>} : memref<768xf32, #tpu.memory_space<vmem>>, vector<16xf32>,
    %get3A_936 = arith.constant 32 : index
    %get3A_937 = tpu.vector_load %arg16[%get3A_936] {strides = array<i32>} : memref<640xf32, #tpu.memory_space<vmem>>, vector<16xf32>,
    %mul3A_938 = arith.mulf %scan3A_929#1, %get3A_932 : vector<16xf32>
    %mul3A_939 = arith.mulf %mul3A_938, %get3A_937 : vector<16xf32>
    %swap3A_940 = arith.constant 160 : index
    %swap3A_941 = tpu.vector_load %arg17[%swap3A_940] {strides = array<i32>} : memref<768xf32, #tpu.memory_space<vmem>>, vector<16xf32>,
    tpu.vector_store %arg17[%swap3A_940], %mul3A_939 {strides = array<i32>} : memref<768xf32, #tpu.memory_space<vmem>>, vector<16xf32>,
    %get3A_942 = arith.constant 160 : index
    %get3A_943 = tpu.vector_load %arg16[%get3A_942] {strides = array<i32>} : memref<640xf32, #tpu.memory_space<vmem>>, vector<16xf32>,
    %mul3A_944 = arith.mulf %scan3A_929#2, %get3A_932 : vector<16xf32>
    %mul3A_945 = arith.mulf %mul3A_944, %get3A_943 : vector<16xf32>
    %swap3A_946 = arith.constant 288 : index
    %swap3A_947 = tpu.vector_load %arg17[%swap3A_946] {strides = array<i32>} : memref<768xf32, #tpu.memory_space<vmem>>, vector<16xf32>,
    tpu.vector_store %arg17[%swap3A_946], %mul3A_945 {strides = array<i32>} : memref<768xf32, #tpu.memory_space<vmem>>, vector<16xf32>,
    %get3A_948 = arith.constant 288 : index
    %get3A_949 = tpu.vector_load %arg16[%get3A_948] {strides = array<i32>} : memref<640xf32, #tpu.memory_space<vmem>>, vector<16xf32>,
    %mul3A_950 = arith.mulf %scan3A_929#3, %get3A_932 : vector<16xf32>
    %mul3A_951 = arith.mulf %mul3A_950, %get3A_949 : vector<16xf32>
    %swap3A_952 = arith.constant 416 : index
    %swap3A_953 = tpu.vector_load %arg17[%swap3A_952] {strides = array<i32>} : memref<768xf32, #tpu.memory_space<vmem>>, vector<16xf32>,
    tpu.vector_store %arg17[%swap3A_952], %mul3A_951 {strides = array<i32>} : memref<768xf32, #tpu.memory_space<vmem>>, vector<16xf32>,
    %get3A_954 = arith.constant 416 : index
    %get3A_955 = tpu.vector_load %arg16[%get3A_954] {strides = array<i32>} : memref<640xf32, #tpu.memory_space<vmem>>, vector<16xf32>,
    %mul3A_956 = arith.mulf %scan3A_929#4, %get3A_932 : vector<16xf32>
    %mul3A_957 = arith.mulf %mul3A_956, %get3A_955 : vector<16xf32>
    %swap3A_958 = arith.constant 544 : index
    %swap3A_959 = tpu.vector_load %arg17[%swap3A_958] {strides = array<i32>} : memref<768xf32, #tpu.memory_space<vmem>>, vector<16xf32>,
    tpu.vector_store %arg17[%swap3A_958], %mul3A_957 {strides = array<i32>} : memref<768xf32, #tpu.memory_space<vmem>>, vector<16xf32>,
    %get3A_960 = arith.constant 544 : index
    %get3A_961 = tpu.vector_load %arg16[%get3A_960] {strides = array<i32>} : memref<640xf32, #tpu.memory_space<vmem>>, vector<16xf32>,
    %mul3A_962 = arith.mulf %scan3A_929#5, %get3A_932 : vector<16xf32>
    %mul3A_963 = arith.mulf %mul3A_962, %get3A_961 : vector<16xf32>
    %swap3A_964 = arith.constant 672 : index
    %swap3A_965 = tpu.vector_load %arg17[%swap3A_964] {strides = array<i32>} : memref<768xf32, #tpu.memory_space<vmem>>, vector<16xf32>,
    tpu.vector_store %arg17[%swap3A_964], %mul3A_963 {strides = array<i32>} : memref<768xf32, #tpu.memory_space<vmem>>, vector<16xf32>,
    %add3A_966 = arith.constant 48 : i32
    %add3A_967 = vector.broadcast %add3A_966 : i32 to vector<16xi32>
    %add3A_968 = arith.addi %iota3A, %add3A_967 : vector<16xi32>
    %scan3A_969 = arith.constant 0 : i32
    %scan3A_970 = arith.constant 64 : i32
    %scan3A_971 = arith.addi %scan3A_969, %scan3A_970 : i32
    %scan3A_972 = arith.constant 1 : i32
    %scan3A_973:6 = scf.for %scan3A_1196 = %scan3A_969 to %scan3A_971 step %scan3A_972 iter_args(%scan3A_1197 = %broadcast_in_dim3A_835, %scan3A_1198 = %broadcast_in_dim3A_835, %scan3A_1199 = %broadcast_in_dim3A_835, %scan3A_1200 = %broadcast_in_dim3A_835, %scan3A_1201 = %broadcast_in_dim3A_835, %scan3A_1202 = %broadcast_in_dim3A_835) -> (vector<16xf32>, vector<16xf32>, vector<16xf32>, vector<16xf32>, vector<16xf32>, vector<16xf32>)  : i32 {
      %broadcast_in_dim3A_1203 = vector.broadcast %scan3A_1196 : i32 to vector<16xi32>
      %gather3A_1204 = tpu.vector_load_idx %arg8[%add3A_968, %broadcast_in_dim3A_1203] : memref<128x64xf32, #tpu.memory_space<vmem>>[vector<16xi32>, vector<16xi32>], vector<16xf32>,
      %gather3A_1205 = tpu.vector_load_idx %arg9[%add3A_968, %broadcast_in_dim3A_1203] : memref<128x64xf32, #tpu.memory_space<vmem>>[vector<16xi32>, vector<16xi32>], vector<16xf32>,
      %mul3A_1206 = arith.mulf %gather3A_1204, %gather3A_1205 : vector<16xf32>
      %add3A_1207 = arith.addf %scan3A_1197, %mul3A_1206 : vector<16xf32>
      %gather3A_1208 = tpu.vector_load_idx %arg10[%add3A_968, %broadcast_in_dim3A_1203] : memref<128x64xf32, #tpu.memory_space<vmem>>[vector<16xi32>, vector<16xi32>], vector<16xf32>,
      %mul3A_1209 = arith.mulf %gather3A_1204, %gather3A_1208 : vector<16xf32>
      %add3A_1210 = arith.addf %scan3A_1198, %mul3A_1209 : vector<16xf32>
      %gather3A_1211 = tpu.vector_load_idx %arg11[%add3A_968, %broadcast_in_dim3A_1203] : memref<128x64xf32, #tpu.memory_space<vmem>>[vector<16xi32>, vector<16xi32>], vector<16xf32>,
      %mul3A_1212 = arith.mulf %gather3A_1204, %gather3A_1211 : vector<16xf32>
      %add3A_1213 = arith.addf %scan3A_1199, %mul3A_1212 : vector<16xf32>
      %gather3A_1214 = tpu.vector_load_idx %arg12[%add3A_968, %broadcast_in_dim3A_1203] : memref<128x64xf32, #tpu.memory_space<vmem>>[vector<16xi32>, vector<16xi32>], vector<16xf32>,
      %mul3A_1215 = arith.mulf %gather3A_1204, %gather3A_1214 : vector<16xf32>
      %add3A_1216 = arith.addf %scan3A_1200, %mul3A_1215 : vector<16xf32>
      %gather3A_1217 = tpu.vector_load_idx %arg13[%add3A_968, %broadcast_in_dim3A_1203] : memref<128x64xf32, #tpu.memory_space<vmem>>[vector<16xi32>, vector<16xi32>], vector<16xf32>,
      %mul3A_1218 = arith.mulf %gather3A_1204, %gather3A_1217 : vector<16xf32>
      %add3A_1219 = arith.addf %scan3A_1201, %mul3A_1218 : vector<16xf32>
      %gather3A_1220 = tpu.vector_load_idx %arg14[%add3A_968, %broadcast_in_dim3A_1203] : memref<128x64xf32, #tpu.memory_space<vmem>>[vector<16xi32>, vector<16xi32>], vector<16xf32>,
      %mul3A_1221 = arith.mulf %gather3A_1204, %gather3A_1220 : vector<16xf32>
      %add3A_1222 = arith.addf %scan3A_1202, %mul3A_1221 : vector<16xf32>
      scf.yield %add3A_1207, %add3A_1210, %add3A_1213, %add3A_1216, %add3A_1219, %add3A_1222 : vector<16xf32>, vector<16xf32>, vector<16xf32>, vector<16xf32>, vector<16xf32>, vector<16xf32>
    }
    %scan3A_974 = arith.constant 64 : i32
    %get3A_975 = arith.constant 48 : index
    %get3A_976 = tpu.vector_load %arg15[%get3A_975] {strides = array<i32>} : memref<128xf32, #tpu.memory_space<vmem>>, vector<16xf32>,
    %mul3A_977 = arith.mulf %scan3A_973#0, %get3A_976 : vector<16xf32>
    %swap3A_978 = arith.constant 48 : index
    %swap3A_979 = tpu.vector_load %arg17[%swap3A_978] {strides = array<i32>} : memref<768xf32, #tpu.memory_space<vmem>>, vector<16xf32>,
    tpu.vector_store %arg17[%swap3A_978], %mul3A_977 {strides = array<i32>} : memref<768xf32, #tpu.memory_space<vmem>>, vector<16xf32>,
    %get3A_980 = arith.constant 48 : index
    %get3A_981 = tpu.vector_load %arg16[%get3A_980] {strides = array<i32>} : memref<640xf32, #tpu.memory_space<vmem>>, vector<16xf32>,
    %mul3A_982 = arith.mulf %scan3A_973#1, %get3A_976 : vector<16xf32>
    %mul3A_983 = arith.mulf %mul3A_982, %get3A_981 : vector<16xf32>
    %swap3A_984 = arith.constant 176 : index
    %swap3A_985 = tpu.vector_load %arg17[%swap3A_984] {strides = array<i32>} : memref<768xf32, #tpu.memory_space<vmem>>, vector<16xf32>,
    tpu.vector_store %arg17[%swap3A_984], %mul3A_983 {strides = array<i32>} : memref<768xf32, #tpu.memory_space<vmem>>, vector<16xf32>,
    %get3A_986 = arith.constant 176 : index
    %get3A_987 = tpu.vector_load %arg16[%get3A_986] {strides = array<i32>} : memref<640xf32, #tpu.memory_space<vmem>>, vector<16xf32>,
    %mul3A_988 = arith.mulf %scan3A_973#2, %get3A_976 : vector<16xf32>
    %mul3A_989 = arith.mulf %mul3A_988, %get3A_987 : vector<16xf32>
    %swap3A_990 = arith.constant 304 : index
    %swap3A_991 = tpu.vector_load %arg17[%swap3A_990] {strides = array<i32>} : memref<768xf32, #tpu.memory_space<vmem>>, vector<16xf32>,
    tpu.vector_store %arg17[%swap3A_990], %mul3A_989 {strides = array<i32>} : memref<768xf32, #tpu.memory_space<vmem>>, vector<16xf32>,
    %get3A_992 = arith.constant 304 : index
    %get3A_993 = tpu.vector_load %arg16[%get3A_992] {strides = array<i32>} : memref<640xf32, #tpu.memory_space<vmem>>, vector<16xf32>,
    %mul3A_994 = arith.mulf %scan3A_973#3, %get3A_976 : vector<16xf32>
    %mul3A_995 = arith.mulf %mul3A_994, %get3A_993 : vector<16xf32>
    %swap3A_996 = arith.constant 432 : index
    %swap3A_997 = tpu.vector_load %arg17[%swap3A_996] {strides = array<i32>} : memref<768xf32, #tpu.memory_space<vmem>>, vector<16xf32>,
    tpu.vector_store %arg17[%swap3A_996], %mul3A_995 {strides = array<i32>} : memref<768xf32, #tpu.memory_space<vmem>>, vector<16xf32>,
    %get3A_998 = arith.constant 432 : index
    %get3A_999 = tpu.vector_load %arg16[%get3A_998] {strides = array<i32>} : memref<640xf32, #tpu.memory_space<vmem>>, vector<16xf32>,
    %mul3A_1000 = arith.mulf %scan3A_973#4, %get3A_976 : vector<16xf32>
    %mul3A_1001 = arith.mulf %mul3A_1000, %get3A_999 : vector<16xf32>
    %swap3A_1002 = arith.constant 560 : index
    %swap3A_1003 = tpu.vector_load %arg17[%swap3A_1002] {strides = array<i32>} : memref<768xf32, #tpu.memory_space<vmem>>, vector<16xf32>,
    tpu.vector_store %arg17[%swap3A_1002], %mul3A_1001 {strides = array<i32>} : memref<768xf32, #tpu.memory_space<vmem>>, vector<16xf32>,
    %get3A_1004 = arith.constant 560 : index
    %get3A_1005 = tpu.vector_load %arg16[%get3A_1004] {strides = array<i32>} : memref<640xf32, #tpu.memory_space<vmem>>, vector<16xf32>,
    %mul3A_1006 = arith.mulf %scan3A_973#5, %get3A_976 : vector<16xf32>
    %mul3A_1007 = arith.mulf %mul3A_1006, %get3A_1005 : vector<16xf32>
    %swap3A_1008 = arith.constant 688 : index
    %swap3A_1009 = tpu.vector_load %arg17[%swap3A_1008] {strides = array<i32>} : memref<768xf32, #tpu.memory_space<vmem>>, vector<16xf32>,
    tpu.vector_store %arg17[%swap3A_1008], %mul3A_1007 {strides = array<i32>} : memref<768xf32, #tpu.memory_space<vmem>>, vector<16xf32>,
    %add3A_1010 = arith.constant 64 : i32
    %add3A_1011 = vector.broadcast %add3A_1010 : i32 to vector<16xi32>
    %add3A_1012 = arith.addi %iota3A, %add3A_1011 : vector<16xi32>
    %scan3A_1013 = arith.constant 0 : i32
    %scan3A_1014 = arith.constant 64 : i32
    %scan3A_1015 = arith.addi %scan3A_1013, %scan3A_1014 : i32
    %scan3A_1016 = arith.constant 1 : i32
    %scan3A_1017:6 = scf.for %scan3A_1196 = %scan3A_1013 to %scan3A_1015 step %scan3A_1016 iter_args(%scan3A_1197 = %broadcast_in_dim3A_835, %scan3A_1198 = %broadcast_in_dim3A_835, %scan3A_1199 = %broadcast_in_dim3A_835, %scan3A_1200 = %broadcast_in_dim3A_835, %scan3A_1201 = %broadcast_in_dim3A_835, %scan3A_1202 = %broadcast_in_dim3A_835) -> (vector<16xf32>, vector<16xf32>, vector<16xf32>, vector<16xf32>, vector<16xf32>, vector<16xf32>)  : i32 {
      %broadcast_in_dim3A_1203 = vector.broadcast %scan3A_1196 : i32 to vector<16xi32>
      %gather3A_1204 = tpu.vector_load_idx %arg8[%add3A_1012, %broadcast_in_dim3A_1203] : memref<128x64xf32, #tpu.memory_space<vmem>>[vector<16xi32>, vector<16xi32>], vector<16xf32>,
      %gather3A_1205 = tpu.vector_load_idx %arg9[%add3A_1012, %broadcast_in_dim3A_1203] : memref<128x64xf32, #tpu.memory_space<vmem>>[vector<16xi32>, vector<16xi32>], vector<16xf32>,
      %mul3A_1206 = arith.mulf %gather3A_1204, %gather3A_1205 : vector<16xf32>
      %add3A_1207 = arith.addf %scan3A_1197, %mul3A_1206 : vector<16xf32>
      %gather3A_1208 = tpu.vector_load_idx %arg10[%add3A_1012, %broadcast_in_dim3A_1203] : memref<128x64xf32, #tpu.memory_space<vmem>>[vector<16xi32>, vector<16xi32>], vector<16xf32>,
      %mul3A_1209 = arith.mulf %gather3A_1204, %gather3A_1208 : vector<16xf32>
      %add3A_1210 = arith.addf %scan3A_1198, %mul3A_1209 : vector<16xf32>
      %gather3A_1211 = tpu.vector_load_idx %arg11[%add3A_1012, %broadcast_in_dim3A_1203] : memref<128x64xf32, #tpu.memory_space<vmem>>[vector<16xi32>, vector<16xi32>], vector<16xf32>,
      %mul3A_1212 = arith.mulf %gather3A_1204, %gather3A_1211 : vector<16xf32>
      %add3A_1213 = arith.addf %scan3A_1199, %mul3A_1212 : vector<16xf32>
      %gather3A_1214 = tpu.vector_load_idx %arg12[%add3A_1012, %broadcast_in_dim3A_1203] : memref<128x64xf32, #tpu.memory_space<vmem>>[vector<16xi32>, vector<16xi32>], vector<16xf32>,
      %mul3A_1215 = arith.mulf %gather3A_1204, %gather3A_1214 : vector<16xf32>
      %add3A_1216 = arith.addf %scan3A_1200, %mul3A_1215 : vector<16xf32>
      %gather3A_1217 = tpu.vector_load_idx %arg13[%add3A_1012, %broadcast_in_dim3A_1203] : memref<128x64xf32, #tpu.memory_space<vmem>>[vector<16xi32>, vector<16xi32>], vector<16xf32>,
      %mul3A_1218 = arith.mulf %gather3A_1204, %gather3A_1217 : vector<16xf32>
      %add3A_1219 = arith.addf %scan3A_1201, %mul3A_1218 : vector<16xf32>
      %gather3A_1220 = tpu.vector_load_idx %arg14[%add3A_1012, %broadcast_in_dim3A_1203] : memref<128x64xf32, #tpu.memory_space<vmem>>[vector<16xi32>, vector<16xi32>], vector<16xf32>,
      %mul3A_1221 = arith.mulf %gather3A_1204, %gather3A_1220 : vector<16xf32>
      %add3A_1222 = arith.addf %scan3A_1202, %mul3A_1221 : vector<16xf32>
      scf.yield %add3A_1207, %add3A_1210, %add3A_1213, %add3A_1216, %add3A_1219, %add3A_1222 : vector<16xf32>, vector<16xf32>, vector<16xf32>, vector<16xf32>, vector<16xf32>, vector<16xf32>
    }
    %scan3A_1018 = arith.constant 64 : i32
    %get3A_1019 = arith.constant 64 : index
    %get3A_1020 = tpu.vector_load %arg15[%get3A_1019] {strides = array<i32>} : memref<128xf32, #tpu.memory_space<vmem>>, vector<16xf32>,
    %mul3A_1021 = arith.mulf %scan3A_1017#0, %get3A_1020 : vector<16xf32>
    %swap3A_1022 = arith.constant 64 : index
    %swap3A_1023 = tpu.vector_load %arg17[%swap3A_1022] {strides = array<i32>} : memref<768xf32, #tpu.memory_space<vmem>>, vector<16xf32>,
    tpu.vector_store %arg17[%swap3A_1022], %mul3A_1021 {strides = array<i32>} : memref<768xf32, #tpu.memory_space<vmem>>, vector<16xf32>,
    %get3A_1024 = arith.constant 64 : index
    %get3A_1025 = tpu.vector_load %arg16[%get3A_1024] {strides = array<i32>} : memref<640xf32, #tpu.memory_space<vmem>>, vector<16xf32>,
    %mul3A_1026 = arith.mulf %scan3A_1017#1, %get3A_1020 : vector<16xf32>
    %mul3A_1027 = arith.mulf %mul3A_1026, %get3A_1025 : vector<16xf32>
    %swap3A_1028 = arith.constant 192 : index
    %swap3A_1029 = tpu.vector_load %arg17[%swap3A_1028] {strides = array<i32>} : memref<768xf32, #tpu.memory_space<vmem>>, vector<16xf32>,
    tpu.vector_store %arg17[%swap3A_1028], %mul3A_1027 {strides = array<i32>} : memref<768xf32, #tpu.memory_space<vmem>>, vector<16xf32>,
    %get3A_1030 = arith.constant 192 : index
    %get3A_1031 = tpu.vector_load %arg16[%get3A_1030] {strides = array<i32>} : memref<640xf32, #tpu.memory_space<vmem>>, vector<16xf32>,
    %mul3A_1032 = arith.mulf %scan3A_1017#2, %get3A_1020 : vector<16xf32>
    %mul3A_1033 = arith.mulf %mul3A_1032, %get3A_1031 : vector<16xf32>
    %swap3A_1034 = arith.constant 320 : index
    %swap3A_1035 = tpu.vector_load %arg17[%swap3A_1034] {strides = array<i32>} : memref<768xf32, #tpu.memory_space<vmem>>, vector<16xf32>,
    tpu.vector_store %arg17[%swap3A_1034], %mul3A_1033 {strides = array<i32>} : memref<768xf32, #tpu.memory_space<vmem>>, vector<16xf32>,
    %get3A_1036 = arith.constant 320 : index
    %get3A_1037 = tpu.vector_load %arg16[%get3A_1036] {strides = array<i32>} : memref<640xf32, #tpu.memory_space<vmem>>, vector<16xf32>,
    %mul3A_1038 = arith.mulf %scan3A_1017#3, %get3A_1020 : vector<16xf32>
    %mul3A_1039 = arith.mulf %mul3A_1038, %get3A_1037 : vector<16xf32>
    %swap3A_1040 = arith.constant 448 : index
    %swap3A_1041 = tpu.vector_load %arg17[%swap3A_1040] {strides = array<i32>} : memref<768xf32, #tpu.memory_space<vmem>>, vector<16xf32>,
    tpu.vector_store %arg17[%swap3A_1040], %mul3A_1039 {strides = array<i32>} : memref<768xf32, #tpu.memory_space<vmem>>, vector<16xf32>,
    %get3A_1042 = arith.constant 448 : index
    %get3A_1043 = tpu.vector_load %arg16[%get3A_1042] {strides = array<i32>} : memref<640xf32, #tpu.memory_space<vmem>>, vector<16xf32>,
    %mul3A_1044 = arith.mulf %scan3A_1017#4, %get3A_1020 : vector<16xf32>
    %mul3A_1045 = arith.mulf %mul3A_1044, %get3A_1043 : vector<16xf32>
    %swap3A_1046 = arith.constant 576 : index
    %swap3A_1047 = tpu.vector_load %arg17[%swap3A_1046] {strides = array<i32>} : memref<768xf32, #tpu.memory_space<vmem>>, vector<16xf32>,
    tpu.vector_store %arg17[%swap3A_1046], %mul3A_1045 {strides = array<i32>} : memref<768xf32, #tpu.memory_space<vmem>>, vector<16xf32>,
    %get3A_1048 = arith.constant 576 : index
    %get3A_1049 = tpu.vector_load %arg16[%get3A_1048] {strides = array<i32>} : memref<640xf32, #tpu.memory_space<vmem>>, vector<16xf32>,
    %mul3A_1050 = arith.mulf %scan3A_1017#5, %get3A_1020 : vector<16xf32>
    %mul3A_1051 = arith.mulf %mul3A_1050, %get3A_1049 : vector<16xf32>
    %swap3A_1052 = arith.constant 704 : index
    %swap3A_1053 = tpu.vector_load %arg17[%swap3A_1052] {strides = array<i32>} : memref<768xf32, #tpu.memory_space<vmem>>, vector<16xf32>,
    tpu.vector_store %arg17[%swap3A_1052], %mul3A_1051 {strides = array<i32>} : memref<768xf32, #tpu.memory_space<vmem>>, vector<16xf32>,
    %add3A_1054 = arith.constant 80 : i32
    %add3A_1055 = vector.broadcast %add3A_1054 : i32 to vector<16xi32>
    %add3A_1056 = arith.addi %iota3A, %add3A_1055 : vector<16xi32>
    %scan3A_1057 = arith.constant 0 : i32
    %scan3A_1058 = arith.constant 64 : i32
    %scan3A_1059 = arith.addi %scan3A_1057, %scan3A_1058 : i32
    %scan3A_1060 = arith.constant 1 : i32
    %scan3A_1061:6 = scf.for %scan3A_1196 = %scan3A_1057 to %scan3A_1059 step %scan3A_1060 iter_args(%scan3A_1197 = %broadcast_in_dim3A_835, %scan3A_1198 = %broadcast_in_dim3A_835, %scan3A_1199 = %broadcast_in_dim3A_835, %scan3A_1200 = %broadcast_in_dim3A_835, %scan3A_1201 = %broadcast_in_dim3A_835, %scan3A_1202 = %broadcast_in_dim3A_835) -> (vector<16xf32>, vector<16xf32>, vector<16xf32>, vector<16xf32>, vector<16xf32>, vector<16xf32>)  : i32 {
      %broadcast_in_dim3A_1203 = vector.broadcast %scan3A_1196 : i32 to vector<16xi32>
      %gather3A_1204 = tpu.vector_load_idx %arg8[%add3A_1056, %broadcast_in_dim3A_1203] : memref<128x64xf32, #tpu.memory_space<vmem>>[vector<16xi32>, vector<16xi32>], vector<16xf32>,
      %gather3A_1205 = tpu.vector_load_idx %arg9[%add3A_1056, %broadcast_in_dim3A_1203] : memref<128x64xf32, #tpu.memory_space<vmem>>[vector<16xi32>, vector<16xi32>], vector<16xf32>,
      %mul3A_1206 = arith.mulf %gather3A_1204, %gather3A_1205 : vector<16xf32>
      %add3A_1207 = arith.addf %scan3A_1197, %mul3A_1206 : vector<16xf32>
      %gather3A_1208 = tpu.vector_load_idx %arg10[%add3A_1056, %broadcast_in_dim3A_1203] : memref<128x64xf32, #tpu.memory_space<vmem>>[vector<16xi32>, vector<16xi32>], vector<16xf32>,
      %mul3A_1209 = arith.mulf %gather3A_1204, %gather3A_1208 : vector<16xf32>
      %add3A_1210 = arith.addf %scan3A_1198, %mul3A_1209 : vector<16xf32>
      %gather3A_1211 = tpu.vector_load_idx %arg11[%add3A_1056, %broadcast_in_dim3A_1203] : memref<128x64xf32, #tpu.memory_space<vmem>>[vector<16xi32>, vector<16xi32>], vector<16xf32>,
      %mul3A_1212 = arith.mulf %gather3A_1204, %gather3A_1211 : vector<16xf32>
      %add3A_1213 = arith.addf %scan3A_1199, %mul3A_1212 : vector<16xf32>
      %gather3A_1214 = tpu.vector_load_idx %arg12[%add3A_1056, %broadcast_in_dim3A_1203] : memref<128x64xf32, #tpu.memory_space<vmem>>[vector<16xi32>, vector<16xi32>], vector<16xf32>,
      %mul3A_1215 = arith.mulf %gather3A_1204, %gather3A_1214 : vector<16xf32>
      %add3A_1216 = arith.addf %scan3A_1200, %mul3A_1215 : vector<16xf32>
      %gather3A_1217 = tpu.vector_load_idx %arg13[%add3A_1056, %broadcast_in_dim3A_1203] : memref<128x64xf32, #tpu.memory_space<vmem>>[vector<16xi32>, vector<16xi32>], vector<16xf32>,
      %mul3A_1218 = arith.mulf %gather3A_1204, %gather3A_1217 : vector<16xf32>
      %add3A_1219 = arith.addf %scan3A_1201, %mul3A_1218 : vector<16xf32>
      %gather3A_1220 = tpu.vector_load_idx %arg14[%add3A_1056, %broadcast_in_dim3A_1203] : memref<128x64xf32, #tpu.memory_space<vmem>>[vector<16xi32>, vector<16xi32>], vector<16xf32>,
      %mul3A_1221 = arith.mulf %gather3A_1204, %gather3A_1220 : vector<16xf32>
      %add3A_1222 = arith.addf %scan3A_1202, %mul3A_1221 : vector<16xf32>
      scf.yield %add3A_1207, %add3A_1210, %add3A_1213, %add3A_1216, %add3A_1219, %add3A_1222 : vector<16xf32>, vector<16xf32>, vector<16xf32>, vector<16xf32>, vector<16xf32>, vector<16xf32>
    }
    %scan3A_1062 = arith.constant 64 : i32
    %get3A_1063 = arith.constant 80 : index
    %get3A_1064 = tpu.vector_load %arg15[%get3A_1063] {strides = array<i32>} : memref<128xf32, #tpu.memory_space<vmem>>, vector<16xf32>,
    %mul3A_1065 = arith.mulf %scan3A_1061#0, %get3A_1064 : vector<16xf32>
    %swap3A_1066 = arith.constant 80 : index
    %swap3A_1067 = tpu.vector_load %arg17[%swap3A_1066] {strides = array<i32>} : memref<768xf32, #tpu.memory_space<vmem>>, vector<16xf32>,
    tpu.vector_store %arg17[%swap3A_1066], %mul3A_1065 {strides = array<i32>} : memref<768xf32, #tpu.memory_space<vmem>>, vector<16xf32>,
    %get3A_1068 = arith.constant 80 : index
    %get3A_1069 = tpu.vector_load %arg16[%get3A_1068] {strides = array<i32>} : memref<640xf32, #tpu.memory_space<vmem>>, vector<16xf32>,
    %mul3A_1070 = arith.mulf %scan3A_1061#1, %get3A_1064 : vector<16xf32>
    %mul3A_1071 = arith.mulf %mul3A_1070, %get3A_1069 : vector<16xf32>
    %swap3A_1072 = arith.constant 208 : index
    %swap3A_1073 = tpu.vector_load %arg17[%swap3A_1072] {strides = array<i32>} : memref<768xf32, #tpu.memory_space<vmem>>, vector<16xf32>,
    tpu.vector_store %arg17[%swap3A_1072], %mul3A_1071 {strides = array<i32>} : memref<768xf32, #tpu.memory_space<vmem>>, vector<16xf32>,
    %get3A_1074 = arith.constant 208 : index
    %get3A_1075 = tpu.vector_load %arg16[%get3A_1074] {strides = array<i32>} : memref<640xf32, #tpu.memory_space<vmem>>, vector<16xf32>,
    %mul3A_1076 = arith.mulf %scan3A_1061#2, %get3A_1064 : vector<16xf32>
    %mul3A_1077 = arith.mulf %mul3A_1076, %get3A_1075 : vector<16xf32>
    %swap3A_1078 = arith.constant 336 : index
    %swap3A_1079 = tpu.vector_load %arg17[%swap3A_1078] {strides = array<i32>} : memref<768xf32, #tpu.memory_space<vmem>>, vector<16xf32>,
    tpu.vector_store %arg17[%swap3A_1078], %mul3A_1077 {strides = array<i32>} : memref<768xf32, #tpu.memory_space<vmem>>, vector<16xf32>,
    %get3A_1080 = arith.constant 336 : index
    %get3A_1081 = tpu.vector_load %arg16[%get3A_1080] {strides = array<i32>} : memref<640xf32, #tpu.memory_space<vmem>>, vector<16xf32>,
    %mul3A_1082 = arith.mulf %scan3A_1061#3, %get3A_1064 : vector<16xf32>
    %mul3A_1083 = arith.mulf %mul3A_1082, %get3A_1081 : vector<16xf32>
    %swap3A_1084 = arith.constant 464 : index
    %swap3A_1085 = tpu.vector_load %arg17[%swap3A_1084] {strides = array<i32>} : memref<768xf32, #tpu.memory_space<vmem>>, vector<16xf32>,
    tpu.vector_store %arg17[%swap3A_1084], %mul3A_1083 {strides = array<i32>} : memref<768xf32, #tpu.memory_space<vmem>>, vector<16xf32>,
    %get3A_1086 = arith.constant 464 : index
    %get3A_1087 = tpu.vector_load %arg16[%get3A_1086] {strides = array<i32>} : memref<640xf32, #tpu.memory_space<vmem>>, vector<16xf32>,
    %mul3A_1088 = arith.mulf %scan3A_1061#4, %get3A_1064 : vector<16xf32>
    %mul3A_1089 = arith.mulf %mul3A_1088, %get3A_1087 : vector<16xf32>
    %swap3A_1090 = arith.constant 592 : index
    %swap3A_1091 = tpu.vector_load %arg17[%swap3A_1090] {strides = array<i32>} : memref<768xf32, #tpu.memory_space<vmem>>, vector<16xf32>,
    tpu.vector_store %arg17[%swap3A_1090], %mul3A_1089 {strides = array<i32>} : memref<768xf32, #tpu.memory_space<vmem>>, vector<16xf32>,
    %get3A_1092 = arith.constant 592 : index
    %get3A_1093 = tpu.vector_load %arg16[%get3A_1092] {strides = array<i32>} : memref<640xf32, #tpu.memory_space<vmem>>, vector<16xf32>,
    %mul3A_1094 = arith.mulf %scan3A_1061#5, %get3A_1064 : vector<16xf32>
    %mul3A_1095 = arith.mulf %mul3A_1094, %get3A_1093 : vector<16xf32>
    %swap3A_1096 = arith.constant 720 : index
    %swap3A_1097 = tpu.vector_load %arg17[%swap3A_1096] {strides = array<i32>} : memref<768xf32, #tpu.memory_space<vmem>>, vector<16xf32>,
    tpu.vector_store %arg17[%swap3A_1096], %mul3A_1095 {strides = array<i32>} : memref<768xf32, #tpu.memory_space<vmem>>, vector<16xf32>,
    %add3A_1098 = arith.constant 96 : i32
    %add3A_1099 = vector.broadcast %add3A_1098 : i32 to vector<16xi32>
    %add3A_1100 = arith.addi %iota3A, %add3A_1099 : vector<16xi32>
    %scan3A_1101 = arith.constant 0 : i32
    %scan3A_1102 = arith.constant 64 : i32
    %scan3A_1103 = arith.addi %scan3A_1101, %scan3A_1102 : i32
    %scan3A_1104 = arith.constant 1 : i32
    %scan3A_1105:6 = scf.for %scan3A_1196 = %scan3A_1101 to %scan3A_1103 step %scan3A_1104 iter_args(%scan3A_1197 = %broadcast_in_dim3A_835, %scan3A_1198 = %broadcast_in_dim3A_835, %scan3A_1199 = %broadcast_in_dim3A_835, %scan3A_1200 = %broadcast_in_dim3A_835, %scan3A_1201 = %broadcast_in_dim3A_835, %scan3A_1202 = %broadcast_in_dim3A_835) -> (vector<16xf32>, vector<16xf32>, vector<16xf32>, vector<16xf32>, vector<16xf32>, vector<16xf32>)  : i32 {
      %broadcast_in_dim3A_1203 = vector.broadcast %scan3A_1196 : i32 to vector<16xi32>
      %gather3A_1204 = tpu.vector_load_idx %arg8[%add3A_1100, %broadcast_in_dim3A_1203] : memref<128x64xf32, #tpu.memory_space<vmem>>[vector<16xi32>, vector<16xi32>], vector<16xf32>,
      %gather3A_1205 = tpu.vector_load_idx %arg9[%add3A_1100, %broadcast_in_dim3A_1203] : memref<128x64xf32, #tpu.memory_space<vmem>>[vector<16xi32>, vector<16xi32>], vector<16xf32>,
      %mul3A_1206 = arith.mulf %gather3A_1204, %gather3A_1205 : vector<16xf32>
      %add3A_1207 = arith.addf %scan3A_1197, %mul3A_1206 : vector<16xf32>
      %gather3A_1208 = tpu.vector_load_idx %arg10[%add3A_1100, %broadcast_in_dim3A_1203] : memref<128x64xf32, #tpu.memory_space<vmem>>[vector<16xi32>, vector<16xi32>], vector<16xf32>,
      %mul3A_1209 = arith.mulf %gather3A_1204, %gather3A_1208 : vector<16xf32>
      %add3A_1210 = arith.addf %scan3A_1198, %mul3A_1209 : vector<16xf32>
      %gather3A_1211 = tpu.vector_load_idx %arg11[%add3A_1100, %broadcast_in_dim3A_1203] : memref<128x64xf32, #tpu.memory_space<vmem>>[vector<16xi32>, vector<16xi32>], vector<16xf32>,
      %mul3A_1212 = arith.mulf %gather3A_1204, %gather3A_1211 : vector<16xf32>
      %add3A_1213 = arith.addf %scan3A_1199, %mul3A_1212 : vector<16xf32>
      %gather3A_1214 = tpu.vector_load_idx %arg12[%add3A_1100, %broadcast_in_dim3A_1203] : memref<128x64xf32, #tpu.memory_space<vmem>>[vector<16xi32>, vector<16xi32>], vector<16xf32>,
      %mul3A_1215 = arith.mulf %gather3A_1204, %gather3A_1214 : vector<16xf32>
      %add3A_1216 = arith.addf %scan3A_1200, %mul3A_1215 : vector<16xf32>
      %gather3A_1217 = tpu.vector_load_idx %arg13[%add3A_1100, %broadcast_in_dim3A_1203] : memref<128x64xf32, #tpu.memory_space<vmem>>[vector<16xi32>, vector<16xi32>], vector<16xf32>,
      %mul3A_1218 = arith.mulf %gather3A_1204, %gather3A_1217 : vector<16xf32>
      %add3A_1219 = arith.addf %scan3A_1201, %mul3A_1218 : vector<16xf32>
      %gather3A_1220 = tpu.vector_load_idx %arg14[%add3A_1100, %broadcast_in_dim3A_1203] : memref<128x64xf32, #tpu.memory_space<vmem>>[vector<16xi32>, vector<16xi32>], vector<16xf32>,
      %mul3A_1221 = arith.mulf %gather3A_1204, %gather3A_1220 : vector<16xf32>
      %add3A_1222 = arith.addf %scan3A_1202, %mul3A_1221 : vector<16xf32>
      scf.yield %add3A_1207, %add3A_1210, %add3A_1213, %add3A_1216, %add3A_1219, %add3A_1222 : vector<16xf32>, vector<16xf32>, vector<16xf32>, vector<16xf32>, vector<16xf32>, vector<16xf32>
    }
    %scan3A_1106 = arith.constant 64 : i32
    %get3A_1107 = arith.constant 96 : index
    %get3A_1108 = tpu.vector_load %arg15[%get3A_1107] {strides = array<i32>} : memref<128xf32, #tpu.memory_space<vmem>>, vector<16xf32>,
    %mul3A_1109 = arith.mulf %scan3A_1105#0, %get3A_1108 : vector<16xf32>
    %swap3A_1110 = arith.constant 96 : index
    %swap3A_1111 = tpu.vector_load %arg17[%swap3A_1110] {strides = array<i32>} : memref<768xf32, #tpu.memory_space<vmem>>, vector<16xf32>,
    tpu.vector_store %arg17[%swap3A_1110], %mul3A_1109 {strides = array<i32>} : memref<768xf32, #tpu.memory_space<vmem>>, vector<16xf32>,
    %get3A_1112 = arith.constant 96 : index
    %get3A_1113 = tpu.vector_load %arg16[%get3A_1112] {strides = array<i32>} : memref<640xf32, #tpu.memory_space<vmem>>, vector<16xf32>,
    %mul3A_1114 = arith.mulf %scan3A_1105#1, %get3A_1108 : vector<16xf32>
    %mul3A_1115 = arith.mulf %mul3A_1114, %get3A_1113 : vector<16xf32>
    %swap3A_1116 = arith.constant 224 : index
    %swap3A_1117 = tpu.vector_load %arg17[%swap3A_1116] {strides = array<i32>} : memref<768xf32, #tpu.memory_space<vmem>>, vector<16xf32>,
    tpu.vector_store %arg17[%swap3A_1116], %mul3A_1115 {strides = array<i32>} : memref<768xf32, #tpu.memory_space<vmem>>, vector<16xf32>,
    %get3A_1118 = arith.constant 224 : index
    %get3A_1119 = tpu.vector_load %arg16[%get3A_1118] {strides = array<i32>} : memref<640xf32, #tpu.memory_space<vmem>>, vector<16xf32>,
    %mul3A_1120 = arith.mulf %scan3A_1105#2, %get3A_1108 : vector<16xf32>
    %mul3A_1121 = arith.mulf %mul3A_1120, %get3A_1119 : vector<16xf32>
    %swap3A_1122 = arith.constant 352 : index
    %swap3A_1123 = tpu.vector_load %arg17[%swap3A_1122] {strides = array<i32>} : memref<768xf32, #tpu.memory_space<vmem>>, vector<16xf32>,
    tpu.vector_store %arg17[%swap3A_1122], %mul3A_1121 {strides = array<i32>} : memref<768xf32, #tpu.memory_space<vmem>>, vector<16xf32>,
    %get3A_1124 = arith.constant 352 : index
    %get3A_1125 = tpu.vector_load %arg16[%get3A_1124] {strides = array<i32>} : memref<640xf32, #tpu.memory_space<vmem>>, vector<16xf32>,
    %mul3A_1126 = arith.mulf %scan3A_1105#3, %get3A_1108 : vector<16xf32>
    %mul3A_1127 = arith.mulf %mul3A_1126, %get3A_1125 : vector<16xf32>
    %swap3A_1128 = arith.constant 480 : index
    %swap3A_1129 = tpu.vector_load %arg17[%swap3A_1128] {strides = array<i32>} : memref<768xf32, #tpu.memory_space<vmem>>, vector<16xf32>,
    tpu.vector_store %arg17[%swap3A_1128], %mul3A_1127 {strides = array<i32>} : memref<768xf32, #tpu.memory_space<vmem>>, vector<16xf32>,
    %get3A_1130 = arith.constant 480 : index
    %get3A_1131 = tpu.vector_load %arg16[%get3A_1130] {strides = array<i32>} : memref<640xf32, #tpu.memory_space<vmem>>, vector<16xf32>,
    %mul3A_1132 = arith.mulf %scan3A_1105#4, %get3A_1108 : vector<16xf32>
    %mul3A_1133 = arith.mulf %mul3A_1132, %get3A_1131 : vector<16xf32>
    %swap3A_1134 = arith.constant 608 : index
    %swap3A_1135 = tpu.vector_load %arg17[%swap3A_1134] {strides = array<i32>} : memref<768xf32, #tpu.memory_space<vmem>>, vector<16xf32>,
    tpu.vector_store %arg17[%swap3A_1134], %mul3A_1133 {strides = array<i32>} : memref<768xf32, #tpu.memory_space<vmem>>, vector<16xf32>,
    %get3A_1136 = arith.constant 608 : index
    %get3A_1137 = tpu.vector_load %arg16[%get3A_1136] {strides = array<i32>} : memref<640xf32, #tpu.memory_space<vmem>>, vector<16xf32>,
    %mul3A_1138 = arith.mulf %scan3A_1105#5, %get3A_1108 : vector<16xf32>
    %mul3A_1139 = arith.mulf %mul3A_1138, %get3A_1137 : vector<16xf32>
    %swap3A_1140 = arith.constant 736 : index
    %swap3A_1141 = tpu.vector_load %arg17[%swap3A_1140] {strides = array<i32>} : memref<768xf32, #tpu.memory_space<vmem>>, vector<16xf32>,
    tpu.vector_store %arg17[%swap3A_1140], %mul3A_1139 {strides = array<i32>} : memref<768xf32, #tpu.memory_space<vmem>>, vector<16xf32>,
    %add3A_1142 = arith.constant 112 : i32
    %add3A_1143 = vector.broadcast %add3A_1142 : i32 to vector<16xi32>
    %add3A_1144 = arith.addi %iota3A, %add3A_1143 : vector<16xi32>
    %scan3A_1145 = arith.constant 0 : i32
    %scan3A_1146 = arith.constant 64 : i32
    %scan3A_1147 = arith.addi %scan3A_1145, %scan3A_1146 : i32
    %scan3A_1148 = arith.constant 1 : i32
    %scan3A_1149:6 = scf.for %scan3A_1196 = %scan3A_1145 to %scan3A_1147 step %scan3A_1148 iter_args(%scan3A_1197 = %broadcast_in_dim3A_835, %scan3A_1198 = %broadcast_in_dim3A_835, %scan3A_1199 = %broadcast_in_dim3A_835, %scan3A_1200 = %broadcast_in_dim3A_835, %scan3A_1201 = %broadcast_in_dim3A_835, %scan3A_1202 = %broadcast_in_dim3A_835) -> (vector<16xf32>, vector<16xf32>, vector<16xf32>, vector<16xf32>, vector<16xf32>, vector<16xf32>)  : i32 {
      %broadcast_in_dim3A_1203 = vector.broadcast %scan3A_1196 : i32 to vector<16xi32>
      %gather3A_1204 = tpu.vector_load_idx %arg8[%add3A_1144, %broadcast_in_dim3A_1203] : memref<128x64xf32, #tpu.memory_space<vmem>>[vector<16xi32>, vector<16xi32>], vector<16xf32>,
      %gather3A_1205 = tpu.vector_load_idx %arg9[%add3A_1144, %broadcast_in_dim3A_1203] : memref<128x64xf32, #tpu.memory_space<vmem>>[vector<16xi32>, vector<16xi32>], vector<16xf32>,
      %mul3A_1206 = arith.mulf %gather3A_1204, %gather3A_1205 : vector<16xf32>
      %add3A_1207 = arith.addf %scan3A_1197, %mul3A_1206 : vector<16xf32>
      %gather3A_1208 = tpu.vector_load_idx %arg10[%add3A_1144, %broadcast_in_dim3A_1203] : memref<128x64xf32, #tpu.memory_space<vmem>>[vector<16xi32>, vector<16xi32>], vector<16xf32>,
      %mul3A_1209 = arith.mulf %gather3A_1204, %gather3A_1208 : vector<16xf32>
      %add3A_1210 = arith.addf %scan3A_1198, %mul3A_1209 : vector<16xf32>
      %gather3A_1211 = tpu.vector_load_idx %arg11[%add3A_1144, %broadcast_in_dim3A_1203] : memref<128x64xf32, #tpu.memory_space<vmem>>[vector<16xi32>, vector<16xi32>], vector<16xf32>,
      %mul3A_1212 = arith.mulf %gather3A_1204, %gather3A_1211 : vector<16xf32>
      %add3A_1213 = arith.addf %scan3A_1199, %mul3A_1212 : vector<16xf32>
      %gather3A_1214 = tpu.vector_load_idx %arg12[%add3A_1144, %broadcast_in_dim3A_1203] : memref<128x64xf32, #tpu.memory_space<vmem>>[vector<16xi32>, vector<16xi32>], vector<16xf32>,
      %mul3A_1215 = arith.mulf %gather3A_1204, %gather3A_1214 : vector<16xf32>
      %add3A_1216 = arith.addf %scan3A_1200, %mul3A_1215 : vector<16xf32>
      %gather3A_1217 = tpu.vector_load_idx %arg13[%add3A_1144, %broadcast_in_dim3A_1203] : memref<128x64xf32, #tpu.memory_space<vmem>>[vector<16xi32>, vector<16xi32>], vector<16xf32>,
      %mul3A_1218 = arith.mulf %gather3A_1204, %gather3A_1217 : vector<16xf32>
      %add3A_1219 = arith.addf %scan3A_1201, %mul3A_1218 : vector<16xf32>
      %gather3A_1220 = tpu.vector_load_idx %arg14[%add3A_1144, %broadcast_in_dim3A_1203] : memref<128x64xf32, #tpu.memory_space<vmem>>[vector<16xi32>, vector<16xi32>], vector<16xf32>,
      %mul3A_1221 = arith.mulf %gather3A_1204, %gather3A_1220 : vector<16xf32>
      %add3A_1222 = arith.addf %scan3A_1202, %mul3A_1221 : vector<16xf32>
      scf.yield %add3A_1207, %add3A_1210, %add3A_1213, %add3A_1216, %add3A_1219, %add3A_1222 : vector<16xf32>, vector<16xf32>, vector<16xf32>, vector<16xf32>, vector<16xf32>, vector<16xf32>
    }
    %scan3A_1150 = arith.constant 64 : i32
    %get3A_1151 = arith.constant 112 : index
    %get3A_1152 = tpu.vector_load %arg15[%get3A_1151] {strides = array<i32>} : memref<128xf32, #tpu.memory_space<vmem>>, vector<16xf32>,
    %mul3A_1153 = arith.mulf %scan3A_1149#0, %get3A_1152 : vector<16xf32>
    %swap3A_1154 = arith.constant 112 : index
    %swap3A_1155 = tpu.vector_load %arg17[%swap3A_1154] {strides = array<i32>} : memref<768xf32, #tpu.memory_space<vmem>>, vector<16xf32>,
    tpu.vector_store %arg17[%swap3A_1154], %mul3A_1153 {strides = array<i32>} : memref<768xf32, #tpu.memory_space<vmem>>, vector<16xf32>,
    %get3A_1156 = arith.constant 112 : index
    %get3A_1157 = tpu.vector_load %arg16[%get3A_1156] {strides = array<i32>} : memref<640xf32, #tpu.memory_space<vmem>>, vector<16xf32>,
    %mul3A_1158 = arith.mulf %scan3A_1149#1, %get3A_1152 : vector<16xf32>
    %mul3A_1159 = arith.mulf %mul3A_1158, %get3A_1157 : vector<16xf32>
    %swap3A_1160 = arith.constant 240 : index
    %swap3A_1161 = tpu.vector_load %arg17[%swap3A_1160] {strides = array<i32>} : memref<768xf32, #tpu.memory_space<vmem>>, vector<16xf32>,
    tpu.vector_store %arg17[%swap3A_1160], %mul3A_1159 {strides = array<i32>} : memref<768xf32, #tpu.memory_space<vmem>>, vector<16xf32>,
    %get3A_1162 = arith.constant 240 : index
    %get3A_1163 = tpu.vector_load %arg16[%get3A_1162] {strides = array<i32>} : memref<640xf32, #tpu.memory_space<vmem>>, vector<16xf32>,
    %mul3A_1164 = arith.mulf %scan3A_1149#2, %get3A_1152 : vector<16xf32>
    %mul3A_1165 = arith.mulf %mul3A_1164, %get3A_1163 : vector<16xf32>
    %swap3A_1166 = arith.constant 368 : index
    %swap3A_1167 = tpu.vector_load %arg17[%swap3A_1166] {strides = array<i32>} : memref<768xf32, #tpu.memory_space<vmem>>, vector<16xf32>,
    tpu.vector_store %arg17[%swap3A_1166], %mul3A_1165 {strides = array<i32>} : memref<768xf32, #tpu.memory_space<vmem>>, vector<16xf32>,
    %get3A_1168 = arith.constant 368 : index
    %get3A_1169 = tpu.vector_load %arg16[%get3A_1168] {strides = array<i32>} : memref<640xf32, #tpu.memory_space<vmem>>, vector<16xf32>,
    %mul3A_1170 = arith.mulf %scan3A_1149#3, %get3A_1152 : vector<16xf32>
    %mul3A_1171 = arith.mulf %mul3A_1170, %get3A_1169 : vector<16xf32>
    %swap3A_1172 = arith.constant 496 : index
    %swap3A_1173 = tpu.vector_load %arg17[%swap3A_1172] {strides = array<i32>} : memref<768xf32, #tpu.memory_space<vmem>>, vector<16xf32>,
    tpu.vector_store %arg17[%swap3A_1172], %mul3A_1171 {strides = array<i32>} : memref<768xf32, #tpu.memory_space<vmem>>, vector<16xf32>,
    %get3A_1174 = arith.constant 496 : index
    %get3A_1175 = tpu.vector_load %arg16[%get3A_1174] {strides = array<i32>} : memref<640xf32, #tpu.memory_space<vmem>>, vector<16xf32>,
    %mul3A_1176 = arith.mulf %scan3A_1149#4, %get3A_1152 : vector<16xf32>
    %mul3A_1177 = arith.mulf %mul3A_1176, %get3A_1175 : vector<16xf32>
    %swap3A_1178 = arith.constant 624 : index
    %swap3A_1179 = tpu.vector_load %arg17[%swap3A_1178] {strides = array<i32>} : memref<768xf32, #tpu.memory_space<vmem>>, vector<16xf32>,
    tpu.vector_store %arg17[%swap3A_1178], %mul3A_1177 {strides = array<i32>} : memref<768xf32, #tpu.memory_space<vmem>>, vector<16xf32>,
    %get3A_1180 = arith.constant 624 : index
    %get3A_1181 = tpu.vector_load %arg16[%get3A_1180] {strides = array<i32>} : memref<640xf32, #tpu.memory_space<vmem>>, vector<16xf32>,
    %mul3A_1182 = arith.mulf %scan3A_1149#5, %get3A_1152 : vector<16xf32>
    %mul3A_1183 = arith.mulf %mul3A_1182, %get3A_1181 : vector<16xf32>
    %swap3A_1184 = arith.constant 752 : index
    %swap3A_1185 = tpu.vector_load %arg17[%swap3A_1184] {strides = array<i32>} : memref<768xf32, #tpu.memory_space<vmem>>, vector<16xf32>,
    tpu.vector_store %arg17[%swap3A_1184], %mul3A_1183 {strides = array<i32>} : memref<768xf32, #tpu.memory_space<vmem>>, vector<16xf32>,
    %run_scoped3A = arith.constant 0 : i32
    "tpu.region"() ({
      %run_scoped3A_1196 = tpu.sem_alloc : memref<!tpu.dma_semaphore, #tpu.memory_space<semaphore_mem>>
      %dma_start3A_1197 = arith.constant 0 : i32
      %dma_start3A_1198 = tpu.memref_slice %arg17[%dma_start3A_1197] : memref<768xf32, #tpu.memory_space<vmem>> -> memref<128xf32, #tpu.memory_space<vmem>>
      %dma_start3A_1199 = arith.constant 0 : i32
      %dma_start3A_1200 = tpu.memref_slice %arg5[%run_scoped3A, %add3A, %dma_start3A_1199] : memref<11x32x128xf32, #tpu.memory_space<hbm>> -> memref<1x1x128xf32, #tpu.memory_space<hbm>>
      %dma_start3A_1201 = tpu.memref_squeeze %dma_start3A_1200 : memref<1x1x128xf32, #tpu.memory_space<hbm>> -> memref<128xf32, #tpu.memory_space<hbm>>
      %dma_start3A_1202 = arith.constant 0 : i32
      %dma_start3A_1203 = tpu.memref_slice %arg5[%run_scoped3A, %add3A, %dma_start3A_1202] : memref<11x32x128xf32, #tpu.memory_space<hbm>> -> memref<1x1x128xf32, #tpu.memory_space<hbm>>
      %dma_start3A_1204 = tpu.memref_squeeze %dma_start3A_1203 : memref<1x1x128xf32, #tpu.memory_space<hbm>> -> memref<128xf32, #tpu.memory_space<hbm>>
      %dma_start3A_1205 = arith.constant 0 : i32
      %dma_start3A_1206 = tpu.memref_slice %arg17[%dma_start3A_1205] : memref<768xf32, #tpu.memory_space<vmem>> -> memref<128xf32, #tpu.memory_space<vmem>>
      tpu.enqueue_dma source(%dma_start3A_1206 : memref<128xf32, #tpu.memory_space<vmem>>) target(%dma_start3A_1204 : memref<128xf32, #tpu.memory_space<hbm>>) target_semaphore(%run_scoped3A_1196 : memref<!tpu.dma_semaphore, #tpu.memory_space<semaphore_mem>>)
      %dma_wait3A_1207 = arith.constant 0 : i32
      %dma_wait3A_1208 = tpu.memref_slice %arg17[%dma_wait3A_1207] : memref<768xf32, #tpu.memory_space<vmem>> -> memref<128xf32, #tpu.memory_space<vmem>>
      %dma_wait3A_1209 = arith.constant 0 : i32
      %dma_wait3A_1210 = tpu.memref_slice %arg5[%run_scoped3A, %add3A, %dma_wait3A_1209] : memref<11x32x128xf32, #tpu.memory_space<hbm>> -> memref<1x1x128xf32, #tpu.memory_space<hbm>>
      %dma_wait3A_1211 = tpu.memref_squeeze %dma_wait3A_1210 : memref<1x1x128xf32, #tpu.memory_space<hbm>> -> memref<128xf32, #tpu.memory_space<hbm>>
      %dma_wait3A_1212 = arith.constant 0 : i32
      %dma_wait3A_1213 = tpu.memref_slice %arg5[%run_scoped3A, %add3A, %dma_wait3A_1212] : memref<11x32x128xf32, #tpu.memory_space<hbm>> -> memref<1x1x128xf32, #tpu.memory_space<hbm>>
      %dma_wait3A_1214 = tpu.memref_squeeze %dma_wait3A_1213 : memref<1x1x128xf32, #tpu.memory_space<hbm>> -> memref<128xf32, #tpu.memory_space<hbm>>
      %dma_wait3A_1215 = arith.constant 0 : i32
      %dma_wait3A_1216 = tpu.memref_slice %arg17[%dma_wait3A_1215] : memref<768xf32, #tpu.memory_space<vmem>> -> memref<128xf32, #tpu.memory_space<vmem>>
      tpu.wait_dma2 semaphore(%run_scoped3A_1196 : memref<!tpu.dma_semaphore, #tpu.memory_space<semaphore_mem>>) src(%dma_wait3A_1216 : memref<128xf32, #tpu.memory_space<vmem>>) dst(%dma_wait3A_1214 : memref<128xf32, #tpu.memory_space<hbm>>)
      tpu.yield
    }) : () -> ()
    %run_scoped3A_1186 = arith.constant 1 : i32
    "tpu.region"() ({
      %run_scoped3A_1196 = tpu.sem_alloc : memref<!tpu.dma_semaphore, #tpu.memory_space<semaphore_mem>>
      %dma_start3A_1197 = arith.constant 128 : i32
      %dma_start3A_1198 = tpu.memref_slice %arg17[%dma_start3A_1197] : memref<768xf32, #tpu.memory_space<vmem>> -> memref<128xf32, #tpu.memory_space<vmem>>
      %dma_start3A_1199 = arith.constant 0 : i32
      %dma_start3A_1200 = tpu.memref_slice %arg5[%run_scoped3A_1186, %add3A, %dma_start3A_1199] : memref<11x32x128xf32, #tpu.memory_space<hbm>> -> memref<1x1x128xf32, #tpu.memory_space<hbm>>
      %dma_start3A_1201 = tpu.memref_squeeze %dma_start3A_1200 : memref<1x1x128xf32, #tpu.memory_space<hbm>> -> memref<128xf32, #tpu.memory_space<hbm>>
      %dma_start3A_1202 = arith.constant 0 : i32
      %dma_start3A_1203 = tpu.memref_slice %arg5[%run_scoped3A_1186, %add3A, %dma_start3A_1202] : memref<11x32x128xf32, #tpu.memory_space<hbm>> -> memref<1x1x128xf32, #tpu.memory_space<hbm>>
      %dma_start3A_1204 = tpu.memref_squeeze %dma_start3A_1203 : memref<1x1x128xf32, #tpu.memory_space<hbm>> -> memref<128xf32, #tpu.memory_space<hbm>>
      %dma_start3A_1205 = arith.constant 128 : i32
      %dma_start3A_1206 = tpu.memref_slice %arg17[%dma_start3A_1205] : memref<768xf32, #tpu.memory_space<vmem>> -> memref<128xf32, #tpu.memory_space<vmem>>
      tpu.enqueue_dma source(%dma_start3A_1206 : memref<128xf32, #tpu.memory_space<vmem>>) target(%dma_start3A_1204 : memref<128xf32, #tpu.memory_space<hbm>>) target_semaphore(%run_scoped3A_1196 : memref<!tpu.dma_semaphore, #tpu.memory_space<semaphore_mem>>)
      %dma_wait3A_1207 = arith.constant 128 : i32
      %dma_wait3A_1208 = tpu.memref_slice %arg17[%dma_wait3A_1207] : memref<768xf32, #tpu.memory_space<vmem>> -> memref<128xf32, #tpu.memory_space<vmem>>
      %dma_wait3A_1209 = arith.constant 0 : i32
      %dma_wait3A_1210 = tpu.memref_slice %arg5[%run_scoped3A_1186, %add3A, %dma_wait3A_1209] : memref<11x32x128xf32, #tpu.memory_space<hbm>> -> memref<1x1x128xf32, #tpu.memory_space<hbm>>
      %dma_wait3A_1211 = tpu.memref_squeeze %dma_wait3A_1210 : memref<1x1x128xf32, #tpu.memory_space<hbm>> -> memref<128xf32, #tpu.memory_space<hbm>>
      %dma_wait3A_1212 = arith.constant 0 : i32
      %dma_wait3A_1213 = tpu.memref_slice %arg5[%run_scoped3A_1186, %add3A, %dma_wait3A_1212] : memref<11x32x128xf32, #tpu.memory_space<hbm>> -> memref<1x1x128xf32, #tpu.memory_space<hbm>>
      %dma_wait3A_1214 = tpu.memref_squeeze %dma_wait3A_1213 : memref<1x1x128xf32, #tpu.memory_space<hbm>> -> memref<128xf32, #tpu.memory_space<hbm>>
      %dma_wait3A_1215 = arith.constant 128 : i32
      %dma_wait3A_1216 = tpu.memref_slice %arg17[%dma_wait3A_1215] : memref<768xf32, #tpu.memory_space<vmem>> -> memref<128xf32, #tpu.memory_space<vmem>>
      tpu.wait_dma2 semaphore(%run_scoped3A_1196 : memref<!tpu.dma_semaphore, #tpu.memory_space<semaphore_mem>>) src(%dma_wait3A_1216 : memref<128xf32, #tpu.memory_space<vmem>>) dst(%dma_wait3A_1214 : memref<128xf32, #tpu.memory_space<hbm>>)
      tpu.yield
    }) : () -> ()
    %run_scoped3A_1187 = arith.constant 6 : i32
    "tpu.region"() ({
      %run_scoped3A_1196 = tpu.sem_alloc : memref<!tpu.dma_semaphore, #tpu.memory_space<semaphore_mem>>
      %dma_start3A_1197 = arith.constant 0 : i32
      %dma_start3A_1198 = tpu.memref_slice %arg16[%dma_start3A_1197] : memref<640xf32, #tpu.memory_space<vmem>> -> memref<128xf32, #tpu.memory_space<vmem>>
      %dma_start3A_1199 = arith.constant 0 : i32
      %dma_start3A_1200 = tpu.memref_slice %arg5[%run_scoped3A_1187, %add3A, %dma_start3A_1199] : memref<11x32x128xf32, #tpu.memory_space<hbm>> -> memref<1x1x128xf32, #tpu.memory_space<hbm>>
      %dma_start3A_1201 = tpu.memref_squeeze %dma_start3A_1200 : memref<1x1x128xf32, #tpu.memory_space<hbm>> -> memref<128xf32, #tpu.memory_space<hbm>>
      %dma_start3A_1202 = arith.constant 0 : i32
      %dma_start3A_1203 = tpu.memref_slice %arg5[%run_scoped3A_1187, %add3A, %dma_start3A_1202] : memref<11x32x128xf32, #tpu.memory_space<hbm>> -> memref<1x1x128xf32, #tpu.memory_space<hbm>>
      %dma_start3A_1204 = tpu.memref_squeeze %dma_start3A_1203 : memref<1x1x128xf32, #tpu.memory_space<hbm>> -> memref<128xf32, #tpu.memory_space<hbm>>
      %dma_start3A_1205 = arith.constant 0 : i32
      %dma_start3A_1206 = tpu.memref_slice %arg16[%dma_start3A_1205] : memref<640xf32, #tpu.memory_space<vmem>> -> memref<128xf32, #tpu.memory_space<vmem>>
      tpu.enqueue_dma source(%dma_start3A_1206 : memref<128xf32, #tpu.memory_space<vmem>>) target(%dma_start3A_1204 : memref<128xf32, #tpu.memory_space<hbm>>) target_semaphore(%run_scoped3A_1196 : memref<!tpu.dma_semaphore, #tpu.memory_space<semaphore_mem>>)
      %dma_wait3A_1207 = arith.constant 0 : i32
      %dma_wait3A_1208 = tpu.memref_slice %arg16[%dma_wait3A_1207] : memref<640xf32, #tpu.memory_space<vmem>> -> memref<128xf32, #tpu.memory_space<vmem>>
      %dma_wait3A_1209 = arith.constant 0 : i32
      %dma_wait3A_1210 = tpu.memref_slice %arg5[%run_scoped3A_1187, %add3A, %dma_wait3A_1209] : memref<11x32x128xf32, #tpu.memory_space<hbm>> -> memref<1x1x128xf32, #tpu.memory_space<hbm>>
      %dma_wait3A_1211 = tpu.memref_squeeze %dma_wait3A_1210 : memref<1x1x128xf32, #tpu.memory_space<hbm>> -> memref<128xf32, #tpu.memory_space<hbm>>
      %dma_wait3A_1212 = arith.constant 0 : i32
      %dma_wait3A_1213 = tpu.memref_slice %arg5[%run_scoped3A_1187, %add3A, %dma_wait3A_1212] : memref<11x32x128xf32, #tpu.memory_space<hbm>> -> memref<1x1x128xf32, #tpu.memory_space<hbm>>
      %dma_wait3A_1214 = tpu.memref_squeeze %dma_wait3A_1213 : memref<1x1x128xf32, #tpu.memory_space<hbm>> -> memref<128xf32, #tpu.memory_space<hbm>>
      %dma_wait3A_1215 = arith.constant 0 : i32
      %dma_wait3A_1216 = tpu.memref_slice %arg16[%dma_wait3A_1215] : memref<640xf32, #tpu.memory_space<vmem>> -> memref<128xf32, #tpu.memory_space<vmem>>
      tpu.wait_dma2 semaphore(%run_scoped3A_1196 : memref<!tpu.dma_semaphore, #tpu.memory_space<semaphore_mem>>) src(%dma_wait3A_1216 : memref<128xf32, #tpu.memory_space<vmem>>) dst(%dma_wait3A_1214 : memref<128xf32, #tpu.memory_space<hbm>>)
      tpu.yield
    }) : () -> ()
    %run_scoped3A_1188 = arith.constant 2 : i32
    "tpu.region"() ({
      %run_scoped3A_1196 = tpu.sem_alloc : memref<!tpu.dma_semaphore, #tpu.memory_space<semaphore_mem>>
      %dma_start3A_1197 = arith.constant 256 : i32
      %dma_start3A_1198 = tpu.memref_slice %arg17[%dma_start3A_1197] : memref<768xf32, #tpu.memory_space<vmem>> -> memref<128xf32, #tpu.memory_space<vmem>>
      %dma_start3A_1199 = arith.constant 0 : i32
      %dma_start3A_1200 = tpu.memref_slice %arg5[%run_scoped3A_1188, %add3A, %dma_start3A_1199] : memref<11x32x128xf32, #tpu.memory_space<hbm>> -> memref<1x1x128xf32, #tpu.memory_space<hbm>>
      %dma_start3A_1201 = tpu.memref_squeeze %dma_start3A_1200 : memref<1x1x128xf32, #tpu.memory_space<hbm>> -> memref<128xf32, #tpu.memory_space<hbm>>
      %dma_start3A_1202 = arith.constant 0 : i32
      %dma_start3A_1203 = tpu.memref_slice %arg5[%run_scoped3A_1188, %add3A, %dma_start3A_1202] : memref<11x32x128xf32, #tpu.memory_space<hbm>> -> memref<1x1x128xf32, #tpu.memory_space<hbm>>
      %dma_start3A_1204 = tpu.memref_squeeze %dma_start3A_1203 : memref<1x1x128xf32, #tpu.memory_space<hbm>> -> memref<128xf32, #tpu.memory_space<hbm>>
      %dma_start3A_1205 = arith.constant 256 : i32
      %dma_start3A_1206 = tpu.memref_slice %arg17[%dma_start3A_1205] : memref<768xf32, #tpu.memory_space<vmem>> -> memref<128xf32, #tpu.memory_space<vmem>>
      tpu.enqueue_dma source(%dma_start3A_1206 : memref<128xf32, #tpu.memory_space<vmem>>) target(%dma_start3A_1204 : memref<128xf32, #tpu.memory_space<hbm>>) target_semaphore(%run_scoped3A_1196 : memref<!tpu.dma_semaphore, #tpu.memory_space<semaphore_mem>>)
      %dma_wait3A_1207 = arith.constant 256 : i32
      %dma_wait3A_1208 = tpu.memref_slice %arg17[%dma_wait3A_1207] : memref<768xf32, #tpu.memory_space<vmem>> -> memref<128xf32, #tpu.memory_space<vmem>>
      %dma_wait3A_1209 = arith.constant 0 : i32
      %dma_wait3A_1210 = tpu.memref_slice %arg5[%run_scoped3A_1188, %add3A, %dma_wait3A_1209] : memref<11x32x128xf32, #tpu.memory_space<hbm>> -> memref<1x1x128xf32, #tpu.memory_space<hbm>>
      %dma_wait3A_1211 = tpu.memref_squeeze %dma_wait3A_1210 : memref<1x1x128xf32, #tpu.memory_space<hbm>> -> memref<128xf32, #tpu.memory_space<hbm>>
      %dma_wait3A_1212 = arith.constant 0 : i32
      %dma_wait3A_1213 = tpu.memref_slice %arg5[%run_scoped3A_1188, %add3A, %dma_wait3A_1212] : memref<11x32x128xf32, #tpu.memory_space<hbm>> -> memref<1x1x128xf32, #tpu.memory_space<hbm>>
      %dma_wait3A_1214 = tpu.memref_squeeze %dma_wait3A_1213 : memref<1x1x128xf32, #tpu.memory_space<hbm>> -> memref<128xf32, #tpu.memory_space<hbm>>
      %dma_wait3A_1215 = arith.constant 256 : i32
      %dma_wait3A_1216 = tpu.memref_slice %arg17[%dma_wait3A_1215] : memref<768xf32, #tpu.memory_space<vmem>> -> memref<128xf32, #tpu.memory_space<vmem>>
      tpu.wait_dma2 semaphore(%run_scoped3A_1196 : memref<!tpu.dma_semaphore, #tpu.memory_space<semaphore_mem>>) src(%dma_wait3A_1216 : memref<128xf32, #tpu.memory_space<vmem>>) dst(%dma_wait3A_1214 : memref<128xf32, #tpu.memory_space<hbm>>)
      tpu.yield
    }) : () -> ()
    %run_scoped3A_1189 = arith.constant 7 : i32
    "tpu.region"() ({
      %run_scoped3A_1196 = tpu.sem_alloc : memref<!tpu.dma_semaphore, #tpu.memory_space<semaphore_mem>>
      %dma_start3A_1197 = arith.constant 128 : i32
      %dma_start3A_1198 = tpu.memref_slice %arg16[%dma_start3A_1197] : memref<640xf32, #tpu.memory_space<vmem>> -> memref<128xf32, #tpu.memory_space<vmem>>
      %dma_start3A_1199 = arith.constant 0 : i32
      %dma_start3A_1200 = tpu.memref_slice %arg5[%run_scoped3A_1189, %add3A, %dma_start3A_1199] : memref<11x32x128xf32, #tpu.memory_space<hbm>> -> memref<1x1x128xf32, #tpu.memory_space<hbm>>
      %dma_start3A_1201 = tpu.memref_squeeze %dma_start3A_1200 : memref<1x1x128xf32, #tpu.memory_space<hbm>> -> memref<128xf32, #tpu.memory_space<hbm>>
      %dma_start3A_1202 = arith.constant 0 : i32
      %dma_start3A_1203 = tpu.memref_slice %arg5[%run_scoped3A_1189, %add3A, %dma_start3A_1202] : memref<11x32x128xf32, #tpu.memory_space<hbm>> -> memref<1x1x128xf32, #tpu.memory_space<hbm>>
      %dma_start3A_1204 = tpu.memref_squeeze %dma_start3A_1203 : memref<1x1x128xf32, #tpu.memory_space<hbm>> -> memref<128xf32, #tpu.memory_space<hbm>>
      %dma_start3A_1205 = arith.constant 128 : i32
      %dma_start3A_1206 = tpu.memref_slice %arg16[%dma_start3A_1205] : memref<640xf32, #tpu.memory_space<vmem>> -> memref<128xf32, #tpu.memory_space<vmem>>
      tpu.enqueue_dma source(%dma_start3A_1206 : memref<128xf32, #tpu.memory_space<vmem>>) target(%dma_start3A_1204 : memref<128xf32, #tpu.memory_space<hbm>>) target_semaphore(%run_scoped3A_1196 : memref<!tpu.dma_semaphore, #tpu.memory_space<semaphore_mem>>)
      %dma_wait3A_1207 = arith.constant 128 : i32
      %dma_wait3A_1208 = tpu.memref_slice %arg16[%dma_wait3A_1207] : memref<640xf32, #tpu.memory_space<vmem>> -> memref<128xf32, #tpu.memory_space<vmem>>
      %dma_wait3A_1209 = arith.constant 0 : i32
      %dma_wait3A_1210 = tpu.memref_slice %arg5[%run_scoped3A_1189, %add3A, %dma_wait3A_1209] : memref<11x32x128xf32, #tpu.memory_space<hbm>> -> memref<1x1x128xf32, #tpu.memory_space<hbm>>
      %dma_wait3A_1211 = tpu.memref_squeeze %dma_wait3A_1210 : memref<1x1x128xf32, #tpu.memory_space<hbm>> -> memref<128xf32, #tpu.memory_space<hbm>>
      %dma_wait3A_1212 = arith.constant 0 : i32
      %dma_wait3A_1213 = tpu.memref_slice %arg5[%run_scoped3A_1189, %add3A, %dma_wait3A_1212] : memref<11x32x128xf32, #tpu.memory_space<hbm>> -> memref<1x1x128xf32, #tpu.memory_space<hbm>>
      %dma_wait3A_1214 = tpu.memref_squeeze %dma_wait3A_1213 : memref<1x1x128xf32, #tpu.memory_space<hbm>> -> memref<128xf32, #tpu.memory_space<hbm>>
      %dma_wait3A_1215 = arith.constant 128 : i32
      %dma_wait3A_1216 = tpu.memref_slice %arg16[%dma_wait3A_1215] : memref<640xf32, #tpu.memory_space<vmem>> -> memref<128xf32, #tpu.memory_space<vmem>>
      tpu.wait_dma2 semaphore(%run_scoped3A_1196 : memref<!tpu.dma_semaphore, #tpu.memory_space<semaphore_mem>>) src(%dma_wait3A_1216 : memref<128xf32, #tpu.memory_space<vmem>>) dst(%dma_wait3A_1214 : memref<128xf32, #tpu.memory_space<hbm>>)
      tpu.yield
    }) : () -> ()
    %run_scoped3A_1190 = arith.constant 3 : i32
    "tpu.region"() ({
      %run_scoped3A_1196 = tpu.sem_alloc : memref<!tpu.dma_semaphore, #tpu.memory_space<semaphore_mem>>
      %dma_start3A_1197 = arith.constant 384 : i32
      %dma_start3A_1198 = tpu.memref_slice %arg17[%dma_start3A_1197] : memref<768xf32, #tpu.memory_space<vmem>> -> memref<128xf32, #tpu.memory_space<vmem>>
      %dma_start3A_1199 = arith.constant 0 : i32
      %dma_start3A_1200 = tpu.memref_slice %arg5[%run_scoped3A_1190, %add3A, %dma_start3A_1199] : memref<11x32x128xf32, #tpu.memory_space<hbm>> -> memref<1x1x128xf32, #tpu.memory_space<hbm>>
      %dma_start3A_1201 = tpu.memref_squeeze %dma_start3A_1200 : memref<1x1x128xf32, #tpu.memory_space<hbm>> -> memref<128xf32, #tpu.memory_space<hbm>>
      %dma_start3A_1202 = arith.constant 0 : i32
      %dma_start3A_1203 = tpu.memref_slice %arg5[%run_scoped3A_1190, %add3A, %dma_start3A_1202] : memref<11x32x128xf32, #tpu.memory_space<hbm>> -> memref<1x1x128xf32, #tpu.memory_space<hbm>>
      %dma_start3A_1204 = tpu.memref_squeeze %dma_start3A_1203 : memref<1x1x128xf32, #tpu.memory_space<hbm>> -> memref<128xf32, #tpu.memory_space<hbm>>
      %dma_start3A_1205 = arith.constant 384 : i32
      %dma_start3A_1206 = tpu.memref_slice %arg17[%dma_start3A_1205] : memref<768xf32, #tpu.memory_space<vmem>> -> memref<128xf32, #tpu.memory_space<vmem>>
      tpu.enqueue_dma source(%dma_start3A_1206 : memref<128xf32, #tpu.memory_space<vmem>>) target(%dma_start3A_1204 : memref<128xf32, #tpu.memory_space<hbm>>) target_semaphore(%run_scoped3A_1196 : memref<!tpu.dma_semaphore, #tpu.memory_space<semaphore_mem>>)
      %dma_wait3A_1207 = arith.constant 384 : i32
      %dma_wait3A_1208 = tpu.memref_slice %arg17[%dma_wait3A_1207] : memref<768xf32, #tpu.memory_space<vmem>> -> memref<128xf32, #tpu.memory_space<vmem>>
      %dma_wait3A_1209 = arith.constant 0 : i32
      %dma_wait3A_1210 = tpu.memref_slice %arg5[%run_scoped3A_1190, %add3A, %dma_wait3A_1209] : memref<11x32x128xf32, #tpu.memory_space<hbm>> -> memref<1x1x128xf32, #tpu.memory_space<hbm>>
      %dma_wait3A_1211 = tpu.memref_squeeze %dma_wait3A_1210 : memref<1x1x128xf32, #tpu.memory_space<hbm>> -> memref<128xf32, #tpu.memory_space<hbm>>
      %dma_wait3A_1212 = arith.constant 0 : i32
      %dma_wait3A_1213 = tpu.memref_slice %arg5[%run_scoped3A_1190, %add3A, %dma_wait3A_1212] : memref<11x32x128xf32, #tpu.memory_space<hbm>> -> memref<1x1x128xf32, #tpu.memory_space<hbm>>
      %dma_wait3A_1214 = tpu.memref_squeeze %dma_wait3A_1213 : memref<1x1x128xf32, #tpu.memory_space<hbm>> -> memref<128xf32, #tpu.memory_space<hbm>>
      %dma_wait3A_1215 = arith.constant 384 : i32
      %dma_wait3A_1216 = tpu.memref_slice %arg17[%dma_wait3A_1215] : memref<768xf32, #tpu.memory_space<vmem>> -> memref<128xf32, #tpu.memory_space<vmem>>
      tpu.wait_dma2 semaphore(%run_scoped3A_1196 : memref<!tpu.dma_semaphore, #tpu.memory_space<semaphore_mem>>) src(%dma_wait3A_1216 : memref<128xf32, #tpu.memory_space<vmem>>) dst(%dma_wait3A_1214 : memref<128xf32, #tpu.memory_space<hbm>>)
      tpu.yield
    }) : () -> ()
    %run_scoped3A_1191 = arith.constant 8 : i32
    "tpu.region"() ({
      %run_scoped3A_1196 = tpu.sem_alloc : memref<!tpu.dma_semaphore, #tpu.memory_space<semaphore_mem>>
      %dma_start3A_1197 = arith.constant 256 : i32
      %dma_start3A_1198 = tpu.memref_slice %arg16[%dma_start3A_1197] : memref<640xf32, #tpu.memory_space<vmem>> -> memref<128xf32, #tpu.memory_space<vmem>>
      %dma_start3A_1199 = arith.constant 0 : i32
      %dma_start3A_1200 = tpu.memref_slice %arg5[%run_scoped3A_1191, %add3A, %dma_start3A_1199] : memref<11x32x128xf32, #tpu.memory_space<hbm>> -> memref<1x1x128xf32, #tpu.memory_space<hbm>>
      %dma_start3A_1201 = tpu.memref_squeeze %dma_start3A_1200 : memref<1x1x128xf32, #tpu.memory_space<hbm>> -> memref<128xf32, #tpu.memory_space<hbm>>
      %dma_start3A_1202 = arith.constant 0 : i32
      %dma_start3A_1203 = tpu.memref_slice %arg5[%run_scoped3A_1191, %add3A, %dma_start3A_1202] : memref<11x32x128xf32, #tpu.memory_space<hbm>> -> memref<1x1x128xf32, #tpu.memory_space<hbm>>
      %dma_start3A_1204 = tpu.memref_squeeze %dma_start3A_1203 : memref<1x1x128xf32, #tpu.memory_space<hbm>> -> memref<128xf32, #tpu.memory_space<hbm>>
      %dma_start3A_1205 = arith.constant 256 : i32
      %dma_start3A_1206 = tpu.memref_slice %arg16[%dma_start3A_1205] : memref<640xf32, #tpu.memory_space<vmem>> -> memref<128xf32, #tpu.memory_space<vmem>>
      tpu.enqueue_dma source(%dma_start3A_1206 : memref<128xf32, #tpu.memory_space<vmem>>) target(%dma_start3A_1204 : memref<128xf32, #tpu.memory_space<hbm>>) target_semaphore(%run_scoped3A_1196 : memref<!tpu.dma_semaphore, #tpu.memory_space<semaphore_mem>>)
      %dma_wait3A_1207 = arith.constant 256 : i32
      %dma_wait3A_1208 = tpu.memref_slice %arg16[%dma_wait3A_1207] : memref<640xf32, #tpu.memory_space<vmem>> -> memref<128xf32, #tpu.memory_space<vmem>>
      %dma_wait3A_1209 = arith.constant 0 : i32
      %dma_wait3A_1210 = tpu.memref_slice %arg5[%run_scoped3A_1191, %add3A, %dma_wait3A_1209] : memref<11x32x128xf32, #tpu.memory_space<hbm>> -> memref<1x1x128xf32, #tpu.memory_space<hbm>>
      %dma_wait3A_1211 = tpu.memref_squeeze %dma_wait3A_1210 : memref<1x1x128xf32, #tpu.memory_space<hbm>> -> memref<128xf32, #tpu.memory_space<hbm>>
      %dma_wait3A_1212 = arith.constant 0 : i32
      %dma_wait3A_1213 = tpu.memref_slice %arg5[%run_scoped3A_1191, %add3A, %dma_wait3A_1212] : memref<11x32x128xf32, #tpu.memory_space<hbm>> -> memref<1x1x128xf32, #tpu.memory_space<hbm>>
      %dma_wait3A_1214 = tpu.memref_squeeze %dma_wait3A_1213 : memref<1x1x128xf32, #tpu.memory_space<hbm>> -> memref<128xf32, #tpu.memory_space<hbm>>
      %dma_wait3A_1215 = arith.constant 256 : i32
      %dma_wait3A_1216 = tpu.memref_slice %arg16[%dma_wait3A_1215] : memref<640xf32, #tpu.memory_space<vmem>> -> memref<128xf32, #tpu.memory_space<vmem>>
      tpu.wait_dma2 semaphore(%run_scoped3A_1196 : memref<!tpu.dma_semaphore, #tpu.memory_space<semaphore_mem>>) src(%dma_wait3A_1216 : memref<128xf32, #tpu.memory_space<vmem>>) dst(%dma_wait3A_1214 : memref<128xf32, #tpu.memory_space<hbm>>)
      tpu.yield
    }) : () -> ()
    %run_scoped3A_1192 = arith.constant 4 : i32
    "tpu.region"() ({
      %run_scoped3A_1196 = tpu.sem_alloc : memref<!tpu.dma_semaphore, #tpu.memory_space<semaphore_mem>>
      %dma_start3A_1197 = arith.constant 512 : i32
      %dma_start3A_1198 = tpu.memref_slice %arg17[%dma_start3A_1197] : memref<768xf32, #tpu.memory_space<vmem>> -> memref<128xf32, #tpu.memory_space<vmem>>
      %dma_start3A_1199 = arith.constant 0 : i32
      %dma_start3A_1200 = tpu.memref_slice %arg5[%run_scoped3A_1192, %add3A, %dma_start3A_1199] : memref<11x32x128xf32, #tpu.memory_space<hbm>> -> memref<1x1x128xf32, #tpu.memory_space<hbm>>
      %dma_start3A_1201 = tpu.memref_squeeze %dma_start3A_1200 : memref<1x1x128xf32, #tpu.memory_space<hbm>> -> memref<128xf32, #tpu.memory_space<hbm>>
      %dma_start3A_1202 = arith.constant 0 : i32
      %dma_start3A_1203 = tpu.memref_slice %arg5[%run_scoped3A_1192, %add3A, %dma_start3A_1202] : memref<11x32x128xf32, #tpu.memory_space<hbm>> -> memref<1x1x128xf32, #tpu.memory_space<hbm>>
      %dma_start3A_1204 = tpu.memref_squeeze %dma_start3A_1203 : memref<1x1x128xf32, #tpu.memory_space<hbm>> -> memref<128xf32, #tpu.memory_space<hbm>>
      %dma_start3A_1205 = arith.constant 512 : i32
      %dma_start3A_1206 = tpu.memref_slice %arg17[%dma_start3A_1205] : memref<768xf32, #tpu.memory_space<vmem>> -> memref<128xf32, #tpu.memory_space<vmem>>
      tpu.enqueue_dma source(%dma_start3A_1206 : memref<128xf32, #tpu.memory_space<vmem>>) target(%dma_start3A_1204 : memref<128xf32, #tpu.memory_space<hbm>>) target_semaphore(%run_scoped3A_1196 : memref<!tpu.dma_semaphore, #tpu.memory_space<semaphore_mem>>)
      %dma_wait3A_1207 = arith.constant 512 : i32
      %dma_wait3A_1208 = tpu.memref_slice %arg17[%dma_wait3A_1207] : memref<768xf32, #tpu.memory_space<vmem>> -> memref<128xf32, #tpu.memory_space<vmem>>
      %dma_wait3A_1209 = arith.constant 0 : i32
      %dma_wait3A_1210 = tpu.memref_slice %arg5[%run_scoped3A_1192, %add3A, %dma_wait3A_1209] : memref<11x32x128xf32, #tpu.memory_space<hbm>> -> memref<1x1x128xf32, #tpu.memory_space<hbm>>
      %dma_wait3A_1211 = tpu.memref_squeeze %dma_wait3A_1210 : memref<1x1x128xf32, #tpu.memory_space<hbm>> -> memref<128xf32, #tpu.memory_space<hbm>>
      %dma_wait3A_1212 = arith.constant 0 : i32
      %dma_wait3A_1213 = tpu.memref_slice %arg5[%run_scoped3A_1192, %add3A, %dma_wait3A_1212] : memref<11x32x128xf32, #tpu.memory_space<hbm>> -> memref<1x1x128xf32, #tpu.memory_space<hbm>>
      %dma_wait3A_1214 = tpu.memref_squeeze %dma_wait3A_1213 : memref<1x1x128xf32, #tpu.memory_space<hbm>> -> memref<128xf32, #tpu.memory_space<hbm>>
      %dma_wait3A_1215 = arith.constant 512 : i32
      %dma_wait3A_1216 = tpu.memref_slice %arg17[%dma_wait3A_1215] : memref<768xf32, #tpu.memory_space<vmem>> -> memref<128xf32, #tpu.memory_space<vmem>>
      tpu.wait_dma2 semaphore(%run_scoped3A_1196 : memref<!tpu.dma_semaphore, #tpu.memory_space<semaphore_mem>>) src(%dma_wait3A_1216 : memref<128xf32, #tpu.memory_space<vmem>>) dst(%dma_wait3A_1214 : memref<128xf32, #tpu.memory_space<hbm>>)
      tpu.yield
    }) : () -> ()
    %run_scoped3A_1193 = arith.constant 9 : i32
    "tpu.region"() ({
      %run_scoped3A_1196 = tpu.sem_alloc : memref<!tpu.dma_semaphore, #tpu.memory_space<semaphore_mem>>
      %dma_start3A_1197 = arith.constant 384 : i32
      %dma_start3A_1198 = tpu.memref_slice %arg16[%dma_start3A_1197] : memref<640xf32, #tpu.memory_space<vmem>> -> memref<128xf32, #tpu.memory_space<vmem>>
      %dma_start3A_1199 = arith.constant 0 : i32
      %dma_start3A_1200 = tpu.memref_slice %arg5[%run_scoped3A_1193, %add3A, %dma_start3A_1199] : memref<11x32x128xf32, #tpu.memory_space<hbm>> -> memref<1x1x128xf32, #tpu.memory_space<hbm>>
      %dma_start3A_1201 = tpu.memref_squeeze %dma_start3A_1200 : memref<1x1x128xf32, #tpu.memory_space<hbm>> -> memref<128xf32, #tpu.memory_space<hbm>>
      %dma_start3A_1202 = arith.constant 0 : i32
      %dma_start3A_1203 = tpu.memref_slice %arg5[%run_scoped3A_1193, %add3A, %dma_start3A_1202] : memref<11x32x128xf32, #tpu.memory_space<hbm>> -> memref<1x1x128xf32, #tpu.memory_space<hbm>>
      %dma_start3A_1204 = tpu.memref_squeeze %dma_start3A_1203 : memref<1x1x128xf32, #tpu.memory_space<hbm>> -> memref<128xf32, #tpu.memory_space<hbm>>
      %dma_start3A_1205 = arith.constant 384 : i32
      %dma_start3A_1206 = tpu.memref_slice %arg16[%dma_start3A_1205] : memref<640xf32, #tpu.memory_space<vmem>> -> memref<128xf32, #tpu.memory_space<vmem>>
      tpu.enqueue_dma source(%dma_start3A_1206 : memref<128xf32, #tpu.memory_space<vmem>>) target(%dma_start3A_1204 : memref<128xf32, #tpu.memory_space<hbm>>) target_semaphore(%run_scoped3A_1196 : memref<!tpu.dma_semaphore, #tpu.memory_space<semaphore_mem>>)
      %dma_wait3A_1207 = arith.constant 384 : i32
      %dma_wait3A_1208 = tpu.memref_slice %arg16[%dma_wait3A_1207] : memref<640xf32, #tpu.memory_space<vmem>> -> memref<128xf32, #tpu.memory_space<vmem>>
      %dma_wait3A_1209 = arith.constant 0 : i32
      %dma_wait3A_1210 = tpu.memref_slice %arg5[%run_scoped3A_1193, %add3A, %dma_wait3A_1209] : memref<11x32x128xf32, #tpu.memory_space<hbm>> -> memref<1x1x128xf32, #tpu.memory_space<hbm>>
      %dma_wait3A_1211 = tpu.memref_squeeze %dma_wait3A_1210 : memref<1x1x128xf32, #tpu.memory_space<hbm>> -> memref<128xf32, #tpu.memory_space<hbm>>
      %dma_wait3A_1212 = arith.constant 0 : i32
      %dma_wait3A_1213 = tpu.memref_slice %arg5[%run_scoped3A_1193, %add3A, %dma_wait3A_1212] : memref<11x32x128xf32, #tpu.memory_space<hbm>> -> memref<1x1x128xf32, #tpu.memory_space<hbm>>
      %dma_wait3A_1214 = tpu.memref_squeeze %dma_wait3A_1213 : memref<1x1x128xf32, #tpu.memory_space<hbm>> -> memref<128xf32, #tpu.memory_space<hbm>>
      %dma_wait3A_1215 = arith.constant 384 : i32
      %dma_wait3A_1216 = tpu.memref_slice %arg16[%dma_wait3A_1215] : memref<640xf32, #tpu.memory_space<vmem>> -> memref<128xf32, #tpu.memory_space<vmem>>
      tpu.wait_dma2 semaphore(%run_scoped3A_1196 : memref<!tpu.dma_semaphore, #tpu.memory_space<semaphore_mem>>) src(%dma_wait3A_1216 : memref<128xf32, #tpu.memory_space<vmem>>) dst(%dma_wait3A_1214 : memref<128xf32, #tpu.memory_space<hbm>>)
      tpu.yield
    }) : () -> ()
    %run_scoped3A_1194 = arith.constant 5 : i32
    "tpu.region"() ({
      %run_scoped3A_1196 = tpu.sem_alloc : memref<!tpu.dma_semaphore, #tpu.memory_space<semaphore_mem>>
      %dma_start3A_1197 = arith.constant 640 : i32
      %dma_start3A_1198 = tpu.memref_slice %arg17[%dma_start3A_1197] : memref<768xf32, #tpu.memory_space<vmem>> -> memref<128xf32, #tpu.memory_space<vmem>>
      %dma_start3A_1199 = arith.constant 0 : i32
      %dma_start3A_1200 = tpu.memref_slice %arg5[%run_scoped3A_1194, %add3A, %dma_start3A_1199] : memref<11x32x128xf32, #tpu.memory_space<hbm>> -> memref<1x1x128xf32, #tpu.memory_space<hbm>>
      %dma_start3A_1201 = tpu.memref_squeeze %dma_start3A_1200 : memref<1x1x128xf32, #tpu.memory_space<hbm>> -> memref<128xf32, #tpu.memory_space<hbm>>
      %dma_start3A_1202 = arith.constant 0 : i32
      %dma_start3A_1203 = tpu.memref_slice %arg5[%run_scoped3A_1194, %add3A, %dma_start3A_1202] : memref<11x32x128xf32, #tpu.memory_space<hbm>> -> memref<1x1x128xf32, #tpu.memory_space<hbm>>
      %dma_start3A_1204 = tpu.memref_squeeze %dma_start3A_1203 : memref<1x1x128xf32, #tpu.memory_space<hbm>> -> memref<128xf32, #tpu.memory_space<hbm>>
      %dma_start3A_1205 = arith.constant 640 : i32
      %dma_start3A_1206 = tpu.memref_slice %arg17[%dma_start3A_1205] : memref<768xf32, #tpu.memory_space<vmem>> -> memref<128xf32, #tpu.memory_space<vmem>>
      tpu.enqueue_dma source(%dma_start3A_1206 : memref<128xf32, #tpu.memory_space<vmem>>) target(%dma_start3A_1204 : memref<128xf32, #tpu.memory_space<hbm>>) target_semaphore(%run_scoped3A_1196 : memref<!tpu.dma_semaphore, #tpu.memory_space<semaphore_mem>>)
      %dma_wait3A_1207 = arith.constant 640 : i32
      %dma_wait3A_1208 = tpu.memref_slice %arg17[%dma_wait3A_1207] : memref<768xf32, #tpu.memory_space<vmem>> -> memref<128xf32, #tpu.memory_space<vmem>>
      %dma_wait3A_1209 = arith.constant 0 : i32
      %dma_wait3A_1210 = tpu.memref_slice %arg5[%run_scoped3A_1194, %add3A, %dma_wait3A_1209] : memref<11x32x128xf32, #tpu.memory_space<hbm>> -> memref<1x1x128xf32, #tpu.memory_space<hbm>>
      %dma_wait3A_1211 = tpu.memref_squeeze %dma_wait3A_1210 : memref<1x1x128xf32, #tpu.memory_space<hbm>> -> memref<128xf32, #tpu.memory_space<hbm>>
      %dma_wait3A_1212 = arith.constant 0 : i32
      %dma_wait3A_1213 = tpu.memref_slice %arg5[%run_scoped3A_1194, %add3A, %dma_wait3A_1212] : memref<11x32x128xf32, #tpu.memory_space<hbm>> -> memref<1x1x128xf32, #tpu.memory_space<hbm>>
      %dma_wait3A_1214 = tpu.memref_squeeze %dma_wait3A_1213 : memref<1x1x128xf32, #tpu.memory_space<hbm>> -> memref<128xf32, #tpu.memory_space<hbm>>
      %dma_wait3A_1215 = arith.constant 640 : i32
      %dma_wait3A_1216 = tpu.memref_slice %arg17[%dma_wait3A_1215] : memref<768xf32, #tpu.memory_space<vmem>> -> memref<128xf32, #tpu.memory_space<vmem>>
      tpu.wait_dma2 semaphore(%run_scoped3A_1196 : memref<!tpu.dma_semaphore, #tpu.memory_space<semaphore_mem>>) src(%dma_wait3A_1216 : memref<128xf32, #tpu.memory_space<vmem>>) dst(%dma_wait3A_1214 : memref<128xf32, #tpu.memory_space<hbm>>)
      tpu.yield
    }) : () -> ()
    %run_scoped3A_1195 = arith.constant 10 : i32
    "tpu.region"() ({
      %run_scoped3A_1196 = tpu.sem_alloc : memref<!tpu.dma_semaphore, #tpu.memory_space<semaphore_mem>>
      %dma_start3A_1197 = arith.constant 512 : i32
      %dma_start3A_1198 = tpu.memref_slice %arg16[%dma_start3A_1197] : memref<640xf32, #tpu.memory_space<vmem>> -> memref<128xf32, #tpu.memory_space<vmem>>
      %dma_start3A_1199 = arith.constant 0 : i32
      %dma_start3A_1200 = tpu.memref_slice %arg5[%run_scoped3A_1195, %add3A, %dma_start3A_1199] : memref<11x32x128xf32, #tpu.memory_space<hbm>> -> memref<1x1x128xf32, #tpu.memory_space<hbm>>
      %dma_start3A_1201 = tpu.memref_squeeze %dma_start3A_1200 : memref<1x1x128xf32, #tpu.memory_space<hbm>> -> memref<128xf32, #tpu.memory_space<hbm>>
      %dma_start3A_1202 = arith.constant 0 : i32
      %dma_start3A_1203 = tpu.memref_slice %arg5[%run_scoped3A_1195, %add3A, %dma_start3A_1202] : memref<11x32x128xf32, #tpu.memory_space<hbm>> -> memref<1x1x128xf32, #tpu.memory_space<hbm>>
      %dma_start3A_1204 = tpu.memref_squeeze %dma_start3A_1203 : memref<1x1x128xf32, #tpu.memory_space<hbm>> -> memref<128xf32, #tpu.memory_space<hbm>>
      %dma_start3A_1205 = arith.constant 512 : i32
      %dma_start3A_1206 = tpu.memref_slice %arg16[%dma_start3A_1205] : memref<640xf32, #tpu.memory_space<vmem>> -> memref<128xf32, #tpu.memory_space<vmem>>
      tpu.enqueue_dma source(%dma_start3A_1206 : memref<128xf32, #tpu.memory_space<vmem>>) target(%dma_start3A_1204 : memref<128xf32, #tpu.memory_space<hbm>>) target_semaphore(%run_scoped3A_1196 : memref<!tpu.dma_semaphore, #tpu.memory_space<semaphore_mem>>)
      %dma_wait3A_1207 = arith.constant 512 : i32
      %dma_wait3A_1208 = tpu.memref_slice %arg16[%dma_wait3A_1207] : memref<640xf32, #tpu.memory_space<vmem>> -> memref<128xf32, #tpu.memory_space<vmem>>
      %dma_wait3A_1209 = arith.constant 0 : i32
      %dma_wait3A_1210 = tpu.memref_slice %arg5[%run_scoped3A_1195, %add3A, %dma_wait3A_1209] : memref<11x32x128xf32, #tpu.memory_space<hbm>> -> memref<1x1x128xf32, #tpu.memory_space<hbm>>
      %dma_wait3A_1211 = tpu.memref_squeeze %dma_wait3A_1210 : memref<1x1x128xf32, #tpu.memory_space<hbm>> -> memref<128xf32, #tpu.memory_space<hbm>>
      %dma_wait3A_1212 = arith.constant 0 : i32
      %dma_wait3A_1213 = tpu.memref_slice %arg5[%run_scoped3A_1195, %add3A, %dma_wait3A_1212] : memref<11x32x128xf32, #tpu.memory_space<hbm>> -> memref<1x1x128xf32, #tpu.memory_space<hbm>>
      %dma_wait3A_1214 = tpu.memref_squeeze %dma_wait3A_1213 : memref<1x1x128xf32, #tpu.memory_space<hbm>> -> memref<128xf32, #tpu.memory_space<hbm>>
      %dma_wait3A_1215 = arith.constant 512 : i32
      %dma_wait3A_1216 = tpu.memref_slice %arg16[%dma_wait3A_1215] : memref<640xf32, #tpu.memory_space<vmem>> -> memref<128xf32, #tpu.memory_space<vmem>>
      tpu.wait_dma2 semaphore(%run_scoped3A_1196 : memref<!tpu.dma_semaphore, #tpu.memory_space<semaphore_mem>>) src(%dma_wait3A_1216 : memref<128xf32, #tpu.memory_space<vmem>>) dst(%dma_wait3A_1214 : memref<128xf32, #tpu.memory_space<hbm>>)
      tpu.yield
    }) : () -> ()
    return
  }
}

module attributes {stable_mosaic.version = 14 : i64} {
  func.func @_loss_body(%arg0: memref<11x32x128xf32, #tpu.memory_space<vmem>>, %arg1: memref<1x1xf32, #tpu.memory_space<vmem>>) attributes {dimension_semantics = [], scalar_prefetch = 0 : i64, scratch_operands = 0 : i64, tpu.core_type = #tpu.core_type<tc>} {
    %get3A = arith.constant 0 : index
    %get3A_0 = arith.constant 0 : index
    %get3A_1 = arith.constant 0 : index
    %get3A_2 = vector.load %arg0[%get3A, %get3A_0, %get3A_1] : memref<11x32x128xf32, #tpu.memory_space<vmem>>, vector<1x32x128xf32>
    %get3A_3 = vector.shape_cast %get3A_2 : vector<1x32x128xf32> to vector<32x128xf32>
    %jit3A = arith.constant -1.000000e+01 : f32
    %jit3A_4 = arith.constant 1.000000e+01 : f32
    %max3A = vector.broadcast %jit3A : f32 to vector<32x128xf32>
    %max3A_5 = arith.maximumf %max3A, %get3A_3 : vector<32x128xf32>
    %min3A = vector.broadcast %jit3A_4 : f32 to vector<32x128xf32>
    %min3A_6 = arith.minimumf %min3A, %max3A_5 : vector<32x128xf32>
    %neg3A = arith.constant 0.000000e+00 : f32
    %neg3A_7 = vector.broadcast %neg3A : f32 to vector<32x128xf32>
    %neg3A_8 = arith.subf %neg3A_7, %min3A_6 : vector<32x128xf32>
    %exp3A = math.exp %neg3A_8 : vector<32x128xf32>
    %add3A = arith.constant 1.000000e+00 : f32
    %add3A_9 = vector.broadcast %add3A : f32 to vector<32x128xf32>
    %add3A_10 = arith.addf %add3A_9, %exp3A : vector<32x128xf32>
    %log3A = math.log %add3A_10 : vector<32x128xf32>
    %reduce_sum3A = vector.shape_cast %log3A : vector<32x128xf32> to vector<1x32x128xf32>
    %reduce_sum3A_11 = arith.constant dense<0.000000e+00> : vector<1xf32>
    %reduce_sum3A_12 = vector.multi_reduction <add>, %reduce_sum3A, %reduce_sum3A_11 [1, 2] : vector<1x32x128xf32> to vector<1xf32>
    %reduce_sum3A_13 = vector.shape_cast %reduce_sum3A_12 : vector<1xf32> to vector<1x1x1xf32>
    %reduce_sum3A_14 = vector.extract %reduce_sum3A_13[0, 0, 0] : f32 from vector<1x1x1xf32>
    %get3A_15 = arith.constant 1 : index
    %get3A_16 = arith.constant 0 : index
    %get3A_17 = arith.constant 0 : index
    %get3A_18 = vector.load %arg0[%get3A_15, %get3A_16, %get3A_17] : memref<11x32x128xf32, #tpu.memory_space<vmem>>, vector<1x32x128xf32>
    %get3A_19 = vector.shape_cast %get3A_18 : vector<1x32x128xf32> to vector<32x128xf32>
    %neg3A_20 = arith.constant 0.000000e+00 : f32
    %neg3A_21 = vector.broadcast %neg3A_20 : f32 to vector<32x128xf32>
    %neg3A_22 = arith.subf %neg3A_21, %get3A_19 : vector<32x128xf32>
    %jit3A_23 = arith.constant -1.000000e+01 : f32
    %jit3A_24 = arith.constant 1.000000e+01 : f32
    %max3A_25 = vector.broadcast %jit3A_23 : f32 to vector<32x128xf32>
    %max3A_26 = arith.maximumf %max3A_25, %neg3A_22 : vector<32x128xf32>
    %min3A_27 = vector.broadcast %jit3A_24 : f32 to vector<32x128xf32>
    %min3A_28 = arith.minimumf %min3A_27, %max3A_26 : vector<32x128xf32>
    %neg3A_29 = arith.constant 0.000000e+00 : f32
    %neg3A_30 = vector.broadcast %neg3A_29 : f32 to vector<32x128xf32>
    %neg3A_31 = arith.subf %neg3A_30, %min3A_28 : vector<32x128xf32>
    %exp3A_32 = math.exp %neg3A_31 : vector<32x128xf32>
    %add3A_33 = arith.constant 1.000000e+00 : f32
    %add3A_34 = vector.broadcast %add3A_33 : f32 to vector<32x128xf32>
    %add3A_35 = arith.addf %add3A_34, %exp3A_32 : vector<32x128xf32>
    %log3A_36 = math.log %add3A_35 : vector<32x128xf32>
    %get3A_37 = arith.constant 6 : index
    %get3A_38 = arith.constant 0 : index
    %get3A_39 = arith.constant 0 : index
    %get3A_40 = vector.load %arg0[%get3A_37, %get3A_38, %get3A_39] : memref<11x32x128xf32, #tpu.memory_space<vmem>>, vector<1x32x128xf32>
    %get3A_41 = vector.shape_cast %get3A_40 : vector<1x32x128xf32> to vector<32x128xf32>
    %mul3A = arith.mulf %log3A_36, %get3A_41 : vector<32x128xf32>
    %reduce_sum3A_42 = vector.shape_cast %mul3A : vector<32x128xf32> to vector<1x32x128xf32>
    %reduce_sum3A_43 = arith.constant dense<0.000000e+00> : vector<1xf32>
    %reduce_sum3A_44 = vector.multi_reduction <add>, %reduce_sum3A_42, %reduce_sum3A_43 [1, 2] : vector<1x32x128xf32> to vector<1xf32>
    %reduce_sum3A_45 = vector.shape_cast %reduce_sum3A_44 : vector<1xf32> to vector<1x1x1xf32>
    %reduce_sum3A_46 = vector.extract %reduce_sum3A_45[0, 0, 0] : f32 from vector<1x1x1xf32>
    %add3A_47 = arith.addf %reduce_sum3A_14, %reduce_sum3A_46 : f32
    %get3A_48 = arith.constant 2 : index
    %get3A_49 = arith.constant 0 : index
    %get3A_50 = arith.constant 0 : index
    %get3A_51 = vector.load %arg0[%get3A_48, %get3A_49, %get3A_50] : memref<11x32x128xf32, #tpu.memory_space<vmem>>, vector<1x32x128xf32>
    %get3A_52 = vector.shape_cast %get3A_51 : vector<1x32x128xf32> to vector<32x128xf32>
    %neg3A_53 = arith.constant 0.000000e+00 : f32
    %neg3A_54 = vector.broadcast %neg3A_53 : f32 to vector<32x128xf32>
    %neg3A_55 = arith.subf %neg3A_54, %get3A_52 : vector<32x128xf32>
    %jit3A_56 = arith.constant -1.000000e+01 : f32
    %jit3A_57 = arith.constant 1.000000e+01 : f32
    %max3A_58 = vector.broadcast %jit3A_56 : f32 to vector<32x128xf32>
    %max3A_59 = arith.maximumf %max3A_58, %neg3A_55 : vector<32x128xf32>
    %min3A_60 = vector.broadcast %jit3A_57 : f32 to vector<32x128xf32>
    %min3A_61 = arith.minimumf %min3A_60, %max3A_59 : vector<32x128xf32>
    %neg3A_62 = arith.constant 0.000000e+00 : f32
    %neg3A_63 = vector.broadcast %neg3A_62 : f32 to vector<32x128xf32>
    %neg3A_64 = arith.subf %neg3A_63, %min3A_61 : vector<32x128xf32>
    %exp3A_65 = math.exp %neg3A_64 : vector<32x128xf32>
    %add3A_66 = arith.constant 1.000000e+00 : f32
    %add3A_67 = vector.broadcast %add3A_66 : f32 to vector<32x128xf32>
    %add3A_68 = arith.addf %add3A_67, %exp3A_65 : vector<32x128xf32>
    %log3A_69 = math.log %add3A_68 : vector<32x128xf32>
    %get3A_70 = arith.constant 7 : index
    %get3A_71 = arith.constant 0 : index
    %get3A_72 = arith.constant 0 : index
    %get3A_73 = vector.load %arg0[%get3A_70, %get3A_71, %get3A_72] : memref<11x32x128xf32, #tpu.memory_space<vmem>>, vector<1x32x128xf32>
    %get3A_74 = vector.shape_cast %get3A_73 : vector<1x32x128xf32> to vector<32x128xf32>
    %mul3A_75 = arith.mulf %log3A_69, %get3A_74 : vector<32x128xf32>
    %reduce_sum3A_76 = vector.shape_cast %mul3A_75 : vector<32x128xf32> to vector<1x32x128xf32>
    %reduce_sum3A_77 = arith.constant dense<0.000000e+00> : vector<1xf32>
    %reduce_sum3A_78 = vector.multi_reduction <add>, %reduce_sum3A_76, %reduce_sum3A_77 [1, 2] : vector<1x32x128xf32> to vector<1xf32>
    %reduce_sum3A_79 = vector.shape_cast %reduce_sum3A_78 : vector<1xf32> to vector<1x1x1xf32>
    %reduce_sum3A_80 = vector.extract %reduce_sum3A_79[0, 0, 0] : f32 from vector<1x1x1xf32>
    %add3A_81 = arith.addf %add3A_47, %reduce_sum3A_80 : f32
    %get3A_82 = arith.constant 3 : index
    %get3A_83 = arith.constant 0 : index
    %get3A_84 = arith.constant 0 : index
    %get3A_85 = vector.load %arg0[%get3A_82, %get3A_83, %get3A_84] : memref<11x32x128xf32, #tpu.memory_space<vmem>>, vector<1x32x128xf32>
    %get3A_86 = vector.shape_cast %get3A_85 : vector<1x32x128xf32> to vector<32x128xf32>
    %neg3A_87 = arith.constant 0.000000e+00 : f32
    %neg3A_88 = vector.broadcast %neg3A_87 : f32 to vector<32x128xf32>
    %neg3A_89 = arith.subf %neg3A_88, %get3A_86 : vector<32x128xf32>
    %jit3A_90 = arith.constant -1.000000e+01 : f32
    %jit3A_91 = arith.constant 1.000000e+01 : f32
    %max3A_92 = vector.broadcast %jit3A_90 : f32 to vector<32x128xf32>
    %max3A_93 = arith.maximumf %max3A_92, %neg3A_89 : vector<32x128xf32>
    %min3A_94 = vector.broadcast %jit3A_91 : f32 to vector<32x128xf32>
    %min3A_95 = arith.minimumf %min3A_94, %max3A_93 : vector<32x128xf32>
    %neg3A_96 = arith.constant 0.000000e+00 : f32
    %neg3A_97 = vector.broadcast %neg3A_96 : f32 to vector<32x128xf32>
    %neg3A_98 = arith.subf %neg3A_97, %min3A_95 : vector<32x128xf32>
    %exp3A_99 = math.exp %neg3A_98 : vector<32x128xf32>
    %add3A_100 = arith.constant 1.000000e+00 : f32
    %add3A_101 = vector.broadcast %add3A_100 : f32 to vector<32x128xf32>
    %add3A_102 = arith.addf %add3A_101, %exp3A_99 : vector<32x128xf32>
    %log3A_103 = math.log %add3A_102 : vector<32x128xf32>
    %get3A_104 = arith.constant 8 : index
    %get3A_105 = arith.constant 0 : index
    %get3A_106 = arith.constant 0 : index
    %get3A_107 = vector.load %arg0[%get3A_104, %get3A_105, %get3A_106] : memref<11x32x128xf32, #tpu.memory_space<vmem>>, vector<1x32x128xf32>
    %get3A_108 = vector.shape_cast %get3A_107 : vector<1x32x128xf32> to vector<32x128xf32>
    %mul3A_109 = arith.mulf %log3A_103, %get3A_108 : vector<32x128xf32>
    %reduce_sum3A_110 = vector.shape_cast %mul3A_109 : vector<32x128xf32> to vector<1x32x128xf32>
    %reduce_sum3A_111 = arith.constant dense<0.000000e+00> : vector<1xf32>
    %reduce_sum3A_112 = vector.multi_reduction <add>, %reduce_sum3A_110, %reduce_sum3A_111 [1, 2] : vector<1x32x128xf32> to vector<1xf32>
    %reduce_sum3A_113 = vector.shape_cast %reduce_sum3A_112 : vector<1xf32> to vector<1x1x1xf32>
    %reduce_sum3A_114 = vector.extract %reduce_sum3A_113[0, 0, 0] : f32 from vector<1x1x1xf32>
    %add3A_115 = arith.addf %add3A_81, %reduce_sum3A_114 : f32
    %get3A_116 = arith.constant 4 : index
    %get3A_117 = arith.constant 0 : index
    %get3A_118 = arith.constant 0 : index
    %get3A_119 = vector.load %arg0[%get3A_116, %get3A_117, %get3A_118] : memref<11x32x128xf32, #tpu.memory_space<vmem>>, vector<1x32x128xf32>
    %get3A_120 = vector.shape_cast %get3A_119 : vector<1x32x128xf32> to vector<32x128xf32>
    %neg3A_121 = arith.constant 0.000000e+00 : f32
    %neg3A_122 = vector.broadcast %neg3A_121 : f32 to vector<32x128xf32>
    %neg3A_123 = arith.subf %neg3A_122, %get3A_120 : vector<32x128xf32>
    %jit3A_124 = arith.constant -1.000000e+01 : f32
    %jit3A_125 = arith.constant 1.000000e+01 : f32
    %max3A_126 = vector.broadcast %jit3A_124 : f32 to vector<32x128xf32>
    %max3A_127 = arith.maximumf %max3A_126, %neg3A_123 : vector<32x128xf32>
    %min3A_128 = vector.broadcast %jit3A_125 : f32 to vector<32x128xf32>
    %min3A_129 = arith.minimumf %min3A_128, %max3A_127 : vector<32x128xf32>
    %neg3A_130 = arith.constant 0.000000e+00 : f32
    %neg3A_131 = vector.broadcast %neg3A_130 : f32 to vector<32x128xf32>
    %neg3A_132 = arith.subf %neg3A_131, %min3A_129 : vector<32x128xf32>
    %exp3A_133 = math.exp %neg3A_132 : vector<32x128xf32>
    %add3A_134 = arith.constant 1.000000e+00 : f32
    %add3A_135 = vector.broadcast %add3A_134 : f32 to vector<32x128xf32>
    %add3A_136 = arith.addf %add3A_135, %exp3A_133 : vector<32x128xf32>
    %log3A_137 = math.log %add3A_136 : vector<32x128xf32>
    %get3A_138 = arith.constant 9 : index
    %get3A_139 = arith.constant 0 : index
    %get3A_140 = arith.constant 0 : index
    %get3A_141 = vector.load %arg0[%get3A_138, %get3A_139, %get3A_140] : memref<11x32x128xf32, #tpu.memory_space<vmem>>, vector<1x32x128xf32>
    %get3A_142 = vector.shape_cast %get3A_141 : vector<1x32x128xf32> to vector<32x128xf32>
    %mul3A_143 = arith.mulf %log3A_137, %get3A_142 : vector<32x128xf32>
    %reduce_sum3A_144 = vector.shape_cast %mul3A_143 : vector<32x128xf32> to vector<1x32x128xf32>
    %reduce_sum3A_145 = arith.constant dense<0.000000e+00> : vector<1xf32>
    %reduce_sum3A_146 = vector.multi_reduction <add>, %reduce_sum3A_144, %reduce_sum3A_145 [1, 2] : vector<1x32x128xf32> to vector<1xf32>
    %reduce_sum3A_147 = vector.shape_cast %reduce_sum3A_146 : vector<1xf32> to vector<1x1x1xf32>
    %reduce_sum3A_148 = vector.extract %reduce_sum3A_147[0, 0, 0] : f32 from vector<1x1x1xf32>
    %add3A_149 = arith.addf %add3A_115, %reduce_sum3A_148 : f32
    %get3A_150 = arith.constant 5 : index
    %get3A_151 = arith.constant 0 : index
    %get3A_152 = arith.constant 0 : index
    %get3A_153 = vector.load %arg0[%get3A_150, %get3A_151, %get3A_152] : memref<11x32x128xf32, #tpu.memory_space<vmem>>, vector<1x32x128xf32>
    %get3A_154 = vector.shape_cast %get3A_153 : vector<1x32x128xf32> to vector<32x128xf32>
    %neg3A_155 = arith.constant 0.000000e+00 : f32
    %neg3A_156 = vector.broadcast %neg3A_155 : f32 to vector<32x128xf32>
    %neg3A_157 = arith.subf %neg3A_156, %get3A_154 : vector<32x128xf32>
    %jit3A_158 = arith.constant -1.000000e+01 : f32
    %jit3A_159 = arith.constant 1.000000e+01 : f32
    %max3A_160 = vector.broadcast %jit3A_158 : f32 to vector<32x128xf32>
    %max3A_161 = arith.maximumf %max3A_160, %neg3A_157 : vector<32x128xf32>
    %min3A_162 = vector.broadcast %jit3A_159 : f32 to vector<32x128xf32>
    %min3A_163 = arith.minimumf %min3A_162, %max3A_161 : vector<32x128xf32>
    %neg3A_164 = arith.constant 0.000000e+00 : f32
    %neg3A_165 = vector.broadcast %neg3A_164 : f32 to vector<32x128xf32>
    %neg3A_166 = arith.subf %neg3A_165, %min3A_163 : vector<32x128xf32>
    %exp3A_167 = math.exp %neg3A_166 : vector<32x128xf32>
    %add3A_168 = arith.constant 1.000000e+00 : f32
    %add3A_169 = vector.broadcast %add3A_168 : f32 to vector<32x128xf32>
    %add3A_170 = arith.addf %add3A_169, %exp3A_167 : vector<32x128xf32>
    %log3A_171 = math.log %add3A_170 : vector<32x128xf32>
    %get3A_172 = arith.constant 10 : index
    %get3A_173 = arith.constant 0 : index
    %get3A_174 = arith.constant 0 : index
    %get3A_175 = vector.load %arg0[%get3A_172, %get3A_173, %get3A_174] : memref<11x32x128xf32, #tpu.memory_space<vmem>>, vector<1x32x128xf32>
    %get3A_176 = vector.shape_cast %get3A_175 : vector<1x32x128xf32> to vector<32x128xf32>
    %mul3A_177 = arith.mulf %log3A_171, %get3A_176 : vector<32x128xf32>
    %reduce_sum3A_178 = vector.shape_cast %mul3A_177 : vector<32x128xf32> to vector<1x32x128xf32>
    %reduce_sum3A_179 = arith.constant dense<0.000000e+00> : vector<1xf32>
    %reduce_sum3A_180 = vector.multi_reduction <add>, %reduce_sum3A_178, %reduce_sum3A_179 [1, 2] : vector<1x32x128xf32> to vector<1xf32>
    %reduce_sum3A_181 = vector.shape_cast %reduce_sum3A_180 : vector<1xf32> to vector<1x1x1xf32>
    %reduce_sum3A_182 = vector.extract %reduce_sum3A_181[0, 0, 0] : f32 from vector<1x1x1xf32>
    %add3A_183 = arith.addf %add3A_149, %reduce_sum3A_182 : f32
    %reshape3A = vector.broadcast %add3A_183 : f32 to vector<1x1xf32>
    %swap3A = arith.constant 0 : index
    %swap3A_184 = arith.constant 0 : index
    %swap3A_185 = vector.load %arg1[%swap3A, %swap3A_184] : memref<1x1xf32, #tpu.memory_space<vmem>>, vector<1x1xf32>
    tpu.vector_store %arg1[%swap3A, %swap3A_184], %reshape3A {strides = array<i32>} : memref<1x1xf32, #tpu.memory_space<vmem>>, vector<1x1xf32>,
    return
  }
}

</mosaic_0001>

<sc_bundles>
// kernel: kernel.5.cloned.1.call-start
scs
__scs_entry_jumppad:
0x0: {  	(pc) =	sbr.rel $0x88, $3  }
0x1: {  	(tag) =	ssettag $0x0;
	lr =	simm.s32 $0x1  }
0x2: {  	[smem:$0x3F9E] =	sst lr;
	_ =	strace $0xD0000000  }
0x3: {  	_ = 	snop  }
0x4: {  	_ = 	snop  }
0x5: {  	_ = 	snop  }
0x6: {  	_ = 	snop  }
0x7: {  	_ = 	snop  }
__scs_overlays_trampoline_lowered:
0x8: {  	[smem:$0x3FAD] =	sst s0  }
0x9: {  	[smem:$0x3FAE] =	sst s1  }
0xa: {  	[smem:$0x3FAF] =	sst s2  }
0xb: {  	[smem:$0x3FB0] =	sst s3  }
0xc: {  	[smem:$0x3FB1] =	sst s4  }
0xd: {  	[smem:$0x3FB2] =	sst s5  }
0xe: {  	[smem:$0x3FB3] =	sst s6  }
0xf: {  	[smem:$0x3FB4] =	sst s7  }
0x10: {  	[smem:$0x3FB5] =	sst s8  }
0x11: {  	[smem:$0x3FB6] =	sst s9;
	s0 =	simm.s32 @!p0 $0x0  }
0x12: {  	s1 =	sld [smem:$0x3F9C];
	s0 =	simm.s32 @p0 $0x1  }
0x13: {  	[smem:$0x3FB7] =	sst s0;
	s0 =	simm.s32 @!p1 $0x0  }
0x14: {  	s2 =	sld [smem:$0x3F9B];
	s0 =	simm.s32 @p1 $0x1  }
0x15: {  	[smem:$0x3FB8] =	sst s0;
	s0 =	simm.s32 @!p2 $0x0  }
0x16: {  	s3 =	sld [smem:$0x3FDB];
	s0 =	simm.s32 @p2 $0x1  }
0x17: {  	s4 =	simm.s32 $0x1BF5;
	[smem:$0x3FBA] =	sst s0  }
0x18: {  	s0 =	sld [smem:$0x3F9D];
	_ =	swait.ge [sflag:s4], $0x0  }
0x19: {  	s7 =	sld [smem:$0x3F9E]  }
0x1a: {  	s8 =	sadd.s32 $0xFFFFE003, lr  }
0x1b: {  	s9 =	sadd.s32 $0xFFFFFEF7, lr;
	s5 =	simm.s32 $0xFFFFFFFF;
	p2 =	slt.u32 s8, $0xFFFFF086  }
0x1c: {  	p1 =	slt.u32 s9, $0xF7A;
	s5 =	simm.s32 @!p2 $0x0  }
0x1d: {  	s5 =	simm.s32 @p1 $0x1;
	p0 =	seq.s32 s7, s2  }
0x1e: {  	s7 =	smul.u32 @!p0 $0xF7A, s2;
	p2 =	seq.s32 @!p0 s5, $0x0  }
0x1f: {  	s9 =	smul.u32 $0xF7A, s1;
	s8 =	simm.s32 @!p0 $0x1BF5;
	p2 =	por !p2, p0  }
0x20: {  	[sflag:s8] =	ssyncset.s32 @!p0 $0xFFFFF086;
	s6 =	sadd.s32 @!p0 s3, s7;
	s7 =	simm.s32 @!p0 $0x108  }
0x21: {  	s3 =	sadd.s32 s3, s9;
	s6 =	sadd.s32 @!p0 $0x88, s6;
	s7 =	simm.s32 @p2 $0x1082  }
0x22: {  	[simem:s7], [sflag:s8] =	dma.local @!p0 [hbm:s6], $0xF7A  }
0x23: {  	s9 =	sor.u32 $0xD0000000, s2;
	s6 =	simm.s32 $0x108;
	_ =	swait.ge @!p0 [sflag:s8], $0x0  }
0x24: {  	s3 =	sadd.s32 $0x88, s3;
	s6 =	simm.s32 @!p1 $0x1082;
	[sflag:s4] =	ssyncset.s32 $0xFFFFF086  }
0x25: {  	[simem:s6], [sflag:s4] =	dma.local [hbm:s3], $0xF7A  }
0x26: {  	[smem:$0x3F9E] =	sst s1;
	(tag) =	ssettag s2;
	_ =	strace s9  }
0x27: {  	s1 =	sld [smem:$0x3FAE]  }
0x28: {  	s2 =	sld [smem:$0x3FAF]  }
0x29: {  	s4 =	sld [smem:$0x3FB1]  }
0x2a: {  	p0 =	seq.s32 s5, $0x0;
	s5 =	sld [smem:$0x3FB2]  }
0x2b: {  	s6 =	sld [smem:$0x3FB3]  }
0x2c: {  	s7 =	sld [smem:$0x3FB4]  }
0x2d: {  	s3 =	simm.s32 $0x108;
	s8 =	sld [smem:$0x3FB5]  }
0x2e: {  	s3 =	simm.s32 @!p0 $0x1082;
	s9 =	sld [smem:$0x3FB6]  }
0x2f: {  	lr =	sadd.s32 s0, s3;
	s0 =	sld [smem:$0x3FAD]  }
0x30: {  	s3 =	sld [smem:$0x3FB0]  }
0x31: {  	[smem:$0x3FB9] =	sst s10  }
0x32: {  	s10 =	sld [smem:$0x3FB7];
	_ =	sdelay $0x3  }
0x33: {  	p0 =	seq.s32 s10, $0x1;
	s10 =	sld [smem:$0x3FB9];
	_ =	sdelay $0x3  }
0x34: {  	[smem:$0x3FB9] =	sst s10  }
0x35: {  	s10 =	sld [smem:$0x3FB8];
	_ =	sdelay $0x3  }
0x36: {  	p1 =	seq.s32 s10, $0x1;
	s10 =	sld [smem:$0x3FB9];
	_ =	sdelay $0x3  }
0x37: {  	[smem:$0x3FB9] =	sst s10  }
0x38: {  	s10 =	sld [smem:$0x3FBA]  }
0x39: {  	_ = 	snop;
	(pc) =	sbr.ind lr, $3  }
0x3a: {  	_ = 	snop  }
0x3b: {  	_ = 	snop  }
0x3c: {  	p2 =	seq.s32 s10, $0x1;
	s10 =	sld [smem:$0x3FB9]  }
0x3d: {  	_ =	shalt  }
0x3e: {  	_ =	shalt  }
0x3f: {  	_ =	shalt  }
0x40: {  	_ =	shalt  }
0x41: {  	_ =	shalt  }
0x42: {  	_ =	shalt  }
0x43: {  	_ =	shalt  }
0x44: {  	_ =	shalt  }
0x45: {  	_ =	shalt  }
0x46: {  	_ =	shalt  }
0x47: {  	_ =	shalt  }
0x48: {  	_ =	shalt  }
0x49: {  	_ =	shalt  }
0x4a: {  	_ =	shalt  }
0x4b: {  	_ =	shalt  }
0x4c: {  	_ =	shalt  }
0x4d: {  	_ =	shalt  }
0x4e: {  	_ =	shalt  }
0x4f: {  	_ =	shalt  }
0x50: {  	_ =	shalt  }
0x51: {  	_ =	shalt  }
0x52: {  	_ =	shalt  }
0x53: {  	_ =	shalt  }
0x54: {  	_ =	shalt  }
0x55: {  	_ =	shalt  }
0x56: {  	_ =	shalt  }
0x57: {  	_ =	shalt  }
0x58: {  	_ =	shalt  }
0x59: {  	_ =	shalt  }
0x5a: {  	_ =	shalt  }
0x5b: {  	_ =	shalt  }
0x5c: {  	_ =	shalt  }
0x5d: {  	_ =	shalt  }
0x5e: {  	_ =	shalt  }
0x5f: {  	_ =	shalt  }
0x60: {  	_ =	shalt  }
0x61: {  	_ =	shalt  }
0x62: {  	_ =	shalt  }
0x63: {  	_ =	shalt  }
0x64: {  	_ =	shalt  }
0x65: {  	_ =	shalt  }
0x66: {  	_ =	shalt  }
0x67: {  	_ =	shalt  }
0x68: {  	_ =	shalt  }
0x69: {  	_ =	shalt  }
0x6a: {  	_ =	shalt  }
0x6b: {  	_ =	shalt  }
0x6c: {  	_ =	shalt  }
0x6d: {  	_ =	shalt  }
0x6e: {  	_ =	shalt  }
0x6f: {  	_ =	shalt  }
0x70: {  	_ =	shalt  }
0x71: {  	_ =	shalt  }
0x72: {  	_ =	shalt  }
0x73: {  	_ =	shalt  }
0x74: {  	_ =	shalt  }
0x75: {  	_ =	shalt  }
0x76: {  	_ =	shalt  }
0x77: {  	_ =	shalt  }
0x78: {  	_ =	shalt  }
0x79: {  	_ =	shalt  }
0x7a: {  	_ =	shalt  }
0x7b: {  	_ =	shalt  }
0x7c: {  	_ =	shalt  }
0x7d: {  	_ =	shalt  }
0x7e: {  	_ =	shalt  }
0x7f: {  	_ =	shalt  }
0x80: {  	_ =	shalt  }
0x81: {  	_ =	shalt  }
0x82: {  	_ =	shalt  }
0x83: {  	_ =	shalt  }
0x84: {  	_ =	shalt  }
0x85: {  	_ =	shalt  }
0x86: {  	_ =	shalt  }
0x87: {  	_ =	shalt  }
.Lfunc_end0:
.L_simem_size_0:
called_computation_lowered:
.L_overlay_start_0:
0x88: {  	s2 =	sld [smem:$0x3FD9]  }
0x89: {  	s3 =	sld [smem:$0x3FFE];
	_ =	sdelay $0x1  }
0x8a: {  	s1 =	srdreg.scid  }
0x8b: {  	s0 =	sand.u32 $0x1, s1  }
0x8c: {  	s16 =	sshll.u32 s0, $0xA;
	s2 =	sadd.s32 s3, s2  }
0x8d: {  	s2 =	sadd.s32 s2, s16  }
0x8e: {  	[smem:$0x3FC5] =	sst s2  }
0x8f: {  	_ = 	snop  }
0x90: {  	(tm) =	ssettm $0x1  }
0x91: {  	s17 =	sld [smem:$0x3FFB];
	_ =	sdelay $0x3  }
0x92: {  	_ =	strace s17  }
0x93: {  	s2 =	sld [smem:$0x3FFC];
	_ =	sdelay $0x3  }
0x94: {  	_ =	strace s2  }
0x95: {  	s2 =	sld [smem:$0x3FFD];
	_ =	sdelay $0x3  }
0x96: {  	_ =	strace s2  }
0x97: {  	_ =	strace $0x8FFFFFFF  }
0x98: {  	s18 =	sld [smem:$0x3FDB];
	_ =	sdelay $0x1  }
0x99: {  	s19 =	simm.s32 $_scs_section_size  }
0x9a: {  	s4 =	simm.s32 $_size__tile_overlayer_lowered;
	s5 =	simm.s32 $_tile_overlayer_lowered  }
0x9b: {  	s22 =	simm.s32 $0x1BFF;
	s21 =	sshll.u32 s5, $0x1;
	s2 =	sadd.s32 s19, s18  }
0x9c: {  	s6 =	simm.s32 $0x0;
	s20 =	sshll.u32 s4, $0x1;
	s4 =	sadd.s32 s21, s2  }
0x9d: {  	[timem:s6], [sflag:s22] =	dma.local [hbm:s4], s20  }
0x9e: {  	_ =	swait.ge [sflag:s22], s20  }
0x9f: {  	s3 =	ssub.s32 $0x0, s20;
	[sflag:s22] =	ssyncset.done $0x0  }
0xa0: {  	[sflag:s22] =	ssyncadd.s32 s3;
	_ =	sdelay $0x1  }
0xa1: {  	s23 =	simm.s32 $0x1B8B  }
0xa2: {  	_ =	swait.ge [sflag:s23], $0x1  }
0xa3: {  	[sflag:s23] =	ssyncset.done $0x0  }
0xa4: {  	s25 =	simm.s32 $0x1B8E;
	s24 =	sld [smem:$0x3FFE];
	[sflag:s23] =	ssyncadd.s32 $0xFFFFFFFF  }
0xa5: {  	s26 =	simm.s32 $execute0_lowered;
	[smem:$0x3FD2] =	sst s25  }
0xa6: {  	s4 =	sshll.u32 s26, $0x1;
	_ =	strace $0x80000046;
	[dreg:$0x1] =	wrdreg $0xFFFFFFFF  }
0xa7: {  	s28 =	simm.s32 $_size_execute0_lowered;
	s2 =	sadd.s32 s2, s4;
	[dreg:$0x0] =	wrdreg $0x0  }
0xa8: {  	s4 =	sshll.u32 s28, $0x1;
	[dreg:$0x2] =	wrdreg s2  }
0xa9: {  	[dreg:$0x3] =	wrdreg s4  }
0xaa: {  	[dreg:$0x4] =	wrdreg $0xC0  }
0xab: {  	_ =	task [dreg:s6], $0x5FFFF  }
0xac: {  	[dreg:$0x1] =	wrdreg $0xFFFFFFFF  }
0xad: {  	[dreg:$0x0] =	wrdreg $0x60  }
0xae: {  	[dreg:$0x2] =	wrdreg s24  }
0xaf: {  	[dreg:$0x3] =	wrdreg $0x9  }
0xb0: {  	_ =	task.clear_ibuf [dreg:s6], $0x4FFFF;
	_ =	strace $0x90000046  }
0xb1: {  	s29 =	simm.s32 $0x9;
	_ =	strace $0x80000048  }
0xb2: {  	_ =	swait.ge [sflag:s29], $0x1  }
0xb3: {  	[sflag:s29] =	ssyncadd.s32 $0xFFFFFFFF  }
0xb4: {  	_ =	strace $0x90000048  }
0xb5: {  	_ =	sfence  }
0xb6: {  	s30 =	sld [smem:$0x0];
	_ =	sdelay $0x2  }
0xb7: {  	s31 =	sshll.u32 s1, $0xD;
	s1 =	sshrl.u32 s1, $0x2  }
0xb8: {  	s3 =	sand.u32 $0x4000, s31;
	s1 =	sadd.s32 s1, s30  }
0xb9: {  	s0 =	sor.u32 s3, s0;
	s1 =	sshll.u32 s1, $0x11  }
0xba: {  	s0 =	sor.u32 s1, s0  }
0xbb: {  	s0 =	sadd.s32 $0x8F2B, s0  }
0xbc: {  	[sflag:s0] =	ssyncadd.remote.s32 $0x1  }
0xbd: {  	_ =	sfence.sel $0xFFFF  }
0xbe: {  	[dreg:$0x0] =	wrdreg $0xFFFFFFFF;
	(pc) =	sbr.abs _section_cstart, $3  }
0xbf: {  	[dreg:$0x1] =	wrdreg $0xFFFFFFFF  }
0xc0: {  	_ =	task.clear_ibuf [dreg:s6], $0x2FFFF;
	_ =	strace $0x9FFFFFFF  }
0xc1: {  	(tm) =	ssettm $0x7FFFFFFF  }
tec
execute0_lowered:
.L_overlay_start_1:
0x0: {  	(tag) =	ssettag $0x1  }
0x1: {  	v0 =	vlaneseq.u32  }
0x2: {  	v0 =	vmul.u32 $0x18, v0;
	_ =	sdelay $0x1  }
0x3: {  	v1 =	vadd.s32 $0x180, v0;
	v6 =	vadd.s32 $0x900, v0;
	v7 =	vadd.s32 $0xA80, v0  }
0x4: {  	v8 =	vor.u32 $0x1, v0;
	v9 =	vadd.s32 $0x181, v0;
	v10 =	vadd.s32 $0x301, v0  }
0x5: {  	v11 =	vadd.s32 $0x481, v0;
	v12 =	vor.u32 $0x601, v0;
	v13 =	vadd.s32 $0x781, v0  }
0x6: {  	v14 =	vadd.s32 $0x901, v0;
	v15 =	vadd.s32 $0xA81, v0;
	v16 =	vor.u32 $0x2, v0  }
0x7: {  	v17 =	vadd.s32 $0x182, v0;
	v18 =	vadd.s32 $0x302, v0;
	v19 =	vadd.s32 $0x482, v0  }
0x8: {  	v20 =	vor.u32 $0x602, v0;
	v21 =	vadd.s32 $0x782, v0;
	v22 =	vadd.s32 $0x902, v0  }
0x9: {  	s0 =	srdreg.scid;
	v23 =	vadd.s32 $0xA82, v0;
	v24 =	vor.u32 $0x3, v0;
	v25 =	vadd.s32 $0x183, v0  }
0xa: {  	s2 =	stileid.u32;
	s1 =	rddreg [dreg:$0x0];
	s7 =	simm.s32 $0x6;
	v26 =	vadd.s32 $0x303, v0;
	v27 =	vadd.s32 $0x483, v0;
	v28 =	vor.u32 $0x603, v0  }
0xb: {  	s8 =	simm.s32 $0x80;
	s9 =	simm.s32 $0xC00;
	s10 =	simm.s32 $0x1100;
	v29 =	vadd.s32 $0x783, v0;
	v30 =	vadd.s32 $0x903, v0;
	v31 =	vadd.s32 $0xA83, v0  }
0xc: {  	s11 =	simm.s32 $0xC80;
	s12 =	simm.s32 $0x3100;
	s13 =	simm.s32 $0xD00;
	v32 =	vor.u32 $0x4, v0;
	v33 =	vadd.s32 $0x184, v0;
	v34 =	vadd.s32 $0x304, v0  }
0xd: {  	s14 =	simm.s32 $0x5100;
	s15 =	simm.s32 $0xD80;
	s16 =	simm.s32 $0x7100;
	v35 =	vadd.s32 $0x484, v0;
	v36 =	vor.u32 $0x604, v0;
	v37 =	vadd.s32 $0x784, v0  }
0xe: {  	s17 =	simm.s32 $0xE00;
	s18 =	simm.s32 $0x9100;
	s19 =	simm.s32 $0x1;
	v38 =	vadd.s32 $0x904, v0;
	v39 =	vadd.s32 $0xA84, v0;
	v40 =	vor.u32 $0x5, v0  }
0xf: {  	s20 =	simm.s32 $0x2;
	s21 =	simm.s32 $0xE80;
	s22 =	simm.s32 $0x3;
	v41 =	vadd.s32 $0x185, v0;
	v42 =	vadd.s32 $0x305, v0;
	v43 =	vadd.s32 $0x485, v0  }
0x10: {  	s23 =	simm.s32 $0xF00;
	s24 =	simm.s32 $0x4;
	s25 =	simm.s32 $0xF80;
	v44 =	vor.u32 $0x605, v0;
	v45 =	vadd.s32 $0x785, v0;
	v46 =	vadd.s32 $0x905, v0  }
0x11: {  	s26 =	simm.s32 $0x5;
	s28 =	simm.s32 $0x1000;
	s29 =	simm.s32 $0x1080;
	v47 =	vadd.s32 $0xA85, v0;
	v48 =	vor.u32 $0x6, v0;
	v49 =	vadd.s32 $0x186, v0  }
0x12: {  	s0 =	sand.u32 $0x1, s0;
	s3 =	sshll.u32 s2, $0x1;
	s2 =	simm.s32 $0x0;
	v50 =	vadd.s32 $0x306, v0;
	v51 =	vadd.s32 $0x486, v0;
	[tilespmem:$0x1FFB0] =	vst v1;
	v1 =	vadd.s32 $0x300, v0  }
0x13: {  	s3 =	sor.u32 s0, s3;
	[smem:$0x7FF] =	sst s2;
	s0 =	ssub.s32 $0x2, s0;
	v52 =	vor.u32 $0x606, v0;
	v53 =	vadd.s32 $0x786, v0;
	[tilespmem:$0x1FFC0] =	vst v1;
	v1 =	vadd.s32 $0x480, v0  }
0x14: {  	s4 =	smul.u32 $0x180, s3;
	s5 =	sshll.u32 s3, $0xA;
	s31 =	sshrl.u32 s0, $0x1;
	v54 =	vadd.s32 $0x906, v0;
	v55 =	vadd.s32 $0xA86, v0;
	[tilespmem:$0x1FFD0] =	vst v1;
	v1 =	vor.u32 $0x600, v0  }
0x15: {  	s30 =	simm.s32 $0x0;
	s3 =	sadd.s32 $0x18C200, s1;
	v57 =	vadd.s32 $0x187, v0;
	v58 =	vadd.s32 $0x307, v0;
	s0 =	ssub.s32 s0, s31;
	[tilespmem:$0x1FFE0] =	vst v1;
	v1 =	vadd.s32 $0x780, v0  }
0x16: {  	v59 =	vadd.s32 $0x487, v0;
	v60 =	vor.u32 $0x607, v0;
	v61 =	vadd.s32 $0x787, v0;
	s4 =	sadd.s32 s4, s1;
	s1 =	sadd.s32 s5, s1;
	s6 =	smax.u32 s0, $0x1;
	[tilespmem:$0x1FFF0] =	vst v1  }
0x17: {  	v56 =	vor.u32 $0x7, v0;
	v62 =	vadd.s32 $0x907, v0;
	v63 =	vadd.s32 $0xA87, v0;
	s4 =	sadd.s32 $0x2600, s4;
	s5 =	sadd.s32 $0x5600, s1;
	_ =	strace $0x80000047  }
.LBB2_1:
0x18: {  	[tilespmem:s2], [sflag:$0x6] =	stream.linear.gather [hbm4b:s4+s2], $0xC00, $0x38;
	[tilespmem:$0xB100] =	vst v63  }
0x19: {  	_ =	swait.ge [sflag:s7], $0xC00  }
0x1a: {  	[sflag:s7] =	ssyncset.done $0x0  }
0x1b: {  	[sflag:s7] =	ssyncadd.s32 $0xFFFFF400  }
0x1c: {  	v1 =	vld.idx.msk [tilespmem:v0+s2+$0x0], $0xffff;
	_ =	sdelay $0x4  }
0x1d: {  	[tilespmem:$0xC00] =	vst v1;
	v1 =	vld [tilespmem:$0x1FFB0];
	_ =	sdelay $0x7  }
0x1e: {  	v1 =	vld.idx.msk [tilespmem:v1+s2+$0x0], $0xffff;
	_ =	sdelay $0x4  }
0x1f: {  	[tilespmem:$0xC10] =	vst v1;
	v1 =	vld [tilespmem:$0x1FFC0];
	_ =	sdelay $0x7  }
0x20: {  	v1 =	vld.idx.msk [tilespmem:v1+s2+$0x0], $0xffff;
	_ =	sdelay $0x4  }
0x21: {  	[tilespmem:$0xC20] =	vst v1;
	v1 =	vld [tilespmem:$0x1FFD0];
	_ =	sdelay $0x7  }
0x22: {  	v1 =	vld.idx.msk [tilespmem:v1+s2+$0x0], $0xffff;
	_ =	sdelay $0x4  }
0x23: {  	[tilespmem:$0xC30] =	vst v1;
	v1 =	vld [tilespmem:$0x1FFE0];
	_ =	sdelay $0x7  }
0x24: {  	v1 =	vld.idx.msk [tilespmem:v1+s2+$0x0], $0xffff;
	_ =	sdelay $0x4  }
0x25: {  	[tilespmem:$0xC40] =	vst v1;
	v1 =	vld [tilespmem:$0x1FFF0];
	_ =	sdelay $0x7  }
0x26: {  	v1 =	vld.idx.msk [tilespmem:v1+s2+$0x0], $0xffff;
	_ =	sdelay $0x4  }
0x27: {  	[tilespmem:$0xC50] =	vst v1  }
0x28: {  	v1 =	vld.idx.msk [tilespmem:v6+s2+$0x0], $0xffff;
	_ =	sdelay $0x4  }
0x29: {  	[tilespmem:$0xC60] =	vst v1  }
0x2a: {  	v1 =	vld.idx.msk [tilespmem:v7+s2+$0x0], $0xffff;
	_ =	sdelay $0x4  }
0x2b: {  	[tilespmem:$0xC70] =	vst v1  }
0x2c: {  	v1 =	vld.idx.msk [tilespmem:v8+s2+$0x0], $0xffff;
	_ =	sdelay $0x4  }
0x2d: {  	[tilespmem:$0xC80] =	vst v1  }
0x2e: {  	v1 =	vld.idx.msk [tilespmem:v9+s2+$0x0], $0xffff;
	_ =	sdelay $0x4  }
0x2f: {  	[tilespmem:$0xC90] =	vst v1  }
0x30: {  	v1 =	vld.idx.msk [tilespmem:v10+s2+$0x0], $0xffff;
	_ =	sdelay $0x4  }
0x31: {  	[tilespmem:$0xCA0] =	vst v1  }
0x32: {  	v1 =	vld.idx.msk [tilespmem:v11+s2+$0x0], $0xffff;
	_ =	sdelay $0x4  }
0x33: {  	[tilespmem:$0xCB0] =	vst v1  }
0x34: {  	v1 =	vld.idx.msk [tilespmem:v12+s2+$0x0], $0xffff;
	_ =	sdelay $0x4  }
0x35: {  	[tilespmem:$0xCC0] =	vst v1  }
0x36: {  	v1 =	vld.idx.msk [tilespmem:v13+s2+$0x0], $0xffff;
	_ =	sdelay $0x4  }
0x37: {  	[tilespmem:$0xCD0] =	vst v1  }
0x38: {  	v1 =	vld.idx.msk [tilespmem:v14+s2+$0x0], $0xffff;
	_ =	sdelay $0x4  }
0x39: {  	[tilespmem:$0xCE0] =	vst v1  }
0x3a: {  	v1 =	vld.idx.msk [tilespmem:v15+s2+$0x0], $0xffff;
	_ =	sdelay $0x4  }
0x3b: {  	[tilespmem:$0xCF0] =	vst v1  }
0x3c: {  	v1 =	vld.idx.msk [tilespmem:v16+s2+$0x0], $0xffff;
	_ =	sdelay $0x4  }
0x3d: {  	[tilespmem:$0xD00] =	vst v1  }
0x3e: {  	v1 =	vld.idx.msk [tilespmem:v17+s2+$0x0], $0xffff;
	_ =	sdelay $0x4  }
0x3f: {  	[tilespmem:$0xD10] =	vst v1  }
0x40: {  	v1 =	vld.idx.msk [tilespmem:v18+s2+$0x0], $0xffff;
	_ =	sdelay $0x4  }
0x41: {  	[tilespmem:$0xD20] =	vst v1  }
0x42: {  	v1 =	vld.idx.msk [tilespmem:v19+s2+$0x0], $0xffff;
	_ =	sdelay $0x4  }
0x43: {  	[tilespmem:$0xD30] =	vst v1  }
0x44: {  	v1 =	vld.idx.msk [tilespmem:v20+s2+$0x0], $0xffff;
	_ =	sdelay $0x4  }
0x45: {  	[tilespmem:$0xD40] =	vst v1  }
0x46: {  	v1 =	vld.idx.msk [tilespmem:v21+s2+$0x0], $0xffff;
	_ =	sdelay $0x4  }
0x47: {  	[tilespmem:$0xD50] =	vst v1  }
0x48: {  	v1 =	vld.idx.msk [tilespmem:v22+s2+$0x0], $0xffff;
	_ =	sdelay $0x4  }
0x49: {  	[tilespmem:$0xD60] =	vst v1  }
0x4a: {  	v1 =	vld.idx.msk [tilespmem:v23+s2+$0x0], $0xffff;
	_ =	sdelay $0x4  }
0x4b: {  	[tilespmem:$0xD70] =	vst v1  }
0x4c: {  	v1 =	vld.idx.msk [tilespmem:v24+s2+$0x0], $0xffff;
	_ =	sdelay $0x4  }
0x4d: {  	[tilespmem:$0xD80] =	vst v1  }
0x4e: {  	v1 =	vld.idx.msk [tilespmem:v25+s2+$0x0], $0xffff;
	_ =	sdelay $0x4  }
0x4f: {  	[tilespmem:$0xD90] =	vst v1  }
0x50: {  	v1 =	vld.idx.msk [tilespmem:v26+s2+$0x0], $0xffff;
	_ =	sdelay $0x4  }
0x51: {  	[tilespmem:$0xDA0] =	vst v1  }
0x52: {  	v1 =	vld.idx.msk [tilespmem:v27+s2+$0x0], $0xffff;
	_ =	sdelay $0x4  }
0x53: {  	[tilespmem:$0xDB0] =	vst v1  }
0x54: {  	v1 =	vld.idx.msk [tilespmem:v28+s2+$0x0], $0xffff;
	_ =	sdelay $0x4  }
0x55: {  	[tilespmem:$0xDC0] =	vst v1  }
0x56: {  	v1 =	vld.idx.msk [tilespmem:v29+s2+$0x0], $0xffff;
	_ =	sdelay $0x4  }
0x57: {  	[tilespmem:$0xDD0] =	vst v1  }
0x58: {  	v1 =	vld.idx.msk [tilespmem:v30+s2+$0x0], $0xffff;
	_ =	sdelay $0x4  }
0x59: {  	[tilespmem:$0xDE0] =	vst v1  }
0x5a: {  	v1 =	vld.idx.msk [tilespmem:v31+s2+$0x0], $0xffff;
	_ =	sdelay $0x4  }
0x5b: {  	[tilespmem:$0xDF0] =	vst v1  }
0x5c: {  	v1 =	vld.idx.msk [tilespmem:v32+s2+$0x0], $0xffff;
	_ =	sdelay $0x4  }
0x5d: {  	[tilespmem:$0xE00] =	vst v1  }
0x5e: {  	v1 =	vld.idx.msk [tilespmem:v33+s2+$0x0], $0xffff;
	_ =	sdelay $0x4  }
0x5f: {  	[tilespmem:$0xE10] =	vst v1  }
0x60: {  	v1 =	vld.idx.msk [tilespmem:v34+s2+$0x0], $0xffff;
	_ =	sdelay $0x4  }
0x61: {  	[tilespmem:$0xE20] =	vst v1  }
0x62: {  	v1 =	vld.idx.msk [tilespmem:v35+s2+$0x0], $0xffff;
	_ =	sdelay $0x4  }
0x63: {  	[tilespmem:$0xE30] =	vst v1  }
0x64: {  	v1 =	vld.idx.msk [tilespmem:v36+s2+$0x0], $0xffff;
	_ =	sdelay $0x4  }
0x65: {  	[tilespmem:$0xE40] =	vst v1  }
0x66: {  	v1 =	vld.idx.msk [tilespmem:v37+s2+$0x0], $0xffff;
	_ =	sdelay $0x4  }
0x67: {  	[tilespmem:$0xE50] =	vst v1  }
0x68: {  	v1 =	vld.idx.msk [tilespmem:v38+s2+$0x0], $0xffff;
	_ =	sdelay $0x4  }
0x69: {  	[tilespmem:$0xE60] =	vst v1  }
0x6a: {  	v1 =	vld.idx.msk [tilespmem:v39+s2+$0x0], $0xffff;
	_ =	sdelay $0x4  }
0x6b: {  	[tilespmem:$0xE70] =	vst v1  }
0x6c: {  	v1 =	vld.idx.msk [tilespmem:v40+s2+$0x0], $0xffff;
	_ =	sdelay $0x4  }
0x6d: {  	[tilespmem:$0xE80] =	vst v1  }
0x6e: {  	v1 =	vld.idx.msk [tilespmem:v41+s2+$0x0], $0xffff;
	_ =	sdelay $0x4  }
0x6f: {  	[tilespmem:$0xE90] =	vst v1  }
0x70: {  	v1 =	vld.idx.msk [tilespmem:v42+s2+$0x0], $0xffff;
	_ =	sdelay $0x4  }
0x71: {  	[tilespmem:$0xEA0] =	vst v1  }
0x72: {  	v1 =	vld.idx.msk [tilespmem:v43+s2+$0x0], $0xffff;
	_ =	sdelay $0x4  }
0x73: {  	[tilespmem:$0xEB0] =	vst v1  }
0x74: {  	v1 =	vld.idx.msk [tilespmem:v44+s2+$0x0], $0xffff;
	_ =	sdelay $0x4  }
0x75: {  	[tilespmem:$0xEC0] =	vst v1  }
0x76: {  	v1 =	vld.idx.msk [tilespmem:v45+s2+$0x0], $0xffff;
	_ =	sdelay $0x4  }
0x77: {  	[tilespmem:$0xED0] =	vst v1  }
0x78: {  	v1 =	vld.idx.msk [tilespmem:v46+s2+$0x0], $0xffff;
	_ =	sdelay $0x4  }
0x79: {  	[tilespmem:$0xEE0] =	vst v1  }
0x7a: {  	v1 =	vld.idx.msk [tilespmem:v47+s2+$0x0], $0xffff;
	_ =	sdelay $0x4  }
0x7b: {  	[tilespmem:$0xEF0] =	vst v1  }
0x7c: {  	v1 =	vld.idx.msk [tilespmem:v48+s2+$0x0], $0xffff;
	_ =	sdelay $0x4  }
0x7d: {  	[tilespmem:$0xF00] =	vst v1  }
0x7e: {  	v1 =	vld.idx.msk [tilespmem:v49+s2+$0x0], $0xffff;
	_ =	sdelay $0x4  }
0x7f: {  	[tilespmem:$0xF10] =	vst v1  }
0x80: {  	v1 =	vld.idx.msk [tilespmem:v50+s2+$0x0], $0xffff;
	_ =	sdelay $0x4  }
0x81: {  	[tilespmem:$0xF20] =	vst v1  }
0x82: {  	v1 =	vld.idx.msk [tilespmem:v51+s2+$0x0], $0xffff;
	_ =	sdelay $0x4  }
0x83: {  	[tilespmem:$0xF30] =	vst v1  }
0x84: {  	v1 =	vld.idx.msk [tilespmem:v52+s2+$0x0], $0xffff;
	_ =	sdelay $0x4  }
0x85: {  	[tilespmem:$0xF40] =	vst v1  }
0x86: {  	v1 =	vld.idx.msk [tilespmem:v53+s2+$0x0], $0xffff;
	_ =	sdelay $0x4  }
0x87: {  	[tilespmem:$0xF50] =	vst v1  }
0x88: {  	v1 =	vld.idx.msk [tilespmem:v54+s2+$0x0], $0xffff;
	_ =	sdelay $0x4  }
0x89: {  	[tilespmem:$0xF60] =	vst v1  }
0x8a: {  	v1 =	vld.idx.msk [tilespmem:v55+s2+$0x0], $0xffff;
	_ =	sdelay $0x4  }
0x8b: {  	[tilespmem:$0xF70] =	vst v1  }
0x8c: {  	v1 =	vld.idx.msk [tilespmem:v56+s2+$0x0], $0xffff;
	_ =	sdelay $0x4  }
0x8d: {  	[tilespmem:$0xF80] =	vst v1  }
0x8e: {  	v1 =	vld.idx.msk [tilespmem:v57+s2+$0x0], $0xffff;
	_ =	sdelay $0x4  }
0x8f: {  	[tilespmem:$0xF90] =	vst v1  }
0x90: {  	v1 =	vld.idx.msk [tilespmem:v58+s2+$0x0], $0xffff;
	_ =	sdelay $0x4  }
0x91: {  	[tilespmem:$0xFA0] =	vst v1  }
0x92: {  	v1 =	vld.idx.msk [tilespmem:v59+s2+$0x0], $0xffff;
	_ =	sdelay $0x4  }
0x93: {  	[tilespmem:$0xFB0] =	vst v1  }
0x94: {  	v1 =	vld.idx.msk [tilespmem:v60+s2+$0x0], $0xffff;
	_ =	sdelay $0x4  }
0x95: {  	[tilespmem:$0xFC0] =	vst v1  }
0x96: {  	v1 =	vld.idx.msk [tilespmem:v61+s2+$0x0], $0xffff;
	_ =	sdelay $0x4  }
0x97: {  	[tilespmem:$0xFD0] =	vst v1  }
0x98: {  	v1 =	vld.idx.msk [tilespmem:v62+s2+$0x0], $0xffff;
	_ =	sdelay $0x4  }
0x99: {  	[tilespmem:$0xFE0] =	vst v1  }
0x9a: {  	v1 =	vld.idx.msk [tilespmem:v63+s2+$0x0], $0xffff  }
0x9b: {  	v2 =	vadd.s32 $0x8, v0;
	_ =	sdelay $0x3  }
0x9c: {  	[tilespmem:$0xFF0] =	vst v1  }
0x9d: {  	v1 =	vld.idx.msk [tilespmem:v2+s2+$0x0], $0xffff  }
0x9e: {  	v2 =	vadd.s32 $0x188, v0;
	_ =	sdelay $0x3  }
0x9f: {  	[tilespmem:$0x1000] =	vst v1  }
0xa0: {  	v1 =	vld.idx.msk [tilespmem:v2+s2+$0x0], $0xffff  }
0xa1: {  	v2 =	vadd.s32 $0x308, v0;
	_ =	sdelay $0x3  }
0xa2: {  	[tilespmem:$0x1010] =	vst v1  }
0xa3: {  	v1 =	vld.idx.msk [tilespmem:v2+s2+$0x0], $0xffff  }
0xa4: {  	v2 =	vadd.s32 $0x488, v0;
	_ =	sdelay $0x3  }
0xa5: {  	[tilespmem:$0x1020] =	vst v1  }
0xa6: {  	v1 =	vld.idx.msk [tilespmem:v2+s2+$0x0], $0xffff  }
0xa7: {  	v2 =	vadd.s32 $0x608, v0;
	_ =	sdelay $0x3  }
0xa8: {  	[tilespmem:$0x1030] =	vst v1  }
0xa9: {  	v1 =	vld.idx.msk [tilespmem:v2+s2+$0x0], $0xffff  }
0xaa: {  	v2 =	vadd.s32 $0x788, v0;
	_ =	sdelay $0x3  }
0xab: {  	[tilespmem:$0x1040] =	vst v1  }
0xac: {  	v1 =	vld.idx.msk [tilespmem:v2+s2+$0x0], $0xffff  }
0xad: {  	v2 =	vadd.s32 $0x908, v0;
	_ =	sdelay $0x3  }
0xae: {  	[tilespmem:$0x1050] =	vst v1  }
0xaf: {  	v1 =	vld.idx.msk [tilespmem:v2+s2+$0x0], $0xffff  }
0xb0: {  	v2 =	vadd.s32 $0xA88, v0;
	_ =	sdelay $0x3  }
0xb1: {  	[tilespmem:$0x1060] =	vst v1  }
0xb2: {  	v1 =	vld.idx.msk [tilespmem:v2+s2+$0x0], $0xffff  }
0xb3: {  	v2 =	vadd.s32 $0x9, v0;
	_ =	sdelay $0x3  }
0xb4: {  	[tilespmem:$0x1070] =	vst v1  }
0xb5: {  	v1 =	vld.idx.msk [tilespmem:v2+s2+$0x0], $0xffff  }
0xb6: {  	v2 =	vadd.s32 $0x189, v0;
	_ =	sdelay $0x3  }
0xb7: {  	[tilespmem:$0x1080] =	vst v1  }
0xb8: {  	v1 =	vld.idx.msk [tilespmem:v2+s2+$0x0], $0xffff  }
0xb9: {  	v2 =	vadd.s32 $0x309, v0;
	_ =	sdelay $0x3  }
0xba: {  	[tilespmem:$0x1090] =	vst v1  }
0xbb: {  	v1 =	vld.idx.msk [tilespmem:v2+s2+$0x0], $0xffff  }
0xbc: {  	v2 =	vadd.s32 $0x489, v0;
	_ =	sdelay $0x3  }
0xbd: {  	[tilespmem:$0x10A0] =	vst v1  }
0xbe: {  	v1 =	vld.idx.msk [tilespmem:v2+s2+$0x0], $0xffff  }
0xbf: {  	v2 =	vadd.s32 $0x609, v0;
	_ =	sdelay $0x3  }
0xc0: {  	[tilespmem:$0x10B0] =	vst v1  }
0xc1: {  	v1 =	vld.idx.msk [tilespmem:v2+s2+$0x0], $0xffff  }
0xc2: {  	v2 =	vadd.s32 $0x789, v0;
	_ =	sdelay $0x3  }
0xc3: {  	[tilespmem:$0x10C0] =	vst v1  }
0xc4: {  	v1 =	vld.idx.msk [tilespmem:v2+s2+$0x0], $0xffff  }
0xc5: {  	v2 =	vadd.s32 $0x909, v0;
	_ =	sdelay $0x3  }
0xc6: {  	[tilespmem:$0x10D0] =	vst v1  }
0xc7: {  	v1 =	vld.idx.msk [tilespmem:v2+s2+$0x0], $0xffff  }
0xc8: {  	v2 =	vadd.s32 $0xA89, v0;
	_ =	sdelay $0x3  }
0xc9: {  	[tilespmem:$0x10E0] =	vst v1  }
0xca: {  	v1 =	vld.idx.msk [tilespmem:v2+s2+$0x0], $0xffff;
	_ =	sdelay $0x4  }
0xcb: {  	[tilespmem:$0x10F0] =	vst v1  }
0xcc: {  	[tilespmem:s10], [sflag:$0x1] =	stream.indirect.gather [hbm4b:s3+s8], $0x40, s9, s8, $0xb8;
	[tilespmem:$0xB100] =	vst v63  }
0xcd: {  	_ = 	snop  }
0xce: {  	[tilespmem:s12], [sflag:$0x2] =	stream.indirect.gather [hbm4b:s3+s8], $0x40, s11, s8, $0xb8;
	[tilespmem:$0xB100] =	vst v63  }
0xcf: {  	_ = 	snop  }
0xd0: {  	[tilespmem:s14], [sflag:$0x3] =	stream.indirect.gather [hbm4b:s3+s8], $0x40, s13, s8, $0xb8;
	[tilespmem:$0xB100] =	vst v63  }
0xd1: {  	_ = 	snop  }
0xd2: {  	[tilespmem:s16], [sflag:$0x4] =	stream.indirect.gather [hbm4b:s3+s8], $0x40, s15, s8, $0xb8;
	[tilespmem:$0xB100] =	vst v63  }
0xd3: {  	_ = 	snop  }
0xd4: {  	[tilespmem:s18], [sflag:$0x5] =	stream.indirect.gather [hbm4b:s3+s8], $0x40, s17, s8, $0xb8;
	[tilespmem:$0xB100] =	vst v63  }
0xd5: {  	_ =	swait.ge [sflag:s19], $0x2000  }
0xd6: {  	[sflag:s19] =	ssyncset.done $0x0  }
0xd7: {  	[sflag:s19] =	ssyncadd.s32 $0xFFFFE000  }
0xd8: {  	_ =	swait.ge [sflag:s20], $0x2000  }
0xd9: {  	[sflag:s20] =	ssyncset.done $0x0  }
0xda: {  	s31 =	simm.s32 $0x0;
	[sflag:s20] =	ssyncadd.s32 $0xFFFFE000  }
0xdb: {  	v2 =	vld [tilespmem:s31+$0x3130]  }
0xdc: {  	v3 =	vld [tilespmem:s31+$0x3100]  }
0xdd: {  	v4 =	vld [tilespmem:s31+$0x3110]  }
0xde: {  	v1 =	vld [tilespmem:s31+$0x3120];
	_ =	sdelay $0x1  }
0xdf: {  	[tilespmem:s31+$0x1130] =	vst.add.f32.msk $0xffff, v2  }
0xe0: {  	[tilespmem:s31+$0x1100] =	vst.add.f32.msk $0xffff, v3  }
0xe1: {  	s1 =	simm.s32 $0x40;
	s0 =	simm.s32 $0x200;
	[tilespmem:s31+$0x1110] =	vst.add.f32.msk $0xffff, v4  }
.LBB2_2:
0xe2: {  	p0 =	sne.s32 s0, $0x7F00;
	v2 =	vld [tilespmem:s1+$0x3130];
	v3 =	vmov v1  }
0xe3: {  	v4 =	vld [tilespmem:s1+$0x3100]  }
0xe4: {  	v5 =	vld [tilespmem:s1+$0x3110]  }
.Ltmp0:
0xe5: {  	v1 =	vld [tilespmem:s1+$0x3120];
	(pc) =	sbr.rel @p0 .LBB2_2-.Ltmp0, $4  }
0xe6: {  	[tilespmem:s31+$0x1120] =	vst.add.f32.msk $0xffff, v3;
	s31 =	smov.u32 s1  }
0xe7: {  	[tilespmem:s31+$0x1130] =	vst.add.f32.msk $0xffff, v2  }
0xe8: {  	[tilespmem:s31+$0x1100] =	vst.add.f32.msk $0xffff, v4  }
0xe9: {  	s1 =	sshra.s32 s0, $0x2;
	s0 =	sadd.s32 $0x100, s0;
	[tilespmem:s31+$0x1110] =	vst.add.f32.msk $0xffff, v5  }
0xea: {  	v2 =	vld [tilespmem:s1+$0x3130]  }
0xeb: {  	v3 =	vld [tilespmem:s1+$0x3100]  }
0xec: {  	v4 =	vld [tilespmem:s1+$0x3110]  }
0xed: {  	v5 =	vld [tilespmem:s1+$0x3120]  }
0xee: {  	[tilespmem:s31+$0x1120] =	vst.add.f32.msk $0xffff, v1  }
0xef: {  	[tilespmem:s1+$0x1130] =	vst.add.f32.msk $0xffff, v2  }
0xf0: {  	[tilespmem:s1+$0x1100] =	vst.add.f32.msk $0xffff, v3  }
0xf1: {  	[tilespmem:s1+$0x1110] =	vst.add.f32.msk $0xffff, v4  }
0xf2: {  	[tilespmem:s1+$0x1120] =	vst.add.f32.msk $0xffff, v5  }
0xf3: {  	[tilespmem:s12], [sflag:$0x2] =	stream.indirect.gather [hbm4b:s3+s8], $0x40, s21, s8, $0xb8;
	[tilespmem:$0xB100] =	vst v63  }
0xf4: {  	_ =	swait.ge [sflag:s22], $0x2000  }
0xf5: {  	[sflag:s22] =	ssyncset.done $0x0  }
0xf6: {  	s31 =	simm.s32 $0x0;
	[sflag:s22] =	ssyncadd.s32 $0xFFFFE000  }
0xf7: {  	v2 =	vld [tilespmem:s31+$0x5130]  }
0xf8: {  	v3 =	vld [tilespmem:s31+$0x5100]  }
0xf9: {  	v4 =	vld [tilespmem:s31+$0x5110]  }
0xfa: {  	v1 =	vld [tilespmem:s31+$0x5120];
	_ =	sdelay $0x1  }
0xfb: {  	[tilespmem:s31+$0x1130] =	vst.add.f32.msk $0xffff, v2  }
0xfc: {  	[tilespmem:s31+$0x1100] =	vst.add.f32.msk $0xffff, v3  }
0xfd: {  	s0 =	simm.s32 $0x200;
	s1 =	simm.s32 $0x40;
	[tilespmem:s31+$0x1110] =	vst.add.f32.msk $0xffff, v4  }
.LBB2_4:
0xfe: {  	p0 =	sne.s32 s0, $0x7F00;
	v2 =	vld [tilespmem:s1+$0x5130];
	v3 =	vmov v1  }
0xff: {  	v4 =	vld [tilespmem:s1+$0x5100]  }
0x100: {  	v5 =	vld [tilespmem:s1+$0x5110]  }
.Ltmp1:
0x101: {  	v1 =	vld [tilespmem:s1+$0x5120];
	(pc) =	sbr.rel @p0 .LBB2_4-.Ltmp1, $4  }
0x102: {  	[tilespmem:s31+$0x1120] =	vst.add.f32.msk $0xffff, v3;
	s31 =	smov.u32 s1  }
0x103: {  	[tilespmem:s31+$0x1130] =	vst.add.f32.msk $0xffff, v2  }
0x104: {  	[tilespmem:s31+$0x1100] =	vst.add.f32.msk $0xffff, v4  }
0x105: {  	s1 =	sshra.s32 s0, $0x2;
	s0 =	sadd.s32 $0x100, s0;
	[tilespmem:s31+$0x1110] =	vst.add.f32.msk $0xffff, v5  }
0x106: {  	v2 =	vld [tilespmem:s1+$0x5130]  }
0x107: {  	v3 =	vld [tilespmem:s1+$0x5100]  }
0x108: {  	v4 =	vld [tilespmem:s1+$0x5110]  }
0x109: {  	v5 =	vld [tilespmem:s1+$0x5120]  }
0x10a: {  	[tilespmem:s31+$0x1120] =	vst.add.f32.msk $0xffff, v1  }
0x10b: {  	[tilespmem:s1+$0x1130] =	vst.add.f32.msk $0xffff, v2  }
0x10c: {  	[tilespmem:s1+$0x1100] =	vst.add.f32.msk $0xffff, v3  }
0x10d: {  	[tilespmem:s1+$0x1110] =	vst.add.f32.msk $0xffff, v4  }
0x10e: {  	[tilespmem:s1+$0x1120] =	vst.add.f32.msk $0xffff, v5  }
0x10f: {  	[tilespmem:s14], [sflag:$0x3] =	stream.indirect.gather [hbm4b:s3+s8], $0x40, s23, s8, $0xb8;
	[tilespmem:$0xB100] =	vst v63  }
0x110: {  	_ =	swait.ge [sflag:s24], $0x2000  }
0x111: {  	[sflag:s24] =	ssyncset.done $0x0  }
0x112: {  	s31 =	simm.s32 $0x0;
	[sflag:s24] =	ssyncadd.s32 $0xFFFFE000  }
0x113: {  	v2 =	vld [tilespmem:s31+$0x7130]  }
0x114: {  	v3 =	vld [tilespmem:s31+$0x7100]  }
0x115: {  	v4 =	vld [tilespmem:s31+$0x7110]  }
0x116: {  	v1 =	vld [tilespmem:s31+$0x7120];
	_ =	sdelay $0x1  }
0x117: {  	[tilespmem:s31+$0x1130] =	vst.add.f32.msk $0xffff, v2  }
0x118: {  	[tilespmem:s31+$0x1100] =	vst.add.f32.msk $0xffff, v3  }
0x119: {  	s0 =	simm.s32 $0x200;
	s1 =	simm.s32 $0x40;
	[tilespmem:s31+$0x1110] =	vst.add.f32.msk $0xffff, v4  }
.LBB2_6:
0x11a: {  	p0 =	sne.s32 s0, $0x7F00;
	v2 =	vld [tilespmem:s1+$0x7130];
	v3 =	vmov v1  }
0x11b: {  	v4 =	vld [tilespmem:s1+$0x7100]  }
0x11c: {  	v5 =	vld [tilespmem:s1+$0x7110]  }
.Ltmp2:
0x11d: {  	v1 =	vld [tilespmem:s1+$0x7120];
	(pc) =	sbr.rel @p0 .LBB2_6-.Ltmp2, $4  }
0x11e: {  	[tilespmem:s31+$0x1120] =	vst.add.f32.msk $0xffff, v3;
	s31 =	smov.u32 s1  }
0x11f: {  	[tilespmem:s31+$0x1130] =	vst.add.f32.msk $0xffff, v2  }
0x120: {  	[tilespmem:s31+$0x1100] =	vst.add.f32.msk $0xffff, v4  }
0x121: {  	s1 =	sshra.s32 s0, $0x2;
	s0 =	sadd.s32 $0x100, s0;
	[tilespmem:s31+$0x1110] =	vst.add.f32.msk $0xffff, v5  }
0x122: {  	v2 =	vld [tilespmem:s1+$0x7130]  }
0x123: {  	v3 =	vld [tilespmem:s1+$0x7100]  }
0x124: {  	v4 =	vld [tilespmem:s1+$0x7110]  }
0x125: {  	v5 =	vld [tilespmem:s1+$0x7120]  }
0x126: {  	[tilespmem:s31+$0x1120] =	vst.add.f32.msk $0xffff, v1  }
0x127: {  	[tilespmem:s1+$0x1130] =	vst.add.f32.msk $0xffff, v2  }
0x128: {  	[tilespmem:s1+$0x1100] =	vst.add.f32.msk $0xffff, v3  }
0x129: {  	[tilespmem:s1+$0x1110] =	vst.add.f32.msk $0xffff, v4  }
0x12a: {  	[tilespmem:s1+$0x1120] =	vst.add.f32.msk $0xffff, v5  }
0x12b: {  	[tilespmem:s16], [sflag:$0x4] =	stream.indirect.gather [hbm4b:s3+s8], $0x40, s25, s8, $0xb8;
	[tilespmem:$0xB100] =	vst v63  }
0x12c: {  	_ =	swait.ge [sflag:s26], $0x2000  }
0x12d: {  	[sflag:s26] =	ssyncset.done $0x0  }
0x12e: {  	s31 =	simm.s32 $0x0;
	[sflag:s26] =	ssyncadd.s32 $0xFFFFE000  }
0x12f: {  	v2 =	vld [tilespmem:s31+$0x9130]  }
0x130: {  	v3 =	vld [tilespmem:s31+$0x9100]  }
0x131: {  	v4 =	vld [tilespmem:s31+$0x9110]  }
0x132: {  	v1 =	vld [tilespmem:s31+$0x9120];
	_ =	sdelay $0x1  }
0x133: {  	[tilespmem:s31+$0x1130] =	vst.add.f32.msk $0xffff, v2  }
0x134: {  	[tilespmem:s31+$0x1100] =	vst.add.f32.msk $0xffff, v3  }
0x135: {  	s0 =	simm.s32 $0x200;
	s1 =	simm.s32 $0x40;
	[tilespmem:s31+$0x1110] =	vst.add.f32.msk $0xffff, v4  }
.LBB2_8:
0x136: {  	p0 =	sne.s32 s0, $0x7F00;
	v2 =	vld [tilespmem:s1+$0x9130];
	v3 =	vmov v1  }
0x137: {  	v4 =	vld [tilespmem:s1+$0x9100]  }
0x138: {  	v5 =	vld [tilespmem:s1+$0x9110]  }
.Ltmp3:
0x139: {  	v1 =	vld [tilespmem:s1+$0x9120];
	(pc) =	sbr.rel @p0 .LBB2_8-.Ltmp3, $4  }
0x13a: {  	[tilespmem:s31+$0x1120] =	vst.add.f32.msk $0xffff, v3;
	s31 =	smov.u32 s1  }
0x13b: {  	[tilespmem:s31+$0x1130] =	vst.add.f32.msk $0xffff, v2  }
0x13c: {  	[tilespmem:s31+$0x1100] =	vst.add.f32.msk $0xffff, v4  }
0x13d: {  	s1 =	sshra.s32 s0, $0x2;
	s0 =	sadd.s32 $0x100, s0;
	[tilespmem:s31+$0x1110] =	vst.add.f32.msk $0xffff, v5  }
0x13e: {  	v2 =	vld [tilespmem:s1+$0x9130]  }
0x13f: {  	v3 =	vld [tilespmem:s1+$0x9100]  }
0x140: {  	v4 =	vld [tilespmem:s1+$0x9110]  }
0x141: {  	v5 =	vld [tilespmem:s1+$0x9120]  }
0x142: {  	[tilespmem:s31+$0x1120] =	vst.add.f32.msk $0xffff, v1  }
0x143: {  	[tilespmem:s1+$0x1130] =	vst.add.f32.msk $0xffff, v2  }
0x144: {  	[tilespmem:s1+$0x1100] =	vst.add.f32.msk $0xffff, v3  }
0x145: {  	[tilespmem:s1+$0x1110] =	vst.add.f32.msk $0xffff, v4  }
0x146: {  	[tilespmem:s1+$0x1120] =	vst.add.f32.msk $0xffff, v5  }
0x147: {  	[tilespmem:s18], [sflag:$0x5] =	stream.indirect.gather [hbm4b:s3+s8], $0x40, s28, s8, $0xb8;
	[tilespmem:$0xB100] =	vst v63  }
0x148: {  	_ =	swait.ge [sflag:s20], $0x2000  }
0x149: {  	[sflag:s20] =	ssyncset.done $0x0  }
0x14a: {  	s31 =	simm.s32 $0x0;
	[sflag:s20] =	ssyncadd.s32 $0xFFFFE000  }
0x14b: {  	v2 =	vld [tilespmem:s31+$0x3130]  }
0x14c: {  	v3 =	vld [tilespmem:s31+$0x3100]  }
0x14d: {  	v4 =	vld [tilespmem:s31+$0x3110]  }
0x14e: {  	v1 =	vld [tilespmem:s31+$0x3120];
	_ =	sdelay $0x1  }
0x14f: {  	[tilespmem:s31+$0x1130] =	vst.add.f32.msk $0xffff, v2  }
0x150: {  	[tilespmem:s31+$0x1100] =	vst.add.f32.msk $0xffff, v3  }
0x151: {  	s0 =	simm.s32 $0x200;
	s1 =	simm.s32 $0x40;
	[tilespmem:s31+$0x1110] =	vst.add.f32.msk $0xffff, v4  }
.LBB2_10:
0x152: {  	p0 =	sne.s32 s0, $0x7F00;
	v2 =	vld [tilespmem:s1+$0x3130];
	v3 =	vmov v1  }
0x153: {  	v4 =	vld [tilespmem:s1+$0x3100]  }
0x154: {  	v5 =	vld [tilespmem:s1+$0x3110]  }
.Ltmp4:
0x155: {  	v1 =	vld [tilespmem:s1+$0x3120];
	(pc) =	sbr.rel @p0 .LBB2_10-.Ltmp4, $4  }
0x156: {  	[tilespmem:s31+$0x1120] =	vst.add.f32.msk $0xffff, v3;
	s31 =	smov.u32 s1  }
0x157: {  	[tilespmem:s31+$0x1130] =	vst.add.f32.msk $0xffff, v2  }
0x158: {  	[tilespmem:s31+$0x1100] =	vst.add.f32.msk $0xffff, v4  }
0x159: {  	s1 =	sshra.s32 s0, $0x2;
	s0 =	sadd.s32 $0x100, s0;
	[tilespmem:s31+$0x1110] =	vst.add.f32.msk $0xffff, v5  }
0x15a: {  	v2 =	vld [tilespmem:s1+$0x3130]  }
0x15b: {  	v3 =	vld [tilespmem:s1+$0x3100]  }
0x15c: {  	v4 =	vld [tilespmem:s1+$0x3110]  }
0x15d: {  	v5 =	vld [tilespmem:s1+$0x3120]  }
0x15e: {  	[tilespmem:s31+$0x1120] =	vst.add.f32.msk $0xffff, v1  }
0x15f: {  	[tilespmem:s1+$0x1130] =	vst.add.f32.msk $0xffff, v2  }
0x160: {  	[tilespmem:s1+$0x1100] =	vst.add.f32.msk $0xffff, v3  }
0x161: {  	[tilespmem:s1+$0x1110] =	vst.add.f32.msk $0xffff, v4  }
0x162: {  	[tilespmem:s1+$0x1120] =	vst.add.f32.msk $0xffff, v5  }
0x163: {  	[tilespmem:s12], [sflag:$0x2] =	stream.indirect.gather [hbm4b:s3+s8], $0x40, s29, s8, $0xb8;
	[tilespmem:$0xB100] =	vst v63  }
0x164: {  	_ =	swait.ge [sflag:s22], $0x2000  }
0x165: {  	[sflag:s22] =	ssyncset.done $0x0  }
0x166: {  	s31 =	simm.s32 $0x0;
	[sflag:s22] =	ssyncadd.s32 $0xFFFFE000  }
0x167: {  	v2 =	vld [tilespmem:s31+$0x5130]  }
0x168: {  	v3 =	vld [tilespmem:s31+$0x5100]  }
0x169: {  	v4 =	vld [tilespmem:s31+$0x5110]  }
0x16a: {  	v1 =	vld [tilespmem:s31+$0x5120];
	_ =	sdelay $0x1  }
0x16b: {  	[tilespmem:s31+$0x1130] =	vst.add.f32.msk $0xffff, v2  }
0x16c: {  	[tilespmem:s31+$0x1100] =	vst.add.f32.msk $0xffff, v3  }
0x16d: {  	s0 =	simm.s32 $0x200;
	s1 =	simm.s32 $0x40;
	[tilespmem:s31+$0x1110] =	vst.add.f32.msk $0xffff, v4  }
.LBB2_12:
0x16e: {  	p0 =	sne.s32 s0, $0x7F00;
	v2 =	vld [tilespmem:s1+$0x5130];
	v3 =	vmov v1  }
0x16f: {  	v4 =	vld [tilespmem:s1+$0x5100]  }
0x170: {  	v5 =	vld [tilespmem:s1+$0x5110]  }
.Ltmp5:
0x171: {  	v1 =	vld [tilespmem:s1+$0x5120];
	(pc) =	sbr.rel @p0 .LBB2_12-.Ltmp5, $4  }
0x172: {  	[tilespmem:s31+$0x1120] =	vst.add.f32.msk $0xffff, v3;
	s31 =	smov.u32 s1  }
0x173: {  	[tilespmem:s31+$0x1130] =	vst.add.f32.msk $0xffff, v2  }
0x174: {  	[tilespmem:s31+$0x1100] =	vst.add.f32.msk $0xffff, v4  }
0x175: {  	s1 =	sshra.s32 s0, $0x2;
	s0 =	sadd.s32 $0x100, s0;
	[tilespmem:s31+$0x1110] =	vst.add.f32.msk $0xffff, v5  }
0x176: {  	v2 =	vld [tilespmem:s1+$0x5130]  }
0x177: {  	v3 =	vld [tilespmem:s1+$0x5100]  }
0x178: {  	v4 =	vld [tilespmem:s1+$0x5110]  }
0x179: {  	v5 =	vld [tilespmem:s1+$0x5120]  }
0x17a: {  	[tilespmem:s31+$0x1120] =	vst.add.f32.msk $0xffff, v1  }
0x17b: {  	[tilespmem:s1+$0x1130] =	vst.add.f32.msk $0xffff, v2  }
0x17c: {  	[tilespmem:s1+$0x1100] =	vst.add.f32.msk $0xffff, v3  }
0x17d: {  	[tilespmem:s1+$0x1110] =	vst.add.f32.msk $0xffff, v4  }
0x17e: {  	[tilespmem:s1+$0x1120] =	vst.add.f32.msk $0xffff, v5  }
0x17f: {  	_ =	swait.ge [sflag:s24], $0x2000  }
0x180: {  	[sflag:s24] =	ssyncset.done $0x0  }
0x181: {  	s31 =	simm.s32 $0x0;
	[sflag:s24] =	ssyncadd.s32 $0xFFFFE000  }
0x182: {  	v2 =	vld [tilespmem:s31+$0x7130]  }
0x183: {  	v3 =	vld [tilespmem:s31+$0x7100]  }
0x184: {  	v4 =	vld [tilespmem:s31+$0x7110]  }
0x185: {  	v1 =	vld [tilespmem:s31+$0x7120];
	_ =	sdelay $0x1  }
0x186: {  	[tilespmem:s31+$0x1130] =	vst.add.f32.msk $0xffff, v2  }
0x187: {  	[tilespmem:s31+$0x1100] =	vst.add.f32.msk $0xffff, v3  }
0x188: {  	s0 =	simm.s32 $0x200;
	s1 =	simm.s32 $0x40;
	[tilespmem:s31+$0x1110] =	vst.add.f32.msk $0xffff, v4  }
.LBB2_14:
0x189: {  	p0 =	sne.s32 s0, $0x7F00;
	v2 =	vld [tilespmem:s1+$0x7130];
	v3 =	vmov v1  }
0x18a: {  	v4 =	vld [tilespmem:s1+$0x7100]  }
0x18b: {  	v5 =	vld [tilespmem:s1+$0x7110]  }
.Ltmp6:
0x18c: {  	v1 =	vld [tilespmem:s1+$0x7120];
	(pc) =	sbr.rel @p0 .LBB2_14-.Ltmp6, $4  }
0x18d: {  	[tilespmem:s31+$0x1120] =	vst.add.f32.msk $0xffff, v3;
	s31 =	smov.u32 s1  }
0x18e: {  	[tilespmem:s31+$0x1130] =	vst.add.f32.msk $0xffff, v2  }
0x18f: {  	[tilespmem:s31+$0x1100] =	vst.add.f32.msk $0xffff, v4  }
0x190: {  	s1 =	sshra.s32 s0, $0x2;
	s0 =	sadd.s32 $0x100, s0;
	[tilespmem:s31+$0x1110] =	vst.add.f32.msk $0xffff, v5  }
0x191: {  	v2 =	vld [tilespmem:s1+$0x7130]  }
0x192: {  	v3 =	vld [tilespmem:s1+$0x7100]  }
0x193: {  	v4 =	vld [tilespmem:s1+$0x7110]  }
0x194: {  	v5 =	vld [tilespmem:s1+$0x7120]  }
0x195: {  	[tilespmem:s31+$0x1120] =	vst.add.f32.msk $0xffff, v1  }
0x196: {  	[tilespmem:s1+$0x1130] =	vst.add.f32.msk $0xffff, v2  }
0x197: {  	[tilespmem:s1+$0x1100] =	vst.add.f32.msk $0xffff, v3  }
0x198: {  	[tilespmem:s1+$0x1110] =	vst.add.f32.msk $0xffff, v4  }
0x199: {  	[tilespmem:s1+$0x1120] =	vst.add.f32.msk $0xffff, v5  }
0x19a: {  	_ =	swait.ge [sflag:s26], $0x2000  }
0x19b: {  	[sflag:s26] =	ssyncset.done $0x0  }
0x19c: {  	s31 =	simm.s32 $0x0;
	[sflag:s26] =	ssyncadd.s32 $0xFFFFE000  }
0x19d: {  	v2 =	vld [tilespmem:s31+$0x9130]  }
0x19e: {  	v3 =	vld [tilespmem:s31+$0x9100]  }
0x19f: {  	v4 =	vld [tilespmem:s31+$0x9110]  }
0x1a0: {  	v1 =	vld [tilespmem:s31+$0x9120];
	_ =	sdelay $0x1  }
0x1a1: {  	[tilespmem:s31+$0x1130] =	vst.add.f32.msk $0xffff, v2  }
0x1a2: {  	[tilespmem:s31+$0x1100] =	vst.add.f32.msk $0xffff, v3  }
0x1a3: {  	s0 =	simm.s32 $0x200;
	s1 =	simm.s32 $0x40;
	[tilespmem:s31+$0x1110] =	vst.add.f32.msk $0xffff, v4  }
.LBB2_16:
0x1a4: {  	p0 =	sne.s32 s0, $0x7F00;
	v2 =	vld [tilespmem:s1+$0x9130];
	v3 =	vmov v1  }
0x1a5: {  	v4 =	vld [tilespmem:s1+$0x9100]  }
0x1a6: {  	v5 =	vld [tilespmem:s1+$0x9110]  }
.Ltmp7:
0x1a7: {  	v1 =	vld [tilespmem:s1+$0x9120];
	(pc) =	sbr.rel @p0 .LBB2_16-.Ltmp7, $4  }
0x1a8: {  	[tilespmem:s31+$0x1120] =	vst.add.f32.msk $0xffff, v3;
	s31 =	smov.u32 s1  }
0x1a9: {  	[tilespmem:s31+$0x1130] =	vst.add.f32.msk $0xffff, v2  }
0x1aa: {  	[tilespmem:s31+$0x1100] =	vst.add.f32.msk $0xffff, v4  }
0x1ab: {  	s1 =	sshra.s32 s0, $0x2;
	s0 =	sadd.s32 $0x100, s0;
	[tilespmem:s31+$0x1110] =	vst.add.f32.msk $0xffff, v5  }
0x1ac: {  	v2 =	vld [tilespmem:s1+$0x9130]  }
0x1ad: {  	v3 =	vld [tilespmem:s1+$0x9100]  }
0x1ae: {  	v4 =	vld [tilespmem:s1+$0x9110]  }
0x1af: {  	v5 =	vld [tilespmem:s1+$0x9120]  }
0x1b0: {  	[tilespmem:s31+$0x1120] =	vst.add.f32.msk $0xffff, v1  }
0x1b1: {  	[tilespmem:s1+$0x1130] =	vst.add.f32.msk $0xffff, v2  }
0x1b2: {  	[tilespmem:s1+$0x1100] =	vst.add.f32.msk $0xffff, v3  }
0x1b3: {  	[tilespmem:s1+$0x1110] =	vst.add.f32.msk $0xffff, v4  }
0x1b4: {  	[tilespmem:s1+$0x1120] =	vst.add.f32.msk $0xffff, v5  }
0x1b5: {  	_ =	swait.ge [sflag:s20], $0x2000  }
0x1b6: {  	[sflag:s20] =	ssyncset.done $0x0  }
0x1b7: {  	s31 =	simm.s32 $0x0;
	[sflag:s20] =	ssyncadd.s32 $0xFFFFE000  }
0x1b8: {  	v2 =	vld [tilespmem:s31+$0x3130]  }
0x1b9: {  	v3 =	vld [tilespmem:s31+$0x3100]  }
0x1ba: {  	v4 =	vld [tilespmem:s31+$0x3110]  }
0x1bb: {  	v1 =	vld [tilespmem:s31+$0x3120];
	_ =	sdelay $0x1  }
0x1bc: {  	[tilespmem:s31+$0x1130] =	vst.add.f32.msk $0xffff, v2  }
0x1bd: {  	[tilespmem:s31+$0x1100] =	vst.add.f32.msk $0xffff, v3  }
0x1be: {  	s0 =	simm.s32 $0x200;
	s1 =	simm.s32 $0x40;
	[tilespmem:s31+$0x1110] =	vst.add.f32.msk $0xffff, v4  }
.LBB2_18:
0x1bf: {  	p0 =	sne.s32 s0, $0x7F00;
	v2 =	vld [tilespmem:s1+$0x3130];
	v3 =	vmov v1  }
0x1c0: {  	v4 =	vld [tilespmem:s1+$0x3100]  }
0x1c1: {  	v5 =	vld [tilespmem:s1+$0x3110]  }
.Ltmp8:
0x1c2: {  	v1 =	vld [tilespmem:s1+$0x3120];
	(pc) =	sbr.rel @p0 .LBB2_18-.Ltmp8, $4  }
0x1c3: {  	[tilespmem:s31+$0x1120] =	vst.add.f32.msk $0xffff, v3;
	s31 =	smov.u32 s1  }
0x1c4: {  	[tilespmem:s31+$0x1130] =	vst.add.f32.msk $0xffff, v2  }
0x1c5: {  	[tilespmem:s31+$0x1100] =	vst.add.f32.msk $0xffff, v4  }
0x1c6: {  	s1 =	sshra.s32 s0, $0x2;
	s0 =	sadd.s32 $0x100, s0;
	[tilespmem:s31+$0x1110] =	vst.add.f32.msk $0xffff, v5  }
0x1c7: {  	v2 =	vld [tilespmem:s1+$0x3130]  }
0x1c8: {  	v3 =	vld [tilespmem:s1+$0x3100]  }
0x1c9: {  	v4 =	vld [tilespmem:s1+$0x3110]  }
0x1ca: {  	v5 =	vld [tilespmem:s1+$0x3120]  }
0x1cb: {  	[tilespmem:s31+$0x1120] =	vst.add.f32.msk $0xffff, v1  }
0x1cc: {  	[tilespmem:s1+$0x1130] =	vst.add.f32.msk $0xffff, v2  }
0x1cd: {  	s30 =	sadd.s32 $0x1, s30;
	[tilespmem:s1+$0x1100] =	vst.add.f32.msk $0xffff, v3  }
0x1ce: {  	p0 =	sne.s32 s30, s6;
	[tilespmem:s1+$0x1110] =	vst.add.f32.msk $0xffff, v4  }
.Ltmp9:
0x1cf: {  	[tilespmem:s1+$0x1120] =	vst.add.f32.msk $0xffff, v5;
	(pc) =	sbr.rel @p0 .LBB2_1-.Ltmp9, $4  }
0x1d0: {  	[hbm4b:s5+s2] =	stream.linear.scatter [tilespmem:s10], [sflag:$0x6], $0x2000, $0x38;
	[tilespmem:$0xB100] =	vst v63  }
0x1d1: {  	_ =	swait.ge [sflag:s7], $0x2000  }
0x1d2: {  	[sflag:s7] =	ssyncset.done $0x0  }
0x1d3: {  	[sflag:s7] =	ssyncadd.s32 $0xFFFFE000  }
0x1d4: {  	_ =	sfence.sel $0x180000  }
0x1d5: {  	[bflag:$0x0] =	sbarrier.arrive $0xFFFF  }
0x1d6: {  	_ =	strace $0x90000047  }
0x1d7: {  	s0 =	stileid.u32;
	[bflag:$0x2] =	sbarrier.arrive $0xFFFF  }
0x1d8: {  	p0 =	sne.s32 s0, $0x0;
	s0 =	rddreg [dreg:$0x1]  }
0x1d9: {  	s0 =	sadd.s32 @!p0 $0x100000, s0  }
0x1da: {  	[sflag:s0] =	ssyncadd.tile.s32 @!p0 $0x1;
	_ =	shalt  }
.Lfunc_end2:
_tile_overlayer_lowered:
.L_overlay_start_2:
0x1db: {  	(tag) =	ssettag $0x2  }
0x1dc: {  	s0 =	rddreg [dreg:$0x0];
	s2 =	stileid.u32  }
0x1dd: {  	s1 =	rddreg [dreg:$0x1];
	p0 =	sne.s32 s2, $0x0  }
0x1de: {  	s3 =	rddreg [dreg:$0x2];
	[bflag:$0x3] =	sbarrier.arrive $0xFFFF;
	s2 =	simm.s32 @!p0 $0x1C06  }
0x1df: {  	[timem:s3], [sflag:s2] =	dma.local @!p0 [hbm:s0], s1  }
0x1e0: {  	s0 =	simm.s32 @!p0 $0x6  }
0x1e1: {  	_ =	swait.ge @!p0 [sflag:s0], s1  }
0x1e2: {  	s1 =	ssub.s32 @!p0 $0x0, s1;
	[sflag:s0] =	ssyncset.done @!p0 $0x0  }
0x1e3: {  	[sflag:s0] =	ssyncadd.s32 @!p0 s1  }
0x1e4: {  	[bflag:$0x3] =	sbarrier.arrive $0xFFFF  }
0x1e5: {  	_ =	shalt  }

// kernel: kernel.8.cloned.1.call-start
scs
__scs_entry_jumppad:
0x0: {  	(pc) =	sbr.rel $0x88, $3  }
0x1: {  	(tag) =	ssettag $0x0;
	lr =	simm.s32 $0x1  }
0x2: {  	[smem:$0x3F9E] =	sst lr;
	_ =	strace $0xD0000000  }
0x3: {  	_ = 	snop  }
0x4: {  	_ = 	snop  }
0x5: {  	_ = 	snop  }
0x6: {  	_ = 	snop  }
0x7: {  	_ = 	snop  }
__scs_overlays_trampoline_lowered:
0x8: {  	[smem:$0x3FAD] =	sst s0  }
0x9: {  	[smem:$0x3FAE] =	sst s1  }
0xa: {  	[smem:$0x3FAF] =	sst s2  }
0xb: {  	[smem:$0x3FB0] =	sst s3  }
0xc: {  	[smem:$0x3FB1] =	sst s4  }
0xd: {  	[smem:$0x3FB2] =	sst s5  }
0xe: {  	[smem:$0x3FB3] =	sst s6  }
0xf: {  	[smem:$0x3FB4] =	sst s7  }
0x10: {  	[smem:$0x3FB5] =	sst s8  }
0x11: {  	[smem:$0x3FB6] =	sst s9;
	s0 =	simm.s32 @!p0 $0x0  }
0x12: {  	s1 =	sld [smem:$0x3F9C];
	s0 =	simm.s32 @p0 $0x1  }
0x13: {  	[smem:$0x3FB7] =	sst s0;
	s0 =	simm.s32 @!p1 $0x0  }
0x14: {  	s2 =	sld [smem:$0x3F9B];
	s0 =	simm.s32 @p1 $0x1  }
0x15: {  	[smem:$0x3FB8] =	sst s0;
	s0 =	simm.s32 @!p2 $0x0  }
0x16: {  	s3 =	sld [smem:$0x3FDB];
	s0 =	simm.s32 @p2 $0x1  }
0x17: {  	s4 =	simm.s32 $0x1BF5;
	[smem:$0x3FBA] =	sst s0  }
0x18: {  	s0 =	sld [smem:$0x3F9D];
	_ =	swait.ge [sflag:s4], $0x0  }
0x19: {  	s7 =	sld [smem:$0x3F9E]  }
0x1a: {  	s8 =	sadd.s32 $0xFFFFE003, lr  }
0x1b: {  	s9 =	sadd.s32 $0xFFFFFEF7, lr;
	s5 =	simm.s32 $0xFFFFFFFF;
	p2 =	slt.u32 s8, $0xFFFFF086  }
0x1c: {  	p1 =	slt.u32 s9, $0xF7A;
	s5 =	simm.s32 @!p2 $0x0  }
0x1d: {  	s5 =	simm.s32 @p1 $0x1;
	p0 =	seq.s32 s7, s2  }
0x1e: {  	s7 =	smul.u32 @!p0 $0xF7A, s2;
	p2 =	seq.s32 @!p0 s5, $0x0  }
0x1f: {  	s9 =	smul.u32 $0xF7A, s1;
	s8 =	simm.s32 @!p0 $0x1BF5;
	p2 =	por !p2, p0  }
0x20: {  	[sflag:s8] =	ssyncset.s32 @!p0 $0xFFFFF086;
	s6 =	sadd.s32 @!p0 s3, s7;
	s7 =	simm.s32 @!p0 $0x108  }
0x21: {  	s3 =	sadd.s32 s3, s9;
	s6 =	sadd.s32 @!p0 $0x88, s6;
	s7 =	simm.s32 @p2 $0x1082  }
0x22: {  	[simem:s7], [sflag:s8] =	dma.local @!p0 [hbm:s6], $0xF7A  }
0x23: {  	s9 =	sor.u32 $0xD0000000, s2;
	s6 =	simm.s32 $0x108;
	_ =	swait.ge @!p0 [sflag:s8], $0x0  }
0x24: {  	s3 =	sadd.s32 $0x88, s3;
	s6 =	simm.s32 @!p1 $0x1082;
	[sflag:s4] =	ssyncset.s32 $0xFFFFF086  }
0x25: {  	[simem:s6], [sflag:s4] =	dma.local [hbm:s3], $0xF7A  }
0x26: {  	[smem:$0x3F9E] =	sst s1;
	(tag) =	ssettag s2;
	_ =	strace s9  }
0x27: {  	s1 =	sld [smem:$0x3FAE]  }
0x28: {  	s2 =	sld [smem:$0x3FAF]  }
0x29: {  	s4 =	sld [smem:$0x3FB1]  }
0x2a: {  	p0 =	seq.s32 s5, $0x0;
	s5 =	sld [smem:$0x3FB2]  }
0x2b: {  	s6 =	sld [smem:$0x3FB3]  }
0x2c: {  	s7 =	sld [smem:$0x3FB4]  }
0x2d: {  	s3 =	simm.s32 $0x108;
	s8 =	sld [smem:$0x3FB5]  }
0x2e: {  	s3 =	simm.s32 @!p0 $0x1082;
	s9 =	sld [smem:$0x3FB6]  }
0x2f: {  	lr =	sadd.s32 s0, s3;
	s0 =	sld [smem:$0x3FAD]  }
0x30: {  	s3 =	sld [smem:$0x3FB0]  }
0x31: {  	[smem:$0x3FB9] =	sst s10  }
0x32: {  	s10 =	sld [smem:$0x3FB7];
	_ =	sdelay $0x3  }
0x33: {  	p0 =	seq.s32 s10, $0x1;
	s10 =	sld [smem:$0x3FB9];
	_ =	sdelay $0x3  }
0x34: {  	[smem:$0x3FB9] =	sst s10  }
0x35: {  	s10 =	sld [smem:$0x3FB8];
	_ =	sdelay $0x3  }
0x36: {  	p1 =	seq.s32 s10, $0x1;
	s10 =	sld [smem:$0x3FB9];
	_ =	sdelay $0x3  }
0x37: {  	[smem:$0x3FB9] =	sst s10  }
0x38: {  	s10 =	sld [smem:$0x3FBA]  }
0x39: {  	_ = 	snop;
	(pc) =	sbr.ind lr, $3  }
0x3a: {  	_ = 	snop  }
0x3b: {  	_ = 	snop  }
0x3c: {  	p2 =	seq.s32 s10, $0x1;
	s10 =	sld [smem:$0x3FB9]  }
0x3d: {  	_ =	shalt  }
0x3e: {  	_ =	shalt  }
0x3f: {  	_ =	shalt  }
0x40: {  	_ =	shalt  }
0x41: {  	_ =	shalt  }
0x42: {  	_ =	shalt  }
0x43: {  	_ =	shalt  }
0x44: {  	_ =	shalt  }
0x45: {  	_ =	shalt  }
0x46: {  	_ =	shalt  }
0x47: {  	_ =	shalt  }
0x48: {  	_ =	shalt  }
0x49: {  	_ =	shalt  }
0x4a: {  	_ =	shalt  }
0x4b: {  	_ =	shalt  }
0x4c: {  	_ =	shalt  }
0x4d: {  	_ =	shalt  }
0x4e: {  	_ =	shalt  }
0x4f: {  	_ =	shalt  }
0x50: {  	_ =	shalt  }
0x51: {  	_ =	shalt  }
0x52: {  	_ =	shalt  }
0x53: {  	_ =	shalt  }
0x54: {  	_ =	shalt  }
0x55: {  	_ =	shalt  }
0x56: {  	_ =	shalt  }
0x57: {  	_ =	shalt  }
0x58: {  	_ =	shalt  }
0x59: {  	_ =	shalt  }
0x5a: {  	_ =	shalt  }
0x5b: {  	_ =	shalt  }
0x5c: {  	_ =	shalt  }
0x5d: {  	_ =	shalt  }
0x5e: {  	_ =	shalt  }
0x5f: {  	_ =	shalt  }
0x60: {  	_ =	shalt  }
0x61: {  	_ =	shalt  }
0x62: {  	_ =	shalt  }
0x63: {  	_ =	shalt  }
0x64: {  	_ =	shalt  }
0x65: {  	_ =	shalt  }
0x66: {  	_ =	shalt  }
0x67: {  	_ =	shalt  }
0x68: {  	_ =	shalt  }
0x69: {  	_ =	shalt  }
0x6a: {  	_ =	shalt  }
0x6b: {  	_ =	shalt  }
0x6c: {  	_ =	shalt  }
0x6d: {  	_ =	shalt  }
0x6e: {  	_ =	shalt  }
0x6f: {  	_ =	shalt  }
0x70: {  	_ =	shalt  }
0x71: {  	_ =	shalt  }
0x72: {  	_ =	shalt  }
0x73: {  	_ =	shalt  }
0x74: {  	_ =	shalt  }
0x75: {  	_ =	shalt  }
0x76: {  	_ =	shalt  }
0x77: {  	_ =	shalt  }
0x78: {  	_ =	shalt  }
0x79: {  	_ =	shalt  }
0x7a: {  	_ =	shalt  }
0x7b: {  	_ =	shalt  }
0x7c: {  	_ =	shalt  }
0x7d: {  	_ =	shalt  }
0x7e: {  	_ =	shalt  }
0x7f: {  	_ =	shalt  }
0x80: {  	_ =	shalt  }
0x81: {  	_ =	shalt  }
0x82: {  	_ =	shalt  }
0x83: {  	_ =	shalt  }
0x84: {  	_ =	shalt  }
0x85: {  	_ =	shalt  }
0x86: {  	_ =	shalt  }
0x87: {  	_ =	shalt  }
.Lfunc_end0:
.L_simem_size_0:
called_computation.1_lowered:
.L_overlay_start_0:
0x88: {  	s2 =	sld [smem:$0x3FD9]  }
0x89: {  	s3 =	sld [smem:$0x3FFE];
	_ =	sdelay $0x1  }
0x8a: {  	s1 =	srdreg.scid  }
0x8b: {  	s0 =	sand.u32 $0x1, s1  }
0x8c: {  	s16 =	sshll.u32 s0, $0xA;
	s2 =	sadd.s32 s3, s2  }
0x8d: {  	s2 =	sadd.s32 s2, s16  }
0x8e: {  	[smem:$0x3FC5] =	sst s2  }
0x8f: {  	_ = 	snop  }
0x90: {  	(tm) =	ssettm $0x1  }
0x91: {  	s17 =	sld [smem:$0x3FFB];
	_ =	sdelay $0x3  }
0x92: {  	_ =	strace s17  }
0x93: {  	s2 =	sld [smem:$0x3FFC];
	_ =	sdelay $0x3  }
0x94: {  	_ =	strace s2  }
0x95: {  	s2 =	sld [smem:$0x3FFD];
	_ =	sdelay $0x3  }
0x96: {  	_ =	strace s2  }
0x97: {  	_ =	strace $0x8FFFFFFF  }
0x98: {  	s18 =	sld [smem:$0x3FDB];
	_ =	sdelay $0x1  }
0x99: {  	s19 =	simm.s32 $_scs_section_size  }
0x9a: {  	s4 =	simm.s32 $_size__tile_overlayer_lowered;
	s5 =	simm.s32 $_tile_overlayer_lowered  }
0x9b: {  	s22 =	simm.s32 $0x1BFF;
	s21 =	sshll.u32 s5, $0x1;
	s2 =	sadd.s32 s19, s18  }
0x9c: {  	s6 =	simm.s32 $0x0;
	s20 =	sshll.u32 s4, $0x1;
	s4 =	sadd.s32 s21, s2  }
0x9d: {  	[timem:s6], [sflag:s22] =	dma.local [hbm:s4], s20  }
0x9e: {  	_ =	swait.ge [sflag:s22], s20  }
0x9f: {  	s3 =	ssub.s32 $0x0, s20;
	[sflag:s22] =	ssyncset.done $0x0  }
0xa0: {  	[sflag:s22] =	ssyncadd.s32 s3;
	_ =	sdelay $0x1  }
0xa1: {  	s23 =	simm.s32 $0x1B8B  }
0xa2: {  	_ =	swait.ge [sflag:s23], $0x1  }
0xa3: {  	[sflag:s23] =	ssyncset.done $0x0  }
0xa4: {  	s25 =	simm.s32 $0x1B8E;
	s24 =	sld [smem:$0x3FFE];
	[sflag:s23] =	ssyncadd.s32 $0xFFFFFFFF  }
0xa5: {  	s26 =	simm.s32 $execute0_lowered;
	[smem:$0x3FD2] =	sst s25  }
0xa6: {  	s4 =	sshll.u32 s26, $0x1;
	_ =	strace $0x80000049;
	[dreg:$0x1] =	wrdreg $0xFFFFFFFF  }
0xa7: {  	s28 =	simm.s32 $_size_execute0_lowered;
	s2 =	sadd.s32 s2, s4;
	[dreg:$0x0] =	wrdreg $0x0  }
0xa8: {  	s4 =	sshll.u32 s28, $0x1;
	[dreg:$0x2] =	wrdreg s2  }
0xa9: {  	[dreg:$0x3] =	wrdreg s4  }
0xaa: {  	[dreg:$0x4] =	wrdreg $0xC0  }
0xab: {  	_ =	task [dreg:s6], $0x5FFFF  }
0xac: {  	[dreg:$0x1] =	wrdreg $0xFFFFFFFF  }
0xad: {  	[dreg:$0x0] =	wrdreg $0x60  }
0xae: {  	[dreg:$0x2] =	wrdreg s24  }
0xaf: {  	[dreg:$0x3] =	wrdreg $0x9  }
0xb0: {  	_ =	task.clear_ibuf [dreg:s6], $0x4FFFF;
	_ =	strace $0x90000049  }
0xb1: {  	s29 =	simm.s32 $0x9;
	_ =	strace $0x8000004B  }
0xb2: {  	_ =	swait.ge [sflag:s29], $0x1  }
0xb3: {  	[sflag:s29] =	ssyncadd.s32 $0xFFFFFFFF  }
0xb4: {  	_ =	strace $0x9000004B  }
0xb5: {  	_ =	sfence  }
0xb6: {  	s30 =	sld [smem:$0x0];
	_ =	sdelay $0x2  }
0xb7: {  	s31 =	sshll.u32 s1, $0xD;
	s1 =	sshrl.u32 s1, $0x2  }
0xb8: {  	s3 =	sand.u32 $0x4000, s31;
	s1 =	sadd.s32 s1, s30  }
0xb9: {  	s0 =	sor.u32 s3, s0;
	s1 =	sshll.u32 s1, $0x11  }
0xba: {  	s0 =	sor.u32 s1, s0  }
0xbb: {  	s0 =	sadd.s32 $0x8F2B, s0  }
0xbc: {  	[sflag:s0] =	ssyncadd.remote.s32 $0x1  }
0xbd: {  	_ =	sfence.sel $0xFFFF  }
0xbe: {  	[dreg:$0x0] =	wrdreg $0xFFFFFFFF;
	(pc) =	sbr.abs _section_cstart, $3  }
0xbf: {  	[dreg:$0x1] =	wrdreg $0xFFFFFFFF  }
0xc0: {  	_ =	task.clear_ibuf [dreg:s6], $0x2FFFF;
	_ =	strace $0x9FFFFFFF  }
0xc1: {  	(tm) =	ssettm $0x7FFFFFFF  }
tec
execute0_lowered:
.L_overlay_start_1:
0x0: {  	(tag) =	ssettag $0x1  }
0x1: {  	v0 =	vlaneseq.u32  }
0x2: {  	v1 =	vmul.u32 $0x18, v0;
	_ =	sdelay $0x1  }
0x3: {  	v0 =	vadd.s32 $0xB, v1  }
0x4: {  	[tilespmem:$0x1FE70] =	vst v0;
	v0 =	vadd.s32 $0x18B, v1  }
0x5: {  	[tilespmem:$0x1FE80] =	vst v0;
	v0 =	vadd.s32 $0x30B, v1  }
0x6: {  	[tilespmem:$0x1FE90] =	vst v0;
	v0 =	vadd.s32 $0x48B, v1  }
0x7: {  	[tilespmem:$0x1FEA0] =	vst v0;
	v0 =	vadd.s32 $0x60B, v1  }
0x8: {  	s2 =	simm.s32 $0x0;
	v27 =	vadd.s32 $0x18E, v1;
	[tilespmem:$0x1FEB0] =	vst v0;
	v0 =	vadd.s32 $0x78B, v1  }
0x9: {  	[smem:$0x7FF] =	sst s2;
	v28 =	vadd.s32 $0x30E, v1;
	v29 =	vadd.s32 $0x48E, v1;
	[tilespmem:$0x1FEC0] =	vst v0;
	v0 =	vadd.s32 $0x90B, v1  }
0xa: {  	s4 =	rddreg [dreg:$0x0];
	v30 =	vadd.s32 $0x60E, v1;
	v31 =	vadd.s32 $0x78E, v1;
	_ =	strace $0x8000004A;
	[tilespmem:$0x1FED0] =	vst v0;
	v0 =	vadd.s32 $0xA8B, v1  }
0xb: {  	v32 =	vadd.s32 $0x90E, v1;
	v33 =	vadd.s32 $0xA8E, v1;
	[tilespmem:$0x1FEE0] =	vst v0;
	v0 =	vadd.s32 $0xC, v1  }
0xc: {  	v34 =	vadd.s32 $0xF, v1;
	v35 =	vadd.s32 $0x18F, v1;
	[tilespmem:$0x1FEF0] =	vst v0;
	v0 =	vadd.s32 $0x18C, v1  }
0xd: {  	s0 =	srdreg.scid;
	s1 =	stileid.u32;
	v36 =	vadd.s32 $0x30F, v1;
	v37 =	vadd.s32 $0x48F, v1;
	[tilespmem:$0x1FF00] =	vst v0;
	v0 =	vadd.s32 $0x30C, v1  }
0xe: {  	s18 =	simm.s32 $0x7;
	s21 =	simm.s32 $0x2F00;
	s23 =	simm.s32 $0x4F00;
	v38 =	vadd.s32 $0x60F, v1;
	v39 =	vadd.s32 $0x78F, v1;
	[tilespmem:$0x1FF10] =	vst v0;
	v0 =	vadd.s32 $0x48C, v1  }
0xf: {  	s19 =	simm.s32 $0x80;
	s28 =	simm.s32 $0x8F00;
	s30 =	simm.s32 $0xAF00;
	v40 =	vadd.s32 $0x90F, v1;
	v41 =	vadd.s32 $0xA8F, v1;
	[tilespmem:$0x1FF20] =	vst v0;
	v0 =	vadd.s32 $0x60C, v1  }
0x10: {  	s20 =	simm.s32 $0x1;
	s0 =	sand.u32 $0x1, s0;
	s1 =	sshll.u32 s1, $0x1;
	v42 =	vadd.s32 $0x10, v1;
	v43 =	vadd.s32 $0x190, v1;
	[tilespmem:$0x1FF30] =	vst v0;
	v0 =	vadd.s32 $0x78C, v1  }
0x11: {  	s22 =	simm.s32 $0x2;
	s29 =	simm.s32 $0x5;
	s1 =	sor.u32 s0, s1;
	v44 =	vadd.s32 $0x310, v1;
	v45 =	vadd.s32 $0x490, v1;
	[tilespmem:$0x1FF40] =	vst v0;
	v0 =	vadd.s32 $0x90C, v1  }
0x12: {  	s31 =	simm.s32 $0x6;
	s0 =	ssub.s32 $0x2, s0;
	s3 =	smul.u32 $0x180, s1;
	v46 =	vadd.s32 $0x610, v1;
	v47 =	vadd.s32 $0x790, v1;
	[tilespmem:$0x1FF50] =	vst v0;
	v0 =	vadd.s32 $0xA8C, v1  }
0x13: {  	s6 =	sshll.u32 s1, $0xA;
	s1 =	sshll.u32 s1, $0x4;
	s24 =	sshrl.u32 s0, $0x1;
	v48 =	vadd.s32 $0x910, v1;
	v49 =	vadd.s32 $0xA90, v1;
	[tilespmem:$0x1FF60] =	vst v0;
	v0 =	vadd.s32 $0xD, v1  }
0x14: {  	v50 =	vadd.s32 $0xA, v1;
	v51 =	vadd.s32 $0x18A, v1;
	s6 =	sadd.s32 s6, s4;
	s1 =	sadd.s32 s1, s4;
	s0 =	ssub.s32 s0, s24;
	[tilespmem:$0x1FF70] =	vst v0;
	v0 =	vadd.s32 $0x18D, v1  }
0x15: {  	v52 =	vadd.s32 $0x30A, v1;
	v53 =	vadd.s32 $0x48A, v1;
	s24 =	simm.s32 $0x3;
	s5 =	sadd.s32 s3, s4;
	s3 =	sadd.s32 $0xD600, s4;
	[tilespmem:$0x1FF80] =	vst v0;
	v0 =	vadd.s32 $0x30D, v1  }
0x16: {  	v54 =	vadd.s32 $0x60A, v1;
	s26 =	sadd.s32 $0x5600, s6;
	s6 =	sadd.s32 $0xD0C00, s1;
	s7 =	sadd.s32 $0xD0E00, s1;
	[tilespmem:$0x1FF90] =	vst v0;
	v0 =	vadd.s32 $0x48D, v1  }
0x17: {  	v55 =	vadd.s32 $0x78A, v1;
	s8 =	sadd.s32 $0xD1800, s1;
	s9 =	sadd.s32 $0xD1000, s1;
	s10 =	sadd.s32 $0xD1A00, s1;
	[tilespmem:$0x1FFA0] =	vst v0;
	v0 =	vadd.s32 $0x60D, v1  }
0x18: {  	v56 =	vadd.s32 $0x90A, v1;
	s11 =	sadd.s32 $0xD1200, s1;
	s12 =	sadd.s32 $0xD1C00, s1;
	s13 =	sadd.s32 $0xD1400, s1;
	[tilespmem:$0x1FFB0] =	vst v0;
	v0 =	vadd.s32 $0x78D, v1  }
0x19: {  	v57 =	vadd.s32 $0xA8A, v1;
	s14 =	sadd.s32 $0xD1E00, s1;
	s15 =	sadd.s32 $0xD1600, s1;
	s16 =	sadd.s32 $0xD2000, s1;
	[tilespmem:$0x1FFC0] =	vst v0;
	v0 =	vadd.s32 $0x90D, v1  }
0x1a: {  	v58 =	vadd.s32 $0x11, v1;
	v59 =	vadd.s32 $0x191, v1;
	s17 =	smax.u32 s0, $0x1;
	s1 =	simm.s32 $0xCF00;
	s25 =	sadd.s32 $0x2600, s5;
	[tilespmem:$0x1FFD0] =	vst v0;
	v0 =	vadd.s32 $0xA8D, v1  }
0x1b: {  	v60 =	vadd.s32 $0x311, v1;
	v61 =	vadd.s32 $0x491, v1;
	s0 =	simm.s32 $0xF00;
	s4 =	simm.s32 $0x0;
	[dreg:$0x2] =	wrdreg s25;
	[tilespmem:$0x1FFE0] =	vst v0;
	v0 =	vadd.s32 $0xE, v1  }
0x1c: {  	v62 =	vadd.s32 $0x611, v1;
	v63 =	vadd.s32 $0x791, v1;
	[dreg:$0x3] =	wrdreg s26;
	s25 =	simm.s32 $0x6F00;
	s26 =	simm.s32 $0x4;
	[tilespmem:$0x1FFF0] =	vst v0;
	v0 =	vadd.s32 $0x911, v1  }
.LBB2_1:
0x1d: {  	s5 =	rddreg [dreg:$0x2]  }
0x1e: {  	[tilespmem:s2], [sflag:$0x7] =	stream.linear.gather [hbm4b:s5+s2], $0xC00, $0x38;
	[tilespmem:$0xF500] =	vst v63  }
0x1f: {  	_ =	swait.ge [sflag:s18], $0xC00  }
0x20: {  	v2 =	vld [tilespmem:$0x1FE70];
	_ =	sdelay $0x5  }
0x21: {  	[sflag:s18] =	ssyncset.done $0x0  }
0x22: {  	[sflag:s18] =	ssyncadd.s32 $0xFFFFF400  }
0x23: {  	v2 =	vld.idx.msk [tilespmem:v2+s2+$0x0], $0xffff;
	_ =	sdelay $0x4  }
0x24: {  	[tilespmem:$0xC00] =	vst v2;
	v2 =	vld [tilespmem:$0x1FE80];
	_ =	sdelay $0x7  }
0x25: {  	v2 =	vld.idx.msk [tilespmem:v2+s2+$0x0], $0xffff;
	_ =	sdelay $0x4  }
0x26: {  	[tilespmem:$0xC10] =	vst v2;
	v2 =	vld [tilespmem:$0x1FE90];
	_ =	sdelay $0x7  }
0x27: {  	v2 =	vld.idx.msk [tilespmem:v2+s2+$0x0], $0xffff;
	_ =	sdelay $0x4  }
0x28: {  	[tilespmem:$0xC20] =	vst v2;
	v2 =	vld [tilespmem:$0x1FEA0];
	_ =	sdelay $0x7  }
0x29: {  	v2 =	vld.idx.msk [tilespmem:v2+s2+$0x0], $0xffff;
	_ =	sdelay $0x4  }
0x2a: {  	[tilespmem:$0xC30] =	vst v2;
	v2 =	vld [tilespmem:$0x1FEB0];
	_ =	sdelay $0x7  }
0x2b: {  	v2 =	vld.idx.msk [tilespmem:v2+s2+$0x0], $0xffff;
	_ =	sdelay $0x4  }
0x2c: {  	[tilespmem:$0xC40] =	vst v2;
	v2 =	vld [tilespmem:$0x1FEC0];
	_ =	sdelay $0x7  }
0x2d: {  	v2 =	vld.idx.msk [tilespmem:v2+s2+$0x0], $0xffff;
	_ =	sdelay $0x4  }
0x2e: {  	[tilespmem:$0xC50] =	vst v2;
	v2 =	vld [tilespmem:$0x1FED0];
	_ =	sdelay $0x7  }
0x2f: {  	v2 =	vld.idx.msk [tilespmem:v2+s2+$0x0], $0xffff;
	_ =	sdelay $0x4  }
0x30: {  	[tilespmem:$0xC60] =	vst v2;
	v2 =	vld [tilespmem:$0x1FEE0];
	_ =	sdelay $0x7  }
0x31: {  	v2 =	vld.idx.msk [tilespmem:v2+s2+$0x0], $0xffff;
	_ =	sdelay $0x4  }
0x32: {  	[tilespmem:$0xC70] =	vst v2;
	v2 =	vld [tilespmem:$0x1FEF0];
	_ =	sdelay $0x7  }
0x33: {  	v2 =	vld.idx.msk [tilespmem:v2+s2+$0x0], $0xffff;
	_ =	sdelay $0x4  }
0x34: {  	[tilespmem:$0xC80] =	vst v2;
	v2 =	vld [tilespmem:$0x1FF00];
	_ =	sdelay $0x7  }
0x35: {  	v2 =	vld.idx.msk [tilespmem:v2+s2+$0x0], $0xffff;
	_ =	sdelay $0x4  }
0x36: {  	[tilespmem:$0xC90] =	vst v2;
	v2 =	vld [tilespmem:$0x1FF10];
	_ =	sdelay $0x7  }
0x37: {  	v2 =	vld.idx.msk [tilespmem:v2+s2+$0x0], $0xffff;
	_ =	sdelay $0x4  }
0x38: {  	[tilespmem:$0xCA0] =	vst v2;
	v2 =	vld [tilespmem:$0x1FF20];
	_ =	sdelay $0x7  }
0x39: {  	v2 =	vld.idx.msk [tilespmem:v2+s2+$0x0], $0xffff;
	_ =	sdelay $0x4  }
0x3a: {  	[tilespmem:$0xCB0] =	vst v2;
	v2 =	vld [tilespmem:$0x1FF30];
	_ =	sdelay $0x7  }
0x3b: {  	v2 =	vld.idx.msk [tilespmem:v2+s2+$0x0], $0xffff;
	_ =	sdelay $0x4  }
0x3c: {  	[tilespmem:$0xCC0] =	vst v2;
	v2 =	vld [tilespmem:$0x1FF40];
	_ =	sdelay $0x7  }
0x3d: {  	v2 =	vld.idx.msk [tilespmem:v2+s2+$0x0], $0xffff;
	_ =	sdelay $0x4  }
0x3e: {  	[tilespmem:$0xCD0] =	vst v2;
	v2 =	vld [tilespmem:$0x1FF50];
	_ =	sdelay $0x7  }
0x3f: {  	v2 =	vld.idx.msk [tilespmem:v2+s2+$0x0], $0xffff;
	_ =	sdelay $0x4  }
0x40: {  	[tilespmem:$0xCE0] =	vst v2;
	v2 =	vld [tilespmem:$0x1FF60];
	_ =	sdelay $0x7  }
0x41: {  	v2 =	vld.idx.msk [tilespmem:v2+s2+$0x0], $0xffff;
	_ =	sdelay $0x4  }
0x42: {  	[tilespmem:$0xCF0] =	vst v2;
	v2 =	vld [tilespmem:$0x1FF70];
	_ =	sdelay $0x7  }
0x43: {  	v2 =	vld.idx.msk [tilespmem:v2+s2+$0x0], $0xffff;
	_ =	sdelay $0x4  }
0x44: {  	[tilespmem:$0xD00] =	vst v2;
	v2 =	vld [tilespmem:$0x1FF80];
	_ =	sdelay $0x7  }
0x45: {  	v2 =	vld.idx.msk [tilespmem:v2+s2+$0x0], $0xffff;
	_ =	sdelay $0x4  }
0x46: {  	[tilespmem:$0xD10] =	vst v2;
	v2 =	vld [tilespmem:$0x1FF90];
	_ =	sdelay $0x7  }
0x47: {  	v2 =	vld.idx.msk [tilespmem:v2+s2+$0x0], $0xffff;
	_ =	sdelay $0x4  }
0x48: {  	[tilespmem:$0xD20] =	vst v2;
	v2 =	vld [tilespmem:$0x1FFA0];
	_ =	sdelay $0x7  }
0x49: {  	v2 =	vld.idx.msk [tilespmem:v2+s2+$0x0], $0xffff;
	_ =	sdelay $0x4  }
0x4a: {  	[tilespmem:$0xD30] =	vst v2;
	v2 =	vld [tilespmem:$0x1FFB0];
	_ =	sdelay $0x7  }
0x4b: {  	v2 =	vld.idx.msk [tilespmem:v2+s2+$0x0], $0xffff;
	_ =	sdelay $0x4  }
0x4c: {  	[tilespmem:$0xD40] =	vst v2;
	v2 =	vld [tilespmem:$0x1FFC0];
	_ =	sdelay $0x7  }
0x4d: {  	v2 =	vld.idx.msk [tilespmem:v2+s2+$0x0], $0xffff;
	_ =	sdelay $0x4  }
0x4e: {  	[tilespmem:$0xD50] =	vst v2;
	v2 =	vld [tilespmem:$0x1FFD0];
	_ =	sdelay $0x7  }
0x4f: {  	v2 =	vld.idx.msk [tilespmem:v2+s2+$0x0], $0xffff;
	_ =	sdelay $0x4  }
0x50: {  	[tilespmem:$0xD60] =	vst v2;
	v2 =	vld [tilespmem:$0x1FFE0];
	_ =	sdelay $0x7  }
0x51: {  	v2 =	vld.idx.msk [tilespmem:v2+s2+$0x0], $0xffff;
	_ =	sdelay $0x4  }
0x52: {  	[tilespmem:$0xD70] =	vst v2;
	v2 =	vld [tilespmem:$0x1FFF0];
	_ =	sdelay $0x7  }
0x53: {  	v2 =	vld.idx.msk [tilespmem:v2+s2+$0x0], $0xffff;
	_ =	sdelay $0x4  }
0x54: {  	[tilespmem:$0xD80] =	vst v2  }
0x55: {  	v2 =	vld.idx.msk [tilespmem:v27+s2+$0x0], $0xffff;
	_ =	sdelay $0x4  }
0x56: {  	[tilespmem:$0xD90] =	vst v2  }
0x57: {  	v2 =	vld.idx.msk [tilespmem:v28+s2+$0x0], $0xffff;
	_ =	sdelay $0x4  }
0x58: {  	[tilespmem:$0xDA0] =	vst v2  }
0x59: {  	v2 =	vld.idx.msk [tilespmem:v29+s2+$0x0], $0xffff;
	_ =	sdelay $0x4  }
0x5a: {  	[tilespmem:$0xDB0] =	vst v2  }
0x5b: {  	v2 =	vld.idx.msk [tilespmem:v30+s2+$0x0], $0xffff;
	_ =	sdelay $0x4  }
0x5c: {  	[tilespmem:$0xDC0] =	vst v2  }
0x5d: {  	v2 =	vld.idx.msk [tilespmem:v31+s2+$0x0], $0xffff;
	_ =	sdelay $0x4  }
0x5e: {  	[tilespmem:$0xDD0] =	vst v2  }
0x5f: {  	v2 =	vld.idx.msk [tilespmem:v32+s2+$0x0], $0xffff;
	_ =	sdelay $0x4  }
0x60: {  	[tilespmem:$0xDE0] =	vst v2  }
0x61: {  	v2 =	vld.idx.msk [tilespmem:v33+s2+$0x0], $0xffff;
	_ =	sdelay $0x4  }
0x62: {  	[tilespmem:$0xDF0] =	vst v2  }
0x63: {  	v2 =	vld.idx.msk [tilespmem:v34+s2+$0x0], $0xffff;
	_ =	sdelay $0x4  }
0x64: {  	[tilespmem:$0xE00] =	vst v2  }
0x65: {  	v2 =	vld.idx.msk [tilespmem:v35+s2+$0x0], $0xffff;
	_ =	sdelay $0x4  }
0x66: {  	[tilespmem:$0xE10] =	vst v2  }
0x67: {  	v2 =	vld.idx.msk [tilespmem:v36+s2+$0x0], $0xffff;
	_ =	sdelay $0x4  }
0x68: {  	[tilespmem:$0xE20] =	vst v2  }
0x69: {  	v2 =	vld.idx.msk [tilespmem:v37+s2+$0x0], $0xffff;
	_ =	sdelay $0x4  }
0x6a: {  	[tilespmem:$0xE30] =	vst v2  }
0x6b: {  	v2 =	vld.idx.msk [tilespmem:v38+s2+$0x0], $0xffff;
	_ =	sdelay $0x4  }
0x6c: {  	[tilespmem:$0xE40] =	vst v2  }
0x6d: {  	v2 =	vld.idx.msk [tilespmem:v39+s2+$0x0], $0xffff;
	_ =	sdelay $0x4  }
0x6e: {  	[tilespmem:$0xE50] =	vst v2  }
0x6f: {  	v2 =	vld.idx.msk [tilespmem:v40+s2+$0x0], $0xffff;
	_ =	sdelay $0x4  }
0x70: {  	[tilespmem:$0xE60] =	vst v2  }
0x71: {  	v2 =	vld.idx.msk [tilespmem:v41+s2+$0x0], $0xffff;
	_ =	sdelay $0x4  }
0x72: {  	[tilespmem:$0xE70] =	vst v2  }
0x73: {  	v2 =	vld.idx.msk [tilespmem:v42+s2+$0x0], $0xffff;
	_ =	sdelay $0x4  }
0x74: {  	[tilespmem:$0xE80] =	vst v2  }
0x75: {  	v2 =	vld.idx.msk [tilespmem:v43+s2+$0x0], $0xffff;
	_ =	sdelay $0x4  }
0x76: {  	[tilespmem:$0xE90] =	vst v2  }
0x77: {  	v2 =	vld.idx.msk [tilespmem:v44+s2+$0x0], $0xffff;
	_ =	sdelay $0x4  }
0x78: {  	[tilespmem:$0xEA0] =	vst v2  }
0x79: {  	v2 =	vld.idx.msk [tilespmem:v45+s2+$0x0], $0xffff;
	_ =	sdelay $0x4  }
0x7a: {  	[tilespmem:$0xEB0] =	vst v2  }
0x7b: {  	v2 =	vld.idx.msk [tilespmem:v46+s2+$0x0], $0xffff;
	_ =	sdelay $0x4  }
0x7c: {  	[tilespmem:$0xEC0] =	vst v2  }
0x7d: {  	v2 =	vld.idx.msk [tilespmem:v47+s2+$0x0], $0xffff;
	_ =	sdelay $0x4  }
0x7e: {  	[tilespmem:$0xED0] =	vst v2  }
0x7f: {  	v2 =	vld.idx.msk [tilespmem:v48+s2+$0x0], $0xffff;
	_ =	sdelay $0x4  }
0x80: {  	[tilespmem:$0xEE0] =	vst v2  }
0x81: {  	v2 =	vld.idx.msk [tilespmem:v49+s2+$0x0], $0xffff;
	_ =	sdelay $0x4  }
0x82: {  	s5 =	simm.s32 $0xC00;
	[tilespmem:$0xEF0] =	vst v2  }
0x83: {  	[tilespmem:s21], [sflag:$0x1] =	stream.indirect.gather [hbm4b:s3+s19], $0x40, s5, s19, $0xb8;
	[tilespmem:$0xF500] =	vst v63  }
0x84: {  	s5 =	simm.s32 $0xC80  }
0x85: {  	[tilespmem:s23], [sflag:$0x2] =	stream.indirect.gather [hbm4b:s3+s19], $0x40, s5, s19, $0xb8;
	[tilespmem:$0xF500] =	vst v63  }
0x86: {  	s5 =	simm.s32 $0xD00  }
0x87: {  	[tilespmem:s25], [sflag:$0x3] =	stream.indirect.gather [hbm4b:s3+s19], $0x40, s5, s19, $0xb8;
	[tilespmem:$0xF500] =	vst v63  }
0x88: {  	s5 =	simm.s32 $0xD80  }
0x89: {  	[tilespmem:s28], [sflag:$0x4] =	stream.indirect.gather [hbm4b:s3+s19], $0x40, s5, s19, $0xb8;
	[tilespmem:$0xF500] =	vst v63  }
0x8a: {  	s5 =	simm.s32 $0xE00  }
0x8b: {  	[tilespmem:s30], [sflag:$0x5] =	stream.indirect.gather [hbm4b:s3+s19], $0x40, s5, s19, $0xb8;
	[tilespmem:$0xF500] =	vst v63  }
0x8c: {  	s5 =	simm.s32 $0xE80  }
0x8d: {  	[tilespmem:s1], [sflag:$0x6] =	stream.indirect.gather [hbm4b:s3+s19], $0x40, s5, s19, $0xb8;
	[tilespmem:$0xF500] =	vst v63  }
0x8e: {  	s5 =	rddreg [dreg:$0x3]  }
0x8f: {  	[tilespmem:s0], [sflag:$0x7] =	stream.linear.gather [hbm4b:s5+s2], $0x2000, $0x38;
	[tilespmem:$0xF500] =	vst v63  }
0x90: {  	_ =	swait.ge [sflag:s18], $0x2000  }
0x91: {  	[sflag:s18] =	ssyncset.done $0x0  }
0x92: {  	[sflag:s18] =	ssyncadd.s32 $0xFFFFE000  }
0x93: {  	v2 =	vld.idx.msk [tilespmem:v50+s2+$0x0], $0xffff;
	_ =	sdelay $0x4  }
0x94: {  	v2 =	vcvt.s32.f32 v2;
	_ =	sdelay $0x1  }
0x95: {  	(erf) = vrcp.f32 v2;
	_ =	sdelay $0x8  }
0x96: {  	v2 =	vpop (erf)  }
0x97: {  	[tilespmem:$0xEF00] =	vst v2  }
0x98: {  	v2 =	vld.idx.msk [tilespmem:v51+s2+$0x0], $0xffff;
	_ =	sdelay $0x4  }
0x99: {  	v2 =	vcvt.s32.f32 v2;
	_ =	sdelay $0x1  }
0x9a: {  	(erf) = vrcp.f32 v2;
	_ =	sdelay $0x8  }
0x9b: {  	v2 =	vpop (erf)  }
0x9c: {  	[tilespmem:$0xEF10] =	vst v2  }
0x9d: {  	v2 =	vld.idx.msk [tilespmem:v52+s2+$0x0], $0xffff;
	_ =	sdelay $0x4  }
0x9e: {  	v2 =	vcvt.s32.f32 v2;
	_ =	sdelay $0x1  }
0x9f: {  	(erf) = vrcp.f32 v2;
	_ =	sdelay $0x8  }
0xa0: {  	v2 =	vpop (erf)  }
0xa1: {  	[tilespmem:$0xEF20] =	vst v2  }
0xa2: {  	v2 =	vld.idx.msk [tilespmem:v53+s2+$0x0], $0xffff;
	_ =	sdelay $0x4  }
0xa3: {  	v2 =	vcvt.s32.f32 v2;
	_ =	sdelay $0x1  }
0xa4: {  	(erf) = vrcp.f32 v2;
	_ =	sdelay $0x8  }
0xa5: {  	v2 =	vpop (erf)  }
0xa6: {  	[tilespmem:$0xEF30] =	vst v2  }
0xa7: {  	v2 =	vld.idx.msk [tilespmem:v54+s2+$0x0], $0xffff;
	_ =	sdelay $0x4  }
0xa8: {  	v2 =	vcvt.s32.f32 v2;
	_ =	sdelay $0x1  }
0xa9: {  	(erf) = vrcp.f32 v2;
	_ =	sdelay $0x8  }
0xaa: {  	v2 =	vpop (erf)  }
0xab: {  	[tilespmem:$0xEF40] =	vst v2  }
0xac: {  	v2 =	vld.idx.msk [tilespmem:v55+s2+$0x0], $0xffff;
	_ =	sdelay $0x4  }
0xad: {  	v2 =	vcvt.s32.f32 v2;
	_ =	sdelay $0x1  }
0xae: {  	(erf) = vrcp.f32 v2;
	_ =	sdelay $0x8  }
0xaf: {  	v2 =	vpop (erf)  }
0xb0: {  	[tilespmem:$0xEF50] =	vst v2  }
0xb1: {  	v2 =	vld.idx.msk [tilespmem:v56+s2+$0x0], $0xffff;
	_ =	sdelay $0x4  }
0xb2: {  	v2 =	vcvt.s32.f32 v2;
	_ =	sdelay $0x1  }
0xb3: {  	(erf) = vrcp.f32 v2;
	_ =	sdelay $0x8  }
0xb4: {  	v2 =	vpop (erf)  }
0xb5: {  	[tilespmem:$0xEF60] =	vst v2  }
0xb6: {  	v2 =	vld.idx.msk [tilespmem:v57+s2+$0x0], $0xffff;
	_ =	sdelay $0x4  }
0xb7: {  	v2 =	vcvt.s32.f32 v2;
	_ =	sdelay $0x1  }
0xb8: {  	(erf) = vrcp.f32 v2;
	_ =	sdelay $0x8  }
0xb9: {  	v2 =	vpop (erf)  }
0xba: {  	[tilespmem:$0xEF70] =	vst v2  }
0xbb: {  	v2 =	vld.idx.msk [tilespmem:v58+s2+$0x0], $0xffff;
	_ =	sdelay $0x4  }
0xbc: {  	v2 =	vcvt.s32.f32 v2;
	_ =	sdelay $0x1  }
0xbd: {  	[tilespmem:$0xEF80] =	vst v2  }
0xbe: {  	v2 =	vld.idx.msk [tilespmem:v59+s2+$0x0], $0xffff;
	_ =	sdelay $0x4  }
0xbf: {  	v2 =	vcvt.s32.f32 v2;
	_ =	sdelay $0x1  }
0xc0: {  	[tilespmem:$0xEF90] =	vst v2  }
0xc1: {  	v2 =	vld.idx.msk [tilespmem:v60+s2+$0x0], $0xffff;
	_ =	sdelay $0x4  }
0xc2: {  	v2 =	vcvt.s32.f32 v2;
	_ =	sdelay $0x1  }
0xc3: {  	[tilespmem:$0xEFA0] =	vst v2  }
0xc4: {  	v2 =	vld.idx.msk [tilespmem:v61+s2+$0x0], $0xffff;
	_ =	sdelay $0x4  }
0xc5: {  	v2 =	vcvt.s32.f32 v2;
	_ =	sdelay $0x1  }
0xc6: {  	[tilespmem:$0xEFB0] =	vst v2  }
0xc7: {  	v2 =	vld.idx.msk [tilespmem:v62+s2+$0x0], $0xffff;
	_ =	sdelay $0x4  }
0xc8: {  	v2 =	vcvt.s32.f32 v2;
	_ =	sdelay $0x1  }
0xc9: {  	[tilespmem:$0xEFC0] =	vst v2  }
0xca: {  	v2 =	vld.idx.msk [tilespmem:v63+s2+$0x0], $0xffff;
	_ =	sdelay $0x4  }
0xcb: {  	v2 =	vcvt.s32.f32 v2;
	_ =	sdelay $0x1  }
0xcc: {  	[tilespmem:$0xEFD0] =	vst v2  }
0xcd: {  	v2 =	vld.idx.msk [tilespmem:v0+s2+$0x0], $0xffff;
	_ =	sdelay $0x2  }
0xce: {  	v3 =	vadd.s32 $0xA91, v1;
	_ =	sdelay $0x1  }
0xcf: {  	v2 =	vcvt.s32.f32 v2;
	_ =	sdelay $0x1  }
0xd0: {  	[tilespmem:$0xEFE0] =	vst v2  }
0xd1: {  	v2 =	vld.idx.msk [tilespmem:v3+s2+$0x0], $0xffff;
	_ =	sdelay $0x2  }
0xd2: {  	v3 =	vadd.s32 $0x12, v1;
	_ =	sdelay $0x1  }
0xd3: {  	v2 =	vcvt.s32.f32 v2;
	_ =	sdelay $0x1  }
0xd4: {  	[tilespmem:$0xEFF0] =	vst v2  }
0xd5: {  	v2 =	vld.idx.msk [tilespmem:v3+s2+$0x0], $0xffff;
	_ =	sdelay $0x2  }
0xd6: {  	v3 =	vadd.s32 $0x192, v1;
	_ =	sdelay $0x1  }
0xd7: {  	v2 =	vcvt.s32.f32 v2;
	_ =	sdelay $0x1  }
0xd8: {  	[tilespmem:$0xF000] =	vst v2  }
0xd9: {  	v2 =	vld.idx.msk [tilespmem:v3+s2+$0x0], $0xffff;
	_ =	sdelay $0x2  }
0xda: {  	v3 =	vadd.s32 $0x312, v1;
	_ =	sdelay $0x1  }
0xdb: {  	v2 =	vcvt.s32.f32 v2;
	_ =	sdelay $0x1  }
0xdc: {  	[tilespmem:$0xF010] =	vst v2  }
0xdd: {  	v2 =	vld.idx.msk [tilespmem:v3+s2+$0x0], $0xffff;
	_ =	sdelay $0x2  }
0xde: {  	v3 =	vadd.s32 $0x492, v1;
	_ =	sdelay $0x1  }
0xdf: {  	v2 =	vcvt.s32.f32 v2;
	_ =	sdelay $0x1  }
0xe0: {  	[tilespmem:$0xF020] =	vst v2  }
0xe1: {  	v2 =	vld.idx.msk [tilespmem:v3+s2+$0x0], $0xffff;
	_ =	sdelay $0x2  }
0xe2: {  	v3 =	vadd.s32 $0x612, v1;
	_ =	sdelay $0x1  }
0xe3: {  	v2 =	vcvt.s32.f32 v2;
	_ =	sdelay $0x1  }
0xe4: {  	[tilespmem:$0xF030] =	vst v2  }
0xe5: {  	v2 =	vld.idx.msk [tilespmem:v3+s2+$0x0], $0xffff;
	_ =	sdelay $0x2  }
0xe6: {  	v3 =	vadd.s32 $0x792, v1;
	_ =	sdelay $0x1  }
0xe7: {  	v2 =	vcvt.s32.f32 v2;
	_ =	sdelay $0x1  }
0xe8: {  	[tilespmem:$0xF040] =	vst v2  }
0xe9: {  	v2 =	vld.idx.msk [tilespmem:v3+s2+$0x0], $0xffff;
	_ =	sdelay $0x2  }
0xea: {  	v3 =	vadd.s32 $0x912, v1;
	_ =	sdelay $0x1  }
0xeb: {  	v2 =	vcvt.s32.f32 v2;
	_ =	sdelay $0x1  }
0xec: {  	[tilespmem:$0xF050] =	vst v2  }
0xed: {  	v2 =	vld.idx.msk [tilespmem:v3+s2+$0x0], $0xffff;
	_ =	sdelay $0x2  }
0xee: {  	v3 =	vadd.s32 $0xA92, v1;
	_ =	sdelay $0x1  }
0xef: {  	v2 =	vcvt.s32.f32 v2;
	_ =	sdelay $0x1  }
0xf0: {  	[tilespmem:$0xF060] =	vst v2  }
0xf1: {  	v2 =	vld.idx.msk [tilespmem:v3+s2+$0x0], $0xffff;
	_ =	sdelay $0x2  }
0xf2: {  	v3 =	vadd.s32 $0x13, v1;
	_ =	sdelay $0x1  }
0xf3: {  	v2 =	vcvt.s32.f32 v2;
	_ =	sdelay $0x1  }
0xf4: {  	[tilespmem:$0xF070] =	vst v2  }
0xf5: {  	v2 =	vld.idx.msk [tilespmem:v3+s2+$0x0], $0xffff;
	_ =	sdelay $0x2  }
0xf6: {  	v3 =	vadd.s32 $0x193, v1;
	_ =	sdelay $0x1  }
0xf7: {  	v2 =	vcvt.s32.f32 v2;
	_ =	sdelay $0x1  }
0xf8: {  	[tilespmem:$0xF080] =	vst v2  }
0xf9: {  	v2 =	vld.idx.msk [tilespmem:v3+s2+$0x0], $0xffff;
	_ =	sdelay $0x2  }
0xfa: {  	v3 =	vadd.s32 $0x313, v1;
	_ =	sdelay $0x1  }
0xfb: {  	v2 =	vcvt.s32.f32 v2;
	_ =	sdelay $0x1  }
0xfc: {  	[tilespmem:$0xF090] =	vst v2  }
0xfd: {  	v2 =	vld.idx.msk [tilespmem:v3+s2+$0x0], $0xffff;
	_ =	sdelay $0x2  }
0xfe: {  	v3 =	vadd.s32 $0x493, v1;
	_ =	sdelay $0x1  }
0xff: {  	v2 =	vcvt.s32.f32 v2;
	_ =	sdelay $0x1  }
0x100: {  	[tilespmem:$0xF0A0] =	vst v2  }
0x101: {  	v2 =	vld.idx.msk [tilespmem:v3+s2+$0x0], $0xffff;
	_ =	sdelay $0x2  }
0x102: {  	v3 =	vadd.s32 $0x613, v1;
	_ =	sdelay $0x1  }
0x103: {  	v2 =	vcvt.s32.f32 v2;
	_ =	sdelay $0x1  }
0x104: {  	[tilespmem:$0xF0B0] =	vst v2  }
0x105: {  	v2 =	vld.idx.msk [tilespmem:v3+s2+$0x0], $0xffff;
	_ =	sdelay $0x2  }
0x106: {  	v3 =	vadd.s32 $0x793, v1;
	_ =	sdelay $0x1  }
0x107: {  	v2 =	vcvt.s32.f32 v2;
	_ =	sdelay $0x1  }
0x108: {  	[tilespmem:$0xF0C0] =	vst v2  }
0x109: {  	v2 =	vld.idx.msk [tilespmem:v3+s2+$0x0], $0xffff;
	_ =	sdelay $0x2  }
0x10a: {  	v3 =	vadd.s32 $0x913, v1;
	_ =	sdelay $0x1  }
0x10b: {  	v2 =	vcvt.s32.f32 v2;
	_ =	sdelay $0x1  }
0x10c: {  	[tilespmem:$0xF0D0] =	vst v2  }
0x10d: {  	v2 =	vld.idx.msk [tilespmem:v3+s2+$0x0], $0xffff;
	_ =	sdelay $0x2  }
0x10e: {  	v3 =	vadd.s32 $0xA93, v1;
	_ =	sdelay $0x1  }
0x10f: {  	v2 =	vcvt.s32.f32 v2;
	_ =	sdelay $0x1  }
0x110: {  	[tilespmem:$0xF0E0] =	vst v2  }
0x111: {  	v2 =	vld.idx.msk [tilespmem:v3+s2+$0x0], $0xffff;
	_ =	sdelay $0x2  }
0x112: {  	v3 =	vadd.s32 $0x14, v1;
	_ =	sdelay $0x1  }
0x113: {  	v2 =	vcvt.s32.f32 v2;
	_ =	sdelay $0x1  }
0x114: {  	[tilespmem:$0xF0F0] =	vst v2  }
0x115: {  	v2 =	vld.idx.msk [tilespmem:v3+s2+$0x0], $0xffff;
	_ =	sdelay $0x2  }
0x116: {  	v3 =	vadd.s32 $0x194, v1;
	_ =	sdelay $0x1  }
0x117: {  	v2 =	vcvt.s32.f32 v2;
	_ =	sdelay $0x1  }
0x118: {  	[tilespmem:$0xF100] =	vst v2  }
0x119: {  	v2 =	vld.idx.msk [tilespmem:v3+s2+$0x0], $0xffff;
	_ =	sdelay $0x2  }
0x11a: {  	v3 =	vadd.s32 $0x314, v1;
	_ =	sdelay $0x1  }
0x11b: {  	v2 =	vcvt.s32.f32 v2;
	_ =	sdelay $0x1  }
0x11c: {  	[tilespmem:$0xF110] =	vst v2  }
0x11d: {  	v2 =	vld.idx.msk [tilespmem:v3+s2+$0x0], $0xffff;
	_ =	sdelay $0x2  }
0x11e: {  	v3 =	vadd.s32 $0x494, v1;
	_ =	sdelay $0x1  }
0x11f: {  	v2 =	vcvt.s32.f32 v2;
	_ =	sdelay $0x1  }
0x120: {  	[tilespmem:$0xF120] =	vst v2  }
0x121: {  	v2 =	vld.idx.msk [tilespmem:v3+s2+$0x0], $0xffff;
	_ =	sdelay $0x2  }
0x122: {  	v3 =	vadd.s32 $0x614, v1;
	_ =	sdelay $0x1  }
0x123: {  	v2 =	vcvt.s32.f32 v2;
	_ =	sdelay $0x1  }
0x124: {  	[tilespmem:$0xF130] =	vst v2  }
0x125: {  	v2 =	vld.idx.msk [tilespmem:v3+s2+$0x0], $0xffff;
	_ =	sdelay $0x2  }
0x126: {  	v3 =	vadd.s32 $0x794, v1;
	_ =	sdelay $0x1  }
0x127: {  	v2 =	vcvt.s32.f32 v2;
	_ =	sdelay $0x1  }
0x128: {  	[tilespmem:$0xF140] =	vst v2  }
0x129: {  	v2 =	vld.idx.msk [tilespmem:v3+s2+$0x0], $0xffff;
	_ =	sdelay $0x2  }
0x12a: {  	v3 =	vadd.s32 $0x914, v1;
	_ =	sdelay $0x1  }
0x12b: {  	v2 =	vcvt.s32.f32 v2;
	_ =	sdelay $0x1  }
0x12c: {  	[tilespmem:$0xF150] =	vst v2  }
0x12d: {  	v2 =	vld.idx.msk [tilespmem:v3+s2+$0x0], $0xffff;
	_ =	sdelay $0x2  }
0x12e: {  	v3 =	vadd.s32 $0xA94, v1;
	_ =	sdelay $0x1  }
0x12f: {  	v2 =	vcvt.s32.f32 v2;
	_ =	sdelay $0x1  }
0x130: {  	[tilespmem:$0xF160] =	vst v2  }
0x131: {  	v2 =	vld.idx.msk [tilespmem:v3+s2+$0x0], $0xffff;
	_ =	sdelay $0x2  }
0x132: {  	v3 =	vadd.s32 $0x15, v1;
	_ =	sdelay $0x1  }
0x133: {  	v2 =	vcvt.s32.f32 v2;
	_ =	sdelay $0x1  }
0x134: {  	[tilespmem:$0xF170] =	vst v2  }
0x135: {  	v2 =	vld.idx.msk [tilespmem:v3+s2+$0x0], $0xffff;
	_ =	sdelay $0x2  }
0x136: {  	v3 =	vadd.s32 $0x195, v1;
	_ =	sdelay $0x1  }
0x137: {  	v2 =	vcvt.s32.f32 v2;
	_ =	sdelay $0x1  }
0x138: {  	[tilespmem:$0xF180] =	vst v2  }
0x139: {  	v2 =	vld.idx.msk [tilespmem:v3+s2+$0x0], $0xffff;
	_ =	sdelay $0x2  }
0x13a: {  	v3 =	vadd.s32 $0x315, v1;
	_ =	sdelay $0x1  }
0x13b: {  	v2 =	vcvt.s32.f32 v2;
	_ =	sdelay $0x1  }
0x13c: {  	[tilespmem:$0xF190] =	vst v2  }
0x13d: {  	v2 =	vld.idx.msk [tilespmem:v3+s2+$0x0], $0xffff;
	_ =	sdelay $0x2  }
0x13e: {  	v3 =	vadd.s32 $0x495, v1;
	_ =	sdelay $0x1  }
0x13f: {  	v2 =	vcvt.s32.f32 v2;
	_ =	sdelay $0x1  }
0x140: {  	[tilespmem:$0xF1A0] =	vst v2  }
0x141: {  	v2 =	vld.idx.msk [tilespmem:v3+s2+$0x0], $0xffff;
	_ =	sdelay $0x2  }
0x142: {  	v3 =	vadd.s32 $0x615, v1;
	_ =	sdelay $0x1  }
0x143: {  	v2 =	vcvt.s32.f32 v2;
	_ =	sdelay $0x1  }
0x144: {  	[tilespmem:$0xF1B0] =	vst v2  }
0x145: {  	v2 =	vld.idx.msk [tilespmem:v3+s2+$0x0], $0xffff;
	_ =	sdelay $0x2  }
0x146: {  	v3 =	vadd.s32 $0x795, v1;
	_ =	sdelay $0x1  }
0x147: {  	v2 =	vcvt.s32.f32 v2;
	_ =	sdelay $0x1  }
0x148: {  	[tilespmem:$0xF1C0] =	vst v2  }
0x149: {  	v2 =	vld.idx.msk [tilespmem:v3+s2+$0x0], $0xffff;
	_ =	sdelay $0x2  }
0x14a: {  	v3 =	vadd.s32 $0x915, v1;
	_ =	sdelay $0x1  }
0x14b: {  	v2 =	vcvt.s32.f32 v2;
	_ =	sdelay $0x1  }
0x14c: {  	[tilespmem:$0xF1D0] =	vst v2  }
0x14d: {  	v2 =	vld.idx.msk [tilespmem:v3+s2+$0x0], $0xffff;
	_ =	sdelay $0x2  }
0x14e: {  	v3 =	vadd.s32 $0xA95, v1;
	_ =	sdelay $0x1  }
0x14f: {  	v2 =	vcvt.s32.f32 v2;
	_ =	sdelay $0x1  }
0x150: {  	[tilespmem:$0xF1E0] =	vst v2  }
0x151: {  	v2 =	vld.idx.msk [tilespmem:v3+s2+$0x0], $0xffff;
	_ =	sdelay $0x4  }
0x152: {  	v2 =	vcvt.s32.f32 v2;
	_ =	sdelay $0x1  }
0x153: {  	[tilespmem:$0xF1F0] =	vst v2  }
0x154: {  	_ =	swait.ge [sflag:s20], $0x2000  }
0x155: {  	[sflag:s20] =	ssyncset.done $0x0  }
0x156: {  	[sflag:s20] =	ssyncadd.s32 $0xFFFFE000  }
0x157: {  	_ =	swait.ge [sflag:s22], $0x2000  }
0x158: {  	[sflag:s22] =	ssyncset.done $0x0  }
0x159: {  	[sflag:s22] =	ssyncadd.s32 $0xFFFFE000  }
0x15a: {  	_ =	swait.ge [sflag:s24], $0x2000  }
0x15b: {  	[sflag:s24] =	ssyncset.done $0x0  }
0x15c: {  	v2 =	vmov s2;
	[sflag:s24] =	ssyncadd.s32 $0xFFFFE000  }
0x15d: {  	v2 =	vand.u32 $0x3F, v2;
	_ =	swait.ge [sflag:s26], $0x2000  }
0x15e: {  	v3 =	vbroadcast v2, $0x0;
	v2 =	vlaneseq.u32;
	[sflag:s26] =	ssyncset.done $0x0  }
0x15f: {  	v2 =	vmul.u32 $0x40, v2;
	[sflag:s26] =	ssyncadd.s32 $0xFFFFE000  }
0x160: {  	_ =	swait.ge [sflag:s29], $0x2000  }
0x161: {  	v3 =	vor.u32 v2, v3;
	[sflag:s29] =	ssyncset.done $0x0  }
0x162: {  	[sflag:s29] =	ssyncadd.s32 $0xFFFFE000  }
0x163: {  	s5 =	simm.s32 $0x1;
	_ =	swait.ge [sflag:s31], $0x2000  }
0x164: {  	v4 =	vmov s5;
	[sflag:s31] =	ssyncset.done $0x0  }
0x165: {  	v4 =	vand.u32 $0x3F, v4;
	[sflag:s31] =	ssyncadd.s32 $0xFFFFE000  }
0x166: {  	v4 =	vbroadcast v4, $0x0;
	v11 =	vld.idx.msk [tilespmem:v3+s0+$0x0], $0xffff  }
0x167: {  	v6 =	vld.idx.msk [tilespmem:v3+s1+$0x0], $0xffff  }
0x168: {  	v16 =	vor.u32 v2, v4;
	v7 =	vld.idx.msk [tilespmem:v3+s21+$0x0], $0xffff  }
0x169: {  	v14 =	vld.idx.msk [tilespmem:v3+s28+$0x0], $0xffff  }
0x16a: {  	s5 =	simm.s32 $0x2;
	v8 =	vld.idx.msk [tilespmem:v3+s23+$0x0], $0xffff  }
0x16b: {  	v4 =	vmov s5;
	v9 =	vld.idx.msk [tilespmem:v3+s25+$0x0], $0xffff  }
0x16c: {  	v4 =	vand.u32 $0x3F, v4;
	v17 =	vld.idx.msk [tilespmem:v3+s30+$0x0], $0xffff  }
0x16d: {  	v12 =	vbroadcast v4, $0x0;
	v3 =	vld.idx.msk [tilespmem:v16+s0+$0x0], $0xffff  }
0x16e: {  	v5 =	vld.idx.msk [tilespmem:v16+s1+$0x0], $0xffff;
	v18 =	vmul.f32 v14, v11  }
0x16f: {  	v15 =	vor.u32 v2, v12;
	v10 =	vld.idx.msk [tilespmem:v16+s21+$0x0], $0xffff;
	v6 =	vmul.f32 v6, v11  }
0x170: {  	v4 =	vimm.f32 $0.0e+00;
	v12 =	vld.idx.msk [tilespmem:v16+s23+$0x0], $0xffff;
	v13 =	vmul.f32 v7, v11;
	v8 =	vmul.f32 v8, v11  }
0x171: {  	s5 =	simm.s32 $0x3;
	v9 =	vmul.f32 v9, v11;
	v14 =	vld.idx.msk [tilespmem:v16+s28+$0x0], $0xffff;
	v19 =	vmul.f32 v17, v11;
	v7 =	vadd.f32 v6, v4  }
0x172: {  	v20 =	vmov s5;
	v6 =	vadd.f32 v13, v4;
	v13 =	vld.idx.msk [tilespmem:v16+s25+$0x0], $0xffff;
	v11 =	vadd.f32 v18, v4;
	v18 =	vmovc v15  }
0x173: {  	s5 =	simm.s32 $0x4;
	v20 =	vand.u32 $0x3F, v20;
	v17 =	vmovc v15;
	v8 =	vadd.f32 v8, v4;
	v9 =	vadd.f32 v9, v4;
	v16 =	vld.idx.msk [tilespmem:v16+s30+$0x0], $0xffff  }
.LBB2_2:
0x174: {  	p0 =	sne.s32 s5, $0x3F;
	v20 =	vbroadcast v20, $0x0;
	v21 =	vld.idx.msk [tilespmem:v15+s0+$0x0], $0xffff;
	v22 =	vmul.f32 v5, v3  }
0x175: {  	v23 =	vmul.f32 v10, v3;
	v4 =	vadd.f32 v19, v4;
	v5 =	vld.idx.msk [tilespmem:v15+s1+$0x0], $0xffff  }
.Ltmp0:
0x176: {  	v19 =	vmul.f32 v12, v3;
	v10 =	vld.idx.msk [tilespmem:v15+s21+$0x0], $0xffff;
	v15 =	vor.u32 v2, v20;
	v7 =	vadd.f32 v22, v7;
	(pc) =	sbr.rel @p0 .LBB2_2-.Ltmp0, $4  }
0x177: {  	v6 =	vadd.f32 v23, v6;
	v20 =	vmul.f32 v13, v3;
	v12 =	vld.idx.msk [tilespmem:v18+s23+$0x0], $0xffff;
	v18 =	vmov v15  }
0x178: {  	v8 =	vadd.f32 v19, v8;
	v22 =	vmul.f32 v14, v3;
	v13 =	vld.idx.msk [tilespmem:v17+s25+$0x0], $0xffff  }
0x179: {  	v23 =	vmov s5;
	v9 =	vadd.f32 v20, v9;
	v19 =	vmul.f32 v16, v3;
	v14 =	vld.idx.msk [tilespmem:v17+s28+$0x0], $0xffff  }
0x17a: {  	s5 =	sadd.s32 $0x1, s5;
	v20 =	vand.u32 $0x3F, v23;
	v11 =	vadd.f32 v22, v11;
	v3 =	vmovc v21;
	v16 =	vld.idx.msk [tilespmem:v17+s30+$0x0], $0xffff;
	v17 =	vmov v15  }
0x17b: {  	_ =	sdelay $0x3  }
0x17c: {  	v20 =	vbroadcast v20, $0x0;
	v21 =	vld.idx.msk [tilespmem:v15+s0+$0x0], $0xffff  }
0x17d: {  	v22 =	vld.idx.msk [tilespmem:v15+s1+$0x0], $0xffff  }
0x17e: {  	v15 =	vld.idx.msk [tilespmem:v15+s21+$0x0], $0xffff;
	v20 =	vor.u32 v2, v20  }
0x17f: {  	v18 =	vld.idx.msk [tilespmem:v18+s23+$0x0], $0xffff  }
0x180: {  	v23 =	vld.idx.msk [tilespmem:v17+s25+$0x0], $0xffff  }
0x181: {  	v24 =	vld.idx.msk [tilespmem:v17+s28+$0x0], $0xffff  }
0x182: {  	v17 =	vld.idx.msk [tilespmem:v17+s30+$0x0], $0xffff;
	v5 =	vmul.f32 v5, v3  }
0x183: {  	v10 =	vmul.f32 v10, v3;
	v12 =	vmul.f32 v12, v3;
	v25 =	vld.idx.msk [tilespmem:v20+s0+$0x0], $0xffff  }
0x184: {  	v4 =	vadd.f32 v19, v4;
	v5 =	vadd.f32 v5, v7;
	v7 =	vmul.f32 v13, v3;
	v26 =	vld.idx.msk [tilespmem:v20+s1+$0x0], $0xffff  }
0x185: {  	v6 =	vadd.f32 v10, v6;
	v8 =	vadd.f32 v12, v8;
	v10 =	vmul.f32 v14, v3;
	v13 =	vld.idx.msk [tilespmem:v20+s21+$0x0], $0xffff  }
0x186: {  	v7 =	vadd.f32 v7, v9;
	v3 =	vmul.f32 v16, v3;
	v9 =	vmul.f32 v22, v21;
	v12 =	vld.idx.msk [tilespmem:v20+s23+$0x0], $0xffff  }
0x187: {  	v10 =	vadd.f32 v10, v11;
	v11 =	vmul.f32 v15, v21;
	v14 =	vld.idx.msk [tilespmem:v20+s25+$0x0], $0xffff  }
0x188: {  	v3 =	vadd.f32 v3, v4;
	v4 =	vadd.f32 v9, v5;
	v5 =	vmul.f32 v23, v21;
	v9 =	vld.idx.msk [tilespmem:v20+s30+$0x0], $0xffff  }
0x189: {  	v15 =	vmul.f32 v18, v21;
	v16 =	vld.idx.msk [tilespmem:v20+s28+$0x0], $0xffff;
	v6 =	vadd.f32 v11, v6;
	v11 =	vmul.f32 v24, v21  }
0x18a: {  	v5 =	vadd.f32 v5, v7;
	v7 =	vmul.f32 v17, v21  }
0x18b: {  	v8 =	vadd.f32 v15, v8;
	v15 =	vld [tilespmem:$0xEF00];
	v10 =	vadd.f32 v11, v10;
	v12 =	vmul.f32 v12, v25  }
0x18c: {  	v3 =	vadd.f32 v7, v3;
	v13 =	vmul.f32 v13, v25;
	v14 =	vmul.f32 v14, v25  }
0x18d: {  	v17 =	vld [tilespmem:$0xEF80];
	v11 =	vmul.f32 v26, v25;
	v7 =	vmul.f32 v9, v25;
	v8 =	vadd.f32 v12, v8  }
0x18e: {  	s5 =	simm.s32 $0x0;
	v9 =	vld [tilespmem:$0xF000];
	v12 =	vmul.f32 v16, v25;
	v6 =	vadd.f32 v13, v6;
	v5 =	vadd.f32 v14, v5  }
0x18f: {  	v3 =	vadd.f32 v7, v3;
	v13 =	vmov s5;
	v14 =	vld [tilespmem:$0xF180];
	v4 =	vadd.f32 v11, v4  }
0x190: {  	v7 =	vld [tilespmem:$0xF100];
	v13 =	vand.u32 $0x3F, v13;
	v8 =	vmul.f32 v15, v8;
	v6 =	vmul.f32 v15, v6  }
0x191: {  	v10 =	vadd.f32 v12, v10;
	v12 =	vld [tilespmem:$0xF080];
	v5 =	vmul.f32 v15, v5;
	v11 =	vbroadcast v13, $0x0  }
0x192: {  	v4 =	vmul.f32 v15, v4;
	v8 =	vmul.f32 v17, v8  }
0x193: {  	[tilespmem:$0xF200] =	vst v6;
	v5 =	vmul.f32 v9, v5;
	v6 =	vmul.f32 v15, v3;
	v3 =	vor.u32 $0x400, v2  }
0x194: {  	v10 =	vmul.f32 v15, v10;
	v9 =	vor.u32 v3, v11;
	v4 =	vmul.f32 v14, v4;
	[tilespmem:$0xF280] =	vst v8  }
0x195: {  	[tilespmem:$0xF300] =	vst v5;
	v5 =	vmul.f32 v7, v6  }
0x196: {  	s5 =	simm.s32 $0x1;
	v8 =	vmul.f32 v12, v10;
	[tilespmem:$0xF480] =	vst v4  }
0x197: {  	[tilespmem:$0xF400] =	vst v5;
	v5 =	vmov s5  }
0x198: {  	[tilespmem:$0xF380] =	vst v8;
	v4 =	vand.u32 $0x3F, v5  }
0x199: {  	v4 =	vbroadcast v4, $0x0;
	v12 =	vld.idx.msk [tilespmem:v9+s0+$0x0], $0xffff  }
0x19a: {  	v6 =	vld.idx.msk [tilespmem:v9+s1+$0x0], $0xffff  }
0x19b: {  	v8 =	vld.idx.msk [tilespmem:v9+s21+$0x0], $0xffff;
	v17 =	vor.u32 v3, v4  }
0x19c: {  	v15 =	vld.idx.msk [tilespmem:v9+s28+$0x0], $0xffff  }
0x19d: {  	s5 =	simm.s32 $0x2;
	v10 =	vld.idx.msk [tilespmem:v9+s23+$0x0], $0xffff  }
0x19e: {  	v11 =	vld.idx.msk [tilespmem:v9+s25+$0x0], $0xffff;
	v4 =	vmov s5  }
0x19f: {  	v18 =	vld.idx.msk [tilespmem:v9+s30+$0x0], $0xffff;
	v5 =	vand.u32 $0x3F, v4  }
0x1a0: {  	v9 =	vbroadcast v5, $0x0;
	v4 =	vld.idx.msk [tilespmem:v17+s0+$0x0], $0xffff  }
0x1a1: {  	v19 =	vmul.f32 v15, v12;
	v7 =	vld.idx.msk [tilespmem:v17+s1+$0x0], $0xffff  }
0x1a2: {  	v6 =	vmul.f32 v6, v12;
	v14 =	vmul.f32 v8, v12;
	v16 =	vor.u32 v3, v9;
	v8 =	vld.idx.msk [tilespmem:v17+s21+$0x0], $0xffff  }
0x1a3: {  	v5 =	vimm.f32 $0.0e+00;
	v10 =	vmul.f32 v10, v12;
	v13 =	vld.idx.msk [tilespmem:v17+s23+$0x0], $0xffff  }
0x1a4: {  	s5 =	simm.s32 $0x3;
	v11 =	vmul.f32 v11, v12;
	v9 =	vadd.f32 v6, v5;
	v6 =	vadd.f32 v14, v5;
	v14 =	vld.idx.msk [tilespmem:v17+s25+$0x0], $0xffff  }
0x1a5: {  	v21 =	vmov s5;
	v20 =	vmul.f32 v18, v12;
	v15 =	vld.idx.msk [tilespmem:v17+s28+$0x0], $0xffff;
	v12 =	vadd.f32 v19, v5;
	v19 =	vmovc v16  }
0x1a6: {  	s5 =	simm.s32 $0x4;
	v21 =	vand.u32 $0x3F, v21;
	v10 =	vadd.f32 v10, v5;
	v11 =	vadd.f32 v11, v5;
	v17 =	vld.idx.msk [tilespmem:v17+s30+$0x0], $0xffff;
	v18 =	vmovc v16  }
.LBB2_4:
0x1a7: {  	p0 =	sne.s32 s5, $0x3F;
	v21 =	vbroadcast v21, $0x0;
	v22 =	vld.idx.msk [tilespmem:v16+s0+$0x0], $0xffff;
	v23 =	vmul.f32 v7, v4;
	v5 =	vadd.f32 v20, v5  }
0x1a8: {  	v20 =	vmul.f32 v8, v4;
	v7 =	vld.idx.msk [tilespmem:v16+s1+$0x0], $0xffff  }
.Ltmp1:
0x1a9: {  	v8 =	vld.idx.msk [tilespmem:v16+s21+$0x0], $0xffff;
	v16 =	vor.u32 v3, v21;
	v21 =	vmul.f32 v13, v4;
	v9 =	vadd.f32 v23, v9;
	(pc) =	sbr.rel @p0 .LBB2_4-.Ltmp1, $4  }
0x1aa: {  	v6 =	vadd.f32 v20, v6;
	v20 =	vmul.f32 v14, v4;
	v13 =	vld.idx.msk [tilespmem:v19+s23+$0x0], $0xffff;
	v19 =	vmov v16  }
0x1ab: {  	v23 =	vmul.f32 v15, v4;
	v14 =	vld.idx.msk [tilespmem:v18+s25+$0x0], $0xffff;
	v10 =	vadd.f32 v21, v10  }
0x1ac: {  	v21 =	vmov s5;
	v11 =	vadd.f32 v20, v11;
	v20 =	vmul.f32 v17, v4;
	v15 =	vld.idx.msk [tilespmem:v18+s28+$0x0], $0xffff  }
0x1ad: {  	s5 =	sadd.s32 $0x1, s5;
	v21 =	vand.u32 $0x3F, v21;
	v12 =	vadd.f32 v23, v12;
	v4 =	vmovc v22;
	v17 =	vld.idx.msk [tilespmem:v18+s30+$0x0], $0xffff;
	v18 =	vmov v16  }
0x1ae: {  	_ =	sdelay $0x3  }
0x1af: {  	v21 =	vbroadcast v21, $0x0;
	v22 =	vld.idx.msk [tilespmem:v16+s0+$0x0], $0xffff  }
0x1b0: {  	v23 =	vld.idx.msk [tilespmem:v16+s1+$0x0], $0xffff  }
0x1b1: {  	v16 =	vld.idx.msk [tilespmem:v16+s21+$0x0], $0xffff;
	v3 =	vor.u32 v3, v21  }
0x1b2: {  	v19 =	vld.idx.msk [tilespmem:v19+s23+$0x0], $0xffff  }
0x1b3: {  	v24 =	vld.idx.msk [tilespmem:v18+s28+$0x0], $0xffff  }
0x1b4: {  	v21 =	vld.idx.msk [tilespmem:v18+s25+$0x0], $0xffff  }
0x1b5: {  	v18 =	vld.idx.msk [tilespmem:v18+s30+$0x0], $0xffff  }
0x1b6: {  	v7 =	vmul.f32 v7, v4;
	v25 =	vld.idx.msk [tilespmem:v3+s0+$0x0], $0xffff  }
0x1b7: {  	v8 =	vmul.f32 v8, v4;
	v13 =	vmul.f32 v13, v4;
	v26 =	vld.idx.msk [tilespmem:v3+s1+$0x0], $0xffff  }
0x1b8: {  	v5 =	vadd.f32 v20, v5;
	v7 =	vadd.f32 v7, v9;
	v9 =	vmul.f32 v14, v4;
	v14 =	vld.idx.msk [tilespmem:v3+s21+$0x0], $0xffff  }
0x1b9: {  	v6 =	vadd.f32 v8, v6;
	v8 =	vadd.f32 v13, v10;
	v10 =	vmul.f32 v15, v4;
	v13 =	vld.idx.msk [tilespmem:v3+s23+$0x0], $0xffff  }
0x1ba: {  	v9 =	vadd.f32 v9, v11;
	v4 =	vmul.f32 v17, v4;
	v11 =	vmul.f32 v23, v22;
	v15 =	vld.idx.msk [tilespmem:v3+s25+$0x0], $0xffff  }
0x1bb: {  	v10 =	vadd.f32 v10, v12;
	v12 =	vmul.f32 v16, v22;
	v17 =	vld.idx.msk [tilespmem:v3+s28+$0x0], $0xffff  }
0x1bc: {  	v4 =	vadd.f32 v4, v5;
	v5 =	vadd.f32 v11, v7;
	v7 =	vmul.f32 v21, v22;
	v3 =	vld.idx.msk [tilespmem:v3+s30+$0x0], $0xffff  }
0x1bd: {  	v16 =	vmul.f32 v19, v22;
	v11 =	vmul.f32 v24, v22  }
0x1be: {  	v6 =	vadd.f32 v12, v6;
	v7 =	vadd.f32 v7, v9;
	v9 =	vmul.f32 v18, v22  }
0x1bf: {  	v8 =	vadd.f32 v16, v8;
	v12 =	vld [tilespmem:$0xEF10];
	v10 =	vadd.f32 v11, v10;
	v13 =	vmul.f32 v13, v25  }
0x1c0: {  	v4 =	vadd.f32 v9, v4;
	v14 =	vmul.f32 v14, v25;
	v15 =	vmul.f32 v15, v25  }
0x1c1: {  	v16 =	vld [tilespmem:$0xEF90];
	v11 =	vmul.f32 v26, v25;
	v3 =	vmul.f32 v3, v25;
	v8 =	vadd.f32 v13, v8  }
0x1c2: {  	s5 =	simm.s32 $0x0;
	v9 =	vld [tilespmem:$0xF010];
	v13 =	vmul.f32 v17, v25;
	v6 =	vadd.f32 v14, v6;
	v7 =	vadd.f32 v15, v7  }
0x1c3: {  	v3 =	vadd.f32 v3, v4;
	v14 =	vmov s5;
	v15 =	vld [tilespmem:$0xF190];
	v5 =	vadd.f32 v11, v5  }
0x1c4: {  	v14 =	vand.u32 $0x3F, v14;
	v8 =	vmul.f32 v12, v8;
	v4 =	vmul.f32 v12, v6;
	v6 =	vld [tilespmem:$0xF110]  }
0x1c5: {  	v10 =	vadd.f32 v13, v10;
	v13 =	vld [tilespmem:$0xF090];
	v7 =	vmul.f32 v12, v7;
	v11 =	vbroadcast v14, $0x0  }
0x1c6: {  	v5 =	vmul.f32 v12, v5;
	v8 =	vmul.f32 v16, v8  }
0x1c7: {  	[tilespmem:$0xF210] =	vst v4;
	v4 =	vmul.f32 v9, v7;
	v7 =	vmul.f32 v12, v3;
	v3 =	vor.u32 $0x800, v2  }
0x1c8: {  	v10 =	vmul.f32 v12, v10;
	v9 =	vor.u32 v3, v11;
	v5 =	vmul.f32 v15, v5;
	[tilespmem:$0xF290] =	vst v8  }
0x1c9: {  	[tilespmem:$0xF310] =	vst v4;
	v4 =	vmul.f32 v6, v7  }
0x1ca: {  	s5 =	simm.s32 $0x1;
	v8 =	vmul.f32 v13, v10;
	[tilespmem:$0xF490] =	vst v5  }
0x1cb: {  	[tilespmem:$0xF410] =	vst v4;
	v4 =	vmov s5  }
0x1cc: {  	[tilespmem:$0xF390] =	vst v8;
	v4 =	vand.u32 $0x3F, v4  }
0x1cd: {  	v12 =	vld.idx.msk [tilespmem:v9+s0+$0x0], $0xffff;
	v4 =	vbroadcast v4, $0x0  }
0x1ce: {  	v6 =	vld.idx.msk [tilespmem:v9+s1+$0x0], $0xffff  }
0x1cf: {  	v8 =	vld.idx.msk [tilespmem:v9+s21+$0x0], $0xffff;
	v17 =	vor.u32 v3, v4  }
0x1d0: {  	v15 =	vld.idx.msk [tilespmem:v9+s28+$0x0], $0xffff  }
0x1d1: {  	s5 =	simm.s32 $0x2;
	v10 =	vld.idx.msk [tilespmem:v9+s23+$0x0], $0xffff  }
0x1d2: {  	v11 =	vld.idx.msk [tilespmem:v9+s25+$0x0], $0xffff;
	v4 =	vmov s5  }
0x1d3: {  	v18 =	vld.idx.msk [tilespmem:v9+s30+$0x0], $0xffff;
	v5 =	vand.u32 $0x3F, v4  }
0x1d4: {  	v9 =	vbroadcast v5, $0x0;
	v4 =	vld.idx.msk [tilespmem:v17+s0+$0x0], $0xffff  }
0x1d5: {  	v19 =	vmul.f32 v15, v12;
	v7 =	vld.idx.msk [tilespmem:v17+s1+$0x0], $0xffff  }
0x1d6: {  	v6 =	vmul.f32 v6, v12;
	v14 =	vmul.f32 v8, v12;
	v16 =	vor.u32 v3, v9;
	v8 =	vld.idx.msk [tilespmem:v17+s21+$0x0], $0xffff  }
0x1d7: {  	v5 =	vimm.f32 $0.0e+00;
	v10 =	vmul.f32 v10, v12;
	v13 =	vld.idx.msk [tilespmem:v17+s23+$0x0], $0xffff  }
0x1d8: {  	s5 =	simm.s32 $0x3;
	v11 =	vmul.f32 v11, v12;
	v9 =	vadd.f32 v6, v5;
	v6 =	vadd.f32 v14, v5;
	v14 =	vld.idx.msk [tilespmem:v17+s25+$0x0], $0xffff  }
0x1d9: {  	v21 =	vmov s5;
	v20 =	vmul.f32 v18, v12;
	v12 =	vadd.f32 v19, v5;
	v15 =	vld.idx.msk [tilespmem:v17+s28+$0x0], $0xffff;
	v19 =	vmovc v16  }
0x1da: {  	s5 =	simm.s32 $0x4;
	v21 =	vand.u32 $0x3F, v21;
	v10 =	vadd.f32 v10, v5;
	v11 =	vadd.f32 v11, v5;
	v17 =	vld.idx.msk [tilespmem:v17+s30+$0x0], $0xffff;
	v18 =	vmovc v16  }
.LBB2_6:
0x1db: {  	p0 =	sne.s32 s5, $0x3F;
	v21 =	vbroadcast v21, $0x0;
	v22 =	vld.idx.msk [tilespmem:v16+s0+$0x0], $0xffff;
	v23 =	vmul.f32 v7, v4;
	v5 =	vadd.f32 v20, v5  }
0x1dc: {  	v20 =	vmul.f32 v8, v4;
	v7 =	vld.idx.msk [tilespmem:v16+s1+$0x0], $0xffff  }
.Ltmp2:
0x1dd: {  	v8 =	vld.idx.msk [tilespmem:v16+s21+$0x0], $0xffff;
	v16 =	vor.u32 v3, v21;
	v21 =	vmul.f32 v13, v4;
	v9 =	vadd.f32 v23, v9;
	(pc) =	sbr.rel @p0 .LBB2_6-.Ltmp2, $4  }
0x1de: {  	v6 =	vadd.f32 v20, v6;
	v20 =	vmul.f32 v14, v4;
	v13 =	vld.idx.msk [tilespmem:v19+s23+$0x0], $0xffff;
	v19 =	vmov v16  }
0x1df: {  	v23 =	vmul.f32 v15, v4;
	v14 =	vld.idx.msk [tilespmem:v18+s25+$0x0], $0xffff;
	v10 =	vadd.f32 v21, v10  }
0x1e0: {  	v21 =	vmov s5;
	v11 =	vadd.f32 v20, v11;
	v20 =	vmul.f32 v17, v4;
	v15 =	vld.idx.msk [tilespmem:v18+s28+$0x0], $0xffff  }
0x1e1: {  	s5 =	sadd.s32 $0x1, s5;
	v21 =	vand.u32 $0x3F, v21;
	v12 =	vadd.f32 v23, v12;
	v4 =	vmovc v22;
	v17 =	vld.idx.msk [tilespmem:v18+s30+$0x0], $0xffff;
	v18 =	vmov v16  }
0x1e2: {  	_ =	sdelay $0x3  }
0x1e3: {  	v21 =	vbroadcast v21, $0x0;
	v22 =	vld.idx.msk [tilespmem:v16+s0+$0x0], $0xffff  }
0x1e4: {  	v23 =	vld.idx.msk [tilespmem:v16+s1+$0x0], $0xffff  }
0x1e5: {  	v16 =	vld.idx.msk [tilespmem:v16+s21+$0x0], $0xffff;
	v3 =	vor.u32 v3, v21  }
0x1e6: {  	v19 =	vld.idx.msk [tilespmem:v19+s23+$0x0], $0xffff  }
0x1e7: {  	v24 =	vld.idx.msk [tilespmem:v18+s28+$0x0], $0xffff  }
0x1e8: {  	v21 =	vld.idx.msk [tilespmem:v18+s25+$0x0], $0xffff  }
0x1e9: {  	v18 =	vld.idx.msk [tilespmem:v18+s30+$0x0], $0xffff  }
0x1ea: {  	v7 =	vmul.f32 v7, v4;
	v25 =	vld.idx.msk [tilespmem:v3+s0+$0x0], $0xffff  }
0x1eb: {  	v8 =	vmul.f32 v8, v4;
	v13 =	vmul.f32 v13, v4;
	v26 =	vld.idx.msk [tilespmem:v3+s1+$0x0], $0xffff  }
0x1ec: {  	v5 =	vadd.f32 v20, v5;
	v7 =	vadd.f32 v7, v9;
	v9 =	vmul.f32 v14, v4;
	v14 =	vld.idx.msk [tilespmem:v3+s21+$0x0], $0xffff  }
0x1ed: {  	v6 =	vadd.f32 v8, v6;
	v8 =	vadd.f32 v13, v10;
	v10 =	vmul.f32 v15, v4;
	v13 =	vld.idx.msk [tilespmem:v3+s23+$0x0], $0xffff  }
0x1ee: {  	v9 =	vadd.f32 v9, v11;
	v4 =	vmul.f32 v17, v4;
	v11 =	vmul.f32 v23, v22;
	v15 =	vld.idx.msk [tilespmem:v3+s25+$0x0], $0xffff  }
0x1ef: {  	v10 =	vadd.f32 v10, v12;
	v12 =	vmul.f32 v16, v22;
	v17 =	vld.idx.msk [tilespmem:v3+s28+$0x0], $0xffff  }
0x1f0: {  	v4 =	vadd.f32 v4, v5;
	v5 =	vadd.f32 v11, v7;
	v7 =	vmul.f32 v21, v22;
	v3 =	vld.idx.msk [tilespmem:v3+s30+$0x0], $0xffff  }
0x1f1: {  	v16 =	vmul.f32 v19, v22;
	v11 =	vmul.f32 v24, v22  }
0x1f2: {  	v6 =	vadd.f32 v12, v6;
	v7 =	vadd.f32 v7, v9;
	v9 =	vmul.f32 v18, v22  }
0x1f3: {  	v8 =	vadd.f32 v16, v8;
	v12 =	vld [tilespmem:$0xEF20];
	v10 =	vadd.f32 v11, v10;
	v13 =	vmul.f32 v13, v25  }
0x1f4: {  	v4 =	vadd.f32 v9, v4;
	v14 =	vmul.f32 v14, v25;
	v15 =	vmul.f32 v15, v25  }
0x1f5: {  	v16 =	vld [tilespmem:$0xEFA0];
	v11 =	vmul.f32 v26, v25;
	v3 =	vmul.f32 v3, v25;
	v8 =	vadd.f32 v13, v8  }
0x1f6: {  	s5 =	simm.s32 $0x0;
	v9 =	vld [tilespmem:$0xF020];
	v13 =	vmul.f32 v17, v25;
	v6 =	vadd.f32 v14, v6;
	v7 =	vadd.f32 v15, v7  }
0x1f7: {  	v3 =	vadd.f32 v3, v4;
	v14 =	vmov s5;
	v15 =	vld [tilespmem:$0xF1A0];
	v5 =	vadd.f32 v11, v5  }
0x1f8: {  	v14 =	vand.u32 $0x3F, v14;
	v8 =	vmul.f32 v12, v8;
	v4 =	vmul.f32 v12, v6;
	v6 =	vld [tilespmem:$0xF120]  }
0x1f9: {  	v10 =	vadd.f32 v13, v10;
	v13 =	vld [tilespmem:$0xF0A0];
	v7 =	vmul.f32 v12, v7;
	v11 =	vbroadcast v14, $0x0  }
0x1fa: {  	v5 =	vmul.f32 v12, v5;
	v8 =	vmul.f32 v16, v8  }
0x1fb: {  	[tilespmem:$0xF220] =	vst v4;
	v4 =	vmul.f32 v9, v7;
	v7 =	vmul.f32 v12, v3;
	v3 =	vor.u32 $0xC00, v2  }
0x1fc: {  	v10 =	vmul.f32 v12, v10;
	v9 =	vor.u32 v3, v11;
	v5 =	vmul.f32 v15, v5;
	[tilespmem:$0xF2A0] =	vst v8  }
0x1fd: {  	[tilespmem:$0xF320] =	vst v4;
	v4 =	vmul.f32 v6, v7  }
0x1fe: {  	s5 =	simm.s32 $0x1;
	v8 =	vmul.f32 v13, v10;
	[tilespmem:$0xF4A0] =	vst v5  }
0x1ff: {  	[tilespmem:$0xF420] =	vst v4;
	v4 =	vmov s5  }
0x200: {  	[tilespmem:$0xF3A0] =	vst v8;
	v4 =	vand.u32 $0x3F, v4  }
0x201: {  	v12 =	vld.idx.msk [tilespmem:v9+s0+$0x0], $0xffff;
	v4 =	vbroadcast v4, $0x0  }
0x202: {  	v6 =	vld.idx.msk [tilespmem:v9+s1+$0x0], $0xffff  }
0x203: {  	v8 =	vld.idx.msk [tilespmem:v9+s21+$0x0], $0xffff;
	v17 =	vor.u32 v3, v4  }
0x204: {  	v15 =	vld.idx.msk [tilespmem:v9+s28+$0x0], $0xffff  }
0x205: {  	s5 =	simm.s32 $0x2;
	v10 =	vld.idx.msk [tilespmem:v9+s23+$0x0], $0xffff  }
0x206: {  	v11 =	vld.idx.msk [tilespmem:v9+s25+$0x0], $0xffff;
	v4 =	vmov s5  }
0x207: {  	v18 =	vld.idx.msk [tilespmem:v9+s30+$0x0], $0xffff;
	v5 =	vand.u32 $0x3F, v4  }
0x208: {  	v9 =	vbroadcast v5, $0x0;
	v4 =	vld.idx.msk [tilespmem:v17+s0+$0x0], $0xffff  }
0x209: {  	v19 =	vmul.f32 v15, v12;
	v7 =	vld.idx.msk [tilespmem:v17+s1+$0x0], $0xffff  }
0x20a: {  	v6 =	vmul.f32 v6, v12;
	v14 =	vmul.f32 v8, v12;
	v16 =	vor.u32 v3, v9;
	v8 =	vld.idx.msk [tilespmem:v17+s21+$0x0], $0xffff  }
0x20b: {  	v5 =	vimm.f32 $0.0e+00;
	v10 =	vmul.f32 v10, v12;
	v13 =	vld.idx.msk [tilespmem:v17+s23+$0x0], $0xffff  }
0x20c: {  	s5 =	simm.s32 $0x3;
	v11 =	vmul.f32 v11, v12;
	v9 =	vadd.f32 v6, v5;
	v6 =	vadd.f32 v14, v5;
	v14 =	vld.idx.msk [tilespmem:v17+s25+$0x0], $0xffff  }
0x20d: {  	v21 =	vmov s5;
	v20 =	vmul.f32 v18, v12;
	v12 =	vadd.f32 v19, v5;
	v15 =	vld.idx.msk [tilespmem:v17+s28+$0x0], $0xffff;
	v19 =	vmovc v16  }
0x20e: {  	s5 =	simm.s32 $0x4;
	v21 =	vand.u32 $0x3F, v21;
	v10 =	vadd.f32 v10, v5;
	v11 =	vadd.f32 v11, v5;
	v17 =	vld.idx.msk [tilespmem:v17+s30+$0x0], $0xffff;
	v18 =	vmovc v16  }
.LBB2_8:
0x20f: {  	p0 =	sne.s32 s5, $0x3F;
	v21 =	vbroadcast v21, $0x0;
	v22 =	vld.idx.msk [tilespmem:v16+s0+$0x0], $0xffff;
	v23 =	vmul.f32 v7, v4;
	v5 =	vadd.f32 v20, v5  }
0x210: {  	v20 =	vmul.f32 v8, v4;
	v7 =	vld.idx.msk [tilespmem:v16+s1+$0x0], $0xffff  }
.Ltmp3:
0x211: {  	v8 =	vld.idx.msk [tilespmem:v16+s21+$0x0], $0xffff;
	v16 =	vor.u32 v3, v21;
	v21 =	vmul.f32 v13, v4;
	v9 =	vadd.f32 v23, v9;
	(pc) =	sbr.rel @p0 .LBB2_8-.Ltmp3, $4  }
0x212: {  	v6 =	vadd.f32 v20, v6;
	v20 =	vmul.f32 v14, v4;
	v13 =	vld.idx.msk [tilespmem:v19+s23+$0x0], $0xffff;
	v19 =	vmov v16  }
0x213: {  	v23 =	vmul.f32 v15, v4;
	v14 =	vld.idx.msk [tilespmem:v18+s25+$0x0], $0xffff;
	v10 =	vadd.f32 v21, v10  }
0x214: {  	v21 =	vmov s5;
	v11 =	vadd.f32 v20, v11;
	v20 =	vmul.f32 v17, v4;
	v15 =	vld.idx.msk [tilespmem:v18+s28+$0x0], $0xffff  }
0x215: {  	s5 =	sadd.s32 $0x1, s5;
	v21 =	vand.u32 $0x3F, v21;
	v12 =	vadd.f32 v23, v12;
	v4 =	vmovc v22;
	v17 =	vld.idx.msk [tilespmem:v18+s30+$0x0], $0xffff;
	v18 =	vmov v16  }
0x216: {  	_ =	sdelay $0x3  }
0x217: {  	v21 =	vbroadcast v21, $0x0;
	v22 =	vld.idx.msk [tilespmem:v16+s0+$0x0], $0xffff  }
0x218: {  	v23 =	vld.idx.msk [tilespmem:v16+s1+$0x0], $0xffff  }
0x219: {  	v16 =	vld.idx.msk [tilespmem:v16+s21+$0x0], $0xffff;
	v3 =	vor.u32 v3, v21  }
0x21a: {  	v19 =	vld.idx.msk [tilespmem:v19+s23+$0x0], $0xffff  }
0x21b: {  	v24 =	vld.idx.msk [tilespmem:v18+s28+$0x0], $0xffff  }
0x21c: {  	v21 =	vld.idx.msk [tilespmem:v18+s25+$0x0], $0xffff  }
0x21d: {  	v18 =	vld.idx.msk [tilespmem:v18+s30+$0x0], $0xffff  }
0x21e: {  	v7 =	vmul.f32 v7, v4;
	v25 =	vld.idx.msk [tilespmem:v3+s0+$0x0], $0xffff  }
0x21f: {  	v8 =	vmul.f32 v8, v4;
	v13 =	vmul.f32 v13, v4;
	v26 =	vld.idx.msk [tilespmem:v3+s1+$0x0], $0xffff  }
0x220: {  	v5 =	vadd.f32 v20, v5;
	v7 =	vadd.f32 v7, v9;
	v9 =	vmul.f32 v14, v4;
	v14 =	vld.idx.msk [tilespmem:v3+s21+$0x0], $0xffff  }
0x221: {  	v6 =	vadd.f32 v8, v6;
	v8 =	vadd.f32 v13, v10;
	v10 =	vmul.f32 v15, v4;
	v13 =	vld.idx.msk [tilespmem:v3+s23+$0x0], $0xffff  }
0x222: {  	v9 =	vadd.f32 v9, v11;
	v4 =	vmul.f32 v17, v4;
	v11 =	vmul.f32 v23, v22;
	v15 =	vld.idx.msk [tilespmem:v3+s25+$0x0], $0xffff  }
0x223: {  	v10 =	vadd.f32 v10, v12;
	v12 =	vmul.f32 v16, v22;
	v17 =	vld.idx.msk [tilespmem:v3+s28+$0x0], $0xffff  }
0x224: {  	v4 =	vadd.f32 v4, v5;
	v5 =	vadd.f32 v11, v7;
	v7 =	vmul.f32 v21, v22;
	v3 =	vld.idx.msk [tilespmem:v3+s30+$0x0], $0xffff  }
0x225: {  	v16 =	vmul.f32 v19, v22;
	v11 =	vmul.f32 v24, v22  }
0x226: {  	v6 =	vadd.f32 v12, v6;
	v7 =	vadd.f32 v7, v9;
	v9 =	vmul.f32 v18, v22  }
0x227: {  	v8 =	vadd.f32 v16, v8;
	v12 =	vld [tilespmem:$0xEF30];
	v10 =	vadd.f32 v11, v10;
	v13 =	vmul.f32 v13, v25  }
0x228: {  	v4 =	vadd.f32 v9, v4;
	v14 =	vmul.f32 v14, v25;
	v15 =	vmul.f32 v15, v25  }
0x229: {  	v16 =	vld [tilespmem:$0xEFB0];
	v11 =	vmul.f32 v26, v25;
	v3 =	vmul.f32 v3, v25;
	v8 =	vadd.f32 v13, v8  }
0x22a: {  	s5 =	simm.s32 $0x0;
	v9 =	vld [tilespmem:$0xF030];
	v13 =	vmul.f32 v17, v25;
	v6 =	vadd.f32 v14, v6;
	v7 =	vadd.f32 v15, v7  }
0x22b: {  	v3 =	vadd.f32 v3, v4;
	v14 =	vmov s5;
	v15 =	vld [tilespmem:$0xF1B0];
	v5 =	vadd.f32 v11, v5  }
0x22c: {  	v14 =	vand.u32 $0x3F, v14;
	v8 =	vmul.f32 v12, v8;
	v4 =	vmul.f32 v12, v6;
	v6 =	vld [tilespmem:$0xF130]  }
0x22d: {  	v10 =	vadd.f32 v13, v10;
	v13 =	vld [tilespmem:$0xF0B0];
	v7 =	vmul.f32 v12, v7;
	v11 =	vbroadcast v14, $0x0  }
0x22e: {  	v5 =	vmul.f32 v12, v5;
	v8 =	vmul.f32 v16, v8  }
0x22f: {  	[tilespmem:$0xF230] =	vst v4;
	v4 =	vmul.f32 v9, v7;
	v7 =	vmul.f32 v12, v3;
	v3 =	vor.u32 $0x1000, v2  }
0x230: {  	v10 =	vmul.f32 v12, v10;
	v9 =	vor.u32 v3, v11;
	v5 =	vmul.f32 v15, v5;
	[tilespmem:$0xF2B0] =	vst v8  }
0x231: {  	[tilespmem:$0xF330] =	vst v4;
	v4 =	vmul.f32 v6, v7  }
0x232: {  	s5 =	simm.s32 $0x1;
	v8 =	vmul.f32 v13, v10;
	[tilespmem:$0xF4B0] =	vst v5  }
0x233: {  	[tilespmem:$0xF430] =	vst v4;
	v4 =	vmov s5  }
0x234: {  	[tilespmem:$0xF3B0] =	vst v8;
	v4 =	vand.u32 $0x3F, v4  }
0x235: {  	v12 =	vld.idx.msk [tilespmem:v9+s0+$0x0], $0xffff;
	v4 =	vbroadcast v4, $0x0  }
0x236: {  	v6 =	vld.idx.msk [tilespmem:v9+s1+$0x0], $0xffff  }
0x237: {  	v8 =	vld.idx.msk [tilespmem:v9+s21+$0x0], $0xffff;
	v17 =	vor.u32 v3, v4  }
0x238: {  	v15 =	vld.idx.msk [tilespmem:v9+s28+$0x0], $0xffff  }
0x239: {  	s5 =	simm.s32 $0x2;
	v10 =	vld.idx.msk [tilespmem:v9+s23+$0x0], $0xffff  }
0x23a: {  	v11 =	vld.idx.msk [tilespmem:v9+s25+$0x0], $0xffff;
	v4 =	vmov s5  }
0x23b: {  	v18 =	vld.idx.msk [tilespmem:v9+s30+$0x0], $0xffff;
	v5 =	vand.u32 $0x3F, v4  }
0x23c: {  	v9 =	vbroadcast v5, $0x0;
	v4 =	vld.idx.msk [tilespmem:v17+s0+$0x0], $0xffff  }
0x23d: {  	v19 =	vmul.f32 v15, v12;
	v7 =	vld.idx.msk [tilespmem:v17+s1+$0x0], $0xffff  }
0x23e: {  	v6 =	vmul.f32 v6, v12;
	v14 =	vmul.f32 v8, v12;
	v16 =	vor.u32 v3, v9;
	v8 =	vld.idx.msk [tilespmem:v17+s21+$0x0], $0xffff  }
0x23f: {  	v5 =	vimm.f32 $0.0e+00;
	v10 =	vmul.f32 v10, v12;
	v13 =	vld.idx.msk [tilespmem:v17+s23+$0x0], $0xffff  }
0x240: {  	s5 =	simm.s32 $0x3;
	v11 =	vmul.f32 v11, v12;
	v9 =	vadd.f32 v6, v5;
	v6 =	vadd.f32 v14, v5;
	v14 =	vld.idx.msk [tilespmem:v17+s25+$0x0], $0xffff  }
0x241: {  	v21 =	vmov s5;
	v20 =	vmul.f32 v18, v12;
	v12 =	vadd.f32 v19, v5;
	v15 =	vld.idx.msk [tilespmem:v17+s28+$0x0], $0xffff;
	v19 =	vmovc v16  }
0x242: {  	s5 =	simm.s32 $0x4;
	v21 =	vand.u32 $0x3F, v21;
	v10 =	vadd.f32 v10, v5;
	v11 =	vadd.f32 v11, v5;
	v17 =	vld.idx.msk [tilespmem:v17+s30+$0x0], $0xffff;
	v18 =	vmovc v16  }
.LBB2_10:
0x243: {  	p0 =	sne.s32 s5, $0x3F;
	v21 =	vbroadcast v21, $0x0;
	v22 =	vld.idx.msk [tilespmem:v16+s0+$0x0], $0xffff;
	v23 =	vmul.f32 v7, v4;
	v5 =	vadd.f32 v20, v5  }
0x244: {  	v20 =	vmul.f32 v8, v4;
	v7 =	vld.idx.msk [tilespmem:v16+s1+$0x0], $0xffff  }
.Ltmp4:
0x245: {  	v8 =	vld.idx.msk [tilespmem:v16+s21+$0x0], $0xffff;
	v16 =	vor.u32 v3, v21;
	v21 =	vmul.f32 v13, v4;
	v9 =	vadd.f32 v23, v9;
	(pc) =	sbr.rel @p0 .LBB2_10-.Ltmp4, $4  }
0x246: {  	v6 =	vadd.f32 v20, v6;
	v20 =	vmul.f32 v14, v4;
	v13 =	vld.idx.msk [tilespmem:v19+s23+$0x0], $0xffff;
	v19 =	vmov v16  }
0x247: {  	v23 =	vmul.f32 v15, v4;
	v14 =	vld.idx.msk [tilespmem:v18+s25+$0x0], $0xffff;
	v10 =	vadd.f32 v21, v10  }
0x248: {  	v21 =	vmov s5;
	v11 =	vadd.f32 v20, v11;
	v20 =	vmul.f32 v17, v4;
	v15 =	vld.idx.msk [tilespmem:v18+s28+$0x0], $0xffff  }
0x249: {  	s5 =	sadd.s32 $0x1, s5;
	v21 =	vand.u32 $0x3F, v21;
	v12 =	vadd.f32 v23, v12;
	v4 =	vmovc v22;
	v17 =	vld.idx.msk [tilespmem:v18+s30+$0x0], $0xffff;
	v18 =	vmov v16  }
0x24a: {  	_ =	sdelay $0x3  }
0x24b: {  	v21 =	vbroadcast v21, $0x0;
	v22 =	vld.idx.msk [tilespmem:v16+s0+$0x0], $0xffff  }
0x24c: {  	v23 =	vld.idx.msk [tilespmem:v16+s1+$0x0], $0xffff  }
0x24d: {  	v16 =	vld.idx.msk [tilespmem:v16+s21+$0x0], $0xffff;
	v3 =	vor.u32 v3, v21  }
0x24e: {  	v19 =	vld.idx.msk [tilespmem:v19+s23+$0x0], $0xffff  }
0x24f: {  	v24 =	vld.idx.msk [tilespmem:v18+s28+$0x0], $0xffff  }
0x250: {  	v21 =	vld.idx.msk [tilespmem:v18+s25+$0x0], $0xffff  }
0x251: {  	v18 =	vld.idx.msk [tilespmem:v18+s30+$0x0], $0xffff  }
0x252: {  	v7 =	vmul.f32 v7, v4;
	v25 =	vld.idx.msk [tilespmem:v3+s0+$0x0], $0xffff  }
0x253: {  	v8 =	vmul.f32 v8, v4;
	v13 =	vmul.f32 v13, v4;
	v26 =	vld.idx.msk [tilespmem:v3+s1+$0x0], $0xffff  }
0x254: {  	v5 =	vadd.f32 v20, v5;
	v7 =	vadd.f32 v7, v9;
	v9 =	vmul.f32 v14, v4;
	v14 =	vld.idx.msk [tilespmem:v3+s21+$0x0], $0xffff  }
0x255: {  	v6 =	vadd.f32 v8, v6;
	v8 =	vadd.f32 v13, v10;
	v10 =	vmul.f32 v15, v4;
	v13 =	vld.idx.msk [tilespmem:v3+s23+$0x0], $0xffff  }
0x256: {  	v9 =	vadd.f32 v9, v11;
	v4 =	vmul.f32 v17, v4;
	v11 =	vmul.f32 v23, v22;
	v15 =	vld.idx.msk [tilespmem:v3+s25+$0x0], $0xffff  }
0x257: {  	v10 =	vadd.f32 v10, v12;
	v12 =	vmul.f32 v16, v22;
	v17 =	vld.idx.msk [tilespmem:v3+s28+$0x0], $0xffff  }
0x258: {  	v4 =	vadd.f32 v4, v5;
	v5 =	vadd.f32 v11, v7;
	v7 =	vmul.f32 v21, v22;
	v3 =	vld.idx.msk [tilespmem:v3+s30+$0x0], $0xffff  }
0x259: {  	v16 =	vmul.f32 v19, v22;
	v11 =	vmul.f32 v24, v22  }
0x25a: {  	v6 =	vadd.f32 v12, v6;
	v7 =	vadd.f32 v7, v9;
	v9 =	vmul.f32 v18, v22  }
0x25b: {  	v8 =	vadd.f32 v16, v8;
	v12 =	vld [tilespmem:$0xEF40];
	v10 =	vadd.f32 v11, v10;
	v13 =	vmul.f32 v13, v25  }
0x25c: {  	v4 =	vadd.f32 v9, v4;
	v14 =	vmul.f32 v14, v25;
	v15 =	vmul.f32 v15, v25  }
0x25d: {  	v16 =	vld [tilespmem:$0xEFC0];
	v11 =	vmul.f32 v26, v25;
	v3 =	vmul.f32 v3, v25;
	v8 =	vadd.f32 v13, v8  }
0x25e: {  	s5 =	simm.s32 $0x0;
	v9 =	vld [tilespmem:$0xF040];
	v13 =	vmul.f32 v17, v25;
	v6 =	vadd.f32 v14, v6;
	v7 =	vadd.f32 v15, v7  }
0x25f: {  	v3 =	vadd.f32 v3, v4;
	v14 =	vmov s5;
	v15 =	vld [tilespmem:$0xF1C0];
	v5 =	vadd.f32 v11, v5  }
0x260: {  	v14 =	vand.u32 $0x3F, v14;
	v8 =	vmul.f32 v12, v8;
	v4 =	vmul.f32 v12, v6;
	v6 =	vld [tilespmem:$0xF140]  }
0x261: {  	v10 =	vadd.f32 v13, v10;
	v13 =	vld [tilespmem:$0xF0C0];
	v7 =	vmul.f32 v12, v7;
	v11 =	vbroadcast v14, $0x0  }
0x262: {  	v5 =	vmul.f32 v12, v5;
	v8 =	vmul.f32 v16, v8  }
0x263: {  	[tilespmem:$0xF240] =	vst v4;
	v4 =	vmul.f32 v9, v7;
	v7 =	vmul.f32 v12, v3;
	v3 =	vor.u32 $0x1400, v2  }
0x264: {  	v10 =	vmul.f32 v12, v10;
	v9 =	vor.u32 v3, v11;
	v5 =	vmul.f32 v15, v5;
	[tilespmem:$0xF2C0] =	vst v8  }
0x265: {  	[tilespmem:$0xF340] =	vst v4;
	v4 =	vmul.f32 v6, v7  }
0x266: {  	s5 =	simm.s32 $0x1;
	v8 =	vmul.f32 v13, v10;
	[tilespmem:$0xF4C0] =	vst v5  }
0x267: {  	[tilespmem:$0xF440] =	vst v4;
	v4 =	vmov s5  }
0x268: {  	[tilespmem:$0xF3C0] =	vst v8;
	v4 =	vand.u32 $0x3F, v4  }
0x269: {  	v12 =	vld.idx.msk [tilespmem:v9+s0+$0x0], $0xffff;
	v4 =	vbroadcast v4, $0x0  }
0x26a: {  	v6 =	vld.idx.msk [tilespmem:v9+s1+$0x0], $0xffff  }
0x26b: {  	v8 =	vld.idx.msk [tilespmem:v9+s21+$0x0], $0xffff;
	v17 =	vor.u32 v3, v4  }
0x26c: {  	v15 =	vld.idx.msk [tilespmem:v9+s28+$0x0], $0xffff  }
0x26d: {  	s5 =	simm.s32 $0x2;
	v10 =	vld.idx.msk [tilespmem:v9+s23+$0x0], $0xffff  }
0x26e: {  	v11 =	vld.idx.msk [tilespmem:v9+s25+$0x0], $0xffff;
	v4 =	vmov s5  }
0x26f: {  	v18 =	vld.idx.msk [tilespmem:v9+s30+$0x0], $0xffff;
	v5 =	vand.u32 $0x3F, v4  }
0x270: {  	v9 =	vbroadcast v5, $0x0;
	v4 =	vld.idx.msk [tilespmem:v17+s0+$0x0], $0xffff  }
0x271: {  	v19 =	vmul.f32 v15, v12;
	v7 =	vld.idx.msk [tilespmem:v17+s1+$0x0], $0xffff  }
0x272: {  	v6 =	vmul.f32 v6, v12;
	v14 =	vmul.f32 v8, v12;
	v16 =	vor.u32 v3, v9;
	v8 =	vld.idx.msk [tilespmem:v17+s21+$0x0], $0xffff  }
0x273: {  	v5 =	vimm.f32 $0.0e+00;
	v10 =	vmul.f32 v10, v12;
	v13 =	vld.idx.msk [tilespmem:v17+s23+$0x0], $0xffff  }
0x274: {  	s5 =	simm.s32 $0x3;
	v11 =	vmul.f32 v11, v12;
	v9 =	vadd.f32 v6, v5;
	v6 =	vadd.f32 v14, v5;
	v14 =	vld.idx.msk [tilespmem:v17+s25+$0x0], $0xffff  }
0x275: {  	v21 =	vmov s5;
	v20 =	vmul.f32 v18, v12;
	v12 =	vadd.f32 v19, v5;
	v15 =	vld.idx.msk [tilespmem:v17+s28+$0x0], $0xffff;
	v19 =	vmovc v16  }
0x276: {  	s5 =	simm.s32 $0x4;
	v21 =	vand.u32 $0x3F, v21;
	v10 =	vadd.f32 v10, v5;
	v11 =	vadd.f32 v11, v5;
	v17 =	vld.idx.msk [tilespmem:v17+s30+$0x0], $0xffff;
	v18 =	vmovc v16  }
.LBB2_12:
0x277: {  	p0 =	sne.s32 s5, $0x3F;
	v21 =	vbroadcast v21, $0x0;
	v22 =	vld.idx.msk [tilespmem:v16+s0+$0x0], $0xffff;
	v23 =	vmul.f32 v7, v4;
	v5 =	vadd.f32 v20, v5  }
0x278: {  	v20 =	vmul.f32 v8, v4;
	v7 =	vld.idx.msk [tilespmem:v16+s1+$0x0], $0xffff  }
.Ltmp5:
0x279: {  	v8 =	vld.idx.msk [tilespmem:v16+s21+$0x0], $0xffff;
	v16 =	vor.u32 v3, v21;
	v21 =	vmul.f32 v13, v4;
	v9 =	vadd.f32 v23, v9;
	(pc) =	sbr.rel @p0 .LBB2_12-.Ltmp5, $4  }
0x27a: {  	v6 =	vadd.f32 v20, v6;
	v20 =	vmul.f32 v14, v4;
	v13 =	vld.idx.msk [tilespmem:v19+s23+$0x0], $0xffff;
	v19 =	vmov v16  }
0x27b: {  	v23 =	vmul.f32 v15, v4;
	v14 =	vld.idx.msk [tilespmem:v18+s25+$0x0], $0xffff;
	v10 =	vadd.f32 v21, v10  }
0x27c: {  	v21 =	vmov s5;
	v11 =	vadd.f32 v20, v11;
	v20 =	vmul.f32 v17, v4;
	v15 =	vld.idx.msk [tilespmem:v18+s28+$0x0], $0xffff  }
0x27d: {  	s5 =	sadd.s32 $0x1, s5;
	v21 =	vand.u32 $0x3F, v21;
	v12 =	vadd.f32 v23, v12;
	v4 =	vmovc v22;
	v17 =	vld.idx.msk [tilespmem:v18+s30+$0x0], $0xffff;
	v18 =	vmov v16  }
0x27e: {  	_ =	sdelay $0x3  }
0x27f: {  	v21 =	vbroadcast v21, $0x0;
	v22 =	vld.idx.msk [tilespmem:v16+s0+$0x0], $0xffff  }
0x280: {  	v23 =	vld.idx.msk [tilespmem:v16+s1+$0x0], $0xffff  }
0x281: {  	v16 =	vld.idx.msk [tilespmem:v16+s21+$0x0], $0xffff;
	v3 =	vor.u32 v3, v21  }
0x282: {  	v19 =	vld.idx.msk [tilespmem:v19+s23+$0x0], $0xffff  }
0x283: {  	v24 =	vld.idx.msk [tilespmem:v18+s28+$0x0], $0xffff  }
0x284: {  	v21 =	vld.idx.msk [tilespmem:v18+s25+$0x0], $0xffff  }
0x285: {  	v18 =	vld.idx.msk [tilespmem:v18+s30+$0x0], $0xffff  }
0x286: {  	v7 =	vmul.f32 v7, v4;
	v25 =	vld.idx.msk [tilespmem:v3+s0+$0x0], $0xffff  }
0x287: {  	v8 =	vmul.f32 v8, v4;
	v13 =	vmul.f32 v13, v4;
	v26 =	vld.idx.msk [tilespmem:v3+s1+$0x0], $0xffff  }
0x288: {  	v5 =	vadd.f32 v20, v5;
	v7 =	vadd.f32 v7, v9;
	v9 =	vmul.f32 v14, v4;
	v14 =	vld.idx.msk [tilespmem:v3+s21+$0x0], $0xffff  }
0x289: {  	v6 =	vadd.f32 v8, v6;
	v8 =	vadd.f32 v13, v10;
	v10 =	vmul.f32 v15, v4;
	v13 =	vld.idx.msk [tilespmem:v3+s23+$0x0], $0xffff  }
0x28a: {  	v9 =	vadd.f32 v9, v11;
	v4 =	vmul.f32 v17, v4;
	v11 =	vmul.f32 v23, v22;
	v15 =	vld.idx.msk [tilespmem:v3+s25+$0x0], $0xffff  }
0x28b: {  	v10 =	vadd.f32 v10, v12;
	v12 =	vmul.f32 v16, v22;
	v17 =	vld.idx.msk [tilespmem:v3+s28+$0x0], $0xffff  }
0x28c: {  	v4 =	vadd.f32 v4, v5;
	v5 =	vadd.f32 v11, v7;
	v7 =	vmul.f32 v21, v22;
	v3 =	vld.idx.msk [tilespmem:v3+s30+$0x0], $0xffff  }
0x28d: {  	v16 =	vmul.f32 v19, v22;
	v11 =	vmul.f32 v24, v22  }
0x28e: {  	v6 =	vadd.f32 v12, v6;
	v7 =	vadd.f32 v7, v9;
	v9 =	vmul.f32 v18, v22  }
0x28f: {  	v8 =	vadd.f32 v16, v8;
	v12 =	vld [tilespmem:$0xEF50];
	v10 =	vadd.f32 v11, v10;
	v13 =	vmul.f32 v13, v25  }
0x290: {  	v4 =	vadd.f32 v9, v4;
	v14 =	vmul.f32 v14, v25;
	v15 =	vmul.f32 v15, v25  }
0x291: {  	v16 =	vld [tilespmem:$0xEFD0];
	v11 =	vmul.f32 v26, v25;
	v3 =	vmul.f32 v3, v25;
	v8 =	vadd.f32 v13, v8  }
0x292: {  	s5 =	simm.s32 $0x0;
	v9 =	vld [tilespmem:$0xF050];
	v13 =	vmul.f32 v17, v25;
	v6 =	vadd.f32 v14, v6;
	v7 =	vadd.f32 v15, v7  }
0x293: {  	v3 =	vadd.f32 v3, v4;
	v14 =	vmov s5;
	v15 =	vld [tilespmem:$0xF1D0];
	v5 =	vadd.f32 v11, v5  }
0x294: {  	v14 =	vand.u32 $0x3F, v14;
	v8 =	vmul.f32 v12, v8;
	v4 =	vmul.f32 v12, v6;
	v6 =	vld [tilespmem:$0xF150]  }
0x295: {  	v10 =	vadd.f32 v13, v10;
	v13 =	vld [tilespmem:$0xF0D0];
	v7 =	vmul.f32 v12, v7;
	v11 =	vbroadcast v14, $0x0  }
0x296: {  	v5 =	vmul.f32 v12, v5;
	v8 =	vmul.f32 v16, v8  }
0x297: {  	[tilespmem:$0xF250] =	vst v4;
	v4 =	vmul.f32 v9, v7;
	v7 =	vmul.f32 v12, v3;
	v3 =	vor.u32 $0x1800, v2  }
0x298: {  	v10 =	vmul.f32 v12, v10;
	v9 =	vor.u32 v3, v11;
	v5 =	vmul.f32 v15, v5;
	[tilespmem:$0xF2D0] =	vst v8  }
0x299: {  	[tilespmem:$0xF350] =	vst v4;
	v4 =	vmul.f32 v6, v7  }
0x29a: {  	s5 =	simm.s32 $0x1;
	v8 =	vmul.f32 v13, v10;
	[tilespmem:$0xF4D0] =	vst v5  }
0x29b: {  	[tilespmem:$0xF450] =	vst v4;
	v4 =	vmov s5  }
0x29c: {  	[tilespmem:$0xF3D0] =	vst v8;
	v4 =	vand.u32 $0x3F, v4  }
0x29d: {  	v12 =	vld.idx.msk [tilespmem:v9+s0+$0x0], $0xffff;
	v4 =	vbroadcast v4, $0x0  }
0x29e: {  	v6 =	vld.idx.msk [tilespmem:v9+s1+$0x0], $0xffff  }
0x29f: {  	v8 =	vld.idx.msk [tilespmem:v9+s21+$0x0], $0xffff;
	v17 =	vor.u32 v3, v4  }
0x2a0: {  	v15 =	vld.idx.msk [tilespmem:v9+s28+$0x0], $0xffff  }
0x2a1: {  	s5 =	simm.s32 $0x2;
	v10 =	vld.idx.msk [tilespmem:v9+s23+$0x0], $0xffff  }
0x2a2: {  	v11 =	vld.idx.msk [tilespmem:v9+s25+$0x0], $0xffff;
	v4 =	vmov s5  }
0x2a3: {  	v18 =	vld.idx.msk [tilespmem:v9+s30+$0x0], $0xffff;
	v5 =	vand.u32 $0x3F, v4  }
0x2a4: {  	v9 =	vbroadcast v5, $0x0;
	v4 =	vld.idx.msk [tilespmem:v17+s0+$0x0], $0xffff  }
0x2a5: {  	v19 =	vmul.f32 v15, v12;
	v7 =	vld.idx.msk [tilespmem:v17+s1+$0x0], $0xffff  }
0x2a6: {  	v6 =	vmul.f32 v6, v12;
	v14 =	vmul.f32 v8, v12;
	v16 =	vor.u32 v3, v9;
	v8 =	vld.idx.msk [tilespmem:v17+s21+$0x0], $0xffff  }
0x2a7: {  	v5 =	vimm.f32 $0.0e+00;
	v10 =	vmul.f32 v10, v12;
	v13 =	vld.idx.msk [tilespmem:v17+s23+$0x0], $0xffff  }
0x2a8: {  	s5 =	simm.s32 $0x3;
	v11 =	vmul.f32 v11, v12;
	v9 =	vadd.f32 v6, v5;
	v6 =	vadd.f32 v14, v5;
	v14 =	vld.idx.msk [tilespmem:v17+s25+$0x0], $0xffff  }
0x2a9: {  	v21 =	vmov s5;
	v20 =	vmul.f32 v18, v12;
	v12 =	vadd.f32 v19, v5;
	v15 =	vld.idx.msk [tilespmem:v17+s28+$0x0], $0xffff;
	v19 =	vmovc v16  }
0x2aa: {  	s5 =	simm.s32 $0x4;
	v21 =	vand.u32 $0x3F, v21;
	v10 =	vadd.f32 v10, v5;
	v11 =	vadd.f32 v11, v5;
	v17 =	vld.idx.msk [tilespmem:v17+s30+$0x0], $0xffff;
	v18 =	vmovc v16  }
.LBB2_14:
0x2ab: {  	p0 =	sne.s32 s5, $0x3F;
	v21 =	vbroadcast v21, $0x0;
	v22 =	vld.idx.msk [tilespmem:v16+s0+$0x0], $0xffff;
	v23 =	vmul.f32 v7, v4;
	v5 =	vadd.f32 v20, v5  }
0x2ac: {  	v20 =	vmul.f32 v8, v4;
	v7 =	vld.idx.msk [tilespmem:v16+s1+$0x0], $0xffff  }
.Ltmp6:
0x2ad: {  	v8 =	vld.idx.msk [tilespmem:v16+s21+$0x0], $0xffff;
	v16 =	vor.u32 v3, v21;
	v21 =	vmul.f32 v13, v4;
	v9 =	vadd.f32 v23, v9;
	(pc) =	sbr.rel @p0 .LBB2_14-.Ltmp6, $4  }
0x2ae: {  	v6 =	vadd.f32 v20, v6;
	v20 =	vmul.f32 v14, v4;
	v13 =	vld.idx.msk [tilespmem:v19+s23+$0x0], $0xffff;
	v19 =	vmov v16  }
0x2af: {  	v23 =	vmul.f32 v15, v4;
	v14 =	vld.idx.msk [tilespmem:v18+s25+$0x0], $0xffff;
	v10 =	vadd.f32 v21, v10  }
0x2b0: {  	v21 =	vmov s5;
	v11 =	vadd.f32 v20, v11;
	v20 =	vmul.f32 v17, v4;
	v15 =	vld.idx.msk [tilespmem:v18+s28+$0x0], $0xffff  }
0x2b1: {  	s5 =	sadd.s32 $0x1, s5;
	v21 =	vand.u32 $0x3F, v21;
	v12 =	vadd.f32 v23, v12;
	v4 =	vmovc v22;
	v17 =	vld.idx.msk [tilespmem:v18+s30+$0x0], $0xffff;
	v18 =	vmov v16  }
0x2b2: {  	_ =	sdelay $0x3  }
0x2b3: {  	v21 =	vbroadcast v21, $0x0;
	v22 =	vld.idx.msk [tilespmem:v16+s0+$0x0], $0xffff  }
0x2b4: {  	v23 =	vld.idx.msk [tilespmem:v16+s1+$0x0], $0xffff  }
0x2b5: {  	v16 =	vld.idx.msk [tilespmem:v16+s21+$0x0], $0xffff;
	v3 =	vor.u32 v3, v21  }
0x2b6: {  	v19 =	vld.idx.msk [tilespmem:v19+s23+$0x0], $0xffff  }
0x2b7: {  	v24 =	vld.idx.msk [tilespmem:v18+s28+$0x0], $0xffff  }
0x2b8: {  	v21 =	vld.idx.msk [tilespmem:v18+s25+$0x0], $0xffff  }
0x2b9: {  	v18 =	vld.idx.msk [tilespmem:v18+s30+$0x0], $0xffff  }
0x2ba: {  	v7 =	vmul.f32 v7, v4;
	v25 =	vld.idx.msk [tilespmem:v3+s0+$0x0], $0xffff  }
0x2bb: {  	v8 =	vmul.f32 v8, v4;
	v13 =	vmul.f32 v13, v4;
	v26 =	vld.idx.msk [tilespmem:v3+s1+$0x0], $0xffff  }
0x2bc: {  	v7 =	vadd.f32 v7, v9;
	v9 =	vmul.f32 v14, v4;
	v14 =	vld.idx.msk [tilespmem:v3+s21+$0x0], $0xffff  }
0x2bd: {  	v6 =	vadd.f32 v8, v6;
	v8 =	vadd.f32 v13, v10;
	v13 =	vld.idx.msk [tilespmem:v3+s23+$0x0], $0xffff  }
0x2be: {  	v5 =	vadd.f32 v20, v5;
	v10 =	vmul.f32 v15, v4;
	v15 =	vld.idx.msk [tilespmem:v3+s25+$0x0], $0xffff  }
0x2bf: {  	v9 =	vadd.f32 v9, v11;
	v4 =	vmul.f32 v17, v4;
	v11 =	vmul.f32 v23, v22;
	v17 =	vld.idx.msk [tilespmem:v3+s28+$0x0], $0xffff  }
0x2c0: {  	v10 =	vadd.f32 v10, v12;
	v12 =	vmul.f32 v16, v22;
	v16 =	vmul.f32 v19, v22;
	v3 =	vld.idx.msk [tilespmem:v3+s30+$0x0], $0xffff  }
0x2c1: {  	v4 =	vadd.f32 v4, v5;
	v5 =	vadd.f32 v11, v7;
	v7 =	vmul.f32 v21, v22  }
0x2c2: {  	v6 =	vadd.f32 v12, v6;
	v11 =	vmul.f32 v24, v22  }
0x2c3: {  	v8 =	vadd.f32 v16, v8;
	v12 =	vld [tilespmem:$0xEF60];
	v7 =	vadd.f32 v7, v9;
	v9 =	vmul.f32 v18, v22  }
0x2c4: {  	v10 =	vadd.f32 v11, v10;
	v13 =	vmul.f32 v13, v25;
	v14 =	vmul.f32 v14, v25  }
0x2c5: {  	v16 =	vld [tilespmem:$0xEFE0];
	v4 =	vadd.f32 v9, v4;
	v15 =	vmul.f32 v15, v25;
	v3 =	vmul.f32 v3, v25  }
0x2c6: {  	v9 =	vld [tilespmem:$0xF060];
	v11 =	vmul.f32 v26, v25;
	v8 =	vadd.f32 v13, v8;
	v6 =	vadd.f32 v14, v6  }
0x2c7: {  	s5 =	simm.s32 $0x0;
	v13 =	vmul.f32 v17, v25;
	v7 =	vadd.f32 v15, v7;
	v3 =	vadd.f32 v3, v4  }
0x2c8: {  	v14 =	vmov s5;
	v15 =	vld [tilespmem:$0xF1E0];
	v5 =	vadd.f32 v11, v5;
	v8 =	vmul.f32 v12, v8  }
0x2c9: {  	v14 =	vand.u32 $0x3F, v14;
	v4 =	vmul.f32 v12, v6;
	v6 =	vld [tilespmem:$0xF160];
	v7 =	vmul.f32 v12, v7  }
0x2ca: {  	v10 =	vadd.f32 v13, v10;
	v13 =	vld [tilespmem:$0xF0E0];
	v11 =	vbroadcast v14, $0x0;
	v8 =	vmul.f32 v16, v8  }
0x2cb: {  	v5 =	vmul.f32 v12, v5;
	[tilespmem:$0xF260] =	vst v4;
	v4 =	vmul.f32 v9, v7  }
0x2cc: {  	v2 =	vor.u32 $0x1C00, v2;
	v3 =	vmul.f32 v12, v3;
	[tilespmem:$0xF2E0] =	vst v8  }
0x2cd: {  	v10 =	vmul.f32 v12, v10;
	v8 =	vor.u32 v2, v11;
	[tilespmem:$0xF360] =	vst v4;
	v4 =	vmul.f32 v15, v5  }
0x2ce: {  	v3 =	vmul.f32 v6, v3  }
0x2cf: {  	s5 =	simm.s32 $0x1;
	v7 =	vmul.f32 v13, v10;
	[tilespmem:$0xF4E0] =	vst v4  }
0x2d0: {  	[tilespmem:$0xF460] =	vst v3;
	v3 =	vmov s5  }
0x2d1: {  	[tilespmem:$0xF3E0] =	vst v7;
	v3 =	vand.u32 $0x3F, v3  }
0x2d2: {  	v3 =	vbroadcast v3, $0x0;
	v11 =	vld.idx.msk [tilespmem:v8+s0+$0x0], $0xffff  }
0x2d3: {  	v5 =	vld.idx.msk [tilespmem:v8+s1+$0x0], $0xffff  }
0x2d4: {  	v7 =	vld.idx.msk [tilespmem:v8+s21+$0x0], $0xffff;
	v16 =	vor.u32 v2, v3  }
0x2d5: {  	v14 =	vld.idx.msk [tilespmem:v8+s28+$0x0], $0xffff  }
0x2d6: {  	s5 =	simm.s32 $0x2;
	v9 =	vld.idx.msk [tilespmem:v8+s23+$0x0], $0xffff  }
0x2d7: {  	v10 =	vld.idx.msk [tilespmem:v8+s25+$0x0], $0xffff;
	v3 =	vmov s5  }
0x2d8: {  	v17 =	vld.idx.msk [tilespmem:v8+s30+$0x0], $0xffff;
	v4 =	vand.u32 $0x3F, v3  }
0x2d9: {  	v8 =	vbroadcast v4, $0x0;
	v3 =	vld.idx.msk [tilespmem:v16+s0+$0x0], $0xffff  }
0x2da: {  	v18 =	vmul.f32 v14, v11;
	v6 =	vld.idx.msk [tilespmem:v16+s1+$0x0], $0xffff  }
0x2db: {  	v5 =	vmul.f32 v5, v11;
	v13 =	vmul.f32 v7, v11;
	v15 =	vor.u32 v2, v8;
	v7 =	vld.idx.msk [tilespmem:v16+s21+$0x0], $0xffff  }
0x2dc: {  	v4 =	vimm.f32 $0.0e+00;
	v9 =	vmul.f32 v9, v11;
	v12 =	vld.idx.msk [tilespmem:v16+s23+$0x0], $0xffff  }
0x2dd: {  	s5 =	simm.s32 $0x3;
	v10 =	vmul.f32 v10, v11;
	v8 =	vadd.f32 v5, v4;
	v5 =	vadd.f32 v13, v4;
	v13 =	vld.idx.msk [tilespmem:v16+s25+$0x0], $0xffff  }
0x2de: {  	v20 =	vmov s5;
	v19 =	vmul.f32 v17, v11;
	v14 =	vld.idx.msk [tilespmem:v16+s28+$0x0], $0xffff;
	v11 =	vadd.f32 v18, v4;
	v18 =	vmovc v15  }
0x2df: {  	s5 =	simm.s32 $0x4;
	v20 =	vand.u32 $0x3F, v20;
	v9 =	vadd.f32 v9, v4;
	v10 =	vadd.f32 v10, v4;
	v16 =	vld.idx.msk [tilespmem:v16+s30+$0x0], $0xffff;
	v17 =	vmovc v15  }
.LBB2_16:
0x2e0: {  	p0 =	sne.s32 s5, $0x3F;
	v20 =	vbroadcast v20, $0x0;
	v21 =	vld.idx.msk [tilespmem:v15+s0+$0x0], $0xffff;
	v22 =	vmul.f32 v6, v3;
	v4 =	vadd.f32 v19, v4  }
0x2e1: {  	v19 =	vmul.f32 v7, v3;
	v6 =	vld.idx.msk [tilespmem:v15+s1+$0x0], $0xffff  }
.Ltmp7:
0x2e2: {  	v7 =	vld.idx.msk [tilespmem:v15+s21+$0x0], $0xffff;
	v15 =	vor.u32 v2, v20;
	v20 =	vmul.f32 v12, v3;
	v8 =	vadd.f32 v22, v8;
	(pc) =	sbr.rel @p0 .LBB2_16-.Ltmp7, $4  }
0x2e3: {  	v5 =	vadd.f32 v19, v5;
	v19 =	vmul.f32 v13, v3;
	v12 =	vld.idx.msk [tilespmem:v18+s23+$0x0], $0xffff;
	v18 =	vmov v15  }
0x2e4: {  	v22 =	vmul.f32 v14, v3;
	v13 =	vld.idx.msk [tilespmem:v17+s25+$0x0], $0xffff;
	v9 =	vadd.f32 v20, v9  }
0x2e5: {  	v20 =	vmov s5;
	v10 =	vadd.f32 v19, v10;
	v19 =	vmul.f32 v16, v3;
	v14 =	vld.idx.msk [tilespmem:v17+s28+$0x0], $0xffff  }
0x2e6: {  	s5 =	sadd.s32 $0x1, s5;
	v20 =	vand.u32 $0x3F, v20;
	v11 =	vadd.f32 v22, v11;
	v3 =	vmovc v21;
	v16 =	vld.idx.msk [tilespmem:v17+s30+$0x0], $0xffff;
	v17 =	vmov v15  }
0x2e7: {  	_ =	sdelay $0x3  }
0x2e8: {  	v20 =	vbroadcast v20, $0x0;
	v21 =	vld.idx.msk [tilespmem:v15+s0+$0x0], $0xffff  }
0x2e9: {  	v22 =	vld.idx.msk [tilespmem:v15+s1+$0x0], $0xffff  }
0x2ea: {  	v15 =	vld.idx.msk [tilespmem:v15+s21+$0x0], $0xffff;
	v2 =	vor.u32 v2, v20  }
0x2eb: {  	v18 =	vld.idx.msk [tilespmem:v18+s23+$0x0], $0xffff  }
0x2ec: {  	v23 =	vld.idx.msk [tilespmem:v17+s28+$0x0], $0xffff  }
0x2ed: {  	v20 =	vld.idx.msk [tilespmem:v17+s25+$0x0], $0xffff  }
0x2ee: {  	v17 =	vld.idx.msk [tilespmem:v17+s30+$0x0], $0xffff  }
0x2ef: {  	v6 =	vmul.f32 v6, v3;
	v24 =	vld.idx.msk [tilespmem:v2+s0+$0x0], $0xffff  }
0x2f0: {  	v7 =	vmul.f32 v7, v3;
	v12 =	vmul.f32 v12, v3;
	v25 =	vld.idx.msk [tilespmem:v2+s1+$0x0], $0xffff  }
0x2f1: {  	v4 =	vadd.f32 v19, v4;
	v6 =	vadd.f32 v6, v8;
	v8 =	vmul.f32 v13, v3;
	v13 =	vld.idx.msk [tilespmem:v2+s21+$0x0], $0xffff  }
0x2f2: {  	v5 =	vadd.f32 v7, v5;
	v7 =	vadd.f32 v12, v9;
	v19 =	vmul.f32 v14, v3;
	v12 =	vld.idx.msk [tilespmem:v2+s23+$0x0], $0xffff  }
0x2f3: {  	v8 =	vadd.f32 v8, v10;
	v3 =	vmul.f32 v16, v3;
	v10 =	vmul.f32 v22, v21;
	v14 =	vld.idx.msk [tilespmem:v2+s25+$0x0], $0xffff  }
0x2f4: {  	v9 =	vadd.f32 v19, v11;
	v11 =	vmul.f32 v15, v21;
	v22 =	vmul.f32 v18, v21;
	v16 =	vld.idx.msk [tilespmem:v2+s28+$0x0], $0xffff  }
0x2f5: {  	v19 =	vmul.f32 v23, v21;
	v3 =	vadd.f32 v3, v4;
	v4 =	vadd.f32 v10, v6;
	v2 =	vld.idx.msk [tilespmem:v2+s30+$0x0], $0xffff  }
0x2f6: {  	v18 =	vmul.f32 v20, v21;
	v5 =	vadd.f32 v11, v5;
	v7 =	vadd.f32 v22, v7;
	v11 =	vld [tilespmem:$0xEF70]  }
0x2f7: {  	v20 =	vmul.f32 v17, v21;
	v9 =	vadd.f32 v19, v9;
	v12 =	vmul.f32 v12, v24  }
0x2f8: {  	v23 =	vld [tilespmem:$0xEFF0];
	v6 =	vadd.f32 v18, v8;
	v21 =	vmul.f32 v13, v24;
	v22 =	vmul.f32 v14, v24  }
0x2f9: {  	v17 =	vld [tilespmem:$0xF070];
	v3 =	vadd.f32 v20, v3;
	v16 =	vmul.f32 v16, v24;
	v7 =	vadd.f32 v12, v7  }
0x2fa: {  	v18 =	vld [tilespmem:$0xF0F0];
	v2 =	vmul.f32 v2, v24;
	v5 =	vadd.f32 v21, v5;
	v6 =	vadd.f32 v22, v6  }
0x2fb: {  	v20 =	vld [tilespmem:$0xF170];
	v19 =	vmul.f32 v25, v24;
	v8 =	vadd.f32 v16, v9;
	v7 =	vmul.f32 v11, v7  }
0x2fc: {  	v2 =	vadd.f32 v2, v3;
	v22 =	vld [tilespmem:$0xF1F0];
	v3 =	vmul.f32 v11, v5;
	v21 =	vmul.f32 v11, v6  }
0x2fd: {  	v4 =	vadd.f32 v19, v4;
	v8 =	vmul.f32 v11, v8;
	v7 =	vmul.f32 v23, v7  }
0x2fe: {  	v2 =	vmul.f32 v11, v2;
	[tilespmem:$0xF270] =	vst v3;
	v3 =	vmul.f32 v17, v21  }
0x2ff: {  	v4 =	vmul.f32 v11, v4;
	v23 =	vmul.f32 v18, v8;
	[tilespmem:$0xF2F0] =	vst v7  }
0x300: {  	v2 =	vmul.f32 v20, v2;
	[tilespmem:$0xF370] =	vst v3  }
0x301: {  	[tilespmem:$0xF3F0] =	vst v23;
	v3 =	vmul.f32 v22, v4  }
0x302: {  	[tilespmem:$0xF470] =	vst v2  }
0x303: {  	s5 =	simm.s32 $0xF200;
	[tilespmem:$0xF4F0] =	vst v3  }
0x304: {  	[hbm4b:s6+s2] =	stream.linear.scatter [tilespmem:s5], [sflag:$0x7], $0x80, $0x38;
	[tilespmem:$0xF500] =	vst v63  }
0x305: {  	_ =	swait.ge [sflag:s18], $0x80  }
0x306: {  	[sflag:s18] =	ssyncset.done $0x0  }
0x307: {  	s5 =	simm.s32 $0xF280;
	[sflag:s18] =	ssyncadd.s32 $0xFFFFFF80  }
0x308: {  	[hbm4b:s7+s2] =	stream.linear.scatter [tilespmem:s5], [sflag:$0x7], $0x80, $0x38;
	[tilespmem:$0xF500] =	vst v63  }
0x309: {  	_ =	swait.ge [sflag:s18], $0x80  }
0x30a: {  	[sflag:s18] =	ssyncset.done $0x0  }
0x30b: {  	s5 =	simm.s32 $0xEF80;
	[sflag:s18] =	ssyncadd.s32 $0xFFFFFF80  }
0x30c: {  	[hbm4b:s8+s2] =	stream.linear.scatter [tilespmem:s5], [sflag:$0x7], $0x80, $0x38;
	[tilespmem:$0xF500] =	vst v63  }
0x30d: {  	_ =	swait.ge [sflag:s18], $0x80  }
0x30e: {  	[sflag:s18] =	ssyncset.done $0x0  }
0x30f: {  	s5 =	simm.s32 $0xF300;
	[sflag:s18] =	ssyncadd.s32 $0xFFFFFF80  }
0x310: {  	[hbm4b:s9+s2] =	stream.linear.scatter [tilespmem:s5], [sflag:$0x7], $0x80, $0x38;
	[tilespmem:$0xF500] =	vst v63  }
0x311: {  	_ =	swait.ge [sflag:s18], $0x80  }
0x312: {  	[sflag:s18] =	ssyncset.done $0x0  }
0x313: {  	s5 =	simm.s32 $0xF000;
	[sflag:s18] =	ssyncadd.s32 $0xFFFFFF80  }
0x314: {  	[hbm4b:s10+s2] =	stream.linear.scatter [tilespmem:s5], [sflag:$0x7], $0x80, $0x38;
	[tilespmem:$0xF500] =	vst v63  }
0x315: {  	_ =	swait.ge [sflag:s18], $0x80  }
0x316: {  	[sflag:s18] =	ssyncset.done $0x0  }
0x317: {  	s5 =	simm.s32 $0xF380;
	[sflag:s18] =	ssyncadd.s32 $0xFFFFFF80  }
0x318: {  	[hbm4b:s11+s2] =	stream.linear.scatter [tilespmem:s5], [sflag:$0x7], $0x80, $0x38;
	[tilespmem:$0xF500] =	vst v63  }
0x319: {  	_ =	swait.ge [sflag:s18], $0x80  }
0x31a: {  	[sflag:s18] =	ssyncset.done $0x0  }
0x31b: {  	s5 =	simm.s32 $0xF080;
	[sflag:s18] =	ssyncadd.s32 $0xFFFFFF80  }
0x31c: {  	[hbm4b:s12+s2] =	stream.linear.scatter [tilespmem:s5], [sflag:$0x7], $0x80, $0x38;
	[tilespmem:$0xF500] =	vst v63  }
0x31d: {  	_ =	swait.ge [sflag:s18], $0x80  }
0x31e: {  	[sflag:s18] =	ssyncset.done $0x0  }
0x31f: {  	s5 =	simm.s32 $0xF400;
	[sflag:s18] =	ssyncadd.s32 $0xFFFFFF80  }
0x320: {  	[hbm4b:s13+s2] =	stream.linear.scatter [tilespmem:s5], [sflag:$0x7], $0x80, $0x38;
	[tilespmem:$0xF500] =	vst v63  }
0x321: {  	_ =	swait.ge [sflag:s18], $0x80  }
0x322: {  	[sflag:s18] =	ssyncset.done $0x0  }
0x323: {  	s5 =	simm.s32 $0xF100;
	[sflag:s18] =	ssyncadd.s32 $0xFFFFFF80  }
0x324: {  	[hbm4b:s14+s2] =	stream.linear.scatter [tilespmem:s5], [sflag:$0x7], $0x80, $0x38;
	[tilespmem:$0xF500] =	vst v63  }
0x325: {  	_ =	swait.ge [sflag:s18], $0x80  }
0x326: {  	[sflag:s18] =	ssyncset.done $0x0  }
0x327: {  	s5 =	simm.s32 $0xF480;
	[sflag:s18] =	ssyncadd.s32 $0xFFFFFF80  }
0x328: {  	[hbm4b:s15+s2] =	stream.linear.scatter [tilespmem:s5], [sflag:$0x7], $0x80, $0x38;
	[tilespmem:$0xF500] =	vst v63  }
0x329: {  	s4 =	sadd.s32 $0x1, s4;
	_ =	swait.ge [sflag:s18], $0x80  }
0x32a: {  	p0 =	sne.s32 s4, s17;
	[sflag:s18] =	ssyncset.done $0x0  }
.Ltmp8:
0x32b: {  	s5 =	simm.s32 $0xF180;
	[sflag:s18] =	ssyncadd.s32 $0xFFFFFF80;
	(pc) =	sbr.rel @p0 .LBB2_1-.Ltmp8, $4  }
0x32c: {  	[hbm4b:s16+s2] =	stream.linear.scatter [tilespmem:s5], [sflag:$0x7], $0x80, $0x38;
	[tilespmem:$0xF500] =	vst v63  }
0x32d: {  	_ =	swait.ge [sflag:s18], $0x80  }
0x32e: {  	[sflag:s18] =	ssyncset.done $0x0  }
0x32f: {  	[sflag:s18] =	ssyncadd.s32 $0xFFFFFF80  }
0x330: {  	_ =	sfence.sel $0x180000  }
0x331: {  	[bflag:$0x0] =	sbarrier.arrive $0xFFFF  }
0x332: {  	_ =	strace $0x9000004A  }
0x333: {  	s0 =	stileid.u32;
	[bflag:$0x2] =	sbarrier.arrive $0xFFFF  }
0x334: {  	p0 =	sne.s32 s0, $0x0;
	s0 =	rddreg [dreg:$0x1]  }
0x335: {  	s0 =	sadd.s32 @!p0 $0x100000, s0  }
0x336: {  	[sflag:s0] =	ssyncadd.tile.s32 @!p0 $0x1;
	_ =	shalt  }
.Lfunc_end2:
_tile_overlayer_lowered:
.L_overlay_start_2:
0x337: {  	(tag) =	ssettag $0x2  }
0x338: {  	s0 =	rddreg [dreg:$0x0];
	s2 =	stileid.u32  }
0x339: {  	s1 =	rddreg [dreg:$0x1];
	p0 =	sne.s32 s2, $0x0  }
0x33a: {  	s3 =	rddreg [dreg:$0x2];
	[bflag:$0x3] =	sbarrier.arrive $0xFFFF;
	s2 =	simm.s32 @!p0 $0x1C07  }
0x33b: {  	[timem:s3], [sflag:s2] =	dma.local @!p0 [hbm:s0], s1  }
0x33c: {  	s0 =	simm.s32 @!p0 $0x7  }
0x33d: {  	_ =	swait.ge @!p0 [sflag:s0], s1  }
0x33e: {  	s1 =	ssub.s32 @!p0 $0x0, s1;
	[sflag:s0] =	ssyncset.done @!p0 $0x0  }
0x33f: {  	[sflag:s0] =	ssyncadd.s32 @!p0 s1  }
0x340: {  	[bflag:$0x3] =	sbarrier.arrive $0xFFFF  }
0x341: {  	_ =	shalt  }

</sc_bundles>
